<compile_context>
chip_gen: v7x
topology: tpu7x:2x2x1
jax: 0.10.2.dev20260603
libtpu: 0.0.44.dev20260713+nightly
codegen_flags: <defaults>
</compile_context>

<pallas_src>
import jax
import jax.numpy as jnp
from jax import lax
from jax.experimental import pallas as pl
from jax.experimental.pallas import tpu as pltpu
from jax.experimental.pallas import tpu_sc as plsc

NUM_EMBEDDINGS = 1000000
EMBEDDING_DIM = 32
BATCH = 16384
N_FIELDS = 26

NUM_LOOKUPS = BATCH * N_FIELDS
NC, NS = 2, 16
NW = NC * NS
B_PER_W = NUM_LOOKUPS // NW
N_CHUNKS = 8
CHUNK = B_PER_W // N_CHUNKS

BB_PER_W = BATCH // (128 * NW)
QROWS = 32
QLOOK = QROWS * N_FIELDS
NQ = B_PER_W // QLOOK
RPAD = EMBEDDING_DIM + 1


def _gather_sc(idx_hbm, table_hbm, out_hbm, idx_v, rows0, rows1, gsem0, gsem1,
               wsem0, wsem1):
    wid = lax.axis_index("s") * NC + lax.axis_index("c")
    base = wid * B_PER_W
    rows = (rows0, rows1)
    gsem = (gsem0, gsem1)
    wsem = (wsem0, wsem1)

    pltpu.sync_copy(idx_hbm.at[wid], idx_v)

    def gather(c):
        return pltpu.make_async_copy(
            table_hbm.at[idx_v.at[pl.ds(c * CHUNK, CHUNK)]],
            rows[c % 2], gsem[c % 2])

    def writeback(c):
        return pltpu.make_async_copy(
            rows[c % 2],
            out_hbm.at[pl.ds(base + c * CHUNK, CHUNK)],
            wsem[c % 2])

    gather(0).start()
    for c in range(N_CHUNKS):
        gather(c).wait()
        if c + 1 < N_CHUNKS:
            if c >= 1:
                writeback(c - 1).wait()
            gather(c + 1).start()
        writeback(c).start()
    writeback(N_CHUNKS - 2).wait()
    writeback(N_CHUNKS - 1).wait()


def _format_sc(rows_hbm, out5_hbm, r0, r1, t0, t1, lsem0, lsem1,
               wsem0, wsem1):
    wid = lax.axis_index("s") * NC + lax.axis_index("c")
    base = wid * B_PER_W
    r_v = (r0, r1)
    t_v = (t0, t1)
    lsem = (lsem0, lsem1)
    wsem = (wsem0, wsem1)

    def load(q, p):
        return pltpu.make_async_copy(
            rows_hbm.at[pl.ds(base + q * QLOOK, QLOOK)],
            r_v[p].at[:, pl.ds(0, EMBEDDING_DIM)], lsem[p])

    def writeback(q, p):
        bblk = wid * BB_PER_W + lax.shift_right_logical(q, 2)
        boff = lax.bitwise_and(q, 3) * QROWS
        return pltpu.make_async_copy(
            t_v[p], out5_hbm.at[:, :, bblk, :, pl.ds(boff, QROWS)],
            wsem[p])

    def retile(p):
        rr, tt = r_v[p], t_v[p]

        @plsc.parallel_loop(0, N_FIELDS, unroll=2)
        def per_field(f):
            iota = lax.iota(jnp.int32, 16)
            for g in range(QROWS // 16):
                row_idx = iota * N_FIELDS + (g * 16 * N_FIELDS + f)
                for d in range(EMBEDDING_DIM):
                    col_idx = jnp.full((16,), d, jnp.int32)
                    vals = plsc.load_gather(rr, [row_idx, col_idx])
                    tt[f, d // 8, d % 8, pl.ds(g * 16, 16)] = vals

    load(0, 0).start()

    def two_steps(qq, _):
        for par in (0, 1):
            q = 2 * qq + par
            load(q, par).wait()

            @pl.when(qq >= 1)
            def _():
                writeback(q - 2, par).wait()

            if par == 0:
                load(q + 1, 1).start()
            else:
                @pl.when(qq < NQ // 2 - 1)
                def _():
                    load(q + 1, 0).start()

            retile(par)
            writeback(q, par).start()
        return 0

    lax.fori_loop(0, NQ // 2, two_steps, 0)
    writeback(NQ - 2, 0).wait()
    writeback(NQ - 1, 1).wait()


@jax.jit
def kernel(token_ids, weight):
    idx = token_ids.reshape(NW, B_PER_W)
    mesh = plsc.VectorSubcoreMesh(core_axis_name="c", subcore_axis_name="s")
    rows = pl.kernel(
        _gather_sc,
        mesh=mesh,
        out_type=jax.ShapeDtypeStruct((NUM_LOOKUPS, EMBEDDING_DIM),
                                      jnp.float32),
        scratch_types=[
            pltpu.VMEM((B_PER_W,), jnp.int32),
            pltpu.VMEM((CHUNK, EMBEDDING_DIM), jnp.float32),
            pltpu.VMEM((CHUNK, EMBEDDING_DIM), jnp.float32),
            pltpu.SemaphoreType.DMA,
            pltpu.SemaphoreType.DMA,
            pltpu.SemaphoreType.DMA,
            pltpu.SemaphoreType.DMA,
        ],
        compiler_params=pltpu.CompilerParams(use_tc_tiling_on_sc=False),
    )(idx, weight)
    out5 = pl.kernel(
        _format_sc,
        mesh=mesh,
        out_type=jax.ShapeDtypeStruct(
            (N_FIELDS, EMBEDDING_DIM // 8, BATCH // 128, 8, 128), jnp.float32),
        scratch_types=[
            pltpu.VMEM((QLOOK, RPAD), jnp.float32),
            pltpu.VMEM((QLOOK, RPAD), jnp.float32),
            pltpu.VMEM((N_FIELDS, EMBEDDING_DIM // 8, 8, QROWS), jnp.float32),
            pltpu.VMEM((N_FIELDS, EMBEDDING_DIM // 8, 8, QROWS), jnp.float32),
            pltpu.SemaphoreType.DMA,
            pltpu.SemaphoreType.DMA,
            pltpu.SemaphoreType.DMA,
            pltpu.SemaphoreType.DMA,
        ],
        compiler_params=pltpu.CompilerParams(use_tc_tiling_on_sc=False,
                                             needs_layout_passes=False),
    )(rows)
    return out5.transpose(2, 4, 0, 1, 3).reshape(BATCH, N_FIELDS,
                                                 EMBEDDING_DIM)

# --- scband reference (transcript-rebuilt; emitter-appended) ---
"""Pipeline reference for scband-embedding-352187318706 (READ-ONLY COPY).

The authoritative reference and input builder live on the scoring server;
editing this copy changes nothing except your own understanding.
"""

import jax, jax.numpy as jnp
import numpy as np

NUM_EMBEDDINGS = 1000000
EMBEDDING_DIM = 32
BATCH = 16384
N_FIELDS = 26


def setup_inputs(seed: int = 0) -> dict:
    key = jax.random.key(seed)
    k1, k2 = jax.random.split(key)
    token_ids = jax.random.randint(k1, (BATCH, N_FIELDS), 0, NUM_EMBEDDINGS, dtype=jnp.int64 if jax.config.jax_enable_x64 else jnp.int32)
    weight = jax.random.normal(k2, (NUM_EMBEDDINGS, EMBEDDING_DIM), dtype=jnp.float32) * 0.02
    return {"token_ids": token_ids, "weight": weight}


def reference(token_ids, weight):
    # Embedding lookup: gather rows of the embedding table by token id.
    return jnp.take(weight, token_ids, axis=0)

if __name__ == "__main__":
    import jax
    _d = setup_inputs()
    print(jax.jit(kernel)(*tuple(_d.values())))

</pallas_src>

<mosaic_0001>
#map = affine_map<(d0, d1) -> (0, 0)>
module attributes {stable_mosaic.version = 14 : i64} {
  func.func @_gather_sc(%arg0: i32, %arg1: i32, %arg2: memref<32x13312xi32, #tpu.memory_space<hbm>>, %arg3: memref<1000000x32xf32, #tpu.memory_space<hbm>>, %arg4: memref<425984x32xf32, #tpu.memory_space<hbm>>, %arg5: memref<13312xi32, #tpu.memory_space<vmem>>, %arg6: memref<1664x32xf32, #tpu.memory_space<vmem>>, %arg7: memref<1664x32xf32, #tpu.memory_space<vmem>>, %arg8: memref<!tpu.dma_semaphore, #tpu.memory_space<semaphore_mem>>, %arg9: memref<!tpu.dma_semaphore, #tpu.memory_space<semaphore_mem>>, %arg10: memref<!tpu.dma_semaphore, #tpu.memory_space<semaphore_mem>>, %arg11: memref<!tpu.dma_semaphore, #tpu.memory_space<semaphore_mem>>) attributes {dimension_semantics = [#tpu.dimension_semantics<core_parallel>, #tpu.dimension_semantics<subcore_parallel>], iteration_bounds = array<i64: 2, 16>, scalar_prefetch = 0 : i64, scratch_operands = 7 : i64, tpu.core_type = #tpu.core_type<sc_vector_subcore>, window_params = [{transform_indices = #map}, {transform_indices = #map}, {transform_indices = #map}]} {
    %mul3A = arith.constant 2 : i32
    %mul3A_0 = arith.muli %arg1, %mul3A : i32
    %add3A = arith.addi %mul3A_0, %arg0 : i32
    %mul3A_1 = arith.constant 13312 : i32
    %mul3A_2 = arith.muli %add3A, %mul3A_1 : i32
    "tpu.region"() ({
      %run_scoped3A = tpu.sem_alloc : memref<!tpu.dma_semaphore, #tpu.memory_space<semaphore_mem>>
      %dma_start3A_177 = arith.constant 0 : i32
      %dma_start3A_178 = tpu.memref_slice %arg2[%add3A, %dma_start3A_177] : memref<32x13312xi32, #tpu.memory_space<hbm>> -> memref<1x13312xi32, #tpu.memory_space<hbm>>
      %dma_start3A_179 = tpu.memref_squeeze %dma_start3A_178 : memref<1x13312xi32, #tpu.memory_space<hbm>> -> memref<13312xi32, #tpu.memory_space<hbm>>
      %dma_start3A_180 = arith.constant 0 : i32
      %dma_start3A_181 = tpu.memref_slice %arg2[%add3A, %dma_start3A_180] : memref<32x13312xi32, #tpu.memory_space<hbm>> -> memref<1x13312xi32, #tpu.memory_space<hbm>>
      %dma_start3A_182 = tpu.memref_squeeze %dma_start3A_181 : memref<1x13312xi32, #tpu.memory_space<hbm>> -> memref<13312xi32, #tpu.memory_space<hbm>>
      tpu.enqueue_dma source(%dma_start3A_182 : memref<13312xi32, #tpu.memory_space<hbm>>) target(%arg5 : memref<13312xi32, #tpu.memory_space<vmem>>) target_semaphore(%run_scoped3A : memref<!tpu.dma_semaphore, #tpu.memory_space<semaphore_mem>>)
      %dma_wait3A_183 = arith.constant 0 : i32
      %dma_wait3A_184 = tpu.memref_slice %arg2[%add3A, %dma_wait3A_183] : memref<32x13312xi32, #tpu.memory_space<hbm>> -> memref<1x13312xi32, #tpu.memory_space<hbm>>
      %dma_wait3A_185 = tpu.memref_squeeze %dma_wait3A_184 : memref<1x13312xi32, #tpu.memory_space<hbm>> -> memref<13312xi32, #tpu.memory_space<hbm>>
      %dma_wait3A_186 = arith.constant 0 : i32
      %dma_wait3A_187 = tpu.memref_slice %arg2[%add3A, %dma_wait3A_186] : memref<32x13312xi32, #tpu.memory_space<hbm>> -> memref<1x13312xi32, #tpu.memory_space<hbm>>
      %dma_wait3A_188 = tpu.memref_squeeze %dma_wait3A_187 : memref<1x13312xi32, #tpu.memory_space<hbm>> -> memref<13312xi32, #tpu.memory_space<hbm>>
      tpu.wait_dma2 semaphore(%run_scoped3A : memref<!tpu.dma_semaphore, #tpu.memory_space<semaphore_mem>>) src(%dma_wait3A_188 : memref<13312xi32, #tpu.memory_space<hbm>>) dst(%arg5 : memref<13312xi32, #tpu.memory_space<vmem>>)
      tpu.yield
    }) : () -> ()
    %dma_start3A = arith.constant 0 : i32
    %dma_start3A_3 = tpu.memref_slice %arg5[%dma_start3A] : memref<13312xi32, #tpu.memory_space<vmem>> -> memref<1664xi32, #tpu.memory_space<vmem>>
    %dma_start3A_4 = arith.constant 0 : i32
    %dma_start3A_5 = arith.constant 0 : i32
    %dma_start3A_6 = tpu.memref_slice %arg3[%dma_start3A_4, %dma_start3A_5] : memref<1000000x32xf32, #tpu.memory_space<hbm>> -> memref<1000000x32xf32, #tpu.memory_space<hbm>>
    tpu.enqueue_indirect_dma source(%dma_start3A_6 : memref<1000000x32xf32, #tpu.memory_space<hbm>>) target(%arg6 : memref<1664x32xf32, #tpu.memory_space<vmem>>) offsets(%dma_start3A_3 : memref<1664xi32, #tpu.memory_space<vmem>>) semaphore(%arg8 : memref<!tpu.dma_semaphore, #tpu.memory_space<semaphore_mem>>)
    %dma_wait3A = arith.constant 0 : i32
    %dma_wait3A_7 = tpu.memref_slice %arg5[%dma_wait3A] : memref<13312xi32, #tpu.memory_space<vmem>> -> memref<1664xi32, #tpu.memory_space<vmem>>
    %dma_wait3A_8 = arith.constant 0 : i32
    %dma_wait3A_9 = arith.constant 0 : i32
    %dma_wait3A_10 = tpu.memref_slice %arg3[%dma_wait3A_8, %dma_wait3A_9] : memref<1000000x32xf32, #tpu.memory_space<hbm>> -> memref<1000000x32xf32, #tpu.memory_space<hbm>>
    tpu.wait_indirect_dma semaphore(%arg8 : memref<!tpu.dma_semaphore, #tpu.memory_space<semaphore_mem>>) src(%dma_wait3A_10 : memref<1000000x32xf32, #tpu.memory_space<hbm>>) dst(%arg6 : memref<1664x32xf32, #tpu.memory_space<vmem>>)
    %dma_start3A_11 = arith.constant 1664 : i32
    %dma_start3A_12 = tpu.memref_slice %arg5[%dma_start3A_11] : memref<13312xi32, #tpu.memory_space<vmem>> -> memref<1664xi32, #tpu.memory_space<vmem>>
    %dma_start3A_13 = arith.constant 0 : i32
    %dma_start3A_14 = arith.constant 0 : i32
    %dma_start3A_15 = tpu.memref_slice %arg3[%dma_start3A_13, %dma_start3A_14] : memref<1000000x32xf32, #tpu.memory_space<hbm>> -> memref<1000000x32xf32, #tpu.memory_space<hbm>>
    tpu.enqueue_indirect_dma source(%dma_start3A_15 : memref<1000000x32xf32, #tpu.memory_space<hbm>>) target(%arg7 : memref<1664x32xf32, #tpu.memory_space<vmem>>) offsets(%dma_start3A_12 : memref<1664xi32, #tpu.memory_space<vmem>>) semaphore(%arg9 : memref<!tpu.dma_semaphore, #tpu.memory_space<semaphore_mem>>)
    %add3A_16 = arith.constant 0 : i32
    %add3A_17 = arith.addi %mul3A_2, %add3A_16 : i32
    %dma_start3A_18 = arith.constant 0 : i32
    %dma_start3A_19 = tpu.memref_slice %arg4[%add3A_17, %dma_start3A_18] : memref<425984x32xf32, #tpu.memory_space<hbm>> -> memref<1664x32xf32, #tpu.memory_space<hbm>>
    %dma_start3A_20 = arith.constant 0 : i32
    %dma_start3A_21 = tpu.memref_slice %arg4[%add3A_17, %dma_start3A_20] : memref<425984x32xf32, #tpu.memory_space<hbm>> -> memref<1664x32xf32, #tpu.memory_space<hbm>>
    tpu.enqueue_dma source(%arg6 : memref<1664x32xf32, #tpu.memory_space<vmem>>) target(%dma_start3A_21 : memref<1664x32xf32, #tpu.memory_space<hbm>>) target_semaphore(%arg10 : memref<!tpu.dma_semaphore, #tpu.memory_space<semaphore_mem>>)
    %dma_wait3A_22 = arith.constant 1664 : i32
    %dma_wait3A_23 = tpu.memref_slice %arg5[%dma_wait3A_22] : memref<13312xi32, #tpu.memory_space<vmem>> -> memref<1664xi32, #tpu.memory_space<vmem>>
    %dma_wait3A_24 = arith.constant 0 : i32
    %dma_wait3A_25 = arith.constant 0 : i32
    %dma_wait3A_26 = tpu.memref_slice %arg3[%dma_wait3A_24, %dma_wait3A_25] : memref<1000000x32xf32, #tpu.memory_space<hbm>> -> memref<1000000x32xf32, #tpu.memory_space<hbm>>
    tpu.wait_indirect_dma semaphore(%arg9 : memref<!tpu.dma_semaphore, #tpu.memory_space<semaphore_mem>>) src(%dma_wait3A_26 : memref<1000000x32xf32, #tpu.memory_space<hbm>>) dst(%arg7 : memref<1664x32xf32, #tpu.memory_space<vmem>>)
    %add3A_27 = arith.constant 0 : i32
    %add3A_28 = arith.addi %mul3A_2, %add3A_27 : i32
    %dma_wait3A_29 = arith.constant 0 : i32
    %dma_wait3A_30 = tpu.memref_slice %arg4[%add3A_28, %dma_wait3A_29] : memref<425984x32xf32, #tpu.memory_space<hbm>> -> memref<1664x32xf32, #tpu.memory_space<hbm>>
    %dma_wait3A_31 = arith.constant 0 : i32
    %dma_wait3A_32 = tpu.memref_slice %arg4[%add3A_28, %dma_wait3A_31] : memref<425984x32xf32, #tpu.memory_space<hbm>> -> memref<1664x32xf32, #tpu.memory_space<hbm>>
    tpu.wait_dma2 semaphore(%arg10 : memref<!tpu.dma_semaphore, #tpu.memory_space<semaphore_mem>>) src(%arg6 : memref<1664x32xf32, #tpu.memory_space<vmem>>) dst(%dma_wait3A_32 : memref<1664x32xf32, #tpu.memory_space<hbm>>)
    %dma_start3A_33 = arith.constant 3328 : i32
    %dma_start3A_34 = tpu.memref_slice %arg5[%dma_start3A_33] : memref<13312xi32, #tpu.memory_space<vmem>> -> memref<1664xi32, #tpu.memory_space<vmem>>
    %dma_start3A_35 = arith.constant 0 : i32
    %dma_start3A_36 = arith.constant 0 : i32
    %dma_start3A_37 = tpu.memref_slice %arg3[%dma_start3A_35, %dma_start3A_36] : memref<1000000x32xf32, #tpu.memory_space<hbm>> -> memref<1000000x32xf32, #tpu.memory_space<hbm>>
    tpu.enqueue_indirect_dma source(%dma_start3A_37 : memref<1000000x32xf32, #tpu.memory_space<hbm>>) target(%arg6 : memref<1664x32xf32, #tpu.memory_space<vmem>>) offsets(%dma_start3A_34 : memref<1664xi32, #tpu.memory_space<vmem>>) semaphore(%arg8 : memref<!tpu.dma_semaphore, #tpu.memory_space<semaphore_mem>>)
    %add3A_38 = arith.constant 1664 : i32
    %add3A_39 = arith.addi %mul3A_2, %add3A_38 : i32
    %dma_start3A_40 = arith.constant 0 : i32
    %dma_start3A_41 = tpu.memref_slice %arg4[%add3A_39, %dma_start3A_40] : memref<425984x32xf32, #tpu.memory_space<hbm>> -> memref<1664x32xf32, #tpu.memory_space<hbm>>
    %dma_start3A_42 = arith.constant 0 : i32
    %dma_start3A_43 = tpu.memref_slice %arg4[%add3A_39, %dma_start3A_42] : memref<425984x32xf32, #tpu.memory_space<hbm>> -> memref<1664x32xf32, #tpu.memory_space<hbm>>
    tpu.enqueue_dma source(%arg7 : memref<1664x32xf32, #tpu.memory_space<vmem>>) target(%dma_start3A_43 : memref<1664x32xf32, #tpu.memory_space<hbm>>) target_semaphore(%arg11 : memref<!tpu.dma_semaphore, #tpu.memory_space<semaphore_mem>>)
    %dma_wait3A_44 = arith.constant 3328 : i32
    %dma_wait3A_45 = tpu.memref_slice %arg5[%dma_wait3A_44] : memref<13312xi32, #tpu.memory_space<vmem>> -> memref<1664xi32, #tpu.memory_space<vmem>>
    %dma_wait3A_46 = arith.constant 0 : i32
    %dma_wait3A_47 = arith.constant 0 : i32
    %dma_wait3A_48 = tpu.memref_slice %arg3[%dma_wait3A_46, %dma_wait3A_47] : memref<1000000x32xf32, #tpu.memory_space<hbm>> -> memref<1000000x32xf32, #tpu.memory_space<hbm>>
    tpu.wait_indirect_dma semaphore(%arg8 : memref<!tpu.dma_semaphore, #tpu.memory_space<semaphore_mem>>) src(%dma_wait3A_48 : memref<1000000x32xf32, #tpu.memory_space<hbm>>) dst(%arg6 : memref<1664x32xf32, #tpu.memory_space<vmem>>)
    %add3A_49 = arith.constant 1664 : i32
    %add3A_50 = arith.addi %mul3A_2, %add3A_49 : i32
    %dma_wait3A_51 = arith.constant 0 : i32
    %dma_wait3A_52 = tpu.memref_slice %arg4[%add3A_50, %dma_wait3A_51] : memref<425984x32xf32, #tpu.memory_space<hbm>> -> memref<1664x32xf32, #tpu.memory_space<hbm>>
    %dma_wait3A_53 = arith.constant 0 : i32
    %dma_wait3A_54 = tpu.memref_slice %arg4[%add3A_50, %dma_wait3A_53] : memref<425984x32xf32, #tpu.memory_space<hbm>> -> memref<1664x32xf32, #tpu.memory_space<hbm>>
    tpu.wait_dma2 semaphore(%arg11 : memref<!tpu.dma_semaphore, #tpu.memory_space<semaphore_mem>>) src(%arg7 : memref<1664x32xf32, #tpu.memory_space<vmem>>) dst(%dma_wait3A_54 : memref<1664x32xf32, #tpu.memory_space<hbm>>)
    %dma_start3A_55 = arith.constant 4992 : i32
    %dma_start3A_56 = tpu.memref_slice %arg5[%dma_start3A_55] : memref<13312xi32, #tpu.memory_space<vmem>> -> memref<1664xi32, #tpu.memory_space<vmem>>
    %dma_start3A_57 = arith.constant 0 : i32
    %dma_start3A_58 = arith.constant 0 : i32
    %dma_start3A_59 = tpu.memref_slice %arg3[%dma_start3A_57, %dma_start3A_58] : memref<1000000x32xf32, #tpu.memory_space<hbm>> -> memref<1000000x32xf32, #tpu.memory_space<hbm>>
    tpu.enqueue_indirect_dma source(%dma_start3A_59 : memref<1000000x32xf32, #tpu.memory_space<hbm>>) target(%arg7 : memref<1664x32xf32, #tpu.memory_space<vmem>>) offsets(%dma_start3A_56 : memref<1664xi32, #tpu.memory_space<vmem>>) semaphore(%arg9 : memref<!tpu.dma_semaphore, #tpu.memory_space<semaphore_mem>>)
    %add3A_60 = arith.constant 3328 : i32
    %add3A_61 = arith.addi %mul3A_2, %add3A_60 : i32
    %dma_start3A_62 = arith.constant 0 : i32
    %dma_start3A_63 = tpu.memref_slice %arg4[%add3A_61, %dma_start3A_62] : memref<425984x32xf32, #tpu.memory_space<hbm>> -> memref<1664x32xf32, #tpu.memory_space<hbm>>
    %dma_start3A_64 = arith.constant 0 : i32
    %dma_start3A_65 = tpu.memref_slice %arg4[%add3A_61, %dma_start3A_64] : memref<425984x32xf32, #tpu.memory_space<hbm>> -> memref<1664x32xf32, #tpu.memory_space<hbm>>
    tpu.enqueue_dma source(%arg6 : memref<1664x32xf32, #tpu.memory_space<vmem>>) target(%dma_start3A_65 : memref<1664x32xf32, #tpu.memory_space<hbm>>) target_semaphore(%arg10 : memref<!tpu.dma_semaphore, #tpu.memory_space<semaphore_mem>>)
    %dma_wait3A_66 = arith.constant 4992 : i32
    %dma_wait3A_67 = tpu.memref_slice %arg5[%dma_wait3A_66] : memref<13312xi32, #tpu.memory_space<vmem>> -> memref<1664xi32, #tpu.memory_space<vmem>>
    %dma_wait3A_68 = arith.constant 0 : i32
    %dma_wait3A_69 = arith.constant 0 : i32
    %dma_wait3A_70 = tpu.memref_slice %arg3[%dma_wait3A_68, %dma_wait3A_69] : memref<1000000x32xf32, #tpu.memory_space<hbm>> -> memref<1000000x32xf32, #tpu.memory_space<hbm>>
    tpu.wait_indirect_dma semaphore(%arg9 : memref<!tpu.dma_semaphore, #tpu.memory_space<semaphore_mem>>) src(%dma_wait3A_70 : memref<1000000x32xf32, #tpu.memory_space<hbm>>) dst(%arg7 : memref<1664x32xf32, #tpu.memory_space<vmem>>)
    %add3A_71 = arith.constant 3328 : i32
    %add3A_72 = arith.addi %mul3A_2, %add3A_71 : i32
    %dma_wait3A_73 = arith.constant 0 : i32
    %dma_wait3A_74 = tpu.memref_slice %arg4[%add3A_72, %dma_wait3A_73] : memref<425984x32xf32, #tpu.memory_space<hbm>> -> memref<1664x32xf32, #tpu.memory_space<hbm>>
    %dma_wait3A_75 = arith.constant 0 : i32
    %dma_wait3A_76 = tpu.memref_slice %arg4[%add3A_72, %dma_wait3A_75] : memref<425984x32xf32, #tpu.memory_space<hbm>> -> memref<1664x32xf32, #tpu.memory_space<hbm>>
    tpu.wait_dma2 semaphore(%arg10 : memref<!tpu.dma_semaphore, #tpu.memory_space<semaphore_mem>>) src(%arg6 : memref<1664x32xf32, #tpu.memory_space<vmem>>) dst(%dma_wait3A_76 : memref<1664x32xf32, #tpu.memory_space<hbm>>)
    %dma_start3A_77 = arith.constant 6656 : i32
    %dma_start3A_78 = tpu.memref_slice %arg5[%dma_start3A_77] : memref<13312xi32, #tpu.memory_space<vmem>> -> memref<1664xi32, #tpu.memory_space<vmem>>
    %dma_start3A_79 = arith.constant 0 : i32
    %dma_start3A_80 = arith.constant 0 : i32
    %dma_start3A_81 = tpu.memref_slice %arg3[%dma_start3A_79, %dma_start3A_80] : memref<1000000x32xf32, #tpu.memory_space<hbm>> -> memref<1000000x32xf32, #tpu.memory_space<hbm>>
    tpu.enqueue_indirect_dma source(%dma_start3A_81 : memref<1000000x32xf32, #tpu.memory_space<hbm>>) target(%arg6 : memref<1664x32xf32, #tpu.memory_space<vmem>>) offsets(%dma_start3A_78 : memref<1664xi32, #tpu.memory_space<vmem>>) semaphore(%arg8 : memref<!tpu.dma_semaphore, #tpu.memory_space<semaphore_mem>>)
    %add3A_82 = arith.constant 4992 : i32
    %add3A_83 = arith.addi %mul3A_2, %add3A_82 : i32
    %dma_start3A_84 = arith.constant 0 : i32
    %dma_start3A_85 = tpu.memref_slice %arg4[%add3A_83, %dma_start3A_84] : memref<425984x32xf32, #tpu.memory_space<hbm>> -> memref<1664x32xf32, #tpu.memory_space<hbm>>
    %dma_start3A_86 = arith.constant 0 : i32
    %dma_start3A_87 = tpu.memref_slice %arg4[%add3A_83, %dma_start3A_86] : memref<425984x32xf32, #tpu.memory_space<hbm>> -> memref<1664x32xf32, #tpu.memory_space<hbm>>
    tpu.enqueue_dma source(%arg7 : memref<1664x32xf32, #tpu.memory_space<vmem>>) target(%dma_start3A_87 : memref<1664x32xf32, #tpu.memory_space<hbm>>) target_semaphore(%arg11 : memref<!tpu.dma_semaphore, #tpu.memory_space<semaphore_mem>>)
    %dma_wait3A_88 = arith.constant 6656 : i32
    %dma_wait3A_89 = tpu.memref_slice %arg5[%dma_wait3A_88] : memref<13312xi32, #tpu.memory_space<vmem>> -> memref<1664xi32, #tpu.memory_space<vmem>>
    %dma_wait3A_90 = arith.constant 0 : i32
    %dma_wait3A_91 = arith.constant 0 : i32
    %dma_wait3A_92 = tpu.memref_slice %arg3[%dma_wait3A_90, %dma_wait3A_91] : memref<1000000x32xf32, #tpu.memory_space<hbm>> -> memref<1000000x32xf32, #tpu.memory_space<hbm>>
    tpu.wait_indirect_dma semaphore(%arg8 : memref<!tpu.dma_semaphore, #tpu.memory_space<semaphore_mem>>) src(%dma_wait3A_92 : memref<1000000x32xf32, #tpu.memory_space<hbm>>) dst(%arg6 : memref<1664x32xf32, #tpu.memory_space<vmem>>)
    %add3A_93 = arith.constant 4992 : i32
    %add3A_94 = arith.addi %mul3A_2, %add3A_93 : i32
    %dma_wait3A_95 = arith.constant 0 : i32
    %dma_wait3A_96 = tpu.memref_slice %arg4[%add3A_94, %dma_wait3A_95] : memref<425984x32xf32, #tpu.memory_space<hbm>> -> memref<1664x32xf32, #tpu.memory_space<hbm>>
    %dma_wait3A_97 = arith.constant 0 : i32
    %dma_wait3A_98 = tpu.memref_slice %arg4[%add3A_94, %dma_wait3A_97] : memref<425984x32xf32, #tpu.memory_space<hbm>> -> memref<1664x32xf32, #tpu.memory_space<hbm>>
    tpu.wait_dma2 semaphore(%arg11 : memref<!tpu.dma_semaphore, #tpu.memory_space<semaphore_mem>>) src(%arg7 : memref<1664x32xf32, #tpu.memory_space<vmem>>) dst(%dma_wait3A_98 : memref<1664x32xf32, #tpu.memory_space<hbm>>)
    %dma_start3A_99 = arith.constant 8320 : i32
    %dma_start3A_100 = tpu.memref_slice %arg5[%dma_start3A_99] : memref<13312xi32, #tpu.memory_space<vmem>> -> memref<1664xi32, #tpu.memory_space<vmem>>
    %dma_start3A_101 = arith.constant 0 : i32
    %dma_start3A_102 = arith.constant 0 : i32
    %dma_start3A_103 = tpu.memref_slice %arg3[%dma_start3A_101, %dma_start3A_102] : memref<1000000x32xf32, #tpu.memory_space<hbm>> -> memref<1000000x32xf32, #tpu.memory_space<hbm>>
    tpu.enqueue_indirect_dma source(%dma_start3A_103 : memref<1000000x32xf32, #tpu.memory_space<hbm>>) target(%arg7 : memref<1664x32xf32, #tpu.memory_space<vmem>>) offsets(%dma_start3A_100 : memref<1664xi32, #tpu.memory_space<vmem>>) semaphore(%arg9 : memref<!tpu.dma_semaphore, #tpu.memory_space<semaphore_mem>>)
    %add3A_104 = arith.constant 6656 : i32
    %add3A_105 = arith.addi %mul3A_2, %add3A_104 : i32
    %dma_start3A_106 = arith.constant 0 : i32
    %dma_start3A_107 = tpu.memref_slice %arg4[%add3A_105, %dma_start3A_106] : memref<425984x32xf32, #tpu.memory_space<hbm>> -> memref<1664x32xf32, #tpu.memory_space<hbm>>
    %dma_start3A_108 = arith.constant 0 : i32
    %dma_start3A_109 = tpu.memref_slice %arg4[%add3A_105, %dma_start3A_108] : memref<425984x32xf32, #tpu.memory_space<hbm>> -> memref<1664x32xf32, #tpu.memory_space<hbm>>
    tpu.enqueue_dma source(%arg6 : memref<1664x32xf32, #tpu.memory_space<vmem>>) target(%dma_start3A_109 : memref<1664x32xf32, #tpu.memory_space<hbm>>) target_semaphore(%arg10 : memref<!tpu.dma_semaphore, #tpu.memory_space<semaphore_mem>>)
    %dma_wait3A_110 = arith.constant 8320 : i32
    %dma_wait3A_111 = tpu.memref_slice %arg5[%dma_wait3A_110] : memref<13312xi32, #tpu.memory_space<vmem>> -> memref<1664xi32, #tpu.memory_space<vmem>>
    %dma_wait3A_112 = arith.constant 0 : i32
    %dma_wait3A_113 = arith.constant 0 : i32
    %dma_wait3A_114 = tpu.memref_slice %arg3[%dma_wait3A_112, %dma_wait3A_113] : memref<1000000x32xf32, #tpu.memory_space<hbm>> -> memref<1000000x32xf32, #tpu.memory_space<hbm>>
    tpu.wait_indirect_dma semaphore(%arg9 : memref<!tpu.dma_semaphore, #tpu.memory_space<semaphore_mem>>) src(%dma_wait3A_114 : memref<1000000x32xf32, #tpu.memory_space<hbm>>) dst(%arg7 : memref<1664x32xf32, #tpu.memory_space<vmem>>)
    %add3A_115 = arith.constant 6656 : i32
    %add3A_116 = arith.addi %mul3A_2, %add3A_115 : i32
    %dma_wait3A_117 = arith.constant 0 : i32
    %dma_wait3A_118 = tpu.memref_slice %arg4[%add3A_116, %dma_wait3A_117] : memref<425984x32xf32, #tpu.memory_space<hbm>> -> memref<1664x32xf32, #tpu.memory_space<hbm>>
    %dma_wait3A_119 = arith.constant 0 : i32
    %dma_wait3A_120 = tpu.memref_slice %arg4[%add3A_116, %dma_wait3A_119] : memref<425984x32xf32, #tpu.memory_space<hbm>> -> memref<1664x32xf32, #tpu.memory_space<hbm>>
    tpu.wait_dma2 semaphore(%arg10 : memref<!tpu.dma_semaphore, #tpu.memory_space<semaphore_mem>>) src(%arg6 : memref<1664x32xf32, #tpu.memory_space<vmem>>) dst(%dma_wait3A_120 : memref<1664x32xf32, #tpu.memory_space<hbm>>)
    %dma_start3A_121 = arith.constant 9984 : i32
    %dma_start3A_122 = tpu.memref_slice %arg5[%dma_start3A_121] : memref<13312xi32, #tpu.memory_space<vmem>> -> memref<1664xi32, #tpu.memory_space<vmem>>
    %dma_start3A_123 = arith.constant 0 : i32
    %dma_start3A_124 = arith.constant 0 : i32
    %dma_start3A_125 = tpu.memref_slice %arg3[%dma_start3A_123, %dma_start3A_124] : memref<1000000x32xf32, #tpu.memory_space<hbm>> -> memref<1000000x32xf32, #tpu.memory_space<hbm>>
    tpu.enqueue_indirect_dma source(%dma_start3A_125 : memref<1000000x32xf32, #tpu.memory_space<hbm>>) target(%arg6 : memref<1664x32xf32, #tpu.memory_space<vmem>>) offsets(%dma_start3A_122 : memref<1664xi32, #tpu.memory_space<vmem>>) semaphore(%arg8 : memref<!tpu.dma_semaphore, #tpu.memory_space<semaphore_mem>>)
    %add3A_126 = arith.constant 8320 : i32
    %add3A_127 = arith.addi %mul3A_2, %add3A_126 : i32
    %dma_start3A_128 = arith.constant 0 : i32
    %dma_start3A_129 = tpu.memref_slice %arg4[%add3A_127, %dma_start3A_128] : memref<425984x32xf32, #tpu.memory_space<hbm>> -> memref<1664x32xf32, #tpu.memory_space<hbm>>
    %dma_start3A_130 = arith.constant 0 : i32
    %dma_start3A_131 = tpu.memref_slice %arg4[%add3A_127, %dma_start3A_130] : memref<425984x32xf32, #tpu.memory_space<hbm>> -> memref<1664x32xf32, #tpu.memory_space<hbm>>
    tpu.enqueue_dma source(%arg7 : memref<1664x32xf32, #tpu.memory_space<vmem>>) target(%dma_start3A_131 : memref<1664x32xf32, #tpu.memory_space<hbm>>) target_semaphore(%arg11 : memref<!tpu.dma_semaphore, #tpu.memory_space<semaphore_mem>>)
    %dma_wait3A_132 = arith.constant 9984 : i32
    %dma_wait3A_133 = tpu.memref_slice %arg5[%dma_wait3A_132] : memref<13312xi32, #tpu.memory_space<vmem>> -> memref<1664xi32, #tpu.memory_space<vmem>>
    %dma_wait3A_134 = arith.constant 0 : i32
    %dma_wait3A_135 = arith.constant 0 : i32
    %dma_wait3A_136 = tpu.memref_slice %arg3[%dma_wait3A_134, %dma_wait3A_135] : memref<1000000x32xf32, #tpu.memory_space<hbm>> -> memref<1000000x32xf32, #tpu.memory_space<hbm>>
    tpu.wait_indirect_dma semaphore(%arg8 : memref<!tpu.dma_semaphore, #tpu.memory_space<semaphore_mem>>) src(%dma_wait3A_136 : memref<1000000x32xf32, #tpu.memory_space<hbm>>) dst(%arg6 : memref<1664x32xf32, #tpu.memory_space<vmem>>)
    %add3A_137 = arith.constant 8320 : i32
    %add3A_138 = arith.addi %mul3A_2, %add3A_137 : i32
    %dma_wait3A_139 = arith.constant 0 : i32
    %dma_wait3A_140 = tpu.memref_slice %arg4[%add3A_138, %dma_wait3A_139] : memref<425984x32xf32, #tpu.memory_space<hbm>> -> memref<1664x32xf32, #tpu.memory_space<hbm>>
    %dma_wait3A_141 = arith.constant 0 : i32
    %dma_wait3A_142 = tpu.memref_slice %arg4[%add3A_138, %dma_wait3A_141] : memref<425984x32xf32, #tpu.memory_space<hbm>> -> memref<1664x32xf32, #tpu.memory_space<hbm>>
    tpu.wait_dma2 semaphore(%arg11 : memref<!tpu.dma_semaphore, #tpu.memory_space<semaphore_mem>>) src(%arg7 : memref<1664x32xf32, #tpu.memory_space<vmem>>) dst(%dma_wait3A_142 : memref<1664x32xf32, #tpu.memory_space<hbm>>)
    %dma_start3A_143 = arith.constant 11648 : i32
    %dma_start3A_144 = tpu.memref_slice %arg5[%dma_start3A_143] : memref<13312xi32, #tpu.memory_space<vmem>> -> memref<1664xi32, #tpu.memory_space<vmem>>
    %dma_start3A_145 = arith.constant 0 : i32
    %dma_start3A_146 = arith.constant 0 : i32
    %dma_start3A_147 = tpu.memref_slice %arg3[%dma_start3A_145, %dma_start3A_146] : memref<1000000x32xf32, #tpu.memory_space<hbm>> -> memref<1000000x32xf32, #tpu.memory_space<hbm>>
    tpu.enqueue_indirect_dma source(%dma_start3A_147 : memref<1000000x32xf32, #tpu.memory_space<hbm>>) target(%arg7 : memref<1664x32xf32, #tpu.memory_space<vmem>>) offsets(%dma_start3A_144 : memref<1664xi32, #tpu.memory_space<vmem>>) semaphore(%arg9 : memref<!tpu.dma_semaphore, #tpu.memory_space<semaphore_mem>>)
    %add3A_148 = arith.constant 9984 : i32
    %add3A_149 = arith.addi %mul3A_2, %add3A_148 : i32
    %dma_start3A_150 = arith.constant 0 : i32
    %dma_start3A_151 = tpu.memref_slice %arg4[%add3A_149, %dma_start3A_150] : memref<425984x32xf32, #tpu.memory_space<hbm>> -> memref<1664x32xf32, #tpu.memory_space<hbm>>
    %dma_start3A_152 = arith.constant 0 : i32
    %dma_start3A_153 = tpu.memref_slice %arg4[%add3A_149, %dma_start3A_152] : memref<425984x32xf32, #tpu.memory_space<hbm>> -> memref<1664x32xf32, #tpu.memory_space<hbm>>
    tpu.enqueue_dma source(%arg6 : memref<1664x32xf32, #tpu.memory_space<vmem>>) target(%dma_start3A_153 : memref<1664x32xf32, #tpu.memory_space<hbm>>) target_semaphore(%arg10 : memref<!tpu.dma_semaphore, #tpu.memory_space<semaphore_mem>>)
    %dma_wait3A_154 = arith.constant 11648 : i32
    %dma_wait3A_155 = tpu.memref_slice %arg5[%dma_wait3A_154] : memref<13312xi32, #tpu.memory_space<vmem>> -> memref<1664xi32, #tpu.memory_space<vmem>>
    %dma_wait3A_156 = arith.constant 0 : i32
    %dma_wait3A_157 = arith.constant 0 : i32
    %dma_wait3A_158 = tpu.memref_slice %arg3[%dma_wait3A_156, %dma_wait3A_157] : memref<1000000x32xf32, #tpu.memory_space<hbm>> -> memref<1000000x32xf32, #tpu.memory_space<hbm>>
    tpu.wait_indirect_dma semaphore(%arg9 : memref<!tpu.dma_semaphore, #tpu.memory_space<semaphore_mem>>) src(%dma_wait3A_158 : memref<1000000x32xf32, #tpu.memory_space<hbm>>) dst(%arg7 : memref<1664x32xf32, #tpu.memory_space<vmem>>)
    %add3A_159 = arith.constant 11648 : i32
    %add3A_160 = arith.addi %mul3A_2, %add3A_159 : i32
    %dma_start3A_161 = arith.constant 0 : i32
    %dma_start3A_162 = tpu.memref_slice %arg4[%add3A_160, %dma_start3A_161] : memref<425984x32xf32, #tpu.memory_space<hbm>> -> memref<1664x32xf32, #tpu.memory_space<hbm>>
    %dma_start3A_163 = arith.constant 0 : i32
    %dma_start3A_164 = tpu.memref_slice %arg4[%add3A_160, %dma_start3A_163] : memref<425984x32xf32, #tpu.memory_space<hbm>> -> memref<1664x32xf32, #tpu.memory_space<hbm>>
    tpu.enqueue_dma source(%arg7 : memref<1664x32xf32, #tpu.memory_space<vmem>>) target(%dma_start3A_164 : memref<1664x32xf32, #tpu.memory_space<hbm>>) target_semaphore(%arg11 : memref<!tpu.dma_semaphore, #tpu.memory_space<semaphore_mem>>)
    %add3A_165 = arith.constant 9984 : i32
    %add3A_166 = arith.addi %mul3A_2, %add3A_165 : i32
    %dma_wait3A_167 = arith.constant 0 : i32
    %dma_wait3A_168 = tpu.memref_slice %arg4[%add3A_166, %dma_wait3A_167] : memref<425984x32xf32, #tpu.memory_space<hbm>> -> memref<1664x32xf32, #tpu.memory_space<hbm>>
    %dma_wait3A_169 = arith.constant 0 : i32
    %dma_wait3A_170 = tpu.memref_slice %arg4[%add3A_166, %dma_wait3A_169] : memref<425984x32xf32, #tpu.memory_space<hbm>> -> memref<1664x32xf32, #tpu.memory_space<hbm>>
    tpu.wait_dma2 semaphore(%arg10 : memref<!tpu.dma_semaphore, #tpu.memory_space<semaphore_mem>>) src(%arg6 : memref<1664x32xf32, #tpu.memory_space<vmem>>) dst(%dma_wait3A_170 : memref<1664x32xf32, #tpu.memory_space<hbm>>)
    %add3A_171 = arith.constant 11648 : i32
    %add3A_172 = arith.addi %mul3A_2, %add3A_171 : i32
    %dma_wait3A_173 = arith.constant 0 : i32
    %dma_wait3A_174 = tpu.memref_slice %arg4[%add3A_172, %dma_wait3A_173] : memref<425984x32xf32, #tpu.memory_space<hbm>> -> memref<1664x32xf32, #tpu.memory_space<hbm>>
    %dma_wait3A_175 = arith.constant 0 : i32
    %dma_wait3A_176 = tpu.memref_slice %arg4[%add3A_172, %dma_wait3A_175] : memref<425984x32xf32, #tpu.memory_space<hbm>> -> memref<1664x32xf32, #tpu.memory_space<hbm>>
    tpu.wait_dma2 semaphore(%arg11 : memref<!tpu.dma_semaphore, #tpu.memory_space<semaphore_mem>>) src(%arg7 : memref<1664x32xf32, #tpu.memory_space<vmem>>) dst(%dma_wait3A_176 : memref<1664x32xf32, #tpu.memory_space<hbm>>)
    return
  }
}

#map = affine_map<(d0, d1) -> (0, 0)>
#map1 = affine_map<(d0, d1) -> (0, 0, 0, 0, 0)>
module attributes {stable_mosaic.version = 14 : i64} {
  func.func @_format_sc(%arg0: i32, %arg1: i32, %arg2: memref<425984x32xf32, #tpu.memory_space<hbm>>, %arg3: memref<26x4x128x8x128xf32, #tpu.memory_space<hbm>>, %arg4: memref<832x33xf32, #tpu.memory_space<vmem>>, %arg5: memref<832x33xf32, #tpu.memory_space<vmem>>, %arg6: memref<26x4x8x32xf32, #tpu.memory_space<vmem>>, %arg7: memref<26x4x8x32xf32, #tpu.memory_space<vmem>>, %arg8: memref<!tpu.dma_semaphore, #tpu.memory_space<semaphore_mem>>, %arg9: memref<!tpu.dma_semaphore, #tpu.memory_space<semaphore_mem>>, %arg10: memref<!tpu.dma_semaphore, #tpu.memory_space<semaphore_mem>>, %arg11: memref<!tpu.dma_semaphore, #tpu.memory_space<semaphore_mem>>) attributes {dimension_semantics = [#tpu.dimension_semantics<core_parallel>, #tpu.dimension_semantics<subcore_parallel>], iteration_bounds = array<i64: 2, 16>, scalar_prefetch = 0 : i64, scratch_operands = 8 : i64, tpu.core_type = #tpu.core_type<sc_vector_subcore>, window_params = [{transform_indices = #map}, {transform_indices = #map1}]} {
    %mul3A = arith.constant 2 : i32
    %mul3A_0 = arith.muli %arg1, %mul3A : i32
    %add3A = arith.addi %mul3A_0, %arg0 : i32
    %mul3A_1 = arith.constant 13312 : i32
    %mul3A_2 = arith.muli %add3A, %mul3A_1 : i32
    %add3A_3 = arith.constant 0 : i32
    %add3A_4 = arith.addi %mul3A_2, %add3A_3 : i32
    %dma_start3A = arith.constant 0 : i32
    %dma_start3A_5 = arith.constant 0 : i32
    %dma_start3A_6 = tpu.memref_slice %arg4[%dma_start3A, %dma_start3A_5] : memref<832x33xf32, #tpu.memory_space<vmem>> -> memref<832x32xf32, #tpu.memory_space<vmem>>
    %dma_start3A_7 = arith.constant 0 : i32
    %dma_start3A_8 = tpu.memref_slice %arg2[%add3A_4, %dma_start3A_7] : memref<425984x32xf32, #tpu.memory_space<hbm>> -> memref<832x32xf32, #tpu.memory_space<hbm>>
    %dma_start3A_9 = arith.constant 0 : i32
    %dma_start3A_10 = arith.constant 0 : i32
    %dma_start3A_11 = tpu.memref_slice %arg4[%dma_start3A_9, %dma_start3A_10] : memref<832x33xf32, #tpu.memory_space<vmem>> -> memref<832x32xf32, #tpu.memory_space<vmem>>
    %dma_start3A_12 = arith.constant 0 : i32
    %dma_start3A_13 = tpu.memref_slice %arg2[%add3A_4, %dma_start3A_12] : memref<425984x32xf32, #tpu.memory_space<hbm>> -> memref<832x32xf32, #tpu.memory_space<hbm>>
    tpu.enqueue_dma source(%dma_start3A_13 : memref<832x32xf32, #tpu.memory_space<hbm>>) target(%dma_start3A_11 : memref<832x32xf32, #tpu.memory_space<vmem>>) target_semaphore(%arg8 : memref<!tpu.dma_semaphore, #tpu.memory_space<semaphore_mem>>)
    %scan3A = arith.constant 0 : i32
    %scan3A_14 = arith.constant 0 : i32
    %scan3A_15 = arith.constant 8 : i32
    %scan3A_16 = arith.addi %scan3A_14, %scan3A_15 : i32
    %scan3A_17 = arith.constant 1 : i32
    %scan3A_18 = scf.for %scan3A_59 = %scan3A_14 to %scan3A_16 step %scan3A_17 iter_args(%scan3A_60 = %scan3A) -> (i32)  : i32 {
      %mul3A_61 = arith.constant 2 : i32
      %mul3A_62 = arith.muli %mul3A_61, %scan3A_59 : i32
      %add3A_63 = arith.constant 0 : i32
      %add3A_64 = arith.addi %mul3A_62, %add3A_63 : i32
      %mul3A_65 = arith.constant 832 : i32
      %mul3A_66 = arith.muli %add3A_64, %mul3A_65 : i32
      %add3A_67 = arith.addi %mul3A_2, %mul3A_66 : i32
      %dma_wait3A_68 = arith.constant 0 : i32
      %dma_wait3A_69 = arith.constant 0 : i32
      %dma_wait3A_70 = tpu.memref_slice %arg4[%dma_wait3A_68, %dma_wait3A_69] : memref<832x33xf32, #tpu.memory_space<vmem>> -> memref<832x32xf32, #tpu.memory_space<vmem>>
      %dma_wait3A_71 = arith.constant 0 : i32
      %dma_wait3A_72 = tpu.memref_slice %arg2[%add3A_67, %dma_wait3A_71] : memref<425984x32xf32, #tpu.memory_space<hbm>> -> memref<832x32xf32, #tpu.memory_space<hbm>>
      %dma_wait3A_73 = arith.constant 0 : i32
      %dma_wait3A_74 = arith.constant 0 : i32
      %dma_wait3A_75 = tpu.memref_slice %arg4[%dma_wait3A_73, %dma_wait3A_74] : memref<832x33xf32, #tpu.memory_space<vmem>> -> memref<832x32xf32, #tpu.memory_space<vmem>>
      %dma_wait3A_76 = arith.constant 0 : i32
      %dma_wait3A_77 = tpu.memref_slice %arg2[%add3A_67, %dma_wait3A_76] : memref<425984x32xf32, #tpu.memory_space<hbm>> -> memref<832x32xf32, #tpu.memory_space<hbm>>
      tpu.wait_dma2 semaphore(%arg8 : memref<!tpu.dma_semaphore, #tpu.memory_space<semaphore_mem>>) src(%dma_wait3A_77 : memref<832x32xf32, #tpu.memory_space<hbm>>) dst(%dma_wait3A_75 : memref<832x32xf32, #tpu.memory_space<vmem>>)
      %ge3A = arith.constant 1 : i32
      %ge3A_78 = arith.cmpi sge, %scan3A_59, %ge3A : i32
      %convert_element_type3A = arith.extui %ge3A_78 : i1 to i32
      %cond3A = arith.constant 0 : i32
      %cond3A_79 = arith.cmpi ne, %convert_element_type3A, %cond3A : i32
      scf.if %cond3A_79 {
        %sub3A = arith.constant 2 : i32
        %sub3A_165 = arith.subi %add3A_64, %sub3A : i32
        %mul3A_166 = arith.constant 4 : i32
        %mul3A_167 = arith.muli %add3A, %mul3A_166 : i32
        %shift_right_logical3A_168 = arith.constant 2 : i32
        %shift_right_logical3A_169 = arith.shrui %sub3A_165, %shift_right_logical3A_168 : i32
        %add3A_170 = arith.addi %mul3A_167, %shift_right_logical3A_169 : i32
        %and3A_171 = arith.constant 3 : i32
        %and3A_172 = arith.andi %sub3A_165, %and3A_171 : i32
        %mul3A_173 = arith.constant 32 : i32
        %mul3A_174 = arith.muli %and3A_172, %mul3A_173 : i32
        %dma_wait3A_175 = arith.constant 0 : i32
        %dma_wait3A_176 = arith.constant 0 : i32
        %dma_wait3A_177 = arith.constant 0 : i32
        %dma_wait3A_178 = tpu.memref_slice %arg3[%dma_wait3A_175, %dma_wait3A_176, %add3A_170, %dma_wait3A_177, %mul3A_174] : memref<26x4x128x8x128xf32, #tpu.memory_space<hbm>> -> memref<26x4x1x8x32xf32, #tpu.memory_space<hbm>>
        %dma_wait3A_179 = tpu.memref_squeeze %dma_wait3A_178 : memref<26x4x1x8x32xf32, #tpu.memory_space<hbm>> -> memref<26x4x8x32xf32, #tpu.memory_space<hbm>>
        %dma_wait3A_180 = arith.constant 0 : i32
        %dma_wait3A_181 = arith.constant 0 : i32
        %dma_wait3A_182 = arith.constant 0 : i32
        %dma_wait3A_183 = tpu.memref_slice %arg3[%dma_wait3A_180, %dma_wait3A_181, %add3A_170, %dma_wait3A_182, %mul3A_174] : memref<26x4x128x8x128xf32, #tpu.memory_space<hbm>> -> memref<26x4x1x8x32xf32, #tpu.memory_space<hbm>>
        %dma_wait3A_184 = tpu.memref_squeeze %dma_wait3A_183 : memref<26x4x1x8x32xf32, #tpu.memory_space<hbm>> -> memref<26x4x8x32xf32, #tpu.memory_space<hbm>>
        tpu.wait_dma2 semaphore(%arg10 : memref<!tpu.dma_semaphore, #tpu.memory_space<semaphore_mem>>) src(%arg6 : memref<26x4x8x32xf32, #tpu.memory_space<vmem>>) dst(%dma_wait3A_184 : memref<26x4x8x32xf32, #tpu.memory_space<hbm>>)
      } else {
      }
      %add3A_80 = arith.constant 1 : i32
      %add3A_81 = arith.addi %add3A_64, %add3A_80 : i32
      %mul3A_82 = arith.constant 832 : i32
      %mul3A_83 = arith.muli %add3A_81, %mul3A_82 : i32
      %add3A_84 = arith.addi %mul3A_2, %mul3A_83 : i32
      %dma_start3A_85 = arith.constant 0 : i32
      %dma_start3A_86 = arith.constant 0 : i32
      %dma_start3A_87 = tpu.memref_slice %arg5[%dma_start3A_85, %dma_start3A_86] : memref<832x33xf32, #tpu.memory_space<vmem>> -> memref<832x32xf32, #tpu.memory_space<vmem>>
      %dma_start3A_88 = arith.constant 0 : i32
      %dma_start3A_89 = tpu.memref_slice %arg2[%add3A_84, %dma_start3A_88] : memref<425984x32xf32, #tpu.memory_space<hbm>> -> memref<832x32xf32, #tpu.memory_space<hbm>>
      %dma_start3A_90 = arith.constant 0 : i32
      %dma_start3A_91 = arith.constant 0 : i32
      %dma_start3A_92 = tpu.memref_slice %arg5[%dma_start3A_90, %dma_start3A_91] : memref<832x33xf32, #tpu.memory_space<vmem>> -> memref<832x32xf32, #tpu.memory_space<vmem>>
      %dma_start3A_93 = arith.constant 0 : i32
      %dma_start3A_94 = tpu.memref_slice %arg2[%add3A_84, %dma_start3A_93] : memref<425984x32xf32, #tpu.memory_space<hbm>> -> memref<832x32xf32, #tpu.memory_space<hbm>>
      tpu.enqueue_dma source(%dma_start3A_94 : memref<832x32xf32, #tpu.memory_space<hbm>>) target(%dma_start3A_92 : memref<832x32xf32, #tpu.memory_space<vmem>>) target_semaphore(%arg9 : memref<!tpu.dma_semaphore, #tpu.memory_space<semaphore_mem>>)
      %parallel_loop3A = arith.constant 0 : i32
      %parallel_loop3A_95 = arith.constant 26 : i32
      %parallel_loop3A_96 = arith.constant 1 : i32
      scf.for %parallel_loop3A_165 = %parallel_loop3A to %parallel_loop3A_95 step %parallel_loop3A_96  : i32 {
        %parallel_loop3A_166 = tpu.iota {dimensions = array<i32: 0>} : vector<16xi32>
        %parallel_loop3A_167 = arith.constant 26 : i32
        %parallel_loop3A_168 = vector.broadcast %parallel_loop3A_167 : i32 to vector<16xi32>
        %parallel_loop3A_169 = arith.muli %parallel_loop3A_166, %parallel_loop3A_168 : vector<16xi32>
        %parallel_loop3A_170 = arith.constant 0 : i32
        %parallel_loop3A_171 = arith.addi %parallel_loop3A_170, %parallel_loop3A_165 : i32
        %parallel_loop3A_172 = vector.broadcast %parallel_loop3A_171 : i32 to vector<16xi32>
        %parallel_loop3A_173 = arith.addi %parallel_loop3A_169, %parallel_loop3A_172 : vector<16xi32>
        %parallel_loop3A_174 = arith.constant 0 : i32
        %parallel_loop3A_175 = vector.broadcast %parallel_loop3A_174 : i32 to vector<16xi32>
        %parallel_loop3A_176 = tpu.vector_load_idx %arg4[%parallel_loop3A_173, %parallel_loop3A_175] : memref<832x33xf32, #tpu.memory_space<vmem>>[vector<16xi32>, vector<16xi32>], vector<16xf32>,
        %parallel_loop3A_177 = arith.constant 0 : i32
        %parallel_loop3A_178 = arith.constant 0 : i32
        %parallel_loop3A_179 = arith.index_cast %parallel_loop3A_165 : i32 to index
        %parallel_loop3A_180 = arith.index_cast %parallel_loop3A_177 : i32 to index
        %parallel_loop3A_181 = arith.index_cast %parallel_loop3A_178 : i32 to index
        %parallel_loop3A_182 = arith.constant 0 : index
        %parallel_loop3A_183 = tpu.vector_load %arg6[%parallel_loop3A_179, %parallel_loop3A_180, %parallel_loop3A_181, %parallel_loop3A_182] {strides = array<i32>} : memref<26x4x8x32xf32, #tpu.memory_space<vmem>>, vector<16xf32>,
        tpu.vector_store %arg6[%parallel_loop3A_179, %parallel_loop3A_180, %parallel_loop3A_181, %parallel_loop3A_182], %parallel_loop3A_176 {strides = array<i32>} : memref<26x4x8x32xf32, #tpu.memory_space<vmem>>, vector<16xf32>,
        %parallel_loop3A_184 = arith.constant 1 : i32
        %parallel_loop3A_185 = vector.broadcast %parallel_loop3A_184 : i32 to vector<16xi32>
        %parallel_loop3A_186 = tpu.vector_load_idx %arg4[%parallel_loop3A_173, %parallel_loop3A_185] : memref<832x33xf32, #tpu.memory_space<vmem>>[vector<16xi32>, vector<16xi32>], vector<16xf32>,
        %parallel_loop3A_187 = arith.constant 0 : i32
        %parallel_loop3A_188 = arith.constant 1 : i32
        %parallel_loop3A_189 = arith.index_cast %parallel_loop3A_165 : i32 to index
        %parallel_loop3A_190 = arith.index_cast %parallel_loop3A_187 : i32 to index
        %parallel_loop3A_191 = arith.index_cast %parallel_loop3A_188 : i32 to index
        %parallel_loop3A_192 = arith.constant 0 : index
        %parallel_loop3A_193 = tpu.vector_load %arg6[%parallel_loop3A_189, %parallel_loop3A_190, %parallel_loop3A_191, %parallel_loop3A_192] {strides = array<i32>} : memref<26x4x8x32xf32, #tpu.memory_space<vmem>>, vector<16xf32>,
        tpu.vector_store %arg6[%parallel_loop3A_189, %parallel_loop3A_190, %parallel_loop3A_191, %parallel_loop3A_192], %parallel_loop3A_186 {strides = array<i32>} : memref<26x4x8x32xf32, #tpu.memory_space<vmem>>, vector<16xf32>,
        %parallel_loop3A_194 = arith.constant 2 : i32
        %parallel_loop3A_195 = vector.broadcast %parallel_loop3A_194 : i32 to vector<16xi32>
        %parallel_loop3A_196 = tpu.vector_load_idx %arg4[%parallel_loop3A_173, %parallel_loop3A_195] : memref<832x33xf32, #tpu.memory_space<vmem>>[vector<16xi32>, vector<16xi32>], vector<16xf32>,
        %parallel_loop3A_197 = arith.constant 0 : i32
        %parallel_loop3A_198 = arith.constant 2 : i32
        %parallel_loop3A_199 = arith.index_cast %parallel_loop3A_165 : i32 to index
        %parallel_loop3A_200 = arith.index_cast %parallel_loop3A_197 : i32 to index
        %parallel_loop3A_201 = arith.index_cast %parallel_loop3A_198 : i32 to index
        %parallel_loop3A_202 = arith.constant 0 : index
        %parallel_loop3A_203 = tpu.vector_load %arg6[%parallel_loop3A_199, %parallel_loop3A_200, %parallel_loop3A_201, %parallel_loop3A_202] {strides = array<i32>} : memref<26x4x8x32xf32, #tpu.memory_space<vmem>>, vector<16xf32>,
        tpu.vector_store %arg6[%parallel_loop3A_199, %parallel_loop3A_200, %parallel_loop3A_201, %parallel_loop3A_202], %parallel_loop3A_196 {strides = array<i32>} : memref<26x4x8x32xf32, #tpu.memory_space<vmem>>, vector<16xf32>,
        %parallel_loop3A_204 = arith.constant 3 : i32
        %parallel_loop3A_205 = vector.broadcast %parallel_loop3A_204 : i32 to vector<16xi32>
        %parallel_loop3A_206 = tpu.vector_load_idx %arg4[%parallel_loop3A_173, %parallel_loop3A_205] : memref<832x33xf32, #tpu.memory_space<vmem>>[vector<16xi32>, vector<16xi32>], vector<16xf32>,
        %parallel_loop3A_207 = arith.constant 0 : i32
        %parallel_loop3A_208 = arith.constant 3 : i32
        %parallel_loop3A_209 = arith.index_cast %parallel_loop3A_165 : i32 to index
        %parallel_loop3A_210 = arith.index_cast %parallel_loop3A_207 : i32 to index
        %parallel_loop3A_211 = arith.index_cast %parallel_loop3A_208 : i32 to index
        %parallel_loop3A_212 = arith.constant 0 : index
        %parallel_loop3A_213 = tpu.vector_load %arg6[%parallel_loop3A_209, %parallel_loop3A_210, %parallel_loop3A_211, %parallel_loop3A_212] {strides = array<i32>} : memref<26x4x8x32xf32, #tpu.memory_space<vmem>>, vector<16xf32>,
        tpu.vector_store %arg6[%parallel_loop3A_209, %parallel_loop3A_210, %parallel_loop3A_211, %parallel_loop3A_212], %parallel_loop3A_206 {strides = array<i32>} : memref<26x4x8x32xf32, #tpu.memory_space<vmem>>, vector<16xf32>,
        %parallel_loop3A_214 = arith.constant 4 : i32
        %parallel_loop3A_215 = vector.broadcast %parallel_loop3A_214 : i32 to vector<16xi32>
        %parallel_loop3A_216 = tpu.vector_load_idx %arg4[%parallel_loop3A_173, %parallel_loop3A_215] : memref<832x33xf32, #tpu.memory_space<vmem>>[vector<16xi32>, vector<16xi32>], vector<16xf32>,
        %parallel_loop3A_217 = arith.constant 0 : i32
        %parallel_loop3A_218 = arith.constant 4 : i32
        %parallel_loop3A_219 = arith.index_cast %parallel_loop3A_165 : i32 to index
        %parallel_loop3A_220 = arith.index_cast %parallel_loop3A_217 : i32 to index
        %parallel_loop3A_221 = arith.index_cast %parallel_loop3A_218 : i32 to index
        %parallel_loop3A_222 = arith.constant 0 : index
        %parallel_loop3A_223 = tpu.vector_load %arg6[%parallel_loop3A_219, %parallel_loop3A_220, %parallel_loop3A_221, %parallel_loop3A_222] {strides = array<i32>} : memref<26x4x8x32xf32, #tpu.memory_space<vmem>>, vector<16xf32>,
        tpu.vector_store %arg6[%parallel_loop3A_219, %parallel_loop3A_220, %parallel_loop3A_221, %parallel_loop3A_222], %parallel_loop3A_216 {strides = array<i32>} : memref<26x4x8x32xf32, #tpu.memory_space<vmem>>, vector<16xf32>,
        %parallel_loop3A_224 = arith.constant 5 : i32
        %parallel_loop3A_225 = vector.broadcast %parallel_loop3A_224 : i32 to vector<16xi32>
        %parallel_loop3A_226 = tpu.vector_load_idx %arg4[%parallel_loop3A_173, %parallel_loop3A_225] : memref<832x33xf32, #tpu.memory_space<vmem>>[vector<16xi32>, vector<16xi32>], vector<16xf32>,
        %parallel_loop3A_227 = arith.constant 0 : i32
        %parallel_loop3A_228 = arith.constant 5 : i32
        %parallel_loop3A_229 = arith.index_cast %parallel_loop3A_165 : i32 to index
        %parallel_loop3A_230 = arith.index_cast %parallel_loop3A_227 : i32 to index
        %parallel_loop3A_231 = arith.index_cast %parallel_loop3A_228 : i32 to index
        %parallel_loop3A_232 = arith.constant 0 : index
        %parallel_loop3A_233 = tpu.vector_load %arg6[%parallel_loop3A_229, %parallel_loop3A_230, %parallel_loop3A_231, %parallel_loop3A_232] {strides = array<i32>} : memref<26x4x8x32xf32, #tpu.memory_space<vmem>>, vector<16xf32>,
        tpu.vector_store %arg6[%parallel_loop3A_229, %parallel_loop3A_230, %parallel_loop3A_231, %parallel_loop3A_232], %parallel_loop3A_226 {strides = array<i32>} : memref<26x4x8x32xf32, #tpu.memory_space<vmem>>, vector<16xf32>,
        %parallel_loop3A_234 = arith.constant 6 : i32
        %parallel_loop3A_235 = vector.broadcast %parallel_loop3A_234 : i32 to vector<16xi32>
        %parallel_loop3A_236 = tpu.vector_load_idx %arg4[%parallel_loop3A_173, %parallel_loop3A_235] : memref<832x33xf32, #tpu.memory_space<vmem>>[vector<16xi32>, vector<16xi32>], vector<16xf32>,
        %parallel_loop3A_237 = arith.constant 0 : i32
        %parallel_loop3A_238 = arith.constant 6 : i32
        %parallel_loop3A_239 = arith.index_cast %parallel_loop3A_165 : i32 to index
        %parallel_loop3A_240 = arith.index_cast %parallel_loop3A_237 : i32 to index
        %parallel_loop3A_241 = arith.index_cast %parallel_loop3A_238 : i32 to index
        %parallel_loop3A_242 = arith.constant 0 : index
        %parallel_loop3A_243 = tpu.vector_load %arg6[%parallel_loop3A_239, %parallel_loop3A_240, %parallel_loop3A_241, %parallel_loop3A_242] {strides = array<i32>} : memref<26x4x8x32xf32, #tpu.memory_space<vmem>>, vector<16xf32>,
        tpu.vector_store %arg6[%parallel_loop3A_239, %parallel_loop3A_240, %parallel_loop3A_241, %parallel_loop3A_242], %parallel_loop3A_236 {strides = array<i32>} : memref<26x4x8x32xf32, #tpu.memory_space<vmem>>, vector<16xf32>,
        %parallel_loop3A_244 = arith.constant 7 : i32
        %parallel_loop3A_245 = vector.broadcast %parallel_loop3A_244 : i32 to vector<16xi32>
        %parallel_loop3A_246 = tpu.vector_load_idx %arg4[%parallel_loop3A_173, %parallel_loop3A_245] : memref<832x33xf32, #tpu.memory_space<vmem>>[vector<16xi32>, vector<16xi32>], vector<16xf32>,
        %parallel_loop3A_247 = arith.constant 0 : i32
        %parallel_loop3A_248 = arith.constant 7 : i32
        %parallel_loop3A_249 = arith.index_cast %parallel_loop3A_165 : i32 to index
        %parallel_loop3A_250 = arith.index_cast %parallel_loop3A_247 : i32 to index
        %parallel_loop3A_251 = arith.index_cast %parallel_loop3A_248 : i32 to index
        %parallel_loop3A_252 = arith.constant 0 : index
        %parallel_loop3A_253 = tpu.vector_load %arg6[%parallel_loop3A_249, %parallel_loop3A_250, %parallel_loop3A_251, %parallel_loop3A_252] {strides = array<i32>} : memref<26x4x8x32xf32, #tpu.memory_space<vmem>>, vector<16xf32>,
        tpu.vector_store %arg6[%parallel_loop3A_249, %parallel_loop3A_250, %parallel_loop3A_251, %parallel_loop3A_252], %parallel_loop3A_246 {strides = array<i32>} : memref<26x4x8x32xf32, #tpu.memory_space<vmem>>, vector<16xf32>,
        %parallel_loop3A_254 = arith.constant 8 : i32
        %parallel_loop3A_255 = vector.broadcast %parallel_loop3A_254 : i32 to vector<16xi32>
        %parallel_loop3A_256 = tpu.vector_load_idx %arg4[%parallel_loop3A_173, %parallel_loop3A_255] : memref<832x33xf32, #tpu.memory_space<vmem>>[vector<16xi32>, vector<16xi32>], vector<16xf32>,
        %parallel_loop3A_257 = arith.constant 1 : i32
        %parallel_loop3A_258 = arith.constant 0 : i32
        %parallel_loop3A_259 = arith.index_cast %parallel_loop3A_165 : i32 to index
        %parallel_loop3A_260 = arith.index_cast %parallel_loop3A_257 : i32 to index
        %parallel_loop3A_261 = arith.index_cast %parallel_loop3A_258 : i32 to index
        %parallel_loop3A_262 = arith.constant 0 : index
        %parallel_loop3A_263 = tpu.vector_load %arg6[%parallel_loop3A_259, %parallel_loop3A_260, %parallel_loop3A_261, %parallel_loop3A_262] {strides = array<i32>} : memref<26x4x8x32xf32, #tpu.memory_space<vmem>>, vector<16xf32>,
        tpu.vector_store %arg6[%parallel_loop3A_259, %parallel_loop3A_260, %parallel_loop3A_261, %parallel_loop3A_262], %parallel_loop3A_256 {strides = array<i32>} : memref<26x4x8x32xf32, #tpu.memory_space<vmem>>, vector<16xf32>,
        %parallel_loop3A_264 = arith.constant 9 : i32
        %parallel_loop3A_265 = vector.broadcast %parallel_loop3A_264 : i32 to vector<16xi32>
        %parallel_loop3A_266 = tpu.vector_load_idx %arg4[%parallel_loop3A_173, %parallel_loop3A_265] : memref<832x33xf32, #tpu.memory_space<vmem>>[vector<16xi32>, vector<16xi32>], vector<16xf32>,
        %parallel_loop3A_267 = arith.constant 1 : i32
        %parallel_loop3A_268 = arith.constant 1 : i32
        %parallel_loop3A_269 = arith.index_cast %parallel_loop3A_165 : i32 to index
        %parallel_loop3A_270 = arith.index_cast %parallel_loop3A_267 : i32 to index
        %parallel_loop3A_271 = arith.index_cast %parallel_loop3A_268 : i32 to index
        %parallel_loop3A_272 = arith.constant 0 : index
        %parallel_loop3A_273 = tpu.vector_load %arg6[%parallel_loop3A_269, %parallel_loop3A_270, %parallel_loop3A_271, %parallel_loop3A_272] {strides = array<i32>} : memref<26x4x8x32xf32, #tpu.memory_space<vmem>>, vector<16xf32>,
        tpu.vector_store %arg6[%parallel_loop3A_269, %parallel_loop3A_270, %parallel_loop3A_271, %parallel_loop3A_272], %parallel_loop3A_266 {strides = array<i32>} : memref<26x4x8x32xf32, #tpu.memory_space<vmem>>, vector<16xf32>,
        %parallel_loop3A_274 = arith.constant 10 : i32
        %parallel_loop3A_275 = vector.broadcast %parallel_loop3A_274 : i32 to vector<16xi32>
        %parallel_loop3A_276 = tpu.vector_load_idx %arg4[%parallel_loop3A_173, %parallel_loop3A_275] : memref<832x33xf32, #tpu.memory_space<vmem>>[vector<16xi32>, vector<16xi32>], vector<16xf32>,
        %parallel_loop3A_277 = arith.constant 1 : i32
        %parallel_loop3A_278 = arith.constant 2 : i32
        %parallel_loop3A_279 = arith.index_cast %parallel_loop3A_165 : i32 to index
        %parallel_loop3A_280 = arith.index_cast %parallel_loop3A_277 : i32 to index
        %parallel_loop3A_281 = arith.index_cast %parallel_loop3A_278 : i32 to index
        %parallel_loop3A_282 = arith.constant 0 : index
        %parallel_loop3A_283 = tpu.vector_load %arg6[%parallel_loop3A_279, %parallel_loop3A_280, %parallel_loop3A_281, %parallel_loop3A_282] {strides = array<i32>} : memref<26x4x8x32xf32, #tpu.memory_space<vmem>>, vector<16xf32>,
        tpu.vector_store %arg6[%parallel_loop3A_279, %parallel_loop3A_280, %parallel_loop3A_281, %parallel_loop3A_282], %parallel_loop3A_276 {strides = array<i32>} : memref<26x4x8x32xf32, #tpu.memory_space<vmem>>, vector<16xf32>,
        %parallel_loop3A_284 = arith.constant 11 : i32
        %parallel_loop3A_285 = vector.broadcast %parallel_loop3A_284 : i32 to vector<16xi32>
        %parallel_loop3A_286 = tpu.vector_load_idx %arg4[%parallel_loop3A_173, %parallel_loop3A_285] : memref<832x33xf32, #tpu.memory_space<vmem>>[vector<16xi32>, vector<16xi32>], vector<16xf32>,
        %parallel_loop3A_287 = arith.constant 1 : i32
        %parallel_loop3A_288 = arith.constant 3 : i32
        %parallel_loop3A_289 = arith.index_cast %parallel_loop3A_165 : i32 to index
        %parallel_loop3A_290 = arith.index_cast %parallel_loop3A_287 : i32 to index
        %parallel_loop3A_291 = arith.index_cast %parallel_loop3A_288 : i32 to index
        %parallel_loop3A_292 = arith.constant 0 : index
        %parallel_loop3A_293 = tpu.vector_load %arg6[%parallel_loop3A_289, %parallel_loop3A_290, %parallel_loop3A_291, %parallel_loop3A_292] {strides = array<i32>} : memref<26x4x8x32xf32, #tpu.memory_space<vmem>>, vector<16xf32>,
        tpu.vector_store %arg6[%parallel_loop3A_289, %parallel_loop3A_290, %parallel_loop3A_291, %parallel_loop3A_292], %parallel_loop3A_286 {strides = array<i32>} : memref<26x4x8x32xf32, #tpu.memory_space<vmem>>, vector<16xf32>,
        %parallel_loop3A_294 = arith.constant 12 : i32
        %parallel_loop3A_295 = vector.broadcast %parallel_loop3A_294 : i32 to vector<16xi32>
        %parallel_loop3A_296 = tpu.vector_load_idx %arg4[%parallel_loop3A_173, %parallel_loop3A_295] : memref<832x33xf32, #tpu.memory_space<vmem>>[vector<16xi32>, vector<16xi32>], vector<16xf32>,
        %parallel_loop3A_297 = arith.constant 1 : i32
        %parallel_loop3A_298 = arith.constant 4 : i32
        %parallel_loop3A_299 = arith.index_cast %parallel_loop3A_165 : i32 to index
        %parallel_loop3A_300 = arith.index_cast %parallel_loop3A_297 : i32 to index
        %parallel_loop3A_301 = arith.index_cast %parallel_loop3A_298 : i32 to index
        %parallel_loop3A_302 = arith.constant 0 : index
        %parallel_loop3A_303 = tpu.vector_load %arg6[%parallel_loop3A_299, %parallel_loop3A_300, %parallel_loop3A_301, %parallel_loop3A_302] {strides = array<i32>} : memref<26x4x8x32xf32, #tpu.memory_space<vmem>>, vector<16xf32>,
        tpu.vector_store %arg6[%parallel_loop3A_299, %parallel_loop3A_300, %parallel_loop3A_301, %parallel_loop3A_302], %parallel_loop3A_296 {strides = array<i32>} : memref<26x4x8x32xf32, #tpu.memory_space<vmem>>, vector<16xf32>,
        %parallel_loop3A_304 = arith.constant 13 : i32
        %parallel_loop3A_305 = vector.broadcast %parallel_loop3A_304 : i32 to vector<16xi32>
        %parallel_loop3A_306 = tpu.vector_load_idx %arg4[%parallel_loop3A_173, %parallel_loop3A_305] : memref<832x33xf32, #tpu.memory_space<vmem>>[vector<16xi32>, vector<16xi32>], vector<16xf32>,
        %parallel_loop3A_307 = arith.constant 1 : i32
        %parallel_loop3A_308 = arith.constant 5 : i32
        %parallel_loop3A_309 = arith.index_cast %parallel_loop3A_165 : i32 to index
        %parallel_loop3A_310 = arith.index_cast %parallel_loop3A_307 : i32 to index
        %parallel_loop3A_311 = arith.index_cast %parallel_loop3A_308 : i32 to index
        %parallel_loop3A_312 = arith.constant 0 : index
        %parallel_loop3A_313 = tpu.vector_load %arg6[%parallel_loop3A_309, %parallel_loop3A_310, %parallel_loop3A_311, %parallel_loop3A_312] {strides = array<i32>} : memref<26x4x8x32xf32, #tpu.memory_space<vmem>>, vector<16xf32>,
        tpu.vector_store %arg6[%parallel_loop3A_309, %parallel_loop3A_310, %parallel_loop3A_311, %parallel_loop3A_312], %parallel_loop3A_306 {strides = array<i32>} : memref<26x4x8x32xf32, #tpu.memory_space<vmem>>, vector<16xf32>,
        %parallel_loop3A_314 = arith.constant 14 : i32
        %parallel_loop3A_315 = vector.broadcast %parallel_loop3A_314 : i32 to vector<16xi32>
        %parallel_loop3A_316 = tpu.vector_load_idx %arg4[%parallel_loop3A_173, %parallel_loop3A_315] : memref<832x33xf32, #tpu.memory_space<vmem>>[vector<16xi32>, vector<16xi32>], vector<16xf32>,
        %parallel_loop3A_317 = arith.constant 1 : i32
        %parallel_loop3A_318 = arith.constant 6 : i32
        %parallel_loop3A_319 = arith.index_cast %parallel_loop3A_165 : i32 to index
        %parallel_loop3A_320 = arith.index_cast %parallel_loop3A_317 : i32 to index
        %parallel_loop3A_321 = arith.index_cast %parallel_loop3A_318 : i32 to index
        %parallel_loop3A_322 = arith.constant 0 : index
        %parallel_loop3A_323 = tpu.vector_load %arg6[%parallel_loop3A_319, %parallel_loop3A_320, %parallel_loop3A_321, %parallel_loop3A_322] {strides = array<i32>} : memref<26x4x8x32xf32, #tpu.memory_space<vmem>>, vector<16xf32>,
        tpu.vector_store %arg6[%parallel_loop3A_319, %parallel_loop3A_320, %parallel_loop3A_321, %parallel_loop3A_322], %parallel_loop3A_316 {strides = array<i32>} : memref<26x4x8x32xf32, #tpu.memory_space<vmem>>, vector<16xf32>,
        %parallel_loop3A_324 = arith.constant 15 : i32
        %parallel_loop3A_325 = vector.broadcast %parallel_loop3A_324 : i32 to vector<16xi32>
        %parallel_loop3A_326 = tpu.vector_load_idx %arg4[%parallel_loop3A_173, %parallel_loop3A_325] : memref<832x33xf32, #tpu.memory_space<vmem>>[vector<16xi32>, vector<16xi32>], vector<16xf32>,
        %parallel_loop3A_327 = arith.constant 1 : i32
        %parallel_loop3A_328 = arith.constant 7 : i32
        %parallel_loop3A_329 = arith.index_cast %parallel_loop3A_165 : i32 to index
        %parallel_loop3A_330 = arith.index_cast %parallel_loop3A_327 : i32 to index
        %parallel_loop3A_331 = arith.index_cast %parallel_loop3A_328 : i32 to index
        %parallel_loop3A_332 = arith.constant 0 : index
        %parallel_loop3A_333 = tpu.vector_load %arg6[%parallel_loop3A_329, %parallel_loop3A_330, %parallel_loop3A_331, %parallel_loop3A_332] {strides = array<i32>} : memref<26x4x8x32xf32, #tpu.memory_space<vmem>>, vector<16xf32>,
        tpu.vector_store %arg6[%parallel_loop3A_329, %parallel_loop3A_330, %parallel_loop3A_331, %parallel_loop3A_332], %parallel_loop3A_326 {strides = array<i32>} : memref<26x4x8x32xf32, #tpu.memory_space<vmem>>, vector<16xf32>,
        %parallel_loop3A_334 = arith.constant 16 : i32
        %parallel_loop3A_335 = vector.broadcast %parallel_loop3A_334 : i32 to vector<16xi32>
        %parallel_loop3A_336 = tpu.vector_load_idx %arg4[%parallel_loop3A_173, %parallel_loop3A_335] : memref<832x33xf32, #tpu.memory_space<vmem>>[vector<16xi32>, vector<16xi32>], vector<16xf32>,
        %parallel_loop3A_337 = arith.constant 2 : i32
        %parallel_loop3A_338 = arith.constant 0 : i32
        %parallel_loop3A_339 = arith.index_cast %parallel_loop3A_165 : i32 to index
        %parallel_loop3A_340 = arith.index_cast %parallel_loop3A_337 : i32 to index
        %parallel_loop3A_341 = arith.index_cast %parallel_loop3A_338 : i32 to index
        %parallel_loop3A_342 = arith.constant 0 : index
        %parallel_loop3A_343 = tpu.vector_load %arg6[%parallel_loop3A_339, %parallel_loop3A_340, %parallel_loop3A_341, %parallel_loop3A_342] {strides = array<i32>} : memref<26x4x8x32xf32, #tpu.memory_space<vmem>>, vector<16xf32>,
        tpu.vector_store %arg6[%parallel_loop3A_339, %parallel_loop3A_340, %parallel_loop3A_341, %parallel_loop3A_342], %parallel_loop3A_336 {strides = array<i32>} : memref<26x4x8x32xf32, #tpu.memory_space<vmem>>, vector<16xf32>,
        %parallel_loop3A_344 = arith.constant 17 : i32
        %parallel_loop3A_345 = vector.broadcast %parallel_loop3A_344 : i32 to vector<16xi32>
        %parallel_loop3A_346 = tpu.vector_load_idx %arg4[%parallel_loop3A_173, %parallel_loop3A_345] : memref<832x33xf32, #tpu.memory_space<vmem>>[vector<16xi32>, vector<16xi32>], vector<16xf32>,
        %parallel_loop3A_347 = arith.constant 2 : i32
        %parallel_loop3A_348 = arith.constant 1 : i32
        %parallel_loop3A_349 = arith.index_cast %parallel_loop3A_165 : i32 to index
        %parallel_loop3A_350 = arith.index_cast %parallel_loop3A_347 : i32 to index
        %parallel_loop3A_351 = arith.index_cast %parallel_loop3A_348 : i32 to index
        %parallel_loop3A_352 = arith.constant 0 : index
        %parallel_loop3A_353 = tpu.vector_load %arg6[%parallel_loop3A_349, %parallel_loop3A_350, %parallel_loop3A_351, %parallel_loop3A_352] {strides = array<i32>} : memref<26x4x8x32xf32, #tpu.memory_space<vmem>>, vector<16xf32>,
        tpu.vector_store %arg6[%parallel_loop3A_349, %parallel_loop3A_350, %parallel_loop3A_351, %parallel_loop3A_352], %parallel_loop3A_346 {strides = array<i32>} : memref<26x4x8x32xf32, #tpu.memory_space<vmem>>, vector<16xf32>,
        %parallel_loop3A_354 = arith.constant 18 : i32
        %parallel_loop3A_355 = vector.broadcast %parallel_loop3A_354 : i32 to vector<16xi32>
        %parallel_loop3A_356 = tpu.vector_load_idx %arg4[%parallel_loop3A_173, %parallel_loop3A_355] : memref<832x33xf32, #tpu.memory_space<vmem>>[vector<16xi32>, vector<16xi32>], vector<16xf32>,
        %parallel_loop3A_357 = arith.constant 2 : i32
        %parallel_loop3A_358 = arith.constant 2 : i32
        %parallel_loop3A_359 = arith.index_cast %parallel_loop3A_165 : i32 to index
        %parallel_loop3A_360 = arith.index_cast %parallel_loop3A_357 : i32 to index
        %parallel_loop3A_361 = arith.index_cast %parallel_loop3A_358 : i32 to index
        %parallel_loop3A_362 = arith.constant 0 : index
        %parallel_loop3A_363 = tpu.vector_load %arg6[%parallel_loop3A_359, %parallel_loop3A_360, %parallel_loop3A_361, %parallel_loop3A_362] {strides = array<i32>} : memref<26x4x8x32xf32, #tpu.memory_space<vmem>>, vector<16xf32>,
        tpu.vector_store %arg6[%parallel_loop3A_359, %parallel_loop3A_360, %parallel_loop3A_361, %parallel_loop3A_362], %parallel_loop3A_356 {strides = array<i32>} : memref<26x4x8x32xf32, #tpu.memory_space<vmem>>, vector<16xf32>,
        %parallel_loop3A_364 = arith.constant 19 : i32
        %parallel_loop3A_365 = vector.broadcast %parallel_loop3A_364 : i32 to vector<16xi32>
        %parallel_loop3A_366 = tpu.vector_load_idx %arg4[%parallel_loop3A_173, %parallel_loop3A_365] : memref<832x33xf32, #tpu.memory_space<vmem>>[vector<16xi32>, vector<16xi32>], vector<16xf32>,
        %parallel_loop3A_367 = arith.constant 2 : i32
        %parallel_loop3A_368 = arith.constant 3 : i32
        %parallel_loop3A_369 = arith.index_cast %parallel_loop3A_165 : i32 to index
        %parallel_loop3A_370 = arith.index_cast %parallel_loop3A_367 : i32 to index
        %parallel_loop3A_371 = arith.index_cast %parallel_loop3A_368 : i32 to index
        %parallel_loop3A_372 = arith.constant 0 : index
        %parallel_loop3A_373 = tpu.vector_load %arg6[%parallel_loop3A_369, %parallel_loop3A_370, %parallel_loop3A_371, %parallel_loop3A_372] {strides = array<i32>} : memref<26x4x8x32xf32, #tpu.memory_space<vmem>>, vector<16xf32>,
        tpu.vector_store %arg6[%parallel_loop3A_369, %parallel_loop3A_370, %parallel_loop3A_371, %parallel_loop3A_372], %parallel_loop3A_366 {strides = array<i32>} : memref<26x4x8x32xf32, #tpu.memory_space<vmem>>, vector<16xf32>,
        %parallel_loop3A_374 = arith.constant 20 : i32
        %parallel_loop3A_375 = vector.broadcast %parallel_loop3A_374 : i32 to vector<16xi32>
        %parallel_loop3A_376 = tpu.vector_load_idx %arg4[%parallel_loop3A_173, %parallel_loop3A_375] : memref<832x33xf32, #tpu.memory_space<vmem>>[vector<16xi32>, vector<16xi32>], vector<16xf32>,
        %parallel_loop3A_377 = arith.constant 2 : i32
        %parallel_loop3A_378 = arith.constant 4 : i32
        %parallel_loop3A_379 = arith.index_cast %parallel_loop3A_165 : i32 to index
        %parallel_loop3A_380 = arith.index_cast %parallel_loop3A_377 : i32 to index
        %parallel_loop3A_381 = arith.index_cast %parallel_loop3A_378 : i32 to index
        %parallel_loop3A_382 = arith.constant 0 : index
        %parallel_loop3A_383 = tpu.vector_load %arg6[%parallel_loop3A_379, %parallel_loop3A_380, %parallel_loop3A_381, %parallel_loop3A_382] {strides = array<i32>} : memref<26x4x8x32xf32, #tpu.memory_space<vmem>>, vector<16xf32>,
        tpu.vector_store %arg6[%parallel_loop3A_379, %parallel_loop3A_380, %parallel_loop3A_381, %parallel_loop3A_382], %parallel_loop3A_376 {strides = array<i32>} : memref<26x4x8x32xf32, #tpu.memory_space<vmem>>, vector<16xf32>,
        %parallel_loop3A_384 = arith.constant 21 : i32
        %parallel_loop3A_385 = vector.broadcast %parallel_loop3A_384 : i32 to vector<16xi32>
        %parallel_loop3A_386 = tpu.vector_load_idx %arg4[%parallel_loop3A_173, %parallel_loop3A_385] : memref<832x33xf32, #tpu.memory_space<vmem>>[vector<16xi32>, vector<16xi32>], vector<16xf32>,
        %parallel_loop3A_387 = arith.constant 2 : i32
        %parallel_loop3A_388 = arith.constant 5 : i32
        %parallel_loop3A_389 = arith.index_cast %parallel_loop3A_165 : i32 to index
        %parallel_loop3A_390 = arith.index_cast %parallel_loop3A_387 : i32 to index
        %parallel_loop3A_391 = arith.index_cast %parallel_loop3A_388 : i32 to index
        %parallel_loop3A_392 = arith.constant 0 : index
        %parallel_loop3A_393 = tpu.vector_load %arg6[%parallel_loop3A_389, %parallel_loop3A_390, %parallel_loop3A_391, %parallel_loop3A_392] {strides = array<i32>} : memref<26x4x8x32xf32, #tpu.memory_space<vmem>>, vector<16xf32>,
        tpu.vector_store %arg6[%parallel_loop3A_389, %parallel_loop3A_390, %parallel_loop3A_391, %parallel_loop3A_392], %parallel_loop3A_386 {strides = array<i32>} : memref<26x4x8x32xf32, #tpu.memory_space<vmem>>, vector<16xf32>,
        %parallel_loop3A_394 = arith.constant 22 : i32
        %parallel_loop3A_395 = vector.broadcast %parallel_loop3A_394 : i32 to vector<16xi32>
        %parallel_loop3A_396 = tpu.vector_load_idx %arg4[%parallel_loop3A_173, %parallel_loop3A_395] : memref<832x33xf32, #tpu.memory_space<vmem>>[vector<16xi32>, vector<16xi32>], vector<16xf32>,
        %parallel_loop3A_397 = arith.constant 2 : i32
        %parallel_loop3A_398 = arith.constant 6 : i32
        %parallel_loop3A_399 = arith.index_cast %parallel_loop3A_165 : i32 to index
        %parallel_loop3A_400 = arith.index_cast %parallel_loop3A_397 : i32 to index
        %parallel_loop3A_401 = arith.index_cast %parallel_loop3A_398 : i32 to index
        %parallel_loop3A_402 = arith.constant 0 : index
        %parallel_loop3A_403 = tpu.vector_load %arg6[%parallel_loop3A_399, %parallel_loop3A_400, %parallel_loop3A_401, %parallel_loop3A_402] {strides = array<i32>} : memref<26x4x8x32xf32, #tpu.memory_space<vmem>>, vector<16xf32>,
        tpu.vector_store %arg6[%parallel_loop3A_399, %parallel_loop3A_400, %parallel_loop3A_401, %parallel_loop3A_402], %parallel_loop3A_396 {strides = array<i32>} : memref<26x4x8x32xf32, #tpu.memory_space<vmem>>, vector<16xf32>,
        %parallel_loop3A_404 = arith.constant 23 : i32
        %parallel_loop3A_405 = vector.broadcast %parallel_loop3A_404 : i32 to vector<16xi32>
        %parallel_loop3A_406 = tpu.vector_load_idx %arg4[%parallel_loop3A_173, %parallel_loop3A_405] : memref<832x33xf32, #tpu.memory_space<vmem>>[vector<16xi32>, vector<16xi32>], vector<16xf32>,
        %parallel_loop3A_407 = arith.constant 2 : i32
        %parallel_loop3A_408 = arith.constant 7 : i32
        %parallel_loop3A_409 = arith.index_cast %parallel_loop3A_165 : i32 to index
        %parallel_loop3A_410 = arith.index_cast %parallel_loop3A_407 : i32 to index
        %parallel_loop3A_411 = arith.index_cast %parallel_loop3A_408 : i32 to index
        %parallel_loop3A_412 = arith.constant 0 : index
        %parallel_loop3A_413 = tpu.vector_load %arg6[%parallel_loop3A_409, %parallel_loop3A_410, %parallel_loop3A_411, %parallel_loop3A_412] {strides = array<i32>} : memref<26x4x8x32xf32, #tpu.memory_space<vmem>>, vector<16xf32>,
        tpu.vector_store %arg6[%parallel_loop3A_409, %parallel_loop3A_410, %parallel_loop3A_411, %parallel_loop3A_412], %parallel_loop3A_406 {strides = array<i32>} : memref<26x4x8x32xf32, #tpu.memory_space<vmem>>, vector<16xf32>,
        %parallel_loop3A_414 = arith.constant 24 : i32
        %parallel_loop3A_415 = vector.broadcast %parallel_loop3A_414 : i32 to vector<16xi32>
        %parallel_loop3A_416 = tpu.vector_load_idx %arg4[%parallel_loop3A_173, %parallel_loop3A_415] : memref<832x33xf32, #tpu.memory_space<vmem>>[vector<16xi32>, vector<16xi32>], vector<16xf32>,
        %parallel_loop3A_417 = arith.constant 3 : i32
        %parallel_loop3A_418 = arith.constant 0 : i32
        %parallel_loop3A_419 = arith.index_cast %parallel_loop3A_165 : i32 to index
        %parallel_loop3A_420 = arith.index_cast %parallel_loop3A_417 : i32 to index
        %parallel_loop3A_421 = arith.index_cast %parallel_loop3A_418 : i32 to index
        %parallel_loop3A_422 = arith.constant 0 : index
        %parallel_loop3A_423 = tpu.vector_load %arg6[%parallel_loop3A_419, %parallel_loop3A_420, %parallel_loop3A_421, %parallel_loop3A_422] {strides = array<i32>} : memref<26x4x8x32xf32, #tpu.memory_space<vmem>>, vector<16xf32>,
        tpu.vector_store %arg6[%parallel_loop3A_419, %parallel_loop3A_420, %parallel_loop3A_421, %parallel_loop3A_422], %parallel_loop3A_416 {strides = array<i32>} : memref<26x4x8x32xf32, #tpu.memory_space<vmem>>, vector<16xf32>,
        %parallel_loop3A_424 = arith.constant 25 : i32
        %parallel_loop3A_425 = vector.broadcast %parallel_loop3A_424 : i32 to vector<16xi32>
        %parallel_loop3A_426 = tpu.vector_load_idx %arg4[%parallel_loop3A_173, %parallel_loop3A_425] : memref<832x33xf32, #tpu.memory_space<vmem>>[vector<16xi32>, vector<16xi32>], vector<16xf32>,
        %parallel_loop3A_427 = arith.constant 3 : i32
        %parallel_loop3A_428 = arith.constant 1 : i32
        %parallel_loop3A_429 = arith.index_cast %parallel_loop3A_165 : i32 to index
        %parallel_loop3A_430 = arith.index_cast %parallel_loop3A_427 : i32 to index
        %parallel_loop3A_431 = arith.index_cast %parallel_loop3A_428 : i32 to index
        %parallel_loop3A_432 = arith.constant 0 : index
        %parallel_loop3A_433 = tpu.vector_load %arg6[%parallel_loop3A_429, %parallel_loop3A_430, %parallel_loop3A_431, %parallel_loop3A_432] {strides = array<i32>} : memref<26x4x8x32xf32, #tpu.memory_space<vmem>>, vector<16xf32>,
        tpu.vector_store %arg6[%parallel_loop3A_429, %parallel_loop3A_430, %parallel_loop3A_431, %parallel_loop3A_432], %parallel_loop3A_426 {strides = array<i32>} : memref<26x4x8x32xf32, #tpu.memory_space<vmem>>, vector<16xf32>,
        %parallel_loop3A_434 = arith.constant 26 : i32
        %parallel_loop3A_435 = vector.broadcast %parallel_loop3A_434 : i32 to vector<16xi32>
        %parallel_loop3A_436 = tpu.vector_load_idx %arg4[%parallel_loop3A_173, %parallel_loop3A_435] : memref<832x33xf32, #tpu.memory_space<vmem>>[vector<16xi32>, vector<16xi32>], vector<16xf32>,
        %parallel_loop3A_437 = arith.constant 3 : i32
        %parallel_loop3A_438 = arith.constant 2 : i32
        %parallel_loop3A_439 = arith.index_cast %parallel_loop3A_165 : i32 to index
        %parallel_loop3A_440 = arith.index_cast %parallel_loop3A_437 : i32 to index
        %parallel_loop3A_441 = arith.index_cast %parallel_loop3A_438 : i32 to index
        %parallel_loop3A_442 = arith.constant 0 : index
        %parallel_loop3A_443 = tpu.vector_load %arg6[%parallel_loop3A_439, %parallel_loop3A_440, %parallel_loop3A_441, %parallel_loop3A_442] {strides = array<i32>} : memref<26x4x8x32xf32, #tpu.memory_space<vmem>>, vector<16xf32>,
        tpu.vector_store %arg6[%parallel_loop3A_439, %parallel_loop3A_440, %parallel_loop3A_441, %parallel_loop3A_442], %parallel_loop3A_436 {strides = array<i32>} : memref<26x4x8x32xf32, #tpu.memory_space<vmem>>, vector<16xf32>,
        %parallel_loop3A_444 = arith.constant 27 : i32
        %parallel_loop3A_445 = vector.broadcast %parallel_loop3A_444 : i32 to vector<16xi32>
        %parallel_loop3A_446 = tpu.vector_load_idx %arg4[%parallel_loop3A_173, %parallel_loop3A_445] : memref<832x33xf32, #tpu.memory_space<vmem>>[vector<16xi32>, vector<16xi32>], vector<16xf32>,
        %parallel_loop3A_447 = arith.constant 3 : i32
        %parallel_loop3A_448 = arith.constant 3 : i32
        %parallel_loop3A_449 = arith.index_cast %parallel_loop3A_165 : i32 to index
        %parallel_loop3A_450 = arith.index_cast %parallel_loop3A_447 : i32 to index
        %parallel_loop3A_451 = arith.index_cast %parallel_loop3A_448 : i32 to index
        %parallel_loop3A_452 = arith.constant 0 : index
        %parallel_loop3A_453 = tpu.vector_load %arg6[%parallel_loop3A_449, %parallel_loop3A_450, %parallel_loop3A_451, %parallel_loop3A_452] {strides = array<i32>} : memref<26x4x8x32xf32, #tpu.memory_space<vmem>>, vector<16xf32>,
        tpu.vector_store %arg6[%parallel_loop3A_449, %parallel_loop3A_450, %parallel_loop3A_451, %parallel_loop3A_452], %parallel_loop3A_446 {strides = array<i32>} : memref<26x4x8x32xf32, #tpu.memory_space<vmem>>, vector<16xf32>,
        %parallel_loop3A_454 = arith.constant 28 : i32
        %parallel_loop3A_455 = vector.broadcast %parallel_loop3A_454 : i32 to vector<16xi32>
        %parallel_loop3A_456 = tpu.vector_load_idx %arg4[%parallel_loop3A_173, %parallel_loop3A_455] : memref<832x33xf32, #tpu.memory_space<vmem>>[vector<16xi32>, vector<16xi32>], vector<16xf32>,
        %parallel_loop3A_457 = arith.constant 3 : i32
        %parallel_loop3A_458 = arith.constant 4 : i32
        %parallel_loop3A_459 = arith.index_cast %parallel_loop3A_165 : i32 to index
        %parallel_loop3A_460 = arith.index_cast %parallel_loop3A_457 : i32 to index
        %parallel_loop3A_461 = arith.index_cast %parallel_loop3A_458 : i32 to index
        %parallel_loop3A_462 = arith.constant 0 : index
        %parallel_loop3A_463 = tpu.vector_load %arg6[%parallel_loop3A_459, %parallel_loop3A_460, %parallel_loop3A_461, %parallel_loop3A_462] {strides = array<i32>} : memref<26x4x8x32xf32, #tpu.memory_space<vmem>>, vector<16xf32>,
        tpu.vector_store %arg6[%parallel_loop3A_459, %parallel_loop3A_460, %parallel_loop3A_461, %parallel_loop3A_462], %parallel_loop3A_456 {strides = array<i32>} : memref<26x4x8x32xf32, #tpu.memory_space<vmem>>, vector<16xf32>,
        %parallel_loop3A_464 = arith.constant 29 : i32
        %parallel_loop3A_465 = vector.broadcast %parallel_loop3A_464 : i32 to vector<16xi32>
        %parallel_loop3A_466 = tpu.vector_load_idx %arg4[%parallel_loop3A_173, %parallel_loop3A_465] : memref<832x33xf32, #tpu.memory_space<vmem>>[vector<16xi32>, vector<16xi32>], vector<16xf32>,
        %parallel_loop3A_467 = arith.constant 3 : i32
        %parallel_loop3A_468 = arith.constant 5 : i32
        %parallel_loop3A_469 = arith.index_cast %parallel_loop3A_165 : i32 to index
        %parallel_loop3A_470 = arith.index_cast %parallel_loop3A_467 : i32 to index
        %parallel_loop3A_471 = arith.index_cast %parallel_loop3A_468 : i32 to index
        %parallel_loop3A_472 = arith.constant 0 : index
        %parallel_loop3A_473 = tpu.vector_load %arg6[%parallel_loop3A_469, %parallel_loop3A_470, %parallel_loop3A_471, %parallel_loop3A_472] {strides = array<i32>} : memref<26x4x8x32xf32, #tpu.memory_space<vmem>>, vector<16xf32>,
        tpu.vector_store %arg6[%parallel_loop3A_469, %parallel_loop3A_470, %parallel_loop3A_471, %parallel_loop3A_472], %parallel_loop3A_466 {strides = array<i32>} : memref<26x4x8x32xf32, #tpu.memory_space<vmem>>, vector<16xf32>,
        %parallel_loop3A_474 = arith.constant 30 : i32
        %parallel_loop3A_475 = vector.broadcast %parallel_loop3A_474 : i32 to vector<16xi32>
        %parallel_loop3A_476 = tpu.vector_load_idx %arg4[%parallel_loop3A_173, %parallel_loop3A_475] : memref<832x33xf32, #tpu.memory_space<vmem>>[vector<16xi32>, vector<16xi32>], vector<16xf32>,
        %parallel_loop3A_477 = arith.constant 3 : i32
        %parallel_loop3A_478 = arith.constant 6 : i32
        %parallel_loop3A_479 = arith.index_cast %parallel_loop3A_165 : i32 to index
        %parallel_loop3A_480 = arith.index_cast %parallel_loop3A_477 : i32 to index
        %parallel_loop3A_481 = arith.index_cast %parallel_loop3A_478 : i32 to index
        %parallel_loop3A_482 = arith.constant 0 : index
        %parallel_loop3A_483 = tpu.vector_load %arg6[%parallel_loop3A_479, %parallel_loop3A_480, %parallel_loop3A_481, %parallel_loop3A_482] {strides = array<i32>} : memref<26x4x8x32xf32, #tpu.memory_space<vmem>>, vector<16xf32>,
        tpu.vector_store %arg6[%parallel_loop3A_479, %parallel_loop3A_480, %parallel_loop3A_481, %parallel_loop3A_482], %parallel_loop3A_476 {strides = array<i32>} : memref<26x4x8x32xf32, #tpu.memory_space<vmem>>, vector<16xf32>,
        %parallel_loop3A_484 = arith.constant 31 : i32
        %parallel_loop3A_485 = vector.broadcast %parallel_loop3A_484 : i32 to vector<16xi32>
        %parallel_loop3A_486 = tpu.vector_load_idx %arg4[%parallel_loop3A_173, %parallel_loop3A_485] : memref<832x33xf32, #tpu.memory_space<vmem>>[vector<16xi32>, vector<16xi32>], vector<16xf32>,
        %parallel_loop3A_487 = arith.constant 3 : i32
        %parallel_loop3A_488 = arith.constant 7 : i32
        %parallel_loop3A_489 = arith.index_cast %parallel_loop3A_165 : i32 to index
        %parallel_loop3A_490 = arith.index_cast %parallel_loop3A_487 : i32 to index
        %parallel_loop3A_491 = arith.index_cast %parallel_loop3A_488 : i32 to index
        %parallel_loop3A_492 = arith.constant 0 : index
        %parallel_loop3A_493 = tpu.vector_load %arg6[%parallel_loop3A_489, %parallel_loop3A_490, %parallel_loop3A_491, %parallel_loop3A_492] {strides = array<i32>} : memref<26x4x8x32xf32, #tpu.memory_space<vmem>>, vector<16xf32>,
        tpu.vector_store %arg6[%parallel_loop3A_489, %parallel_loop3A_490, %parallel_loop3A_491, %parallel_loop3A_492], %parallel_loop3A_486 {strides = array<i32>} : memref<26x4x8x32xf32, #tpu.memory_space<vmem>>, vector<16xf32>,
        %parallel_loop3A_494 = arith.constant 26 : i32
        %parallel_loop3A_495 = vector.broadcast %parallel_loop3A_494 : i32 to vector<16xi32>
        %parallel_loop3A_496 = arith.muli %parallel_loop3A_166, %parallel_loop3A_495 : vector<16xi32>
        %parallel_loop3A_497 = arith.constant 416 : i32
        %parallel_loop3A_498 = arith.addi %parallel_loop3A_497, %parallel_loop3A_165 : i32
        %parallel_loop3A_499 = vector.broadcast %parallel_loop3A_498 : i32 to vector<16xi32>
        %parallel_loop3A_500 = arith.addi %parallel_loop3A_496, %parallel_loop3A_499 : vector<16xi32>
        %parallel_loop3A_501 = arith.constant 0 : i32
        %parallel_loop3A_502 = vector.broadcast %parallel_loop3A_501 : i32 to vector<16xi32>
        %parallel_loop3A_503 = tpu.vector_load_idx %arg4[%parallel_loop3A_500, %parallel_loop3A_502] : memref<832x33xf32, #tpu.memory_space<vmem>>[vector<16xi32>, vector<16xi32>], vector<16xf32>,
        %parallel_loop3A_504 = arith.constant 0 : i32
        %parallel_loop3A_505 = arith.constant 0 : i32
        %parallel_loop3A_506 = arith.index_cast %parallel_loop3A_165 : i32 to index
        %parallel_loop3A_507 = arith.index_cast %parallel_loop3A_504 : i32 to index
        %parallel_loop3A_508 = arith.index_cast %parallel_loop3A_505 : i32 to index
        %parallel_loop3A_509 = arith.constant 16 : index
        %parallel_loop3A_510 = tpu.vector_load %arg6[%parallel_loop3A_506, %parallel_loop3A_507, %parallel_loop3A_508, %parallel_loop3A_509] {strides = array<i32>} : memref<26x4x8x32xf32, #tpu.memory_space<vmem>>, vector<16xf32>,
        tpu.vector_store %arg6[%parallel_loop3A_506, %parallel_loop3A_507, %parallel_loop3A_508, %parallel_loop3A_509], %parallel_loop3A_503 {strides = array<i32>} : memref<26x4x8x32xf32, #tpu.memory_space<vmem>>, vector<16xf32>,
        %parallel_loop3A_511 = arith.constant 1 : i32
        %parallel_loop3A_512 = vector.broadcast %parallel_loop3A_511 : i32 to vector<16xi32>
        %parallel_loop3A_513 = tpu.vector_load_idx %arg4[%parallel_loop3A_500, %parallel_loop3A_512] : memref<832x33xf32, #tpu.memory_space<vmem>>[vector<16xi32>, vector<16xi32>], vector<16xf32>,
        %parallel_loop3A_514 = arith.constant 0 : i32
        %parallel_loop3A_515 = arith.constant 1 : i32
        %parallel_loop3A_516 = arith.index_cast %parallel_loop3A_165 : i32 to index
        %parallel_loop3A_517 = arith.index_cast %parallel_loop3A_514 : i32 to index
        %parallel_loop3A_518 = arith.index_cast %parallel_loop3A_515 : i32 to index
        %parallel_loop3A_519 = arith.constant 16 : index
        %parallel_loop3A_520 = tpu.vector_load %arg6[%parallel_loop3A_516, %parallel_loop3A_517, %parallel_loop3A_518, %parallel_loop3A_519] {strides = array<i32>} : memref<26x4x8x32xf32, #tpu.memory_space<vmem>>, vector<16xf32>,
        tpu.vector_store %arg6[%parallel_loop3A_516, %parallel_loop3A_517, %parallel_loop3A_518, %parallel_loop3A_519], %parallel_loop3A_513 {strides = array<i32>} : memref<26x4x8x32xf32, #tpu.memory_space<vmem>>, vector<16xf32>,
        %parallel_loop3A_521 = arith.constant 2 : i32
        %parallel_loop3A_522 = vector.broadcast %parallel_loop3A_521 : i32 to vector<16xi32>
        %parallel_loop3A_523 = tpu.vector_load_idx %arg4[%parallel_loop3A_500, %parallel_loop3A_522] : memref<832x33xf32, #tpu.memory_space<vmem>>[vector<16xi32>, vector<16xi32>], vector<16xf32>,
        %parallel_loop3A_524 = arith.constant 0 : i32
        %parallel_loop3A_525 = arith.constant 2 : i32
        %parallel_loop3A_526 = arith.index_cast %parallel_loop3A_165 : i32 to index
        %parallel_loop3A_527 = arith.index_cast %parallel_loop3A_524 : i32 to index
        %parallel_loop3A_528 = arith.index_cast %parallel_loop3A_525 : i32 to index
        %parallel_loop3A_529 = arith.constant 16 : index
        %parallel_loop3A_530 = tpu.vector_load %arg6[%parallel_loop3A_526, %parallel_loop3A_527, %parallel_loop3A_528, %parallel_loop3A_529] {strides = array<i32>} : memref<26x4x8x32xf32, #tpu.memory_space<vmem>>, vector<16xf32>,
        tpu.vector_store %arg6[%parallel_loop3A_526, %parallel_loop3A_527, %parallel_loop3A_528, %parallel_loop3A_529], %parallel_loop3A_523 {strides = array<i32>} : memref<26x4x8x32xf32, #tpu.memory_space<vmem>>, vector<16xf32>,
        %parallel_loop3A_531 = arith.constant 3 : i32
        %parallel_loop3A_532 = vector.broadcast %parallel_loop3A_531 : i32 to vector<16xi32>
        %parallel_loop3A_533 = tpu.vector_load_idx %arg4[%parallel_loop3A_500, %parallel_loop3A_532] : memref<832x33xf32, #tpu.memory_space<vmem>>[vector<16xi32>, vector<16xi32>], vector<16xf32>,
        %parallel_loop3A_534 = arith.constant 0 : i32
        %parallel_loop3A_535 = arith.constant 3 : i32
        %parallel_loop3A_536 = arith.index_cast %parallel_loop3A_165 : i32 to index
        %parallel_loop3A_537 = arith.index_cast %parallel_loop3A_534 : i32 to index
        %parallel_loop3A_538 = arith.index_cast %parallel_loop3A_535 : i32 to index
        %parallel_loop3A_539 = arith.constant 16 : index
        %parallel_loop3A_540 = tpu.vector_load %arg6[%parallel_loop3A_536, %parallel_loop3A_537, %parallel_loop3A_538, %parallel_loop3A_539] {strides = array<i32>} : memref<26x4x8x32xf32, #tpu.memory_space<vmem>>, vector<16xf32>,
        tpu.vector_store %arg6[%parallel_loop3A_536, %parallel_loop3A_537, %parallel_loop3A_538, %parallel_loop3A_539], %parallel_loop3A_533 {strides = array<i32>} : memref<26x4x8x32xf32, #tpu.memory_space<vmem>>, vector<16xf32>,
        %parallel_loop3A_541 = arith.constant 4 : i32
        %parallel_loop3A_542 = vector.broadcast %parallel_loop3A_541 : i32 to vector<16xi32>
        %parallel_loop3A_543 = tpu.vector_load_idx %arg4[%parallel_loop3A_500, %parallel_loop3A_542] : memref<832x33xf32, #tpu.memory_space<vmem>>[vector<16xi32>, vector<16xi32>], vector<16xf32>,
        %parallel_loop3A_544 = arith.constant 0 : i32
        %parallel_loop3A_545 = arith.constant 4 : i32
        %parallel_loop3A_546 = arith.index_cast %parallel_loop3A_165 : i32 to index
        %parallel_loop3A_547 = arith.index_cast %parallel_loop3A_544 : i32 to index
        %parallel_loop3A_548 = arith.index_cast %parallel_loop3A_545 : i32 to index
        %parallel_loop3A_549 = arith.constant 16 : index
        %parallel_loop3A_550 = tpu.vector_load %arg6[%parallel_loop3A_546, %parallel_loop3A_547, %parallel_loop3A_548, %parallel_loop3A_549] {strides = array<i32>} : memref<26x4x8x32xf32, #tpu.memory_space<vmem>>, vector<16xf32>,
        tpu.vector_store %arg6[%parallel_loop3A_546, %parallel_loop3A_547, %parallel_loop3A_548, %parallel_loop3A_549], %parallel_loop3A_543 {strides = array<i32>} : memref<26x4x8x32xf32, #tpu.memory_space<vmem>>, vector<16xf32>,
        %parallel_loop3A_551 = arith.constant 5 : i32
        %parallel_loop3A_552 = vector.broadcast %parallel_loop3A_551 : i32 to vector<16xi32>
        %parallel_loop3A_553 = tpu.vector_load_idx %arg4[%parallel_loop3A_500, %parallel_loop3A_552] : memref<832x33xf32, #tpu.memory_space<vmem>>[vector<16xi32>, vector<16xi32>], vector<16xf32>,
        %parallel_loop3A_554 = arith.constant 0 : i32
        %parallel_loop3A_555 = arith.constant 5 : i32
        %parallel_loop3A_556 = arith.index_cast %parallel_loop3A_165 : i32 to index
        %parallel_loop3A_557 = arith.index_cast %parallel_loop3A_554 : i32 to index
        %parallel_loop3A_558 = arith.index_cast %parallel_loop3A_555 : i32 to index
        %parallel_loop3A_559 = arith.constant 16 : index
        %parallel_loop3A_560 = tpu.vector_load %arg6[%parallel_loop3A_556, %parallel_loop3A_557, %parallel_loop3A_558, %parallel_loop3A_559] {strides = array<i32>} : memref<26x4x8x32xf32, #tpu.memory_space<vmem>>, vector<16xf32>,
        tpu.vector_store %arg6[%parallel_loop3A_556, %parallel_loop3A_557, %parallel_loop3A_558, %parallel_loop3A_559], %parallel_loop3A_553 {strides = array<i32>} : memref<26x4x8x32xf32, #tpu.memory_space<vmem>>, vector<16xf32>,
        %parallel_loop3A_561 = arith.constant 6 : i32
        %parallel_loop3A_562 = vector.broadcast %parallel_loop3A_561 : i32 to vector<16xi32>
        %parallel_loop3A_563 = tpu.vector_load_idx %arg4[%parallel_loop3A_500, %parallel_loop3A_562] : memref<832x33xf32, #tpu.memory_space<vmem>>[vector<16xi32>, vector<16xi32>], vector<16xf32>,
        %parallel_loop3A_564 = arith.constant 0 : i32
        %parallel_loop3A_565 = arith.constant 6 : i32
        %parallel_loop3A_566 = arith.index_cast %parallel_loop3A_165 : i32 to index
        %parallel_loop3A_567 = arith.index_cast %parallel_loop3A_564 : i32 to index
        %parallel_loop3A_568 = arith.index_cast %parallel_loop3A_565 : i32 to index
        %parallel_loop3A_569 = arith.constant 16 : index
        %parallel_loop3A_570 = tpu.vector_load %arg6[%parallel_loop3A_566, %parallel_loop3A_567, %parallel_loop3A_568, %parallel_loop3A_569] {strides = array<i32>} : memref<26x4x8x32xf32, #tpu.memory_space<vmem>>, vector<16xf32>,
        tpu.vector_store %arg6[%parallel_loop3A_566, %parallel_loop3A_567, %parallel_loop3A_568, %parallel_loop3A_569], %parallel_loop3A_563 {strides = array<i32>} : memref<26x4x8x32xf32, #tpu.memory_space<vmem>>, vector<16xf32>,
        %parallel_loop3A_571 = arith.constant 7 : i32
        %parallel_loop3A_572 = vector.broadcast %parallel_loop3A_571 : i32 to vector<16xi32>
        %parallel_loop3A_573 = tpu.vector_load_idx %arg4[%parallel_loop3A_500, %parallel_loop3A_572] : memref<832x33xf32, #tpu.memory_space<vmem>>[vector<16xi32>, vector<16xi32>], vector<16xf32>,
        %parallel_loop3A_574 = arith.constant 0 : i32
        %parallel_loop3A_575 = arith.constant 7 : i32
        %parallel_loop3A_576 = arith.index_cast %parallel_loop3A_165 : i32 to index
        %parallel_loop3A_577 = arith.index_cast %parallel_loop3A_574 : i32 to index
        %parallel_loop3A_578 = arith.index_cast %parallel_loop3A_575 : i32 to index
        %parallel_loop3A_579 = arith.constant 16 : index
        %parallel_loop3A_580 = tpu.vector_load %arg6[%parallel_loop3A_576, %parallel_loop3A_577, %parallel_loop3A_578, %parallel_loop3A_579] {strides = array<i32>} : memref<26x4x8x32xf32, #tpu.memory_space<vmem>>, vector<16xf32>,
        tpu.vector_store %arg6[%parallel_loop3A_576, %parallel_loop3A_577, %parallel_loop3A_578, %parallel_loop3A_579], %parallel_loop3A_573 {strides = array<i32>} : memref<26x4x8x32xf32, #tpu.memory_space<vmem>>, vector<16xf32>,
        %parallel_loop3A_581 = arith.constant 8 : i32
        %parallel_loop3A_582 = vector.broadcast %parallel_loop3A_581 : i32 to vector<16xi32>
        %parallel_loop3A_583 = tpu.vector_load_idx %arg4[%parallel_loop3A_500, %parallel_loop3A_582] : memref<832x33xf32, #tpu.memory_space<vmem>>[vector<16xi32>, vector<16xi32>], vector<16xf32>,
        %parallel_loop3A_584 = arith.constant 1 : i32
        %parallel_loop3A_585 = arith.constant 0 : i32
        %parallel_loop3A_586 = arith.index_cast %parallel_loop3A_165 : i32 to index
        %parallel_loop3A_587 = arith.index_cast %parallel_loop3A_584 : i32 to index
        %parallel_loop3A_588 = arith.index_cast %parallel_loop3A_585 : i32 to index
        %parallel_loop3A_589 = arith.constant 16 : index
        %parallel_loop3A_590 = tpu.vector_load %arg6[%parallel_loop3A_586, %parallel_loop3A_587, %parallel_loop3A_588, %parallel_loop3A_589] {strides = array<i32>} : memref<26x4x8x32xf32, #tpu.memory_space<vmem>>, vector<16xf32>,
        tpu.vector_store %arg6[%parallel_loop3A_586, %parallel_loop3A_587, %parallel_loop3A_588, %parallel_loop3A_589], %parallel_loop3A_583 {strides = array<i32>} : memref<26x4x8x32xf32, #tpu.memory_space<vmem>>, vector<16xf32>,
        %parallel_loop3A_591 = arith.constant 9 : i32
        %parallel_loop3A_592 = vector.broadcast %parallel_loop3A_591 : i32 to vector<16xi32>
        %parallel_loop3A_593 = tpu.vector_load_idx %arg4[%parallel_loop3A_500, %parallel_loop3A_592] : memref<832x33xf32, #tpu.memory_space<vmem>>[vector<16xi32>, vector<16xi32>], vector<16xf32>,
        %parallel_loop3A_594 = arith.constant 1 : i32
        %parallel_loop3A_595 = arith.constant 1 : i32
        %parallel_loop3A_596 = arith.index_cast %parallel_loop3A_165 : i32 to index
        %parallel_loop3A_597 = arith.index_cast %parallel_loop3A_594 : i32 to index
        %parallel_loop3A_598 = arith.index_cast %parallel_loop3A_595 : i32 to index
        %parallel_loop3A_599 = arith.constant 16 : index
        %parallel_loop3A_600 = tpu.vector_load %arg6[%parallel_loop3A_596, %parallel_loop3A_597, %parallel_loop3A_598, %parallel_loop3A_599] {strides = array<i32>} : memref<26x4x8x32xf32, #tpu.memory_space<vmem>>, vector<16xf32>,
        tpu.vector_store %arg6[%parallel_loop3A_596, %parallel_loop3A_597, %parallel_loop3A_598, %parallel_loop3A_599], %parallel_loop3A_593 {strides = array<i32>} : memref<26x4x8x32xf32, #tpu.memory_space<vmem>>, vector<16xf32>,
        %parallel_loop3A_601 = arith.constant 10 : i32
        %parallel_loop3A_602 = vector.broadcast %parallel_loop3A_601 : i32 to vector<16xi32>
        %parallel_loop3A_603 = tpu.vector_load_idx %arg4[%parallel_loop3A_500, %parallel_loop3A_602] : memref<832x33xf32, #tpu.memory_space<vmem>>[vector<16xi32>, vector<16xi32>], vector<16xf32>,
        %parallel_loop3A_604 = arith.constant 1 : i32
        %parallel_loop3A_605 = arith.constant 2 : i32
        %parallel_loop3A_606 = arith.index_cast %parallel_loop3A_165 : i32 to index
        %parallel_loop3A_607 = arith.index_cast %parallel_loop3A_604 : i32 to index
        %parallel_loop3A_608 = arith.index_cast %parallel_loop3A_605 : i32 to index
        %parallel_loop3A_609 = arith.constant 16 : index
        %parallel_loop3A_610 = tpu.vector_load %arg6[%parallel_loop3A_606, %parallel_loop3A_607, %parallel_loop3A_608, %parallel_loop3A_609] {strides = array<i32>} : memref<26x4x8x32xf32, #tpu.memory_space<vmem>>, vector<16xf32>,
        tpu.vector_store %arg6[%parallel_loop3A_606, %parallel_loop3A_607, %parallel_loop3A_608, %parallel_loop3A_609], %parallel_loop3A_603 {strides = array<i32>} : memref<26x4x8x32xf32, #tpu.memory_space<vmem>>, vector<16xf32>,
        %parallel_loop3A_611 = arith.constant 11 : i32
        %parallel_loop3A_612 = vector.broadcast %parallel_loop3A_611 : i32 to vector<16xi32>
        %parallel_loop3A_613 = tpu.vector_load_idx %arg4[%parallel_loop3A_500, %parallel_loop3A_612] : memref<832x33xf32, #tpu.memory_space<vmem>>[vector<16xi32>, vector<16xi32>], vector<16xf32>,
        %parallel_loop3A_614 = arith.constant 1 : i32
        %parallel_loop3A_615 = arith.constant 3 : i32
        %parallel_loop3A_616 = arith.index_cast %parallel_loop3A_165 : i32 to index
        %parallel_loop3A_617 = arith.index_cast %parallel_loop3A_614 : i32 to index
        %parallel_loop3A_618 = arith.index_cast %parallel_loop3A_615 : i32 to index
        %parallel_loop3A_619 = arith.constant 16 : index
        %parallel_loop3A_620 = tpu.vector_load %arg6[%parallel_loop3A_616, %parallel_loop3A_617, %parallel_loop3A_618, %parallel_loop3A_619] {strides = array<i32>} : memref<26x4x8x32xf32, #tpu.memory_space<vmem>>, vector<16xf32>,
        tpu.vector_store %arg6[%parallel_loop3A_616, %parallel_loop3A_617, %parallel_loop3A_618, %parallel_loop3A_619], %parallel_loop3A_613 {strides = array<i32>} : memref<26x4x8x32xf32, #tpu.memory_space<vmem>>, vector<16xf32>,
        %parallel_loop3A_621 = arith.constant 12 : i32
        %parallel_loop3A_622 = vector.broadcast %parallel_loop3A_621 : i32 to vector<16xi32>
        %parallel_loop3A_623 = tpu.vector_load_idx %arg4[%parallel_loop3A_500, %parallel_loop3A_622] : memref<832x33xf32, #tpu.memory_space<vmem>>[vector<16xi32>, vector<16xi32>], vector<16xf32>,
        %parallel_loop3A_624 = arith.constant 1 : i32
        %parallel_loop3A_625 = arith.constant 4 : i32
        %parallel_loop3A_626 = arith.index_cast %parallel_loop3A_165 : i32 to index
        %parallel_loop3A_627 = arith.index_cast %parallel_loop3A_624 : i32 to index
        %parallel_loop3A_628 = arith.index_cast %parallel_loop3A_625 : i32 to index
        %parallel_loop3A_629 = arith.constant 16 : index
        %parallel_loop3A_630 = tpu.vector_load %arg6[%parallel_loop3A_626, %parallel_loop3A_627, %parallel_loop3A_628, %parallel_loop3A_629] {strides = array<i32>} : memref<26x4x8x32xf32, #tpu.memory_space<vmem>>, vector<16xf32>,
        tpu.vector_store %arg6[%parallel_loop3A_626, %parallel_loop3A_627, %parallel_loop3A_628, %parallel_loop3A_629], %parallel_loop3A_623 {strides = array<i32>} : memref<26x4x8x32xf32, #tpu.memory_space<vmem>>, vector<16xf32>,
        %parallel_loop3A_631 = arith.constant 13 : i32
        %parallel_loop3A_632 = vector.broadcast %parallel_loop3A_631 : i32 to vector<16xi32>
        %parallel_loop3A_633 = tpu.vector_load_idx %arg4[%parallel_loop3A_500, %parallel_loop3A_632] : memref<832x33xf32, #tpu.memory_space<vmem>>[vector<16xi32>, vector<16xi32>], vector<16xf32>,
        %parallel_loop3A_634 = arith.constant 1 : i32
        %parallel_loop3A_635 = arith.constant 5 : i32
        %parallel_loop3A_636 = arith.index_cast %parallel_loop3A_165 : i32 to index
        %parallel_loop3A_637 = arith.index_cast %parallel_loop3A_634 : i32 to index
        %parallel_loop3A_638 = arith.index_cast %parallel_loop3A_635 : i32 to index
        %parallel_loop3A_639 = arith.constant 16 : index
        %parallel_loop3A_640 = tpu.vector_load %arg6[%parallel_loop3A_636, %parallel_loop3A_637, %parallel_loop3A_638, %parallel_loop3A_639] {strides = array<i32>} : memref<26x4x8x32xf32, #tpu.memory_space<vmem>>, vector<16xf32>,
        tpu.vector_store %arg6[%parallel_loop3A_636, %parallel_loop3A_637, %parallel_loop3A_638, %parallel_loop3A_639], %parallel_loop3A_633 {strides = array<i32>} : memref<26x4x8x32xf32, #tpu.memory_space<vmem>>, vector<16xf32>,
        %parallel_loop3A_641 = arith.constant 14 : i32
        %parallel_loop3A_642 = vector.broadcast %parallel_loop3A_641 : i32 to vector<16xi32>
        %parallel_loop3A_643 = tpu.vector_load_idx %arg4[%parallel_loop3A_500, %parallel_loop3A_642] : memref<832x33xf32, #tpu.memory_space<vmem>>[vector<16xi32>, vector<16xi32>], vector<16xf32>,
        %parallel_loop3A_644 = arith.constant 1 : i32
        %parallel_loop3A_645 = arith.constant 6 : i32
        %parallel_loop3A_646 = arith.index_cast %parallel_loop3A_165 : i32 to index
        %parallel_loop3A_647 = arith.index_cast %parallel_loop3A_644 : i32 to index
        %parallel_loop3A_648 = arith.index_cast %parallel_loop3A_645 : i32 to index
        %parallel_loop3A_649 = arith.constant 16 : index
        %parallel_loop3A_650 = tpu.vector_load %arg6[%parallel_loop3A_646, %parallel_loop3A_647, %parallel_loop3A_648, %parallel_loop3A_649] {strides = array<i32>} : memref<26x4x8x32xf32, #tpu.memory_space<vmem>>, vector<16xf32>,
        tpu.vector_store %arg6[%parallel_loop3A_646, %parallel_loop3A_647, %parallel_loop3A_648, %parallel_loop3A_649], %parallel_loop3A_643 {strides = array<i32>} : memref<26x4x8x32xf32, #tpu.memory_space<vmem>>, vector<16xf32>,
        %parallel_loop3A_651 = arith.constant 15 : i32
        %parallel_loop3A_652 = vector.broadcast %parallel_loop3A_651 : i32 to vector<16xi32>
        %parallel_loop3A_653 = tpu.vector_load_idx %arg4[%parallel_loop3A_500, %parallel_loop3A_652] : memref<832x33xf32, #tpu.memory_space<vmem>>[vector<16xi32>, vector<16xi32>], vector<16xf32>,
        %parallel_loop3A_654 = arith.constant 1 : i32
        %parallel_loop3A_655 = arith.constant 7 : i32
        %parallel_loop3A_656 = arith.index_cast %parallel_loop3A_165 : i32 to index
        %parallel_loop3A_657 = arith.index_cast %parallel_loop3A_654 : i32 to index
        %parallel_loop3A_658 = arith.index_cast %parallel_loop3A_655 : i32 to index
        %parallel_loop3A_659 = arith.constant 16 : index
        %parallel_loop3A_660 = tpu.vector_load %arg6[%parallel_loop3A_656, %parallel_loop3A_657, %parallel_loop3A_658, %parallel_loop3A_659] {strides = array<i32>} : memref<26x4x8x32xf32, #tpu.memory_space<vmem>>, vector<16xf32>,
        tpu.vector_store %arg6[%parallel_loop3A_656, %parallel_loop3A_657, %parallel_loop3A_658, %parallel_loop3A_659], %parallel_loop3A_653 {strides = array<i32>} : memref<26x4x8x32xf32, #tpu.memory_space<vmem>>, vector<16xf32>,
        %parallel_loop3A_661 = arith.constant 16 : i32
        %parallel_loop3A_662 = vector.broadcast %parallel_loop3A_661 : i32 to vector<16xi32>
        %parallel_loop3A_663 = tpu.vector_load_idx %arg4[%parallel_loop3A_500, %parallel_loop3A_662] : memref<832x33xf32, #tpu.memory_space<vmem>>[vector<16xi32>, vector<16xi32>], vector<16xf32>,
        %parallel_loop3A_664 = arith.constant 2 : i32
        %parallel_loop3A_665 = arith.constant 0 : i32
        %parallel_loop3A_666 = arith.index_cast %parallel_loop3A_165 : i32 to index
        %parallel_loop3A_667 = arith.index_cast %parallel_loop3A_664 : i32 to index
        %parallel_loop3A_668 = arith.index_cast %parallel_loop3A_665 : i32 to index
        %parallel_loop3A_669 = arith.constant 16 : index
        %parallel_loop3A_670 = tpu.vector_load %arg6[%parallel_loop3A_666, %parallel_loop3A_667, %parallel_loop3A_668, %parallel_loop3A_669] {strides = array<i32>} : memref<26x4x8x32xf32, #tpu.memory_space<vmem>>, vector<16xf32>,
        tpu.vector_store %arg6[%parallel_loop3A_666, %parallel_loop3A_667, %parallel_loop3A_668, %parallel_loop3A_669], %parallel_loop3A_663 {strides = array<i32>} : memref<26x4x8x32xf32, #tpu.memory_space<vmem>>, vector<16xf32>,
        %parallel_loop3A_671 = arith.constant 17 : i32
        %parallel_loop3A_672 = vector.broadcast %parallel_loop3A_671 : i32 to vector<16xi32>
        %parallel_loop3A_673 = tpu.vector_load_idx %arg4[%parallel_loop3A_500, %parallel_loop3A_672] : memref<832x33xf32, #tpu.memory_space<vmem>>[vector<16xi32>, vector<16xi32>], vector<16xf32>,
        %parallel_loop3A_674 = arith.constant 2 : i32
        %parallel_loop3A_675 = arith.constant 1 : i32
        %parallel_loop3A_676 = arith.index_cast %parallel_loop3A_165 : i32 to index
        %parallel_loop3A_677 = arith.index_cast %parallel_loop3A_674 : i32 to index
        %parallel_loop3A_678 = arith.index_cast %parallel_loop3A_675 : i32 to index
        %parallel_loop3A_679 = arith.constant 16 : index
        %parallel_loop3A_680 = tpu.vector_load %arg6[%parallel_loop3A_676, %parallel_loop3A_677, %parallel_loop3A_678, %parallel_loop3A_679] {strides = array<i32>} : memref<26x4x8x32xf32, #tpu.memory_space<vmem>>, vector<16xf32>,
        tpu.vector_store %arg6[%parallel_loop3A_676, %parallel_loop3A_677, %parallel_loop3A_678, %parallel_loop3A_679], %parallel_loop3A_673 {strides = array<i32>} : memref<26x4x8x32xf32, #tpu.memory_space<vmem>>, vector<16xf32>,
        %parallel_loop3A_681 = arith.constant 18 : i32
        %parallel_loop3A_682 = vector.broadcast %parallel_loop3A_681 : i32 to vector<16xi32>
        %parallel_loop3A_683 = tpu.vector_load_idx %arg4[%parallel_loop3A_500, %parallel_loop3A_682] : memref<832x33xf32, #tpu.memory_space<vmem>>[vector<16xi32>, vector<16xi32>], vector<16xf32>,
        %parallel_loop3A_684 = arith.constant 2 : i32
        %parallel_loop3A_685 = arith.constant 2 : i32
        %parallel_loop3A_686 = arith.index_cast %parallel_loop3A_165 : i32 to index
        %parallel_loop3A_687 = arith.index_cast %parallel_loop3A_684 : i32 to index
        %parallel_loop3A_688 = arith.index_cast %parallel_loop3A_685 : i32 to index
        %parallel_loop3A_689 = arith.constant 16 : index
        %parallel_loop3A_690 = tpu.vector_load %arg6[%parallel_loop3A_686, %parallel_loop3A_687, %parallel_loop3A_688, %parallel_loop3A_689] {strides = array<i32>} : memref<26x4x8x32xf32, #tpu.memory_space<vmem>>, vector<16xf32>,
        tpu.vector_store %arg6[%parallel_loop3A_686, %parallel_loop3A_687, %parallel_loop3A_688, %parallel_loop3A_689], %parallel_loop3A_683 {strides = array<i32>} : memref<26x4x8x32xf32, #tpu.memory_space<vmem>>, vector<16xf32>,
        %parallel_loop3A_691 = arith.constant 19 : i32
        %parallel_loop3A_692 = vector.broadcast %parallel_loop3A_691 : i32 to vector<16xi32>
        %parallel_loop3A_693 = tpu.vector_load_idx %arg4[%parallel_loop3A_500, %parallel_loop3A_692] : memref<832x33xf32, #tpu.memory_space<vmem>>[vector<16xi32>, vector<16xi32>], vector<16xf32>,
        %parallel_loop3A_694 = arith.constant 2 : i32
        %parallel_loop3A_695 = arith.constant 3 : i32
        %parallel_loop3A_696 = arith.index_cast %parallel_loop3A_165 : i32 to index
        %parallel_loop3A_697 = arith.index_cast %parallel_loop3A_694 : i32 to index
        %parallel_loop3A_698 = arith.index_cast %parallel_loop3A_695 : i32 to index
        %parallel_loop3A_699 = arith.constant 16 : index
        %parallel_loop3A_700 = tpu.vector_load %arg6[%parallel_loop3A_696, %parallel_loop3A_697, %parallel_loop3A_698, %parallel_loop3A_699] {strides = array<i32>} : memref<26x4x8x32xf32, #tpu.memory_space<vmem>>, vector<16xf32>,
        tpu.vector_store %arg6[%parallel_loop3A_696, %parallel_loop3A_697, %parallel_loop3A_698, %parallel_loop3A_699], %parallel_loop3A_693 {strides = array<i32>} : memref<26x4x8x32xf32, #tpu.memory_space<vmem>>, vector<16xf32>,
        %parallel_loop3A_701 = arith.constant 20 : i32
        %parallel_loop3A_702 = vector.broadcast %parallel_loop3A_701 : i32 to vector<16xi32>
        %parallel_loop3A_703 = tpu.vector_load_idx %arg4[%parallel_loop3A_500, %parallel_loop3A_702] : memref<832x33xf32, #tpu.memory_space<vmem>>[vector<16xi32>, vector<16xi32>], vector<16xf32>,
        %parallel_loop3A_704 = arith.constant 2 : i32
        %parallel_loop3A_705 = arith.constant 4 : i32
        %parallel_loop3A_706 = arith.index_cast %parallel_loop3A_165 : i32 to index
        %parallel_loop3A_707 = arith.index_cast %parallel_loop3A_704 : i32 to index
        %parallel_loop3A_708 = arith.index_cast %parallel_loop3A_705 : i32 to index
        %parallel_loop3A_709 = arith.constant 16 : index
        %parallel_loop3A_710 = tpu.vector_load %arg6[%parallel_loop3A_706, %parallel_loop3A_707, %parallel_loop3A_708, %parallel_loop3A_709] {strides = array<i32>} : memref<26x4x8x32xf32, #tpu.memory_space<vmem>>, vector<16xf32>,
        tpu.vector_store %arg6[%parallel_loop3A_706, %parallel_loop3A_707, %parallel_loop3A_708, %parallel_loop3A_709], %parallel_loop3A_703 {strides = array<i32>} : memref<26x4x8x32xf32, #tpu.memory_space<vmem>>, vector<16xf32>,
        %parallel_loop3A_711 = arith.constant 21 : i32
        %parallel_loop3A_712 = vector.broadcast %parallel_loop3A_711 : i32 to vector<16xi32>
        %parallel_loop3A_713 = tpu.vector_load_idx %arg4[%parallel_loop3A_500, %parallel_loop3A_712] : memref<832x33xf32, #tpu.memory_space<vmem>>[vector<16xi32>, vector<16xi32>], vector<16xf32>,
        %parallel_loop3A_714 = arith.constant 2 : i32
        %parallel_loop3A_715 = arith.constant 5 : i32
        %parallel_loop3A_716 = arith.index_cast %parallel_loop3A_165 : i32 to index
        %parallel_loop3A_717 = arith.index_cast %parallel_loop3A_714 : i32 to index
        %parallel_loop3A_718 = arith.index_cast %parallel_loop3A_715 : i32 to index
        %parallel_loop3A_719 = arith.constant 16 : index
        %parallel_loop3A_720 = tpu.vector_load %arg6[%parallel_loop3A_716, %parallel_loop3A_717, %parallel_loop3A_718, %parallel_loop3A_719] {strides = array<i32>} : memref<26x4x8x32xf32, #tpu.memory_space<vmem>>, vector<16xf32>,
        tpu.vector_store %arg6[%parallel_loop3A_716, %parallel_loop3A_717, %parallel_loop3A_718, %parallel_loop3A_719], %parallel_loop3A_713 {strides = array<i32>} : memref<26x4x8x32xf32, #tpu.memory_space<vmem>>, vector<16xf32>,
        %parallel_loop3A_721 = arith.constant 22 : i32
        %parallel_loop3A_722 = vector.broadcast %parallel_loop3A_721 : i32 to vector<16xi32>
        %parallel_loop3A_723 = tpu.vector_load_idx %arg4[%parallel_loop3A_500, %parallel_loop3A_722] : memref<832x33xf32, #tpu.memory_space<vmem>>[vector<16xi32>, vector<16xi32>], vector<16xf32>,
        %parallel_loop3A_724 = arith.constant 2 : i32
        %parallel_loop3A_725 = arith.constant 6 : i32
        %parallel_loop3A_726 = arith.index_cast %parallel_loop3A_165 : i32 to index
        %parallel_loop3A_727 = arith.index_cast %parallel_loop3A_724 : i32 to index
        %parallel_loop3A_728 = arith.index_cast %parallel_loop3A_725 : i32 to index
        %parallel_loop3A_729 = arith.constant 16 : index
        %parallel_loop3A_730 = tpu.vector_load %arg6[%parallel_loop3A_726, %parallel_loop3A_727, %parallel_loop3A_728, %parallel_loop3A_729] {strides = array<i32>} : memref<26x4x8x32xf32, #tpu.memory_space<vmem>>, vector<16xf32>,
        tpu.vector_store %arg6[%parallel_loop3A_726, %parallel_loop3A_727, %parallel_loop3A_728, %parallel_loop3A_729], %parallel_loop3A_723 {strides = array<i32>} : memref<26x4x8x32xf32, #tpu.memory_space<vmem>>, vector<16xf32>,
        %parallel_loop3A_731 = arith.constant 23 : i32
        %parallel_loop3A_732 = vector.broadcast %parallel_loop3A_731 : i32 to vector<16xi32>
        %parallel_loop3A_733 = tpu.vector_load_idx %arg4[%parallel_loop3A_500, %parallel_loop3A_732] : memref<832x33xf32, #tpu.memory_space<vmem>>[vector<16xi32>, vector<16xi32>], vector<16xf32>,
        %parallel_loop3A_734 = arith.constant 2 : i32
        %parallel_loop3A_735 = arith.constant 7 : i32
        %parallel_loop3A_736 = arith.index_cast %parallel_loop3A_165 : i32 to index
        %parallel_loop3A_737 = arith.index_cast %parallel_loop3A_734 : i32 to index
        %parallel_loop3A_738 = arith.index_cast %parallel_loop3A_735 : i32 to index
        %parallel_loop3A_739 = arith.constant 16 : index
        %parallel_loop3A_740 = tpu.vector_load %arg6[%parallel_loop3A_736, %parallel_loop3A_737, %parallel_loop3A_738, %parallel_loop3A_739] {strides = array<i32>} : memref<26x4x8x32xf32, #tpu.memory_space<vmem>>, vector<16xf32>,
        tpu.vector_store %arg6[%parallel_loop3A_736, %parallel_loop3A_737, %parallel_loop3A_738, %parallel_loop3A_739], %parallel_loop3A_733 {strides = array<i32>} : memref<26x4x8x32xf32, #tpu.memory_space<vmem>>, vector<16xf32>,
        %parallel_loop3A_741 = arith.constant 24 : i32
        %parallel_loop3A_742 = vector.broadcast %parallel_loop3A_741 : i32 to vector<16xi32>
        %parallel_loop3A_743 = tpu.vector_load_idx %arg4[%parallel_loop3A_500, %parallel_loop3A_742] : memref<832x33xf32, #tpu.memory_space<vmem>>[vector<16xi32>, vector<16xi32>], vector<16xf32>,
        %parallel_loop3A_744 = arith.constant 3 : i32
        %parallel_loop3A_745 = arith.constant 0 : i32
        %parallel_loop3A_746 = arith.index_cast %parallel_loop3A_165 : i32 to index
        %parallel_loop3A_747 = arith.index_cast %parallel_loop3A_744 : i32 to index
        %parallel_loop3A_748 = arith.index_cast %parallel_loop3A_745 : i32 to index
        %parallel_loop3A_749 = arith.constant 16 : index
        %parallel_loop3A_750 = tpu.vector_load %arg6[%parallel_loop3A_746, %parallel_loop3A_747, %parallel_loop3A_748, %parallel_loop3A_749] {strides = array<i32>} : memref<26x4x8x32xf32, #tpu.memory_space<vmem>>, vector<16xf32>,
        tpu.vector_store %arg6[%parallel_loop3A_746, %parallel_loop3A_747, %parallel_loop3A_748, %parallel_loop3A_749], %parallel_loop3A_743 {strides = array<i32>} : memref<26x4x8x32xf32, #tpu.memory_space<vmem>>, vector<16xf32>,
        %parallel_loop3A_751 = arith.constant 25 : i32
        %parallel_loop3A_752 = vector.broadcast %parallel_loop3A_751 : i32 to vector<16xi32>
        %parallel_loop3A_753 = tpu.vector_load_idx %arg4[%parallel_loop3A_500, %parallel_loop3A_752] : memref<832x33xf32, #tpu.memory_space<vmem>>[vector<16xi32>, vector<16xi32>], vector<16xf32>,
        %parallel_loop3A_754 = arith.constant 3 : i32
        %parallel_loop3A_755 = arith.constant 1 : i32
        %parallel_loop3A_756 = arith.index_cast %parallel_loop3A_165 : i32 to index
        %parallel_loop3A_757 = arith.index_cast %parallel_loop3A_754 : i32 to index
        %parallel_loop3A_758 = arith.index_cast %parallel_loop3A_755 : i32 to index
        %parallel_loop3A_759 = arith.constant 16 : index
        %parallel_loop3A_760 = tpu.vector_load %arg6[%parallel_loop3A_756, %parallel_loop3A_757, %parallel_loop3A_758, %parallel_loop3A_759] {strides = array<i32>} : memref<26x4x8x32xf32, #tpu.memory_space<vmem>>, vector<16xf32>,
        tpu.vector_store %arg6[%parallel_loop3A_756, %parallel_loop3A_757, %parallel_loop3A_758, %parallel_loop3A_759], %parallel_loop3A_753 {strides = array<i32>} : memref<26x4x8x32xf32, #tpu.memory_space<vmem>>, vector<16xf32>,
        %parallel_loop3A_761 = arith.constant 26 : i32
        %parallel_loop3A_762 = vector.broadcast %parallel_loop3A_761 : i32 to vector<16xi32>
        %parallel_loop3A_763 = tpu.vector_load_idx %arg4[%parallel_loop3A_500, %parallel_loop3A_762] : memref<832x33xf32, #tpu.memory_space<vmem>>[vector<16xi32>, vector<16xi32>], vector<16xf32>,
        %parallel_loop3A_764 = arith.constant 3 : i32
        %parallel_loop3A_765 = arith.constant 2 : i32
        %parallel_loop3A_766 = arith.index_cast %parallel_loop3A_165 : i32 to index
        %parallel_loop3A_767 = arith.index_cast %parallel_loop3A_764 : i32 to index
        %parallel_loop3A_768 = arith.index_cast %parallel_loop3A_765 : i32 to index
        %parallel_loop3A_769 = arith.constant 16 : index
        %parallel_loop3A_770 = tpu.vector_load %arg6[%parallel_loop3A_766, %parallel_loop3A_767, %parallel_loop3A_768, %parallel_loop3A_769] {strides = array<i32>} : memref<26x4x8x32xf32, #tpu.memory_space<vmem>>, vector<16xf32>,
        tpu.vector_store %arg6[%parallel_loop3A_766, %parallel_loop3A_767, %parallel_loop3A_768, %parallel_loop3A_769], %parallel_loop3A_763 {strides = array<i32>} : memref<26x4x8x32xf32, #tpu.memory_space<vmem>>, vector<16xf32>,
        %parallel_loop3A_771 = arith.constant 27 : i32
        %parallel_loop3A_772 = vector.broadcast %parallel_loop3A_771 : i32 to vector<16xi32>
        %parallel_loop3A_773 = tpu.vector_load_idx %arg4[%parallel_loop3A_500, %parallel_loop3A_772] : memref<832x33xf32, #tpu.memory_space<vmem>>[vector<16xi32>, vector<16xi32>], vector<16xf32>,
        %parallel_loop3A_774 = arith.constant 3 : i32
        %parallel_loop3A_775 = arith.constant 3 : i32
        %parallel_loop3A_776 = arith.index_cast %parallel_loop3A_165 : i32 to index
        %parallel_loop3A_777 = arith.index_cast %parallel_loop3A_774 : i32 to index
        %parallel_loop3A_778 = arith.index_cast %parallel_loop3A_775 : i32 to index
        %parallel_loop3A_779 = arith.constant 16 : index
        %parallel_loop3A_780 = tpu.vector_load %arg6[%parallel_loop3A_776, %parallel_loop3A_777, %parallel_loop3A_778, %parallel_loop3A_779] {strides = array<i32>} : memref<26x4x8x32xf32, #tpu.memory_space<vmem>>, vector<16xf32>,
        tpu.vector_store %arg6[%parallel_loop3A_776, %parallel_loop3A_777, %parallel_loop3A_778, %parallel_loop3A_779], %parallel_loop3A_773 {strides = array<i32>} : memref<26x4x8x32xf32, #tpu.memory_space<vmem>>, vector<16xf32>,
        %parallel_loop3A_781 = arith.constant 28 : i32
        %parallel_loop3A_782 = vector.broadcast %parallel_loop3A_781 : i32 to vector<16xi32>
        %parallel_loop3A_783 = tpu.vector_load_idx %arg4[%parallel_loop3A_500, %parallel_loop3A_782] : memref<832x33xf32, #tpu.memory_space<vmem>>[vector<16xi32>, vector<16xi32>], vector<16xf32>,
        %parallel_loop3A_784 = arith.constant 3 : i32
        %parallel_loop3A_785 = arith.constant 4 : i32
        %parallel_loop3A_786 = arith.index_cast %parallel_loop3A_165 : i32 to index
        %parallel_loop3A_787 = arith.index_cast %parallel_loop3A_784 : i32 to index
        %parallel_loop3A_788 = arith.index_cast %parallel_loop3A_785 : i32 to index
        %parallel_loop3A_789 = arith.constant 16 : index
        %parallel_loop3A_790 = tpu.vector_load %arg6[%parallel_loop3A_786, %parallel_loop3A_787, %parallel_loop3A_788, %parallel_loop3A_789] {strides = array<i32>} : memref<26x4x8x32xf32, #tpu.memory_space<vmem>>, vector<16xf32>,
        tpu.vector_store %arg6[%parallel_loop3A_786, %parallel_loop3A_787, %parallel_loop3A_788, %parallel_loop3A_789], %parallel_loop3A_783 {strides = array<i32>} : memref<26x4x8x32xf32, #tpu.memory_space<vmem>>, vector<16xf32>,
        %parallel_loop3A_791 = arith.constant 29 : i32
        %parallel_loop3A_792 = vector.broadcast %parallel_loop3A_791 : i32 to vector<16xi32>
        %parallel_loop3A_793 = tpu.vector_load_idx %arg4[%parallel_loop3A_500, %parallel_loop3A_792] : memref<832x33xf32, #tpu.memory_space<vmem>>[vector<16xi32>, vector<16xi32>], vector<16xf32>,
        %parallel_loop3A_794 = arith.constant 3 : i32
        %parallel_loop3A_795 = arith.constant 5 : i32
        %parallel_loop3A_796 = arith.index_cast %parallel_loop3A_165 : i32 to index
        %parallel_loop3A_797 = arith.index_cast %parallel_loop3A_794 : i32 to index
        %parallel_loop3A_798 = arith.index_cast %parallel_loop3A_795 : i32 to index
        %parallel_loop3A_799 = arith.constant 16 : index
        %parallel_loop3A_800 = tpu.vector_load %arg6[%parallel_loop3A_796, %parallel_loop3A_797, %parallel_loop3A_798, %parallel_loop3A_799] {strides = array<i32>} : memref<26x4x8x32xf32, #tpu.memory_space<vmem>>, vector<16xf32>,
        tpu.vector_store %arg6[%parallel_loop3A_796, %parallel_loop3A_797, %parallel_loop3A_798, %parallel_loop3A_799], %parallel_loop3A_793 {strides = array<i32>} : memref<26x4x8x32xf32, #tpu.memory_space<vmem>>, vector<16xf32>,
        %parallel_loop3A_801 = arith.constant 30 : i32
        %parallel_loop3A_802 = vector.broadcast %parallel_loop3A_801 : i32 to vector<16xi32>
        %parallel_loop3A_803 = tpu.vector_load_idx %arg4[%parallel_loop3A_500, %parallel_loop3A_802] : memref<832x33xf32, #tpu.memory_space<vmem>>[vector<16xi32>, vector<16xi32>], vector<16xf32>,
        %parallel_loop3A_804 = arith.constant 3 : i32
        %parallel_loop3A_805 = arith.constant 6 : i32
        %parallel_loop3A_806 = arith.index_cast %parallel_loop3A_165 : i32 to index
        %parallel_loop3A_807 = arith.index_cast %parallel_loop3A_804 : i32 to index
        %parallel_loop3A_808 = arith.index_cast %parallel_loop3A_805 : i32 to index
        %parallel_loop3A_809 = arith.constant 16 : index
        %parallel_loop3A_810 = tpu.vector_load %arg6[%parallel_loop3A_806, %parallel_loop3A_807, %parallel_loop3A_808, %parallel_loop3A_809] {strides = array<i32>} : memref<26x4x8x32xf32, #tpu.memory_space<vmem>>, vector<16xf32>,
        tpu.vector_store %arg6[%parallel_loop3A_806, %parallel_loop3A_807, %parallel_loop3A_808, %parallel_loop3A_809], %parallel_loop3A_803 {strides = array<i32>} : memref<26x4x8x32xf32, #tpu.memory_space<vmem>>, vector<16xf32>,
        %parallel_loop3A_811 = arith.constant 31 : i32
        %parallel_loop3A_812 = vector.broadcast %parallel_loop3A_811 : i32 to vector<16xi32>
        %parallel_loop3A_813 = tpu.vector_load_idx %arg4[%parallel_loop3A_500, %parallel_loop3A_812] : memref<832x33xf32, #tpu.memory_space<vmem>>[vector<16xi32>, vector<16xi32>], vector<16xf32>,
        %parallel_loop3A_814 = arith.constant 3 : i32
        %parallel_loop3A_815 = arith.constant 7 : i32
        %parallel_loop3A_816 = arith.index_cast %parallel_loop3A_165 : i32 to index
        %parallel_loop3A_817 = arith.index_cast %parallel_loop3A_814 : i32 to index
        %parallel_loop3A_818 = arith.index_cast %parallel_loop3A_815 : i32 to index
        %parallel_loop3A_819 = arith.constant 16 : index
        %parallel_loop3A_820 = tpu.vector_load %arg6[%parallel_loop3A_816, %parallel_loop3A_817, %parallel_loop3A_818, %parallel_loop3A_819] {strides = array<i32>} : memref<26x4x8x32xf32, #tpu.memory_space<vmem>>, vector<16xf32>,
        tpu.vector_store %arg6[%parallel_loop3A_816, %parallel_loop3A_817, %parallel_loop3A_818, %parallel_loop3A_819], %parallel_loop3A_813 {strides = array<i32>} : memref<26x4x8x32xf32, #tpu.memory_space<vmem>>, vector<16xf32>,
      } {sc.loop_unroll_factor = 2 : i64, sc.parallel_access}
      %mul3A_97 = arith.constant 4 : i32
      %mul3A_98 = arith.muli %add3A, %mul3A_97 : i32
      %shift_right_logical3A_99 = arith.constant 2 : i32
      %shift_right_logical3A_100 = arith.shrui %add3A_64, %shift_right_logical3A_99 : i32
      %add3A_101 = arith.addi %mul3A_98, %shift_right_logical3A_100 : i32
      %and3A_102 = arith.constant 3 : i32
      %and3A_103 = arith.andi %add3A_64, %and3A_102 : i32
      %mul3A_104 = arith.constant 32 : i32
      %mul3A_105 = arith.muli %and3A_103, %mul3A_104 : i32
      %dma_start3A_106 = arith.constant 0 : i32
      %dma_start3A_107 = arith.constant 0 : i32
      %dma_start3A_108 = arith.constant 0 : i32
      %dma_start3A_109 = tpu.memref_slice %arg3[%dma_start3A_106, %dma_start3A_107, %add3A_101, %dma_start3A_108, %mul3A_105] : memref<26x4x128x8x128xf32, #tpu.memory_space<hbm>> -> memref<26x4x1x8x32xf32, #tpu.memory_space<hbm>>
      %dma_start3A_110 = tpu.memref_squeeze %dma_start3A_109 : memref<26x4x1x8x32xf32, #tpu.memory_space<hbm>> -> memref<26x4x8x32xf32, #tpu.memory_space<hbm>>
      %dma_start3A_111 = arith.constant 0 : i32
      %dma_start3A_112 = arith.constant 0 : i32
      %dma_start3A_113 = arith.constant 0 : i32
      %dma_start3A_114 = tpu.memref_slice %arg3[%dma_start3A_111, %dma_start3A_112, %add3A_101, %dma_start3A_113, %mul3A_105] : memref<26x4x128x8x128xf32, #tpu.memory_space<hbm>> -> memref<26x4x1x8x32xf32, #tpu.memory_space<hbm>>
      %dma_start3A_115 = tpu.memref_squeeze %dma_start3A_114 : memref<26x4x1x8x32xf32, #tpu.memory_space<hbm>> -> memref<26x4x8x32xf32, #tpu.memory_space<hbm>>
      tpu.enqueue_dma source(%arg6 : memref<26x4x8x32xf32, #tpu.memory_space<vmem>>) target(%dma_start3A_115 : memref<26x4x8x32xf32, #tpu.memory_space<hbm>>) target_semaphore(%arg10 : memref<!tpu.dma_semaphore, #tpu.memory_space<semaphore_mem>>)
      %mul3A_116 = arith.constant 2 : i32
      %mul3A_117 = arith.muli %mul3A_116, %scan3A_59 : i32
      %add3A_118 = arith.constant 1 : i32
      %add3A_119 = arith.addi %mul3A_117, %add3A_118 : i32
      %mul3A_120 = arith.constant 832 : i32
      %mul3A_121 = arith.muli %add3A_119, %mul3A_120 : i32
      %add3A_122 = arith.addi %mul3A_2, %mul3A_121 : i32
      %dma_wait3A_123 = arith.constant 0 : i32
      %dma_wait3A_124 = arith.constant 0 : i32
      %dma_wait3A_125 = tpu.memref_slice %arg5[%dma_wait3A_123, %dma_wait3A_124] : memref<832x33xf32, #tpu.memory_space<vmem>> -> memref<832x32xf32, #tpu.memory_space<vmem>>
      %dma_wait3A_126 = arith.constant 0 : i32
      %dma_wait3A_127 = tpu.memref_slice %arg2[%add3A_122, %dma_wait3A_126] : memref<425984x32xf32, #tpu.memory_space<hbm>> -> memref<832x32xf32, #tpu.memory_space<hbm>>
      %dma_wait3A_128 = arith.constant 0 : i32
      %dma_wait3A_129 = arith.constant 0 : i32
      %dma_wait3A_130 = tpu.memref_slice %arg5[%dma_wait3A_128, %dma_wait3A_129] : memref<832x33xf32, #tpu.memory_space<vmem>> -> memref<832x32xf32, #tpu.memory_space<vmem>>
      %dma_wait3A_131 = arith.constant 0 : i32
      %dma_wait3A_132 = tpu.memref_slice %arg2[%add3A_122, %dma_wait3A_131] : memref<425984x32xf32, #tpu.memory_space<hbm>> -> memref<832x32xf32, #tpu.memory_space<hbm>>
      tpu.wait_dma2 semaphore(%arg9 : memref<!tpu.dma_semaphore, #tpu.memory_space<semaphore_mem>>) src(%dma_wait3A_132 : memref<832x32xf32, #tpu.memory_space<hbm>>) dst(%dma_wait3A_130 : memref<832x32xf32, #tpu.memory_space<vmem>>)
      %ge3A_133 = arith.constant 1 : i32
      %ge3A_134 = arith.cmpi sge, %scan3A_59, %ge3A_133 : i32
      %convert_element_type3A_135 = arith.extui %ge3A_134 : i1 to i32
      %cond3A_136 = arith.constant 0 : i32
      %cond3A_137 = arith.cmpi ne, %convert_element_type3A_135, %cond3A_136 : i32
      scf.if %cond3A_137 {
        %sub3A = arith.constant 2 : i32
        %sub3A_165 = arith.subi %add3A_119, %sub3A : i32
        %mul3A_166 = arith.constant 4 : i32
        %mul3A_167 = arith.muli %add3A, %mul3A_166 : i32
        %shift_right_logical3A_168 = arith.constant 2 : i32
        %shift_right_logical3A_169 = arith.shrui %sub3A_165, %shift_right_logical3A_168 : i32
        %add3A_170 = arith.addi %mul3A_167, %shift_right_logical3A_169 : i32
        %and3A_171 = arith.constant 3 : i32
        %and3A_172 = arith.andi %sub3A_165, %and3A_171 : i32
        %mul3A_173 = arith.constant 32 : i32
        %mul3A_174 = arith.muli %and3A_172, %mul3A_173 : i32
        %dma_wait3A_175 = arith.constant 0 : i32
        %dma_wait3A_176 = arith.constant 0 : i32
        %dma_wait3A_177 = arith.constant 0 : i32
        %dma_wait3A_178 = tpu.memref_slice %arg3[%dma_wait3A_175, %dma_wait3A_176, %add3A_170, %dma_wait3A_177, %mul3A_174] : memref<26x4x128x8x128xf32, #tpu.memory_space<hbm>> -> memref<26x4x1x8x32xf32, #tpu.memory_space<hbm>>
        %dma_wait3A_179 = tpu.memref_squeeze %dma_wait3A_178 : memref<26x4x1x8x32xf32, #tpu.memory_space<hbm>> -> memref<26x4x8x32xf32, #tpu.memory_space<hbm>>
        %dma_wait3A_180 = arith.constant 0 : i32
        %dma_wait3A_181 = arith.constant 0 : i32
        %dma_wait3A_182 = arith.constant 0 : i32
        %dma_wait3A_183 = tpu.memref_slice %arg3[%dma_wait3A_180, %dma_wait3A_181, %add3A_170, %dma_wait3A_182, %mul3A_174] : memref<26x4x128x8x128xf32, #tpu.memory_space<hbm>> -> memref<26x4x1x8x32xf32, #tpu.memory_space<hbm>>
        %dma_wait3A_184 = tpu.memref_squeeze %dma_wait3A_183 : memref<26x4x1x8x32xf32, #tpu.memory_space<hbm>> -> memref<26x4x8x32xf32, #tpu.memory_space<hbm>>
        tpu.wait_dma2 semaphore(%arg11 : memref<!tpu.dma_semaphore, #tpu.memory_space<semaphore_mem>>) src(%arg7 : memref<26x4x8x32xf32, #tpu.memory_space<vmem>>) dst(%dma_wait3A_184 : memref<26x4x8x32xf32, #tpu.memory_space<hbm>>)
      } else {
      }
      %lt3A = arith.constant 7 : i32
      %lt3A_138 = arith.cmpi slt, %scan3A_59, %lt3A : i32
      %convert_element_type3A_139 = arith.extui %lt3A_138 : i1 to i32
      %cond3A_140 = arith.constant 0 : i32
      %cond3A_141 = arith.cmpi ne, %convert_element_type3A_139, %cond3A_140 : i32
      scf.if %cond3A_141 {
        %add3A_165 = arith.constant 1 : i32
        %add3A_166 = arith.addi %add3A_119, %add3A_165 : i32
        %mul3A_167 = arith.constant 832 : i32
        %mul3A_168 = arith.muli %add3A_166, %mul3A_167 : i32
        %add3A_169 = arith.addi %mul3A_2, %mul3A_168 : i32
        %dma_start3A_170 = arith.constant 0 : i32
        %dma_start3A_171 = arith.constant 0 : i32
        %dma_start3A_172 = tpu.memref_slice %arg4[%dma_start3A_170, %dma_start3A_171] : memref<832x33xf32, #tpu.memory_space<vmem>> -> memref<832x32xf32, #tpu.memory_space<vmem>>
        %dma_start3A_173 = arith.constant 0 : i32
        %dma_start3A_174 = tpu.memref_slice %arg2[%add3A_169, %dma_start3A_173] : memref<425984x32xf32, #tpu.memory_space<hbm>> -> memref<832x32xf32, #tpu.memory_space<hbm>>
        %dma_start3A_175 = arith.constant 0 : i32
        %dma_start3A_176 = arith.constant 0 : i32
        %dma_start3A_177 = tpu.memref_slice %arg4[%dma_start3A_175, %dma_start3A_176] : memref<832x33xf32, #tpu.memory_space<vmem>> -> memref<832x32xf32, #tpu.memory_space<vmem>>
        %dma_start3A_178 = arith.constant 0 : i32
        %dma_start3A_179 = tpu.memref_slice %arg2[%add3A_169, %dma_start3A_178] : memref<425984x32xf32, #tpu.memory_space<hbm>> -> memref<832x32xf32, #tpu.memory_space<hbm>>
        tpu.enqueue_dma source(%dma_start3A_179 : memref<832x32xf32, #tpu.memory_space<hbm>>) target(%dma_start3A_177 : memref<832x32xf32, #tpu.memory_space<vmem>>) target_semaphore(%arg8 : memref<!tpu.dma_semaphore, #tpu.memory_space<semaphore_mem>>)
      } else {
      }
      %parallel_loop3A_142 = arith.constant 0 : i32
      %parallel_loop3A_143 = arith.constant 26 : i32
      %parallel_loop3A_144 = arith.constant 1 : i32
      scf.for %parallel_loop3A_165 = %parallel_loop3A_142 to %parallel_loop3A_143 step %parallel_loop3A_144  : i32 {
        %parallel_loop3A_166 = tpu.iota {dimensions = array<i32: 0>} : vector<16xi32>
        %parallel_loop3A_167 = arith.constant 26 : i32
        %parallel_loop3A_168 = vector.broadcast %parallel_loop3A_167 : i32 to vector<16xi32>
        %parallel_loop3A_169 = arith.muli %parallel_loop3A_166, %parallel_loop3A_168 : vector<16xi32>
        %parallel_loop3A_170 = arith.constant 0 : i32
        %parallel_loop3A_171 = arith.addi %parallel_loop3A_170, %parallel_loop3A_165 : i32
        %parallel_loop3A_172 = vector.broadcast %parallel_loop3A_171 : i32 to vector<16xi32>
        %parallel_loop3A_173 = arith.addi %parallel_loop3A_169, %parallel_loop3A_172 : vector<16xi32>
        %parallel_loop3A_174 = arith.constant 0 : i32
        %parallel_loop3A_175 = vector.broadcast %parallel_loop3A_174 : i32 to vector<16xi32>
        %parallel_loop3A_176 = tpu.vector_load_idx %arg5[%parallel_loop3A_173, %parallel_loop3A_175] : memref<832x33xf32, #tpu.memory_space<vmem>>[vector<16xi32>, vector<16xi32>], vector<16xf32>,
        %parallel_loop3A_177 = arith.constant 0 : i32
        %parallel_loop3A_178 = arith.constant 0 : i32
        %parallel_loop3A_179 = arith.index_cast %parallel_loop3A_165 : i32 to index
        %parallel_loop3A_180 = arith.index_cast %parallel_loop3A_177 : i32 to index
        %parallel_loop3A_181 = arith.index_cast %parallel_loop3A_178 : i32 to index
        %parallel_loop3A_182 = arith.constant 0 : index
        %parallel_loop3A_183 = tpu.vector_load %arg7[%parallel_loop3A_179, %parallel_loop3A_180, %parallel_loop3A_181, %parallel_loop3A_182] {strides = array<i32>} : memref<26x4x8x32xf32, #tpu.memory_space<vmem>>, vector<16xf32>,
        tpu.vector_store %arg7[%parallel_loop3A_179, %parallel_loop3A_180, %parallel_loop3A_181, %parallel_loop3A_182], %parallel_loop3A_176 {strides = array<i32>} : memref<26x4x8x32xf32, #tpu.memory_space<vmem>>, vector<16xf32>,
        %parallel_loop3A_184 = arith.constant 1 : i32
        %parallel_loop3A_185 = vector.broadcast %parallel_loop3A_184 : i32 to vector<16xi32>
        %parallel_loop3A_186 = tpu.vector_load_idx %arg5[%parallel_loop3A_173, %parallel_loop3A_185] : memref<832x33xf32, #tpu.memory_space<vmem>>[vector<16xi32>, vector<16xi32>], vector<16xf32>,
        %parallel_loop3A_187 = arith.constant 0 : i32
        %parallel_loop3A_188 = arith.constant 1 : i32
        %parallel_loop3A_189 = arith.index_cast %parallel_loop3A_165 : i32 to index
        %parallel_loop3A_190 = arith.index_cast %parallel_loop3A_187 : i32 to index
        %parallel_loop3A_191 = arith.index_cast %parallel_loop3A_188 : i32 to index
        %parallel_loop3A_192 = arith.constant 0 : index
        %parallel_loop3A_193 = tpu.vector_load %arg7[%parallel_loop3A_189, %parallel_loop3A_190, %parallel_loop3A_191, %parallel_loop3A_192] {strides = array<i32>} : memref<26x4x8x32xf32, #tpu.memory_space<vmem>>, vector<16xf32>,
        tpu.vector_store %arg7[%parallel_loop3A_189, %parallel_loop3A_190, %parallel_loop3A_191, %parallel_loop3A_192], %parallel_loop3A_186 {strides = array<i32>} : memref<26x4x8x32xf32, #tpu.memory_space<vmem>>, vector<16xf32>,
        %parallel_loop3A_194 = arith.constant 2 : i32
        %parallel_loop3A_195 = vector.broadcast %parallel_loop3A_194 : i32 to vector<16xi32>
        %parallel_loop3A_196 = tpu.vector_load_idx %arg5[%parallel_loop3A_173, %parallel_loop3A_195] : memref<832x33xf32, #tpu.memory_space<vmem>>[vector<16xi32>, vector<16xi32>], vector<16xf32>,
        %parallel_loop3A_197 = arith.constant 0 : i32
        %parallel_loop3A_198 = arith.constant 2 : i32
        %parallel_loop3A_199 = arith.index_cast %parallel_loop3A_165 : i32 to index
        %parallel_loop3A_200 = arith.index_cast %parallel_loop3A_197 : i32 to index
        %parallel_loop3A_201 = arith.index_cast %parallel_loop3A_198 : i32 to index
        %parallel_loop3A_202 = arith.constant 0 : index
        %parallel_loop3A_203 = tpu.vector_load %arg7[%parallel_loop3A_199, %parallel_loop3A_200, %parallel_loop3A_201, %parallel_loop3A_202] {strides = array<i32>} : memref<26x4x8x32xf32, #tpu.memory_space<vmem>>, vector<16xf32>,
        tpu.vector_store %arg7[%parallel_loop3A_199, %parallel_loop3A_200, %parallel_loop3A_201, %parallel_loop3A_202], %parallel_loop3A_196 {strides = array<i32>} : memref<26x4x8x32xf32, #tpu.memory_space<vmem>>, vector<16xf32>,
        %parallel_loop3A_204 = arith.constant 3 : i32
        %parallel_loop3A_205 = vector.broadcast %parallel_loop3A_204 : i32 to vector<16xi32>
        %parallel_loop3A_206 = tpu.vector_load_idx %arg5[%parallel_loop3A_173, %parallel_loop3A_205] : memref<832x33xf32, #tpu.memory_space<vmem>>[vector<16xi32>, vector<16xi32>], vector<16xf32>,
        %parallel_loop3A_207 = arith.constant 0 : i32
        %parallel_loop3A_208 = arith.constant 3 : i32
        %parallel_loop3A_209 = arith.index_cast %parallel_loop3A_165 : i32 to index
        %parallel_loop3A_210 = arith.index_cast %parallel_loop3A_207 : i32 to index
        %parallel_loop3A_211 = arith.index_cast %parallel_loop3A_208 : i32 to index
        %parallel_loop3A_212 = arith.constant 0 : index
        %parallel_loop3A_213 = tpu.vector_load %arg7[%parallel_loop3A_209, %parallel_loop3A_210, %parallel_loop3A_211, %parallel_loop3A_212] {strides = array<i32>} : memref<26x4x8x32xf32, #tpu.memory_space<vmem>>, vector<16xf32>,
        tpu.vector_store %arg7[%parallel_loop3A_209, %parallel_loop3A_210, %parallel_loop3A_211, %parallel_loop3A_212], %parallel_loop3A_206 {strides = array<i32>} : memref<26x4x8x32xf32, #tpu.memory_space<vmem>>, vector<16xf32>,
        %parallel_loop3A_214 = arith.constant 4 : i32
        %parallel_loop3A_215 = vector.broadcast %parallel_loop3A_214 : i32 to vector<16xi32>
        %parallel_loop3A_216 = tpu.vector_load_idx %arg5[%parallel_loop3A_173, %parallel_loop3A_215] : memref<832x33xf32, #tpu.memory_space<vmem>>[vector<16xi32>, vector<16xi32>], vector<16xf32>,
        %parallel_loop3A_217 = arith.constant 0 : i32
        %parallel_loop3A_218 = arith.constant 4 : i32
        %parallel_loop3A_219 = arith.index_cast %parallel_loop3A_165 : i32 to index
        %parallel_loop3A_220 = arith.index_cast %parallel_loop3A_217 : i32 to index
        %parallel_loop3A_221 = arith.index_cast %parallel_loop3A_218 : i32 to index
        %parallel_loop3A_222 = arith.constant 0 : index
        %parallel_loop3A_223 = tpu.vector_load %arg7[%parallel_loop3A_219, %parallel_loop3A_220, %parallel_loop3A_221, %parallel_loop3A_222] {strides = array<i32>} : memref<26x4x8x32xf32, #tpu.memory_space<vmem>>, vector<16xf32>,
        tpu.vector_store %arg7[%parallel_loop3A_219, %parallel_loop3A_220, %parallel_loop3A_221, %parallel_loop3A_222], %parallel_loop3A_216 {strides = array<i32>} : memref<26x4x8x32xf32, #tpu.memory_space<vmem>>, vector<16xf32>,
        %parallel_loop3A_224 = arith.constant 5 : i32
        %parallel_loop3A_225 = vector.broadcast %parallel_loop3A_224 : i32 to vector<16xi32>
        %parallel_loop3A_226 = tpu.vector_load_idx %arg5[%parallel_loop3A_173, %parallel_loop3A_225] : memref<832x33xf32, #tpu.memory_space<vmem>>[vector<16xi32>, vector<16xi32>], vector<16xf32>,
        %parallel_loop3A_227 = arith.constant 0 : i32
        %parallel_loop3A_228 = arith.constant 5 : i32
        %parallel_loop3A_229 = arith.index_cast %parallel_loop3A_165 : i32 to index
        %parallel_loop3A_230 = arith.index_cast %parallel_loop3A_227 : i32 to index
        %parallel_loop3A_231 = arith.index_cast %parallel_loop3A_228 : i32 to index
        %parallel_loop3A_232 = arith.constant 0 : index
        %parallel_loop3A_233 = tpu.vector_load %arg7[%parallel_loop3A_229, %parallel_loop3A_230, %parallel_loop3A_231, %parallel_loop3A_232] {strides = array<i32>} : memref<26x4x8x32xf32, #tpu.memory_space<vmem>>, vector<16xf32>,
        tpu.vector_store %arg7[%parallel_loop3A_229, %parallel_loop3A_230, %parallel_loop3A_231, %parallel_loop3A_232], %parallel_loop3A_226 {strides = array<i32>} : memref<26x4x8x32xf32, #tpu.memory_space<vmem>>, vector<16xf32>,
        %parallel_loop3A_234 = arith.constant 6 : i32
        %parallel_loop3A_235 = vector.broadcast %parallel_loop3A_234 : i32 to vector<16xi32>
        %parallel_loop3A_236 = tpu.vector_load_idx %arg5[%parallel_loop3A_173, %parallel_loop3A_235] : memref<832x33xf32, #tpu.memory_space<vmem>>[vector<16xi32>, vector<16xi32>], vector<16xf32>,
        %parallel_loop3A_237 = arith.constant 0 : i32
        %parallel_loop3A_238 = arith.constant 6 : i32
        %parallel_loop3A_239 = arith.index_cast %parallel_loop3A_165 : i32 to index
        %parallel_loop3A_240 = arith.index_cast %parallel_loop3A_237 : i32 to index
        %parallel_loop3A_241 = arith.index_cast %parallel_loop3A_238 : i32 to index
        %parallel_loop3A_242 = arith.constant 0 : index
        %parallel_loop3A_243 = tpu.vector_load %arg7[%parallel_loop3A_239, %parallel_loop3A_240, %parallel_loop3A_241, %parallel_loop3A_242] {strides = array<i32>} : memref<26x4x8x32xf32, #tpu.memory_space<vmem>>, vector<16xf32>,
        tpu.vector_store %arg7[%parallel_loop3A_239, %parallel_loop3A_240, %parallel_loop3A_241, %parallel_loop3A_242], %parallel_loop3A_236 {strides = array<i32>} : memref<26x4x8x32xf32, #tpu.memory_space<vmem>>, vector<16xf32>,
        %parallel_loop3A_244 = arith.constant 7 : i32
        %parallel_loop3A_245 = vector.broadcast %parallel_loop3A_244 : i32 to vector<16xi32>
        %parallel_loop3A_246 = tpu.vector_load_idx %arg5[%parallel_loop3A_173, %parallel_loop3A_245] : memref<832x33xf32, #tpu.memory_space<vmem>>[vector<16xi32>, vector<16xi32>], vector<16xf32>,
        %parallel_loop3A_247 = arith.constant 0 : i32
        %parallel_loop3A_248 = arith.constant 7 : i32
        %parallel_loop3A_249 = arith.index_cast %parallel_loop3A_165 : i32 to index
        %parallel_loop3A_250 = arith.index_cast %parallel_loop3A_247 : i32 to index
        %parallel_loop3A_251 = arith.index_cast %parallel_loop3A_248 : i32 to index
        %parallel_loop3A_252 = arith.constant 0 : index
        %parallel_loop3A_253 = tpu.vector_load %arg7[%parallel_loop3A_249, %parallel_loop3A_250, %parallel_loop3A_251, %parallel_loop3A_252] {strides = array<i32>} : memref<26x4x8x32xf32, #tpu.memory_space<vmem>>, vector<16xf32>,
        tpu.vector_store %arg7[%parallel_loop3A_249, %parallel_loop3A_250, %parallel_loop3A_251, %parallel_loop3A_252], %parallel_loop3A_246 {strides = array<i32>} : memref<26x4x8x32xf32, #tpu.memory_space<vmem>>, vector<16xf32>,
        %parallel_loop3A_254 = arith.constant 8 : i32
        %parallel_loop3A_255 = vector.broadcast %parallel_loop3A_254 : i32 to vector<16xi32>
        %parallel_loop3A_256 = tpu.vector_load_idx %arg5[%parallel_loop3A_173, %parallel_loop3A_255] : memref<832x33xf32, #tpu.memory_space<vmem>>[vector<16xi32>, vector<16xi32>], vector<16xf32>,
        %parallel_loop3A_257 = arith.constant 1 : i32
        %parallel_loop3A_258 = arith.constant 0 : i32
        %parallel_loop3A_259 = arith.index_cast %parallel_loop3A_165 : i32 to index
        %parallel_loop3A_260 = arith.index_cast %parallel_loop3A_257 : i32 to index
        %parallel_loop3A_261 = arith.index_cast %parallel_loop3A_258 : i32 to index
        %parallel_loop3A_262 = arith.constant 0 : index
        %parallel_loop3A_263 = tpu.vector_load %arg7[%parallel_loop3A_259, %parallel_loop3A_260, %parallel_loop3A_261, %parallel_loop3A_262] {strides = array<i32>} : memref<26x4x8x32xf32, #tpu.memory_space<vmem>>, vector<16xf32>,
        tpu.vector_store %arg7[%parallel_loop3A_259, %parallel_loop3A_260, %parallel_loop3A_261, %parallel_loop3A_262], %parallel_loop3A_256 {strides = array<i32>} : memref<26x4x8x32xf32, #tpu.memory_space<vmem>>, vector<16xf32>,
        %parallel_loop3A_264 = arith.constant 9 : i32
        %parallel_loop3A_265 = vector.broadcast %parallel_loop3A_264 : i32 to vector<16xi32>
        %parallel_loop3A_266 = tpu.vector_load_idx %arg5[%parallel_loop3A_173, %parallel_loop3A_265] : memref<832x33xf32, #tpu.memory_space<vmem>>[vector<16xi32>, vector<16xi32>], vector<16xf32>,
        %parallel_loop3A_267 = arith.constant 1 : i32
        %parallel_loop3A_268 = arith.constant 1 : i32
        %parallel_loop3A_269 = arith.index_cast %parallel_loop3A_165 : i32 to index
        %parallel_loop3A_270 = arith.index_cast %parallel_loop3A_267 : i32 to index
        %parallel_loop3A_271 = arith.index_cast %parallel_loop3A_268 : i32 to index
        %parallel_loop3A_272 = arith.constant 0 : index
        %parallel_loop3A_273 = tpu.vector_load %arg7[%parallel_loop3A_269, %parallel_loop3A_270, %parallel_loop3A_271, %parallel_loop3A_272] {strides = array<i32>} : memref<26x4x8x32xf32, #tpu.memory_space<vmem>>, vector<16xf32>,
        tpu.vector_store %arg7[%parallel_loop3A_269, %parallel_loop3A_270, %parallel_loop3A_271, %parallel_loop3A_272], %parallel_loop3A_266 {strides = array<i32>} : memref<26x4x8x32xf32, #tpu.memory_space<vmem>>, vector<16xf32>,
        %parallel_loop3A_274 = arith.constant 10 : i32
        %parallel_loop3A_275 = vector.broadcast %parallel_loop3A_274 : i32 to vector<16xi32>
        %parallel_loop3A_276 = tpu.vector_load_idx %arg5[%parallel_loop3A_173, %parallel_loop3A_275] : memref<832x33xf32, #tpu.memory_space<vmem>>[vector<16xi32>, vector<16xi32>], vector<16xf32>,
        %parallel_loop3A_277 = arith.constant 1 : i32
        %parallel_loop3A_278 = arith.constant 2 : i32
        %parallel_loop3A_279 = arith.index_cast %parallel_loop3A_165 : i32 to index
        %parallel_loop3A_280 = arith.index_cast %parallel_loop3A_277 : i32 to index
        %parallel_loop3A_281 = arith.index_cast %parallel_loop3A_278 : i32 to index
        %parallel_loop3A_282 = arith.constant 0 : index
        %parallel_loop3A_283 = tpu.vector_load %arg7[%parallel_loop3A_279, %parallel_loop3A_280, %parallel_loop3A_281, %parallel_loop3A_282] {strides = array<i32>} : memref<26x4x8x32xf32, #tpu.memory_space<vmem>>, vector<16xf32>,
        tpu.vector_store %arg7[%parallel_loop3A_279, %parallel_loop3A_280, %parallel_loop3A_281, %parallel_loop3A_282], %parallel_loop3A_276 {strides = array<i32>} : memref<26x4x8x32xf32, #tpu.memory_space<vmem>>, vector<16xf32>,
        %parallel_loop3A_284 = arith.constant 11 : i32
        %parallel_loop3A_285 = vector.broadcast %parallel_loop3A_284 : i32 to vector<16xi32>
        %parallel_loop3A_286 = tpu.vector_load_idx %arg5[%parallel_loop3A_173, %parallel_loop3A_285] : memref<832x33xf32, #tpu.memory_space<vmem>>[vector<16xi32>, vector<16xi32>], vector<16xf32>,
        %parallel_loop3A_287 = arith.constant 1 : i32
        %parallel_loop3A_288 = arith.constant 3 : i32
        %parallel_loop3A_289 = arith.index_cast %parallel_loop3A_165 : i32 to index
        %parallel_loop3A_290 = arith.index_cast %parallel_loop3A_287 : i32 to index
        %parallel_loop3A_291 = arith.index_cast %parallel_loop3A_288 : i32 to index
        %parallel_loop3A_292 = arith.constant 0 : index
        %parallel_loop3A_293 = tpu.vector_load %arg7[%parallel_loop3A_289, %parallel_loop3A_290, %parallel_loop3A_291, %parallel_loop3A_292] {strides = array<i32>} : memref<26x4x8x32xf32, #tpu.memory_space<vmem>>, vector<16xf32>,
        tpu.vector_store %arg7[%parallel_loop3A_289, %parallel_loop3A_290, %parallel_loop3A_291, %parallel_loop3A_292], %parallel_loop3A_286 {strides = array<i32>} : memref<26x4x8x32xf32, #tpu.memory_space<vmem>>, vector<16xf32>,
        %parallel_loop3A_294 = arith.constant 12 : i32
        %parallel_loop3A_295 = vector.broadcast %parallel_loop3A_294 : i32 to vector<16xi32>
        %parallel_loop3A_296 = tpu.vector_load_idx %arg5[%parallel_loop3A_173, %parallel_loop3A_295] : memref<832x33xf32, #tpu.memory_space<vmem>>[vector<16xi32>, vector<16xi32>], vector<16xf32>,
        %parallel_loop3A_297 = arith.constant 1 : i32
        %parallel_loop3A_298 = arith.constant 4 : i32
        %parallel_loop3A_299 = arith.index_cast %parallel_loop3A_165 : i32 to index
        %parallel_loop3A_300 = arith.index_cast %parallel_loop3A_297 : i32 to index
        %parallel_loop3A_301 = arith.index_cast %parallel_loop3A_298 : i32 to index
        %parallel_loop3A_302 = arith.constant 0 : index
        %parallel_loop3A_303 = tpu.vector_load %arg7[%parallel_loop3A_299, %parallel_loop3A_300, %parallel_loop3A_301, %parallel_loop3A_302] {strides = array<i32>} : memref<26x4x8x32xf32, #tpu.memory_space<vmem>>, vector<16xf32>,
        tpu.vector_store %arg7[%parallel_loop3A_299, %parallel_loop3A_300, %parallel_loop3A_301, %parallel_loop3A_302], %parallel_loop3A_296 {strides = array<i32>} : memref<26x4x8x32xf32, #tpu.memory_space<vmem>>, vector<16xf32>,
        %parallel_loop3A_304 = arith.constant 13 : i32
        %parallel_loop3A_305 = vector.broadcast %parallel_loop3A_304 : i32 to vector<16xi32>
        %parallel_loop3A_306 = tpu.vector_load_idx %arg5[%parallel_loop3A_173, %parallel_loop3A_305] : memref<832x33xf32, #tpu.memory_space<vmem>>[vector<16xi32>, vector<16xi32>], vector<16xf32>,
        %parallel_loop3A_307 = arith.constant 1 : i32
        %parallel_loop3A_308 = arith.constant 5 : i32
        %parallel_loop3A_309 = arith.index_cast %parallel_loop3A_165 : i32 to index
        %parallel_loop3A_310 = arith.index_cast %parallel_loop3A_307 : i32 to index
        %parallel_loop3A_311 = arith.index_cast %parallel_loop3A_308 : i32 to index
        %parallel_loop3A_312 = arith.constant 0 : index
        %parallel_loop3A_313 = tpu.vector_load %arg7[%parallel_loop3A_309, %parallel_loop3A_310, %parallel_loop3A_311, %parallel_loop3A_312] {strides = array<i32>} : memref<26x4x8x32xf32, #tpu.memory_space<vmem>>, vector<16xf32>,
        tpu.vector_store %arg7[%parallel_loop3A_309, %parallel_loop3A_310, %parallel_loop3A_311, %parallel_loop3A_312], %parallel_loop3A_306 {strides = array<i32>} : memref<26x4x8x32xf32, #tpu.memory_space<vmem>>, vector<16xf32>,
        %parallel_loop3A_314 = arith.constant 14 : i32
        %parallel_loop3A_315 = vector.broadcast %parallel_loop3A_314 : i32 to vector<16xi32>
        %parallel_loop3A_316 = tpu.vector_load_idx %arg5[%parallel_loop3A_173, %parallel_loop3A_315] : memref<832x33xf32, #tpu.memory_space<vmem>>[vector<16xi32>, vector<16xi32>], vector<16xf32>,
        %parallel_loop3A_317 = arith.constant 1 : i32
        %parallel_loop3A_318 = arith.constant 6 : i32
        %parallel_loop3A_319 = arith.index_cast %parallel_loop3A_165 : i32 to index
        %parallel_loop3A_320 = arith.index_cast %parallel_loop3A_317 : i32 to index
        %parallel_loop3A_321 = arith.index_cast %parallel_loop3A_318 : i32 to index
        %parallel_loop3A_322 = arith.constant 0 : index
        %parallel_loop3A_323 = tpu.vector_load %arg7[%parallel_loop3A_319, %parallel_loop3A_320, %parallel_loop3A_321, %parallel_loop3A_322] {strides = array<i32>} : memref<26x4x8x32xf32, #tpu.memory_space<vmem>>, vector<16xf32>,
        tpu.vector_store %arg7[%parallel_loop3A_319, %parallel_loop3A_320, %parallel_loop3A_321, %parallel_loop3A_322], %parallel_loop3A_316 {strides = array<i32>} : memref<26x4x8x32xf32, #tpu.memory_space<vmem>>, vector<16xf32>,
        %parallel_loop3A_324 = arith.constant 15 : i32
        %parallel_loop3A_325 = vector.broadcast %parallel_loop3A_324 : i32 to vector<16xi32>
        %parallel_loop3A_326 = tpu.vector_load_idx %arg5[%parallel_loop3A_173, %parallel_loop3A_325] : memref<832x33xf32, #tpu.memory_space<vmem>>[vector<16xi32>, vector<16xi32>], vector<16xf32>,
        %parallel_loop3A_327 = arith.constant 1 : i32
        %parallel_loop3A_328 = arith.constant 7 : i32
        %parallel_loop3A_329 = arith.index_cast %parallel_loop3A_165 : i32 to index
        %parallel_loop3A_330 = arith.index_cast %parallel_loop3A_327 : i32 to index
        %parallel_loop3A_331 = arith.index_cast %parallel_loop3A_328 : i32 to index
        %parallel_loop3A_332 = arith.constant 0 : index
        %parallel_loop3A_333 = tpu.vector_load %arg7[%parallel_loop3A_329, %parallel_loop3A_330, %parallel_loop3A_331, %parallel_loop3A_332] {strides = array<i32>} : memref<26x4x8x32xf32, #tpu.memory_space<vmem>>, vector<16xf32>,
        tpu.vector_store %arg7[%parallel_loop3A_329, %parallel_loop3A_330, %parallel_loop3A_331, %parallel_loop3A_332], %parallel_loop3A_326 {strides = array<i32>} : memref<26x4x8x32xf32, #tpu.memory_space<vmem>>, vector<16xf32>,
        %parallel_loop3A_334 = arith.constant 16 : i32
        %parallel_loop3A_335 = vector.broadcast %parallel_loop3A_334 : i32 to vector<16xi32>
        %parallel_loop3A_336 = tpu.vector_load_idx %arg5[%parallel_loop3A_173, %parallel_loop3A_335] : memref<832x33xf32, #tpu.memory_space<vmem>>[vector<16xi32>, vector<16xi32>], vector<16xf32>,
        %parallel_loop3A_337 = arith.constant 2 : i32
        %parallel_loop3A_338 = arith.constant 0 : i32
        %parallel_loop3A_339 = arith.index_cast %parallel_loop3A_165 : i32 to index
        %parallel_loop3A_340 = arith.index_cast %parallel_loop3A_337 : i32 to index
        %parallel_loop3A_341 = arith.index_cast %parallel_loop3A_338 : i32 to index
        %parallel_loop3A_342 = arith.constant 0 : index
        %parallel_loop3A_343 = tpu.vector_load %arg7[%parallel_loop3A_339, %parallel_loop3A_340, %parallel_loop3A_341, %parallel_loop3A_342] {strides = array<i32>} : memref<26x4x8x32xf32, #tpu.memory_space<vmem>>, vector<16xf32>,
        tpu.vector_store %arg7[%parallel_loop3A_339, %parallel_loop3A_340, %parallel_loop3A_341, %parallel_loop3A_342], %parallel_loop3A_336 {strides = array<i32>} : memref<26x4x8x32xf32, #tpu.memory_space<vmem>>, vector<16xf32>,
        %parallel_loop3A_344 = arith.constant 17 : i32
        %parallel_loop3A_345 = vector.broadcast %parallel_loop3A_344 : i32 to vector<16xi32>
        %parallel_loop3A_346 = tpu.vector_load_idx %arg5[%parallel_loop3A_173, %parallel_loop3A_345] : memref<832x33xf32, #tpu.memory_space<vmem>>[vector<16xi32>, vector<16xi32>], vector<16xf32>,
        %parallel_loop3A_347 = arith.constant 2 : i32
        %parallel_loop3A_348 = arith.constant 1 : i32
        %parallel_loop3A_349 = arith.index_cast %parallel_loop3A_165 : i32 to index
        %parallel_loop3A_350 = arith.index_cast %parallel_loop3A_347 : i32 to index
        %parallel_loop3A_351 = arith.index_cast %parallel_loop3A_348 : i32 to index
        %parallel_loop3A_352 = arith.constant 0 : index
        %parallel_loop3A_353 = tpu.vector_load %arg7[%parallel_loop3A_349, %parallel_loop3A_350, %parallel_loop3A_351, %parallel_loop3A_352] {strides = array<i32>} : memref<26x4x8x32xf32, #tpu.memory_space<vmem>>, vector<16xf32>,
        tpu.vector_store %arg7[%parallel_loop3A_349, %parallel_loop3A_350, %parallel_loop3A_351, %parallel_loop3A_352], %parallel_loop3A_346 {strides = array<i32>} : memref<26x4x8x32xf32, #tpu.memory_space<vmem>>, vector<16xf32>,
        %parallel_loop3A_354 = arith.constant 18 : i32
        %parallel_loop3A_355 = vector.broadcast %parallel_loop3A_354 : i32 to vector<16xi32>
        %parallel_loop3A_356 = tpu.vector_load_idx %arg5[%parallel_loop3A_173, %parallel_loop3A_355] : memref<832x33xf32, #tpu.memory_space<vmem>>[vector<16xi32>, vector<16xi32>], vector<16xf32>,
        %parallel_loop3A_357 = arith.constant 2 : i32
        %parallel_loop3A_358 = arith.constant 2 : i32
        %parallel_loop3A_359 = arith.index_cast %parallel_loop3A_165 : i32 to index
        %parallel_loop3A_360 = arith.index_cast %parallel_loop3A_357 : i32 to index
        %parallel_loop3A_361 = arith.index_cast %parallel_loop3A_358 : i32 to index
        %parallel_loop3A_362 = arith.constant 0 : index
        %parallel_loop3A_363 = tpu.vector_load %arg7[%parallel_loop3A_359, %parallel_loop3A_360, %parallel_loop3A_361, %parallel_loop3A_362] {strides = array<i32>} : memref<26x4x8x32xf32, #tpu.memory_space<vmem>>, vector<16xf32>,
        tpu.vector_store %arg7[%parallel_loop3A_359, %parallel_loop3A_360, %parallel_loop3A_361, %parallel_loop3A_362], %parallel_loop3A_356 {strides = array<i32>} : memref<26x4x8x32xf32, #tpu.memory_space<vmem>>, vector<16xf32>,
        %parallel_loop3A_364 = arith.constant 19 : i32
        %parallel_loop3A_365 = vector.broadcast %parallel_loop3A_364 : i32 to vector<16xi32>
        %parallel_loop3A_366 = tpu.vector_load_idx %arg5[%parallel_loop3A_173, %parallel_loop3A_365] : memref<832x33xf32, #tpu.memory_space<vmem>>[vector<16xi32>, vector<16xi32>], vector<16xf32>,
        %parallel_loop3A_367 = arith.constant 2 : i32
        %parallel_loop3A_368 = arith.constant 3 : i32
        %parallel_loop3A_369 = arith.index_cast %parallel_loop3A_165 : i32 to index
        %parallel_loop3A_370 = arith.index_cast %parallel_loop3A_367 : i32 to index
        %parallel_loop3A_371 = arith.index_cast %parallel_loop3A_368 : i32 to index
        %parallel_loop3A_372 = arith.constant 0 : index
        %parallel_loop3A_373 = tpu.vector_load %arg7[%parallel_loop3A_369, %parallel_loop3A_370, %parallel_loop3A_371, %parallel_loop3A_372] {strides = array<i32>} : memref<26x4x8x32xf32, #tpu.memory_space<vmem>>, vector<16xf32>,
        tpu.vector_store %arg7[%parallel_loop3A_369, %parallel_loop3A_370, %parallel_loop3A_371, %parallel_loop3A_372], %parallel_loop3A_366 {strides = array<i32>} : memref<26x4x8x32xf32, #tpu.memory_space<vmem>>, vector<16xf32>,
        %parallel_loop3A_374 = arith.constant 20 : i32
        %parallel_loop3A_375 = vector.broadcast %parallel_loop3A_374 : i32 to vector<16xi32>
        %parallel_loop3A_376 = tpu.vector_load_idx %arg5[%parallel_loop3A_173, %parallel_loop3A_375] : memref<832x33xf32, #tpu.memory_space<vmem>>[vector<16xi32>, vector<16xi32>], vector<16xf32>,
        %parallel_loop3A_377 = arith.constant 2 : i32
        %parallel_loop3A_378 = arith.constant 4 : i32
        %parallel_loop3A_379 = arith.index_cast %parallel_loop3A_165 : i32 to index
        %parallel_loop3A_380 = arith.index_cast %parallel_loop3A_377 : i32 to index
        %parallel_loop3A_381 = arith.index_cast %parallel_loop3A_378 : i32 to index
        %parallel_loop3A_382 = arith.constant 0 : index
        %parallel_loop3A_383 = tpu.vector_load %arg7[%parallel_loop3A_379, %parallel_loop3A_380, %parallel_loop3A_381, %parallel_loop3A_382] {strides = array<i32>} : memref<26x4x8x32xf32, #tpu.memory_space<vmem>>, vector<16xf32>,
        tpu.vector_store %arg7[%parallel_loop3A_379, %parallel_loop3A_380, %parallel_loop3A_381, %parallel_loop3A_382], %parallel_loop3A_376 {strides = array<i32>} : memref<26x4x8x32xf32, #tpu.memory_space<vmem>>, vector<16xf32>,
        %parallel_loop3A_384 = arith.constant 21 : i32
        %parallel_loop3A_385 = vector.broadcast %parallel_loop3A_384 : i32 to vector<16xi32>
        %parallel_loop3A_386 = tpu.vector_load_idx %arg5[%parallel_loop3A_173, %parallel_loop3A_385] : memref<832x33xf32, #tpu.memory_space<vmem>>[vector<16xi32>, vector<16xi32>], vector<16xf32>,
        %parallel_loop3A_387 = arith.constant 2 : i32
        %parallel_loop3A_388 = arith.constant 5 : i32
        %parallel_loop3A_389 = arith.index_cast %parallel_loop3A_165 : i32 to index
        %parallel_loop3A_390 = arith.index_cast %parallel_loop3A_387 : i32 to index
        %parallel_loop3A_391 = arith.index_cast %parallel_loop3A_388 : i32 to index
        %parallel_loop3A_392 = arith.constant 0 : index
        %parallel_loop3A_393 = tpu.vector_load %arg7[%parallel_loop3A_389, %parallel_loop3A_390, %parallel_loop3A_391, %parallel_loop3A_392] {strides = array<i32>} : memref<26x4x8x32xf32, #tpu.memory_space<vmem>>, vector<16xf32>,
        tpu.vector_store %arg7[%parallel_loop3A_389, %parallel_loop3A_390, %parallel_loop3A_391, %parallel_loop3A_392], %parallel_loop3A_386 {strides = array<i32>} : memref<26x4x8x32xf32, #tpu.memory_space<vmem>>, vector<16xf32>,
        %parallel_loop3A_394 = arith.constant 22 : i32
        %parallel_loop3A_395 = vector.broadcast %parallel_loop3A_394 : i32 to vector<16xi32>
        %parallel_loop3A_396 = tpu.vector_load_idx %arg5[%parallel_loop3A_173, %parallel_loop3A_395] : memref<832x33xf32, #tpu.memory_space<vmem>>[vector<16xi32>, vector<16xi32>], vector<16xf32>,
        %parallel_loop3A_397 = arith.constant 2 : i32
        %parallel_loop3A_398 = arith.constant 6 : i32
        %parallel_loop3A_399 = arith.index_cast %parallel_loop3A_165 : i32 to index
        %parallel_loop3A_400 = arith.index_cast %parallel_loop3A_397 : i32 to index
        %parallel_loop3A_401 = arith.index_cast %parallel_loop3A_398 : i32 to index
        %parallel_loop3A_402 = arith.constant 0 : index
        %parallel_loop3A_403 = tpu.vector_load %arg7[%parallel_loop3A_399, %parallel_loop3A_400, %parallel_loop3A_401, %parallel_loop3A_402] {strides = array<i32>} : memref<26x4x8x32xf32, #tpu.memory_space<vmem>>, vector<16xf32>,
        tpu.vector_store %arg7[%parallel_loop3A_399, %parallel_loop3A_400, %parallel_loop3A_401, %parallel_loop3A_402], %parallel_loop3A_396 {strides = array<i32>} : memref<26x4x8x32xf32, #tpu.memory_space<vmem>>, vector<16xf32>,
        %parallel_loop3A_404 = arith.constant 23 : i32
        %parallel_loop3A_405 = vector.broadcast %parallel_loop3A_404 : i32 to vector<16xi32>
        %parallel_loop3A_406 = tpu.vector_load_idx %arg5[%parallel_loop3A_173, %parallel_loop3A_405] : memref<832x33xf32, #tpu.memory_space<vmem>>[vector<16xi32>, vector<16xi32>], vector<16xf32>,
        %parallel_loop3A_407 = arith.constant 2 : i32
        %parallel_loop3A_408 = arith.constant 7 : i32
        %parallel_loop3A_409 = arith.index_cast %parallel_loop3A_165 : i32 to index
        %parallel_loop3A_410 = arith.index_cast %parallel_loop3A_407 : i32 to index
        %parallel_loop3A_411 = arith.index_cast %parallel_loop3A_408 : i32 to index
        %parallel_loop3A_412 = arith.constant 0 : index
        %parallel_loop3A_413 = tpu.vector_load %arg7[%parallel_loop3A_409, %parallel_loop3A_410, %parallel_loop3A_411, %parallel_loop3A_412] {strides = array<i32>} : memref<26x4x8x32xf32, #tpu.memory_space<vmem>>, vector<16xf32>,
        tpu.vector_store %arg7[%parallel_loop3A_409, %parallel_loop3A_410, %parallel_loop3A_411, %parallel_loop3A_412], %parallel_loop3A_406 {strides = array<i32>} : memref<26x4x8x32xf32, #tpu.memory_space<vmem>>, vector<16xf32>,
        %parallel_loop3A_414 = arith.constant 24 : i32
        %parallel_loop3A_415 = vector.broadcast %parallel_loop3A_414 : i32 to vector<16xi32>
        %parallel_loop3A_416 = tpu.vector_load_idx %arg5[%parallel_loop3A_173, %parallel_loop3A_415] : memref<832x33xf32, #tpu.memory_space<vmem>>[vector<16xi32>, vector<16xi32>], vector<16xf32>,
        %parallel_loop3A_417 = arith.constant 3 : i32
        %parallel_loop3A_418 = arith.constant 0 : i32
        %parallel_loop3A_419 = arith.index_cast %parallel_loop3A_165 : i32 to index
        %parallel_loop3A_420 = arith.index_cast %parallel_loop3A_417 : i32 to index
        %parallel_loop3A_421 = arith.index_cast %parallel_loop3A_418 : i32 to index
        %parallel_loop3A_422 = arith.constant 0 : index
        %parallel_loop3A_423 = tpu.vector_load %arg7[%parallel_loop3A_419, %parallel_loop3A_420, %parallel_loop3A_421, %parallel_loop3A_422] {strides = array<i32>} : memref<26x4x8x32xf32, #tpu.memory_space<vmem>>, vector<16xf32>,
        tpu.vector_store %arg7[%parallel_loop3A_419, %parallel_loop3A_420, %parallel_loop3A_421, %parallel_loop3A_422], %parallel_loop3A_416 {strides = array<i32>} : memref<26x4x8x32xf32, #tpu.memory_space<vmem>>, vector<16xf32>,
        %parallel_loop3A_424 = arith.constant 25 : i32
        %parallel_loop3A_425 = vector.broadcast %parallel_loop3A_424 : i32 to vector<16xi32>
        %parallel_loop3A_426 = tpu.vector_load_idx %arg5[%parallel_loop3A_173, %parallel_loop3A_425] : memref<832x33xf32, #tpu.memory_space<vmem>>[vector<16xi32>, vector<16xi32>], vector<16xf32>,
        %parallel_loop3A_427 = arith.constant 3 : i32
        %parallel_loop3A_428 = arith.constant 1 : i32
        %parallel_loop3A_429 = arith.index_cast %parallel_loop3A_165 : i32 to index
        %parallel_loop3A_430 = arith.index_cast %parallel_loop3A_427 : i32 to index
        %parallel_loop3A_431 = arith.index_cast %parallel_loop3A_428 : i32 to index
        %parallel_loop3A_432 = arith.constant 0 : index
        %parallel_loop3A_433 = tpu.vector_load %arg7[%parallel_loop3A_429, %parallel_loop3A_430, %parallel_loop3A_431, %parallel_loop3A_432] {strides = array<i32>} : memref<26x4x8x32xf32, #tpu.memory_space<vmem>>, vector<16xf32>,
        tpu.vector_store %arg7[%parallel_loop3A_429, %parallel_loop3A_430, %parallel_loop3A_431, %parallel_loop3A_432], %parallel_loop3A_426 {strides = array<i32>} : memref<26x4x8x32xf32, #tpu.memory_space<vmem>>, vector<16xf32>,
        %parallel_loop3A_434 = arith.constant 26 : i32
        %parallel_loop3A_435 = vector.broadcast %parallel_loop3A_434 : i32 to vector<16xi32>
        %parallel_loop3A_436 = tpu.vector_load_idx %arg5[%parallel_loop3A_173, %parallel_loop3A_435] : memref<832x33xf32, #tpu.memory_space<vmem>>[vector<16xi32>, vector<16xi32>], vector<16xf32>,
        %parallel_loop3A_437 = arith.constant 3 : i32
        %parallel_loop3A_438 = arith.constant 2 : i32
        %parallel_loop3A_439 = arith.index_cast %parallel_loop3A_165 : i32 to index
        %parallel_loop3A_440 = arith.index_cast %parallel_loop3A_437 : i32 to index
        %parallel_loop3A_441 = arith.index_cast %parallel_loop3A_438 : i32 to index
        %parallel_loop3A_442 = arith.constant 0 : index
        %parallel_loop3A_443 = tpu.vector_load %arg7[%parallel_loop3A_439, %parallel_loop3A_440, %parallel_loop3A_441, %parallel_loop3A_442] {strides = array<i32>} : memref<26x4x8x32xf32, #tpu.memory_space<vmem>>, vector<16xf32>,
        tpu.vector_store %arg7[%parallel_loop3A_439, %parallel_loop3A_440, %parallel_loop3A_441, %parallel_loop3A_442], %parallel_loop3A_436 {strides = array<i32>} : memref<26x4x8x32xf32, #tpu.memory_space<vmem>>, vector<16xf32>,
        %parallel_loop3A_444 = arith.constant 27 : i32
        %parallel_loop3A_445 = vector.broadcast %parallel_loop3A_444 : i32 to vector<16xi32>
        %parallel_loop3A_446 = tpu.vector_load_idx %arg5[%parallel_loop3A_173, %parallel_loop3A_445] : memref<832x33xf32, #tpu.memory_space<vmem>>[vector<16xi32>, vector<16xi32>], vector<16xf32>,
        %parallel_loop3A_447 = arith.constant 3 : i32
        %parallel_loop3A_448 = arith.constant 3 : i32
        %parallel_loop3A_449 = arith.index_cast %parallel_loop3A_165 : i32 to index
        %parallel_loop3A_450 = arith.index_cast %parallel_loop3A_447 : i32 to index
        %parallel_loop3A_451 = arith.index_cast %parallel_loop3A_448 : i32 to index
        %parallel_loop3A_452 = arith.constant 0 : index
        %parallel_loop3A_453 = tpu.vector_load %arg7[%parallel_loop3A_449, %parallel_loop3A_450, %parallel_loop3A_451, %parallel_loop3A_452] {strides = array<i32>} : memref<26x4x8x32xf32, #tpu.memory_space<vmem>>, vector<16xf32>,
        tpu.vector_store %arg7[%parallel_loop3A_449, %parallel_loop3A_450, %parallel_loop3A_451, %parallel_loop3A_452], %parallel_loop3A_446 {strides = array<i32>} : memref<26x4x8x32xf32, #tpu.memory_space<vmem>>, vector<16xf32>,
        %parallel_loop3A_454 = arith.constant 28 : i32
        %parallel_loop3A_455 = vector.broadcast %parallel_loop3A_454 : i32 to vector<16xi32>
        %parallel_loop3A_456 = tpu.vector_load_idx %arg5[%parallel_loop3A_173, %parallel_loop3A_455] : memref<832x33xf32, #tpu.memory_space<vmem>>[vector<16xi32>, vector<16xi32>], vector<16xf32>,
        %parallel_loop3A_457 = arith.constant 3 : i32
        %parallel_loop3A_458 = arith.constant 4 : i32
        %parallel_loop3A_459 = arith.index_cast %parallel_loop3A_165 : i32 to index
        %parallel_loop3A_460 = arith.index_cast %parallel_loop3A_457 : i32 to index
        %parallel_loop3A_461 = arith.index_cast %parallel_loop3A_458 : i32 to index
        %parallel_loop3A_462 = arith.constant 0 : index
        %parallel_loop3A_463 = tpu.vector_load %arg7[%parallel_loop3A_459, %parallel_loop3A_460, %parallel_loop3A_461, %parallel_loop3A_462] {strides = array<i32>} : memref<26x4x8x32xf32, #tpu.memory_space<vmem>>, vector<16xf32>,
        tpu.vector_store %arg7[%parallel_loop3A_459, %parallel_loop3A_460, %parallel_loop3A_461, %parallel_loop3A_462], %parallel_loop3A_456 {strides = array<i32>} : memref<26x4x8x32xf32, #tpu.memory_space<vmem>>, vector<16xf32>,
        %parallel_loop3A_464 = arith.constant 29 : i32
        %parallel_loop3A_465 = vector.broadcast %parallel_loop3A_464 : i32 to vector<16xi32>
        %parallel_loop3A_466 = tpu.vector_load_idx %arg5[%parallel_loop3A_173, %parallel_loop3A_465] : memref<832x33xf32, #tpu.memory_space<vmem>>[vector<16xi32>, vector<16xi32>], vector<16xf32>,
        %parallel_loop3A_467 = arith.constant 3 : i32
        %parallel_loop3A_468 = arith.constant 5 : i32
        %parallel_loop3A_469 = arith.index_cast %parallel_loop3A_165 : i32 to index
        %parallel_loop3A_470 = arith.index_cast %parallel_loop3A_467 : i32 to index
        %parallel_loop3A_471 = arith.index_cast %parallel_loop3A_468 : i32 to index
        %parallel_loop3A_472 = arith.constant 0 : index
        %parallel_loop3A_473 = tpu.vector_load %arg7[%parallel_loop3A_469, %parallel_loop3A_470, %parallel_loop3A_471, %parallel_loop3A_472] {strides = array<i32>} : memref<26x4x8x32xf32, #tpu.memory_space<vmem>>, vector<16xf32>,
        tpu.vector_store %arg7[%parallel_loop3A_469, %parallel_loop3A_470, %parallel_loop3A_471, %parallel_loop3A_472], %parallel_loop3A_466 {strides = array<i32>} : memref<26x4x8x32xf32, #tpu.memory_space<vmem>>, vector<16xf32>,
        %parallel_loop3A_474 = arith.constant 30 : i32
        %parallel_loop3A_475 = vector.broadcast %parallel_loop3A_474 : i32 to vector<16xi32>
        %parallel_loop3A_476 = tpu.vector_load_idx %arg5[%parallel_loop3A_173, %parallel_loop3A_475] : memref<832x33xf32, #tpu.memory_space<vmem>>[vector<16xi32>, vector<16xi32>], vector<16xf32>,
        %parallel_loop3A_477 = arith.constant 3 : i32
        %parallel_loop3A_478 = arith.constant 6 : i32
        %parallel_loop3A_479 = arith.index_cast %parallel_loop3A_165 : i32 to index
        %parallel_loop3A_480 = arith.index_cast %parallel_loop3A_477 : i32 to index
        %parallel_loop3A_481 = arith.index_cast %parallel_loop3A_478 : i32 to index
        %parallel_loop3A_482 = arith.constant 0 : index
        %parallel_loop3A_483 = tpu.vector_load %arg7[%parallel_loop3A_479, %parallel_loop3A_480, %parallel_loop3A_481, %parallel_loop3A_482] {strides = array<i32>} : memref<26x4x8x32xf32, #tpu.memory_space<vmem>>, vector<16xf32>,
        tpu.vector_store %arg7[%parallel_loop3A_479, %parallel_loop3A_480, %parallel_loop3A_481, %parallel_loop3A_482], %parallel_loop3A_476 {strides = array<i32>} : memref<26x4x8x32xf32, #tpu.memory_space<vmem>>, vector<16xf32>,
        %parallel_loop3A_484 = arith.constant 31 : i32
        %parallel_loop3A_485 = vector.broadcast %parallel_loop3A_484 : i32 to vector<16xi32>
        %parallel_loop3A_486 = tpu.vector_load_idx %arg5[%parallel_loop3A_173, %parallel_loop3A_485] : memref<832x33xf32, #tpu.memory_space<vmem>>[vector<16xi32>, vector<16xi32>], vector<16xf32>,
        %parallel_loop3A_487 = arith.constant 3 : i32
        %parallel_loop3A_488 = arith.constant 7 : i32
        %parallel_loop3A_489 = arith.index_cast %parallel_loop3A_165 : i32 to index
        %parallel_loop3A_490 = arith.index_cast %parallel_loop3A_487 : i32 to index
        %parallel_loop3A_491 = arith.index_cast %parallel_loop3A_488 : i32 to index
        %parallel_loop3A_492 = arith.constant 0 : index
        %parallel_loop3A_493 = tpu.vector_load %arg7[%parallel_loop3A_489, %parallel_loop3A_490, %parallel_loop3A_491, %parallel_loop3A_492] {strides = array<i32>} : memref<26x4x8x32xf32, #tpu.memory_space<vmem>>, vector<16xf32>,
        tpu.vector_store %arg7[%parallel_loop3A_489, %parallel_loop3A_490, %parallel_loop3A_491, %parallel_loop3A_492], %parallel_loop3A_486 {strides = array<i32>} : memref<26x4x8x32xf32, #tpu.memory_space<vmem>>, vector<16xf32>,
        %parallel_loop3A_494 = arith.constant 26 : i32
        %parallel_loop3A_495 = vector.broadcast %parallel_loop3A_494 : i32 to vector<16xi32>
        %parallel_loop3A_496 = arith.muli %parallel_loop3A_166, %parallel_loop3A_495 : vector<16xi32>
        %parallel_loop3A_497 = arith.constant 416 : i32
        %parallel_loop3A_498 = arith.addi %parallel_loop3A_497, %parallel_loop3A_165 : i32
        %parallel_loop3A_499 = vector.broadcast %parallel_loop3A_498 : i32 to vector<16xi32>
        %parallel_loop3A_500 = arith.addi %parallel_loop3A_496, %parallel_loop3A_499 : vector<16xi32>
        %parallel_loop3A_501 = arith.constant 0 : i32
        %parallel_loop3A_502 = vector.broadcast %parallel_loop3A_501 : i32 to vector<16xi32>
        %parallel_loop3A_503 = tpu.vector_load_idx %arg5[%parallel_loop3A_500, %parallel_loop3A_502] : memref<832x33xf32, #tpu.memory_space<vmem>>[vector<16xi32>, vector<16xi32>], vector<16xf32>,
        %parallel_loop3A_504 = arith.constant 0 : i32
        %parallel_loop3A_505 = arith.constant 0 : i32
        %parallel_loop3A_506 = arith.index_cast %parallel_loop3A_165 : i32 to index
        %parallel_loop3A_507 = arith.index_cast %parallel_loop3A_504 : i32 to index
        %parallel_loop3A_508 = arith.index_cast %parallel_loop3A_505 : i32 to index
        %parallel_loop3A_509 = arith.constant 16 : index
        %parallel_loop3A_510 = tpu.vector_load %arg7[%parallel_loop3A_506, %parallel_loop3A_507, %parallel_loop3A_508, %parallel_loop3A_509] {strides = array<i32>} : memref<26x4x8x32xf32, #tpu.memory_space<vmem>>, vector<16xf32>,
        tpu.vector_store %arg7[%parallel_loop3A_506, %parallel_loop3A_507, %parallel_loop3A_508, %parallel_loop3A_509], %parallel_loop3A_503 {strides = array<i32>} : memref<26x4x8x32xf32, #tpu.memory_space<vmem>>, vector<16xf32>,
        %parallel_loop3A_511 = arith.constant 1 : i32
        %parallel_loop3A_512 = vector.broadcast %parallel_loop3A_511 : i32 to vector<16xi32>
        %parallel_loop3A_513 = tpu.vector_load_idx %arg5[%parallel_loop3A_500, %parallel_loop3A_512] : memref<832x33xf32, #tpu.memory_space<vmem>>[vector<16xi32>, vector<16xi32>], vector<16xf32>,
        %parallel_loop3A_514 = arith.constant 0 : i32
        %parallel_loop3A_515 = arith.constant 1 : i32
        %parallel_loop3A_516 = arith.index_cast %parallel_loop3A_165 : i32 to index
        %parallel_loop3A_517 = arith.index_cast %parallel_loop3A_514 : i32 to index
        %parallel_loop3A_518 = arith.index_cast %parallel_loop3A_515 : i32 to index
        %parallel_loop3A_519 = arith.constant 16 : index
        %parallel_loop3A_520 = tpu.vector_load %arg7[%parallel_loop3A_516, %parallel_loop3A_517, %parallel_loop3A_518, %parallel_loop3A_519] {strides = array<i32>} : memref<26x4x8x32xf32, #tpu.memory_space<vmem>>, vector<16xf32>,
        tpu.vector_store %arg7[%parallel_loop3A_516, %parallel_loop3A_517, %parallel_loop3A_518, %parallel_loop3A_519], %parallel_loop3A_513 {strides = array<i32>} : memref<26x4x8x32xf32, #tpu.memory_space<vmem>>, vector<16xf32>,
        %parallel_loop3A_521 = arith.constant 2 : i32
        %parallel_loop3A_522 = vector.broadcast %parallel_loop3A_521 : i32 to vector<16xi32>
        %parallel_loop3A_523 = tpu.vector_load_idx %arg5[%parallel_loop3A_500, %parallel_loop3A_522] : memref<832x33xf32, #tpu.memory_space<vmem>>[vector<16xi32>, vector<16xi32>], vector<16xf32>,
        %parallel_loop3A_524 = arith.constant 0 : i32
        %parallel_loop3A_525 = arith.constant 2 : i32
        %parallel_loop3A_526 = arith.index_cast %parallel_loop3A_165 : i32 to index
        %parallel_loop3A_527 = arith.index_cast %parallel_loop3A_524 : i32 to index
        %parallel_loop3A_528 = arith.index_cast %parallel_loop3A_525 : i32 to index
        %parallel_loop3A_529 = arith.constant 16 : index
        %parallel_loop3A_530 = tpu.vector_load %arg7[%parallel_loop3A_526, %parallel_loop3A_527, %parallel_loop3A_528, %parallel_loop3A_529] {strides = array<i32>} : memref<26x4x8x32xf32, #tpu.memory_space<vmem>>, vector<16xf32>,
        tpu.vector_store %arg7[%parallel_loop3A_526, %parallel_loop3A_527, %parallel_loop3A_528, %parallel_loop3A_529], %parallel_loop3A_523 {strides = array<i32>} : memref<26x4x8x32xf32, #tpu.memory_space<vmem>>, vector<16xf32>,
        %parallel_loop3A_531 = arith.constant 3 : i32
        %parallel_loop3A_532 = vector.broadcast %parallel_loop3A_531 : i32 to vector<16xi32>
        %parallel_loop3A_533 = tpu.vector_load_idx %arg5[%parallel_loop3A_500, %parallel_loop3A_532] : memref<832x33xf32, #tpu.memory_space<vmem>>[vector<16xi32>, vector<16xi32>], vector<16xf32>,
        %parallel_loop3A_534 = arith.constant 0 : i32
        %parallel_loop3A_535 = arith.constant 3 : i32
        %parallel_loop3A_536 = arith.index_cast %parallel_loop3A_165 : i32 to index
        %parallel_loop3A_537 = arith.index_cast %parallel_loop3A_534 : i32 to index
        %parallel_loop3A_538 = arith.index_cast %parallel_loop3A_535 : i32 to index
        %parallel_loop3A_539 = arith.constant 16 : index
        %parallel_loop3A_540 = tpu.vector_load %arg7[%parallel_loop3A_536, %parallel_loop3A_537, %parallel_loop3A_538, %parallel_loop3A_539] {strides = array<i32>} : memref<26x4x8x32xf32, #tpu.memory_space<vmem>>, vector<16xf32>,
        tpu.vector_store %arg7[%parallel_loop3A_536, %parallel_loop3A_537, %parallel_loop3A_538, %parallel_loop3A_539], %parallel_loop3A_533 {strides = array<i32>} : memref<26x4x8x32xf32, #tpu.memory_space<vmem>>, vector<16xf32>,
        %parallel_loop3A_541 = arith.constant 4 : i32
        %parallel_loop3A_542 = vector.broadcast %parallel_loop3A_541 : i32 to vector<16xi32>
        %parallel_loop3A_543 = tpu.vector_load_idx %arg5[%parallel_loop3A_500, %parallel_loop3A_542] : memref<832x33xf32, #tpu.memory_space<vmem>>[vector<16xi32>, vector<16xi32>], vector<16xf32>,
        %parallel_loop3A_544 = arith.constant 0 : i32
        %parallel_loop3A_545 = arith.constant 4 : i32
        %parallel_loop3A_546 = arith.index_cast %parallel_loop3A_165 : i32 to index
        %parallel_loop3A_547 = arith.index_cast %parallel_loop3A_544 : i32 to index
        %parallel_loop3A_548 = arith.index_cast %parallel_loop3A_545 : i32 to index
        %parallel_loop3A_549 = arith.constant 16 : index
        %parallel_loop3A_550 = tpu.vector_load %arg7[%parallel_loop3A_546, %parallel_loop3A_547, %parallel_loop3A_548, %parallel_loop3A_549] {strides = array<i32>} : memref<26x4x8x32xf32, #tpu.memory_space<vmem>>, vector<16xf32>,
        tpu.vector_store %arg7[%parallel_loop3A_546, %parallel_loop3A_547, %parallel_loop3A_548, %parallel_loop3A_549], %parallel_loop3A_543 {strides = array<i32>} : memref<26x4x8x32xf32, #tpu.memory_space<vmem>>, vector<16xf32>,
        %parallel_loop3A_551 = arith.constant 5 : i32
        %parallel_loop3A_552 = vector.broadcast %parallel_loop3A_551 : i32 to vector<16xi32>
        %parallel_loop3A_553 = tpu.vector_load_idx %arg5[%parallel_loop3A_500, %parallel_loop3A_552] : memref<832x33xf32, #tpu.memory_space<vmem>>[vector<16xi32>, vector<16xi32>], vector<16xf32>,
        %parallel_loop3A_554 = arith.constant 0 : i32
        %parallel_loop3A_555 = arith.constant 5 : i32
        %parallel_loop3A_556 = arith.index_cast %parallel_loop3A_165 : i32 to index
        %parallel_loop3A_557 = arith.index_cast %parallel_loop3A_554 : i32 to index
        %parallel_loop3A_558 = arith.index_cast %parallel_loop3A_555 : i32 to index
        %parallel_loop3A_559 = arith.constant 16 : index
        %parallel_loop3A_560 = tpu.vector_load %arg7[%parallel_loop3A_556, %parallel_loop3A_557, %parallel_loop3A_558, %parallel_loop3A_559] {strides = array<i32>} : memref<26x4x8x32xf32, #tpu.memory_space<vmem>>, vector<16xf32>,
        tpu.vector_store %arg7[%parallel_loop3A_556, %parallel_loop3A_557, %parallel_loop3A_558, %parallel_loop3A_559], %parallel_loop3A_553 {strides = array<i32>} : memref<26x4x8x32xf32, #tpu.memory_space<vmem>>, vector<16xf32>,
        %parallel_loop3A_561 = arith.constant 6 : i32
        %parallel_loop3A_562 = vector.broadcast %parallel_loop3A_561 : i32 to vector<16xi32>
        %parallel_loop3A_563 = tpu.vector_load_idx %arg5[%parallel_loop3A_500, %parallel_loop3A_562] : memref<832x33xf32, #tpu.memory_space<vmem>>[vector<16xi32>, vector<16xi32>], vector<16xf32>,
        %parallel_loop3A_564 = arith.constant 0 : i32
        %parallel_loop3A_565 = arith.constant 6 : i32
        %parallel_loop3A_566 = arith.index_cast %parallel_loop3A_165 : i32 to index
        %parallel_loop3A_567 = arith.index_cast %parallel_loop3A_564 : i32 to index
        %parallel_loop3A_568 = arith.index_cast %parallel_loop3A_565 : i32 to index
        %parallel_loop3A_569 = arith.constant 16 : index
        %parallel_loop3A_570 = tpu.vector_load %arg7[%parallel_loop3A_566, %parallel_loop3A_567, %parallel_loop3A_568, %parallel_loop3A_569] {strides = array<i32>} : memref<26x4x8x32xf32, #tpu.memory_space<vmem>>, vector<16xf32>,
        tpu.vector_store %arg7[%parallel_loop3A_566, %parallel_loop3A_567, %parallel_loop3A_568, %parallel_loop3A_569], %parallel_loop3A_563 {strides = array<i32>} : memref<26x4x8x32xf32, #tpu.memory_space<vmem>>, vector<16xf32>,
        %parallel_loop3A_571 = arith.constant 7 : i32
        %parallel_loop3A_572 = vector.broadcast %parallel_loop3A_571 : i32 to vector<16xi32>
        %parallel_loop3A_573 = tpu.vector_load_idx %arg5[%parallel_loop3A_500, %parallel_loop3A_572] : memref<832x33xf32, #tpu.memory_space<vmem>>[vector<16xi32>, vector<16xi32>], vector<16xf32>,
        %parallel_loop3A_574 = arith.constant 0 : i32
        %parallel_loop3A_575 = arith.constant 7 : i32
        %parallel_loop3A_576 = arith.index_cast %parallel_loop3A_165 : i32 to index
        %parallel_loop3A_577 = arith.index_cast %parallel_loop3A_574 : i32 to index
        %parallel_loop3A_578 = arith.index_cast %parallel_loop3A_575 : i32 to index
        %parallel_loop3A_579 = arith.constant 16 : index
        %parallel_loop3A_580 = tpu.vector_load %arg7[%parallel_loop3A_576, %parallel_loop3A_577, %parallel_loop3A_578, %parallel_loop3A_579] {strides = array<i32>} : memref<26x4x8x32xf32, #tpu.memory_space<vmem>>, vector<16xf32>,
        tpu.vector_store %arg7[%parallel_loop3A_576, %parallel_loop3A_577, %parallel_loop3A_578, %parallel_loop3A_579], %parallel_loop3A_573 {strides = array<i32>} : memref<26x4x8x32xf32, #tpu.memory_space<vmem>>, vector<16xf32>,
        %parallel_loop3A_581 = arith.constant 8 : i32
        %parallel_loop3A_582 = vector.broadcast %parallel_loop3A_581 : i32 to vector<16xi32>
        %parallel_loop3A_583 = tpu.vector_load_idx %arg5[%parallel_loop3A_500, %parallel_loop3A_582] : memref<832x33xf32, #tpu.memory_space<vmem>>[vector<16xi32>, vector<16xi32>], vector<16xf32>,
        %parallel_loop3A_584 = arith.constant 1 : i32
        %parallel_loop3A_585 = arith.constant 0 : i32
        %parallel_loop3A_586 = arith.index_cast %parallel_loop3A_165 : i32 to index
        %parallel_loop3A_587 = arith.index_cast %parallel_loop3A_584 : i32 to index
        %parallel_loop3A_588 = arith.index_cast %parallel_loop3A_585 : i32 to index
        %parallel_loop3A_589 = arith.constant 16 : index
        %parallel_loop3A_590 = tpu.vector_load %arg7[%parallel_loop3A_586, %parallel_loop3A_587, %parallel_loop3A_588, %parallel_loop3A_589] {strides = array<i32>} : memref<26x4x8x32xf32, #tpu.memory_space<vmem>>, vector<16xf32>,
        tpu.vector_store %arg7[%parallel_loop3A_586, %parallel_loop3A_587, %parallel_loop3A_588, %parallel_loop3A_589], %parallel_loop3A_583 {strides = array<i32>} : memref<26x4x8x32xf32, #tpu.memory_space<vmem>>, vector<16xf32>,
        %parallel_loop3A_591 = arith.constant 9 : i32
        %parallel_loop3A_592 = vector.broadcast %parallel_loop3A_591 : i32 to vector<16xi32>
        %parallel_loop3A_593 = tpu.vector_load_idx %arg5[%parallel_loop3A_500, %parallel_loop3A_592] : memref<832x33xf32, #tpu.memory_space<vmem>>[vector<16xi32>, vector<16xi32>], vector<16xf32>,
        %parallel_loop3A_594 = arith.constant 1 : i32
        %parallel_loop3A_595 = arith.constant 1 : i32
        %parallel_loop3A_596 = arith.index_cast %parallel_loop3A_165 : i32 to index
        %parallel_loop3A_597 = arith.index_cast %parallel_loop3A_594 : i32 to index
        %parallel_loop3A_598 = arith.index_cast %parallel_loop3A_595 : i32 to index
        %parallel_loop3A_599 = arith.constant 16 : index
        %parallel_loop3A_600 = tpu.vector_load %arg7[%parallel_loop3A_596, %parallel_loop3A_597, %parallel_loop3A_598, %parallel_loop3A_599] {strides = array<i32>} : memref<26x4x8x32xf32, #tpu.memory_space<vmem>>, vector<16xf32>,
        tpu.vector_store %arg7[%parallel_loop3A_596, %parallel_loop3A_597, %parallel_loop3A_598, %parallel_loop3A_599], %parallel_loop3A_593 {strides = array<i32>} : memref<26x4x8x32xf32, #tpu.memory_space<vmem>>, vector<16xf32>,
        %parallel_loop3A_601 = arith.constant 10 : i32
        %parallel_loop3A_602 = vector.broadcast %parallel_loop3A_601 : i32 to vector<16xi32>
        %parallel_loop3A_603 = tpu.vector_load_idx %arg5[%parallel_loop3A_500, %parallel_loop3A_602] : memref<832x33xf32, #tpu.memory_space<vmem>>[vector<16xi32>, vector<16xi32>], vector<16xf32>,
        %parallel_loop3A_604 = arith.constant 1 : i32
        %parallel_loop3A_605 = arith.constant 2 : i32
        %parallel_loop3A_606 = arith.index_cast %parallel_loop3A_165 : i32 to index
        %parallel_loop3A_607 = arith.index_cast %parallel_loop3A_604 : i32 to index
        %parallel_loop3A_608 = arith.index_cast %parallel_loop3A_605 : i32 to index
        %parallel_loop3A_609 = arith.constant 16 : index
        %parallel_loop3A_610 = tpu.vector_load %arg7[%parallel_loop3A_606, %parallel_loop3A_607, %parallel_loop3A_608, %parallel_loop3A_609] {strides = array<i32>} : memref<26x4x8x32xf32, #tpu.memory_space<vmem>>, vector<16xf32>,
        tpu.vector_store %arg7[%parallel_loop3A_606, %parallel_loop3A_607, %parallel_loop3A_608, %parallel_loop3A_609], %parallel_loop3A_603 {strides = array<i32>} : memref<26x4x8x32xf32, #tpu.memory_space<vmem>>, vector<16xf32>,
        %parallel_loop3A_611 = arith.constant 11 : i32
        %parallel_loop3A_612 = vector.broadcast %parallel_loop3A_611 : i32 to vector<16xi32>
        %parallel_loop3A_613 = tpu.vector_load_idx %arg5[%parallel_loop3A_500, %parallel_loop3A_612] : memref<832x33xf32, #tpu.memory_space<vmem>>[vector<16xi32>, vector<16xi32>], vector<16xf32>,
        %parallel_loop3A_614 = arith.constant 1 : i32
        %parallel_loop3A_615 = arith.constant 3 : i32
        %parallel_loop3A_616 = arith.index_cast %parallel_loop3A_165 : i32 to index
        %parallel_loop3A_617 = arith.index_cast %parallel_loop3A_614 : i32 to index
        %parallel_loop3A_618 = arith.index_cast %parallel_loop3A_615 : i32 to index
        %parallel_loop3A_619 = arith.constant 16 : index
        %parallel_loop3A_620 = tpu.vector_load %arg7[%parallel_loop3A_616, %parallel_loop3A_617, %parallel_loop3A_618, %parallel_loop3A_619] {strides = array<i32>} : memref<26x4x8x32xf32, #tpu.memory_space<vmem>>, vector<16xf32>,
        tpu.vector_store %arg7[%parallel_loop3A_616, %parallel_loop3A_617, %parallel_loop3A_618, %parallel_loop3A_619], %parallel_loop3A_613 {strides = array<i32>} : memref<26x4x8x32xf32, #tpu.memory_space<vmem>>, vector<16xf32>,
        %parallel_loop3A_621 = arith.constant 12 : i32
        %parallel_loop3A_622 = vector.broadcast %parallel_loop3A_621 : i32 to vector<16xi32>
        %parallel_loop3A_623 = tpu.vector_load_idx %arg5[%parallel_loop3A_500, %parallel_loop3A_622] : memref<832x33xf32, #tpu.memory_space<vmem>>[vector<16xi32>, vector<16xi32>], vector<16xf32>,
        %parallel_loop3A_624 = arith.constant 1 : i32
        %parallel_loop3A_625 = arith.constant 4 : i32
        %parallel_loop3A_626 = arith.index_cast %parallel_loop3A_165 : i32 to index
        %parallel_loop3A_627 = arith.index_cast %parallel_loop3A_624 : i32 to index
        %parallel_loop3A_628 = arith.index_cast %parallel_loop3A_625 : i32 to index
        %parallel_loop3A_629 = arith.constant 16 : index
        %parallel_loop3A_630 = tpu.vector_load %arg7[%parallel_loop3A_626, %parallel_loop3A_627, %parallel_loop3A_628, %parallel_loop3A_629] {strides = array<i32>} : memref<26x4x8x32xf32, #tpu.memory_space<vmem>>, vector<16xf32>,
        tpu.vector_store %arg7[%parallel_loop3A_626, %parallel_loop3A_627, %parallel_loop3A_628, %parallel_loop3A_629], %parallel_loop3A_623 {strides = array<i32>} : memref<26x4x8x32xf32, #tpu.memory_space<vmem>>, vector<16xf32>,
        %parallel_loop3A_631 = arith.constant 13 : i32
        %parallel_loop3A_632 = vector.broadcast %parallel_loop3A_631 : i32 to vector<16xi32>
        %parallel_loop3A_633 = tpu.vector_load_idx %arg5[%parallel_loop3A_500, %parallel_loop3A_632] : memref<832x33xf32, #tpu.memory_space<vmem>>[vector<16xi32>, vector<16xi32>], vector<16xf32>,
        %parallel_loop3A_634 = arith.constant 1 : i32
        %parallel_loop3A_635 = arith.constant 5 : i32
        %parallel_loop3A_636 = arith.index_cast %parallel_loop3A_165 : i32 to index
        %parallel_loop3A_637 = arith.index_cast %parallel_loop3A_634 : i32 to index
        %parallel_loop3A_638 = arith.index_cast %parallel_loop3A_635 : i32 to index
        %parallel_loop3A_639 = arith.constant 16 : index
        %parallel_loop3A_640 = tpu.vector_load %arg7[%parallel_loop3A_636, %parallel_loop3A_637, %parallel_loop3A_638, %parallel_loop3A_639] {strides = array<i32>} : memref<26x4x8x32xf32, #tpu.memory_space<vmem>>, vector<16xf32>,
        tpu.vector_store %arg7[%parallel_loop3A_636, %parallel_loop3A_637, %parallel_loop3A_638, %parallel_loop3A_639], %parallel_loop3A_633 {strides = array<i32>} : memref<26x4x8x32xf32, #tpu.memory_space<vmem>>, vector<16xf32>,
        %parallel_loop3A_641 = arith.constant 14 : i32
        %parallel_loop3A_642 = vector.broadcast %parallel_loop3A_641 : i32 to vector<16xi32>
        %parallel_loop3A_643 = tpu.vector_load_idx %arg5[%parallel_loop3A_500, %parallel_loop3A_642] : memref<832x33xf32, #tpu.memory_space<vmem>>[vector<16xi32>, vector<16xi32>], vector<16xf32>,
        %parallel_loop3A_644 = arith.constant 1 : i32
        %parallel_loop3A_645 = arith.constant 6 : i32
        %parallel_loop3A_646 = arith.index_cast %parallel_loop3A_165 : i32 to index
        %parallel_loop3A_647 = arith.index_cast %parallel_loop3A_644 : i32 to index
        %parallel_loop3A_648 = arith.index_cast %parallel_loop3A_645 : i32 to index
        %parallel_loop3A_649 = arith.constant 16 : index
        %parallel_loop3A_650 = tpu.vector_load %arg7[%parallel_loop3A_646, %parallel_loop3A_647, %parallel_loop3A_648, %parallel_loop3A_649] {strides = array<i32>} : memref<26x4x8x32xf32, #tpu.memory_space<vmem>>, vector<16xf32>,
        tpu.vector_store %arg7[%parallel_loop3A_646, %parallel_loop3A_647, %parallel_loop3A_648, %parallel_loop3A_649], %parallel_loop3A_643 {strides = array<i32>} : memref<26x4x8x32xf32, #tpu.memory_space<vmem>>, vector<16xf32>,
        %parallel_loop3A_651 = arith.constant 15 : i32
        %parallel_loop3A_652 = vector.broadcast %parallel_loop3A_651 : i32 to vector<16xi32>
        %parallel_loop3A_653 = tpu.vector_load_idx %arg5[%parallel_loop3A_500, %parallel_loop3A_652] : memref<832x33xf32, #tpu.memory_space<vmem>>[vector<16xi32>, vector<16xi32>], vector<16xf32>,
        %parallel_loop3A_654 = arith.constant 1 : i32
        %parallel_loop3A_655 = arith.constant 7 : i32
        %parallel_loop3A_656 = arith.index_cast %parallel_loop3A_165 : i32 to index
        %parallel_loop3A_657 = arith.index_cast %parallel_loop3A_654 : i32 to index
        %parallel_loop3A_658 = arith.index_cast %parallel_loop3A_655 : i32 to index
        %parallel_loop3A_659 = arith.constant 16 : index
        %parallel_loop3A_660 = tpu.vector_load %arg7[%parallel_loop3A_656, %parallel_loop3A_657, %parallel_loop3A_658, %parallel_loop3A_659] {strides = array<i32>} : memref<26x4x8x32xf32, #tpu.memory_space<vmem>>, vector<16xf32>,
        tpu.vector_store %arg7[%parallel_loop3A_656, %parallel_loop3A_657, %parallel_loop3A_658, %parallel_loop3A_659], %parallel_loop3A_653 {strides = array<i32>} : memref<26x4x8x32xf32, #tpu.memory_space<vmem>>, vector<16xf32>,
        %parallel_loop3A_661 = arith.constant 16 : i32
        %parallel_loop3A_662 = vector.broadcast %parallel_loop3A_661 : i32 to vector<16xi32>
        %parallel_loop3A_663 = tpu.vector_load_idx %arg5[%parallel_loop3A_500, %parallel_loop3A_662] : memref<832x33xf32, #tpu.memory_space<vmem>>[vector<16xi32>, vector<16xi32>], vector<16xf32>,
        %parallel_loop3A_664 = arith.constant 2 : i32
        %parallel_loop3A_665 = arith.constant 0 : i32
        %parallel_loop3A_666 = arith.index_cast %parallel_loop3A_165 : i32 to index
        %parallel_loop3A_667 = arith.index_cast %parallel_loop3A_664 : i32 to index
        %parallel_loop3A_668 = arith.index_cast %parallel_loop3A_665 : i32 to index
        %parallel_loop3A_669 = arith.constant 16 : index
        %parallel_loop3A_670 = tpu.vector_load %arg7[%parallel_loop3A_666, %parallel_loop3A_667, %parallel_loop3A_668, %parallel_loop3A_669] {strides = array<i32>} : memref<26x4x8x32xf32, #tpu.memory_space<vmem>>, vector<16xf32>,
        tpu.vector_store %arg7[%parallel_loop3A_666, %parallel_loop3A_667, %parallel_loop3A_668, %parallel_loop3A_669], %parallel_loop3A_663 {strides = array<i32>} : memref<26x4x8x32xf32, #tpu.memory_space<vmem>>, vector<16xf32>,
        %parallel_loop3A_671 = arith.constant 17 : i32
        %parallel_loop3A_672 = vector.broadcast %parallel_loop3A_671 : i32 to vector<16xi32>
        %parallel_loop3A_673 = tpu.vector_load_idx %arg5[%parallel_loop3A_500, %parallel_loop3A_672] : memref<832x33xf32, #tpu.memory_space<vmem>>[vector<16xi32>, vector<16xi32>], vector<16xf32>,
        %parallel_loop3A_674 = arith.constant 2 : i32
        %parallel_loop3A_675 = arith.constant 1 : i32
        %parallel_loop3A_676 = arith.index_cast %parallel_loop3A_165 : i32 to index
        %parallel_loop3A_677 = arith.index_cast %parallel_loop3A_674 : i32 to index
        %parallel_loop3A_678 = arith.index_cast %parallel_loop3A_675 : i32 to index
        %parallel_loop3A_679 = arith.constant 16 : index
        %parallel_loop3A_680 = tpu.vector_load %arg7[%parallel_loop3A_676, %parallel_loop3A_677, %parallel_loop3A_678, %parallel_loop3A_679] {strides = array<i32>} : memref<26x4x8x32xf32, #tpu.memory_space<vmem>>, vector<16xf32>,
        tpu.vector_store %arg7[%parallel_loop3A_676, %parallel_loop3A_677, %parallel_loop3A_678, %parallel_loop3A_679], %parallel_loop3A_673 {strides = array<i32>} : memref<26x4x8x32xf32, #tpu.memory_space<vmem>>, vector<16xf32>,
        %parallel_loop3A_681 = arith.constant 18 : i32
        %parallel_loop3A_682 = vector.broadcast %parallel_loop3A_681 : i32 to vector<16xi32>
        %parallel_loop3A_683 = tpu.vector_load_idx %arg5[%parallel_loop3A_500, %parallel_loop3A_682] : memref<832x33xf32, #tpu.memory_space<vmem>>[vector<16xi32>, vector<16xi32>], vector<16xf32>,
        %parallel_loop3A_684 = arith.constant 2 : i32
        %parallel_loop3A_685 = arith.constant 2 : i32
        %parallel_loop3A_686 = arith.index_cast %parallel_loop3A_165 : i32 to index
        %parallel_loop3A_687 = arith.index_cast %parallel_loop3A_684 : i32 to index
        %parallel_loop3A_688 = arith.index_cast %parallel_loop3A_685 : i32 to index
        %parallel_loop3A_689 = arith.constant 16 : index
        %parallel_loop3A_690 = tpu.vector_load %arg7[%parallel_loop3A_686, %parallel_loop3A_687, %parallel_loop3A_688, %parallel_loop3A_689] {strides = array<i32>} : memref<26x4x8x32xf32, #tpu.memory_space<vmem>>, vector<16xf32>,
        tpu.vector_store %arg7[%parallel_loop3A_686, %parallel_loop3A_687, %parallel_loop3A_688, %parallel_loop3A_689], %parallel_loop3A_683 {strides = array<i32>} : memref<26x4x8x32xf32, #tpu.memory_space<vmem>>, vector<16xf32>,
        %parallel_loop3A_691 = arith.constant 19 : i32
        %parallel_loop3A_692 = vector.broadcast %parallel_loop3A_691 : i32 to vector<16xi32>
        %parallel_loop3A_693 = tpu.vector_load_idx %arg5[%parallel_loop3A_500, %parallel_loop3A_692] : memref<832x33xf32, #tpu.memory_space<vmem>>[vector<16xi32>, vector<16xi32>], vector<16xf32>,
        %parallel_loop3A_694 = arith.constant 2 : i32
        %parallel_loop3A_695 = arith.constant 3 : i32
        %parallel_loop3A_696 = arith.index_cast %parallel_loop3A_165 : i32 to index
        %parallel_loop3A_697 = arith.index_cast %parallel_loop3A_694 : i32 to index
        %parallel_loop3A_698 = arith.index_cast %parallel_loop3A_695 : i32 to index
        %parallel_loop3A_699 = arith.constant 16 : index
        %parallel_loop3A_700 = tpu.vector_load %arg7[%parallel_loop3A_696, %parallel_loop3A_697, %parallel_loop3A_698, %parallel_loop3A_699] {strides = array<i32>} : memref<26x4x8x32xf32, #tpu.memory_space<vmem>>, vector<16xf32>,
        tpu.vector_store %arg7[%parallel_loop3A_696, %parallel_loop3A_697, %parallel_loop3A_698, %parallel_loop3A_699], %parallel_loop3A_693 {strides = array<i32>} : memref<26x4x8x32xf32, #tpu.memory_space<vmem>>, vector<16xf32>,
        %parallel_loop3A_701 = arith.constant 20 : i32
        %parallel_loop3A_702 = vector.broadcast %parallel_loop3A_701 : i32 to vector<16xi32>
        %parallel_loop3A_703 = tpu.vector_load_idx %arg5[%parallel_loop3A_500, %parallel_loop3A_702] : memref<832x33xf32, #tpu.memory_space<vmem>>[vector<16xi32>, vector<16xi32>], vector<16xf32>,
        %parallel_loop3A_704 = arith.constant 2 : i32
        %parallel_loop3A_705 = arith.constant 4 : i32
        %parallel_loop3A_706 = arith.index_cast %parallel_loop3A_165 : i32 to index
        %parallel_loop3A_707 = arith.index_cast %parallel_loop3A_704 : i32 to index
        %parallel_loop3A_708 = arith.index_cast %parallel_loop3A_705 : i32 to index
        %parallel_loop3A_709 = arith.constant 16 : index
        %parallel_loop3A_710 = tpu.vector_load %arg7[%parallel_loop3A_706, %parallel_loop3A_707, %parallel_loop3A_708, %parallel_loop3A_709] {strides = array<i32>} : memref<26x4x8x32xf32, #tpu.memory_space<vmem>>, vector<16xf32>,
        tpu.vector_store %arg7[%parallel_loop3A_706, %parallel_loop3A_707, %parallel_loop3A_708, %parallel_loop3A_709], %parallel_loop3A_703 {strides = array<i32>} : memref<26x4x8x32xf32, #tpu.memory_space<vmem>>, vector<16xf32>,
        %parallel_loop3A_711 = arith.constant 21 : i32
        %parallel_loop3A_712 = vector.broadcast %parallel_loop3A_711 : i32 to vector<16xi32>
        %parallel_loop3A_713 = tpu.vector_load_idx %arg5[%parallel_loop3A_500, %parallel_loop3A_712] : memref<832x33xf32, #tpu.memory_space<vmem>>[vector<16xi32>, vector<16xi32>], vector<16xf32>,
        %parallel_loop3A_714 = arith.constant 2 : i32
        %parallel_loop3A_715 = arith.constant 5 : i32
        %parallel_loop3A_716 = arith.index_cast %parallel_loop3A_165 : i32 to index
        %parallel_loop3A_717 = arith.index_cast %parallel_loop3A_714 : i32 to index
        %parallel_loop3A_718 = arith.index_cast %parallel_loop3A_715 : i32 to index
        %parallel_loop3A_719 = arith.constant 16 : index
        %parallel_loop3A_720 = tpu.vector_load %arg7[%parallel_loop3A_716, %parallel_loop3A_717, %parallel_loop3A_718, %parallel_loop3A_719] {strides = array<i32>} : memref<26x4x8x32xf32, #tpu.memory_space<vmem>>, vector<16xf32>,
        tpu.vector_store %arg7[%parallel_loop3A_716, %parallel_loop3A_717, %parallel_loop3A_718, %parallel_loop3A_719], %parallel_loop3A_713 {strides = array<i32>} : memref<26x4x8x32xf32, #tpu.memory_space<vmem>>, vector<16xf32>,
        %parallel_loop3A_721 = arith.constant 22 : i32
        %parallel_loop3A_722 = vector.broadcast %parallel_loop3A_721 : i32 to vector<16xi32>
        %parallel_loop3A_723 = tpu.vector_load_idx %arg5[%parallel_loop3A_500, %parallel_loop3A_722] : memref<832x33xf32, #tpu.memory_space<vmem>>[vector<16xi32>, vector<16xi32>], vector<16xf32>,
        %parallel_loop3A_724 = arith.constant 2 : i32
        %parallel_loop3A_725 = arith.constant 6 : i32
        %parallel_loop3A_726 = arith.index_cast %parallel_loop3A_165 : i32 to index
        %parallel_loop3A_727 = arith.index_cast %parallel_loop3A_724 : i32 to index
        %parallel_loop3A_728 = arith.index_cast %parallel_loop3A_725 : i32 to index
        %parallel_loop3A_729 = arith.constant 16 : index
        %parallel_loop3A_730 = tpu.vector_load %arg7[%parallel_loop3A_726, %parallel_loop3A_727, %parallel_loop3A_728, %parallel_loop3A_729] {strides = array<i32>} : memref<26x4x8x32xf32, #tpu.memory_space<vmem>>, vector<16xf32>,
        tpu.vector_store %arg7[%parallel_loop3A_726, %parallel_loop3A_727, %parallel_loop3A_728, %parallel_loop3A_729], %parallel_loop3A_723 {strides = array<i32>} : memref<26x4x8x32xf32, #tpu.memory_space<vmem>>, vector<16xf32>,
        %parallel_loop3A_731 = arith.constant 23 : i32
        %parallel_loop3A_732 = vector.broadcast %parallel_loop3A_731 : i32 to vector<16xi32>
        %parallel_loop3A_733 = tpu.vector_load_idx %arg5[%parallel_loop3A_500, %parallel_loop3A_732] : memref<832x33xf32, #tpu.memory_space<vmem>>[vector<16xi32>, vector<16xi32>], vector<16xf32>,
        %parallel_loop3A_734 = arith.constant 2 : i32
        %parallel_loop3A_735 = arith.constant 7 : i32
        %parallel_loop3A_736 = arith.index_cast %parallel_loop3A_165 : i32 to index
        %parallel_loop3A_737 = arith.index_cast %parallel_loop3A_734 : i32 to index
        %parallel_loop3A_738 = arith.index_cast %parallel_loop3A_735 : i32 to index
        %parallel_loop3A_739 = arith.constant 16 : index
        %parallel_loop3A_740 = tpu.vector_load %arg7[%parallel_loop3A_736, %parallel_loop3A_737, %parallel_loop3A_738, %parallel_loop3A_739] {strides = array<i32>} : memref<26x4x8x32xf32, #tpu.memory_space<vmem>>, vector<16xf32>,
        tpu.vector_store %arg7[%parallel_loop3A_736, %parallel_loop3A_737, %parallel_loop3A_738, %parallel_loop3A_739], %parallel_loop3A_733 {strides = array<i32>} : memref<26x4x8x32xf32, #tpu.memory_space<vmem>>, vector<16xf32>,
        %parallel_loop3A_741 = arith.constant 24 : i32
        %parallel_loop3A_742 = vector.broadcast %parallel_loop3A_741 : i32 to vector<16xi32>
        %parallel_loop3A_743 = tpu.vector_load_idx %arg5[%parallel_loop3A_500, %parallel_loop3A_742] : memref<832x33xf32, #tpu.memory_space<vmem>>[vector<16xi32>, vector<16xi32>], vector<16xf32>,
        %parallel_loop3A_744 = arith.constant 3 : i32
        %parallel_loop3A_745 = arith.constant 0 : i32
        %parallel_loop3A_746 = arith.index_cast %parallel_loop3A_165 : i32 to index
        %parallel_loop3A_747 = arith.index_cast %parallel_loop3A_744 : i32 to index
        %parallel_loop3A_748 = arith.index_cast %parallel_loop3A_745 : i32 to index
        %parallel_loop3A_749 = arith.constant 16 : index
        %parallel_loop3A_750 = tpu.vector_load %arg7[%parallel_loop3A_746, %parallel_loop3A_747, %parallel_loop3A_748, %parallel_loop3A_749] {strides = array<i32>} : memref<26x4x8x32xf32, #tpu.memory_space<vmem>>, vector<16xf32>,
        tpu.vector_store %arg7[%parallel_loop3A_746, %parallel_loop3A_747, %parallel_loop3A_748, %parallel_loop3A_749], %parallel_loop3A_743 {strides = array<i32>} : memref<26x4x8x32xf32, #tpu.memory_space<vmem>>, vector<16xf32>,
        %parallel_loop3A_751 = arith.constant 25 : i32
        %parallel_loop3A_752 = vector.broadcast %parallel_loop3A_751 : i32 to vector<16xi32>
        %parallel_loop3A_753 = tpu.vector_load_idx %arg5[%parallel_loop3A_500, %parallel_loop3A_752] : memref<832x33xf32, #tpu.memory_space<vmem>>[vector<16xi32>, vector<16xi32>], vector<16xf32>,
        %parallel_loop3A_754 = arith.constant 3 : i32
        %parallel_loop3A_755 = arith.constant 1 : i32
        %parallel_loop3A_756 = arith.index_cast %parallel_loop3A_165 : i32 to index
        %parallel_loop3A_757 = arith.index_cast %parallel_loop3A_754 : i32 to index
        %parallel_loop3A_758 = arith.index_cast %parallel_loop3A_755 : i32 to index
        %parallel_loop3A_759 = arith.constant 16 : index
        %parallel_loop3A_760 = tpu.vector_load %arg7[%parallel_loop3A_756, %parallel_loop3A_757, %parallel_loop3A_758, %parallel_loop3A_759] {strides = array<i32>} : memref<26x4x8x32xf32, #tpu.memory_space<vmem>>, vector<16xf32>,
        tpu.vector_store %arg7[%parallel_loop3A_756, %parallel_loop3A_757, %parallel_loop3A_758, %parallel_loop3A_759], %parallel_loop3A_753 {strides = array<i32>} : memref<26x4x8x32xf32, #tpu.memory_space<vmem>>, vector<16xf32>,
        %parallel_loop3A_761 = arith.constant 26 : i32
        %parallel_loop3A_762 = vector.broadcast %parallel_loop3A_761 : i32 to vector<16xi32>
        %parallel_loop3A_763 = tpu.vector_load_idx %arg5[%parallel_loop3A_500, %parallel_loop3A_762] : memref<832x33xf32, #tpu.memory_space<vmem>>[vector<16xi32>, vector<16xi32>], vector<16xf32>,
        %parallel_loop3A_764 = arith.constant 3 : i32
        %parallel_loop3A_765 = arith.constant 2 : i32
        %parallel_loop3A_766 = arith.index_cast %parallel_loop3A_165 : i32 to index
        %parallel_loop3A_767 = arith.index_cast %parallel_loop3A_764 : i32 to index
        %parallel_loop3A_768 = arith.index_cast %parallel_loop3A_765 : i32 to index
        %parallel_loop3A_769 = arith.constant 16 : index
        %parallel_loop3A_770 = tpu.vector_load %arg7[%parallel_loop3A_766, %parallel_loop3A_767, %parallel_loop3A_768, %parallel_loop3A_769] {strides = array<i32>} : memref<26x4x8x32xf32, #tpu.memory_space<vmem>>, vector<16xf32>,
        tpu.vector_store %arg7[%parallel_loop3A_766, %parallel_loop3A_767, %parallel_loop3A_768, %parallel_loop3A_769], %parallel_loop3A_763 {strides = array<i32>} : memref<26x4x8x32xf32, #tpu.memory_space<vmem>>, vector<16xf32>,
        %parallel_loop3A_771 = arith.constant 27 : i32
        %parallel_loop3A_772 = vector.broadcast %parallel_loop3A_771 : i32 to vector<16xi32>
        %parallel_loop3A_773 = tpu.vector_load_idx %arg5[%parallel_loop3A_500, %parallel_loop3A_772] : memref<832x33xf32, #tpu.memory_space<vmem>>[vector<16xi32>, vector<16xi32>], vector<16xf32>,
        %parallel_loop3A_774 = arith.constant 3 : i32
        %parallel_loop3A_775 = arith.constant 3 : i32
        %parallel_loop3A_776 = arith.index_cast %parallel_loop3A_165 : i32 to index
        %parallel_loop3A_777 = arith.index_cast %parallel_loop3A_774 : i32 to index
        %parallel_loop3A_778 = arith.index_cast %parallel_loop3A_775 : i32 to index
        %parallel_loop3A_779 = arith.constant 16 : index
        %parallel_loop3A_780 = tpu.vector_load %arg7[%parallel_loop3A_776, %parallel_loop3A_777, %parallel_loop3A_778, %parallel_loop3A_779] {strides = array<i32>} : memref<26x4x8x32xf32, #tpu.memory_space<vmem>>, vector<16xf32>,
        tpu.vector_store %arg7[%parallel_loop3A_776, %parallel_loop3A_777, %parallel_loop3A_778, %parallel_loop3A_779], %parallel_loop3A_773 {strides = array<i32>} : memref<26x4x8x32xf32, #tpu.memory_space<vmem>>, vector<16xf32>,
        %parallel_loop3A_781 = arith.constant 28 : i32
        %parallel_loop3A_782 = vector.broadcast %parallel_loop3A_781 : i32 to vector<16xi32>
        %parallel_loop3A_783 = tpu.vector_load_idx %arg5[%parallel_loop3A_500, %parallel_loop3A_782] : memref<832x33xf32, #tpu.memory_space<vmem>>[vector<16xi32>, vector<16xi32>], vector<16xf32>,
        %parallel_loop3A_784 = arith.constant 3 : i32
        %parallel_loop3A_785 = arith.constant 4 : i32
        %parallel_loop3A_786 = arith.index_cast %parallel_loop3A_165 : i32 to index
        %parallel_loop3A_787 = arith.index_cast %parallel_loop3A_784 : i32 to index
        %parallel_loop3A_788 = arith.index_cast %parallel_loop3A_785 : i32 to index
        %parallel_loop3A_789 = arith.constant 16 : index
        %parallel_loop3A_790 = tpu.vector_load %arg7[%parallel_loop3A_786, %parallel_loop3A_787, %parallel_loop3A_788, %parallel_loop3A_789] {strides = array<i32>} : memref<26x4x8x32xf32, #tpu.memory_space<vmem>>, vector<16xf32>,
        tpu.vector_store %arg7[%parallel_loop3A_786, %parallel_loop3A_787, %parallel_loop3A_788, %parallel_loop3A_789], %parallel_loop3A_783 {strides = array<i32>} : memref<26x4x8x32xf32, #tpu.memory_space<vmem>>, vector<16xf32>,
        %parallel_loop3A_791 = arith.constant 29 : i32
        %parallel_loop3A_792 = vector.broadcast %parallel_loop3A_791 : i32 to vector<16xi32>
        %parallel_loop3A_793 = tpu.vector_load_idx %arg5[%parallel_loop3A_500, %parallel_loop3A_792] : memref<832x33xf32, #tpu.memory_space<vmem>>[vector<16xi32>, vector<16xi32>], vector<16xf32>,
        %parallel_loop3A_794 = arith.constant 3 : i32
        %parallel_loop3A_795 = arith.constant 5 : i32
        %parallel_loop3A_796 = arith.index_cast %parallel_loop3A_165 : i32 to index
        %parallel_loop3A_797 = arith.index_cast %parallel_loop3A_794 : i32 to index
        %parallel_loop3A_798 = arith.index_cast %parallel_loop3A_795 : i32 to index
        %parallel_loop3A_799 = arith.constant 16 : index
        %parallel_loop3A_800 = tpu.vector_load %arg7[%parallel_loop3A_796, %parallel_loop3A_797, %parallel_loop3A_798, %parallel_loop3A_799] {strides = array<i32>} : memref<26x4x8x32xf32, #tpu.memory_space<vmem>>, vector<16xf32>,
        tpu.vector_store %arg7[%parallel_loop3A_796, %parallel_loop3A_797, %parallel_loop3A_798, %parallel_loop3A_799], %parallel_loop3A_793 {strides = array<i32>} : memref<26x4x8x32xf32, #tpu.memory_space<vmem>>, vector<16xf32>,
        %parallel_loop3A_801 = arith.constant 30 : i32
        %parallel_loop3A_802 = vector.broadcast %parallel_loop3A_801 : i32 to vector<16xi32>
        %parallel_loop3A_803 = tpu.vector_load_idx %arg5[%parallel_loop3A_500, %parallel_loop3A_802] : memref<832x33xf32, #tpu.memory_space<vmem>>[vector<16xi32>, vector<16xi32>], vector<16xf32>,
        %parallel_loop3A_804 = arith.constant 3 : i32
        %parallel_loop3A_805 = arith.constant 6 : i32
        %parallel_loop3A_806 = arith.index_cast %parallel_loop3A_165 : i32 to index
        %parallel_loop3A_807 = arith.index_cast %parallel_loop3A_804 : i32 to index
        %parallel_loop3A_808 = arith.index_cast %parallel_loop3A_805 : i32 to index
        %parallel_loop3A_809 = arith.constant 16 : index
        %parallel_loop3A_810 = tpu.vector_load %arg7[%parallel_loop3A_806, %parallel_loop3A_807, %parallel_loop3A_808, %parallel_loop3A_809] {strides = array<i32>} : memref<26x4x8x32xf32, #tpu.memory_space<vmem>>, vector<16xf32>,
        tpu.vector_store %arg7[%parallel_loop3A_806, %parallel_loop3A_807, %parallel_loop3A_808, %parallel_loop3A_809], %parallel_loop3A_803 {strides = array<i32>} : memref<26x4x8x32xf32, #tpu.memory_space<vmem>>, vector<16xf32>,
        %parallel_loop3A_811 = arith.constant 31 : i32
        %parallel_loop3A_812 = vector.broadcast %parallel_loop3A_811 : i32 to vector<16xi32>
        %parallel_loop3A_813 = tpu.vector_load_idx %arg5[%parallel_loop3A_500, %parallel_loop3A_812] : memref<832x33xf32, #tpu.memory_space<vmem>>[vector<16xi32>, vector<16xi32>], vector<16xf32>,
        %parallel_loop3A_814 = arith.constant 3 : i32
        %parallel_loop3A_815 = arith.constant 7 : i32
        %parallel_loop3A_816 = arith.index_cast %parallel_loop3A_165 : i32 to index
        %parallel_loop3A_817 = arith.index_cast %parallel_loop3A_814 : i32 to index
        %parallel_loop3A_818 = arith.index_cast %parallel_loop3A_815 : i32 to index
        %parallel_loop3A_819 = arith.constant 16 : index
        %parallel_loop3A_820 = tpu.vector_load %arg7[%parallel_loop3A_816, %parallel_loop3A_817, %parallel_loop3A_818, %parallel_loop3A_819] {strides = array<i32>} : memref<26x4x8x32xf32, #tpu.memory_space<vmem>>, vector<16xf32>,
        tpu.vector_store %arg7[%parallel_loop3A_816, %parallel_loop3A_817, %parallel_loop3A_818, %parallel_loop3A_819], %parallel_loop3A_813 {strides = array<i32>} : memref<26x4x8x32xf32, #tpu.memory_space<vmem>>, vector<16xf32>,
      } {sc.loop_unroll_factor = 2 : i64, sc.parallel_access}
      %mul3A_145 = arith.constant 4 : i32
      %mul3A_146 = arith.muli %add3A, %mul3A_145 : i32
      %shift_right_logical3A_147 = arith.constant 2 : i32
      %shift_right_logical3A_148 = arith.shrui %add3A_119, %shift_right_logical3A_147 : i32
      %add3A_149 = arith.addi %mul3A_146, %shift_right_logical3A_148 : i32
      %and3A_150 = arith.constant 3 : i32
      %and3A_151 = arith.andi %add3A_119, %and3A_150 : i32
      %mul3A_152 = arith.constant 32 : i32
      %mul3A_153 = arith.muli %and3A_151, %mul3A_152 : i32
      %dma_start3A_154 = arith.constant 0 : i32
      %dma_start3A_155 = arith.constant 0 : i32
      %dma_start3A_156 = arith.constant 0 : i32
      %dma_start3A_157 = tpu.memref_slice %arg3[%dma_start3A_154, %dma_start3A_155, %add3A_149, %dma_start3A_156, %mul3A_153] : memref<26x4x128x8x128xf32, #tpu.memory_space<hbm>> -> memref<26x4x1x8x32xf32, #tpu.memory_space<hbm>>
      %dma_start3A_158 = tpu.memref_squeeze %dma_start3A_157 : memref<26x4x1x8x32xf32, #tpu.memory_space<hbm>> -> memref<26x4x8x32xf32, #tpu.memory_space<hbm>>
      %dma_start3A_159 = arith.constant 0 : i32
      %dma_start3A_160 = arith.constant 0 : i32
      %dma_start3A_161 = arith.constant 0 : i32
      %dma_start3A_162 = tpu.memref_slice %arg3[%dma_start3A_159, %dma_start3A_160, %add3A_149, %dma_start3A_161, %mul3A_153] : memref<26x4x128x8x128xf32, #tpu.memory_space<hbm>> -> memref<26x4x1x8x32xf32, #tpu.memory_space<hbm>>
      %dma_start3A_163 = tpu.memref_squeeze %dma_start3A_162 : memref<26x4x1x8x32xf32, #tpu.memory_space<hbm>> -> memref<26x4x8x32xf32, #tpu.memory_space<hbm>>
      tpu.enqueue_dma source(%arg7 : memref<26x4x8x32xf32, #tpu.memory_space<vmem>>) target(%dma_start3A_163 : memref<26x4x8x32xf32, #tpu.memory_space<hbm>>) target_semaphore(%arg11 : memref<!tpu.dma_semaphore, #tpu.memory_space<semaphore_mem>>)
      %scan3A_164 = arith.constant 0 : i32
      scf.yield %scan3A_164 : i32
    }
    %scan3A_19 = arith.constant 8 : i32
    %mul3A_20 = arith.constant 4 : i32
    %mul3A_21 = arith.muli %add3A, %mul3A_20 : i32
    %shift_right_logical3A = arith.constant 14 : i32
    %shift_right_logical3A_22 = arith.constant 2 : i32
    %shift_right_logical3A_23 = arith.shrui %shift_right_logical3A, %shift_right_logical3A_22 : i32
    %add3A_24 = arith.addi %mul3A_21, %shift_right_logical3A_23 : i32
    %and3A = arith.constant 14 : i32
    %and3A_25 = arith.constant 3 : i32
    %and3A_26 = arith.andi %and3A, %and3A_25 : i32
    %mul3A_27 = arith.constant 32 : i32
    %mul3A_28 = arith.muli %and3A_26, %mul3A_27 : i32
    %dma_wait3A = arith.constant 0 : i32
    %dma_wait3A_29 = arith.constant 0 : i32
    %dma_wait3A_30 = arith.constant 0 : i32
    %dma_wait3A_31 = tpu.memref_slice %arg3[%dma_wait3A, %dma_wait3A_29, %add3A_24, %dma_wait3A_30, %mul3A_28] : memref<26x4x128x8x128xf32, #tpu.memory_space<hbm>> -> memref<26x4x1x8x32xf32, #tpu.memory_space<hbm>>
    %dma_wait3A_32 = tpu.memref_squeeze %dma_wait3A_31 : memref<26x4x1x8x32xf32, #tpu.memory_space<hbm>> -> memref<26x4x8x32xf32, #tpu.memory_space<hbm>>
    %dma_wait3A_33 = arith.constant 0 : i32
    %dma_wait3A_34 = arith.constant 0 : i32
    %dma_wait3A_35 = arith.constant 0 : i32
    %dma_wait3A_36 = tpu.memref_slice %arg3[%dma_wait3A_33, %dma_wait3A_34, %add3A_24, %dma_wait3A_35, %mul3A_28] : memref<26x4x128x8x128xf32, #tpu.memory_space<hbm>> -> memref<26x4x1x8x32xf32, #tpu.memory_space<hbm>>
    %dma_wait3A_37 = tpu.memref_squeeze %dma_wait3A_36 : memref<26x4x1x8x32xf32, #tpu.memory_space<hbm>> -> memref<26x4x8x32xf32, #tpu.memory_space<hbm>>
    tpu.wait_dma2 semaphore(%arg10 : memref<!tpu.dma_semaphore, #tpu.memory_space<semaphore_mem>>) src(%arg6 : memref<26x4x8x32xf32, #tpu.memory_space<vmem>>) dst(%dma_wait3A_37 : memref<26x4x8x32xf32, #tpu.memory_space<hbm>>)
    %mul3A_38 = arith.constant 4 : i32
    %mul3A_39 = arith.muli %add3A, %mul3A_38 : i32
    %shift_right_logical3A_40 = arith.constant 15 : i32
    %shift_right_logical3A_41 = arith.constant 2 : i32
    %shift_right_logical3A_42 = arith.shrui %shift_right_logical3A_40, %shift_right_logical3A_41 : i32
    %add3A_43 = arith.addi %mul3A_39, %shift_right_logical3A_42 : i32
    %and3A_44 = arith.constant 15 : i32
    %and3A_45 = arith.constant 3 : i32
    %and3A_46 = arith.andi %and3A_44, %and3A_45 : i32
    %mul3A_47 = arith.constant 32 : i32
    %mul3A_48 = arith.muli %and3A_46, %mul3A_47 : i32
    %dma_wait3A_49 = arith.constant 0 : i32
    %dma_wait3A_50 = arith.constant 0 : i32
    %dma_wait3A_51 = arith.constant 0 : i32
    %dma_wait3A_52 = tpu.memref_slice %arg3[%dma_wait3A_49, %dma_wait3A_50, %add3A_43, %dma_wait3A_51, %mul3A_48] : memref<26x4x128x8x128xf32, #tpu.memory_space<hbm>> -> memref<26x4x1x8x32xf32, #tpu.memory_space<hbm>>
    %dma_wait3A_53 = tpu.memref_squeeze %dma_wait3A_52 : memref<26x4x1x8x32xf32, #tpu.memory_space<hbm>> -> memref<26x4x8x32xf32, #tpu.memory_space<hbm>>
    %dma_wait3A_54 = arith.constant 0 : i32
    %dma_wait3A_55 = arith.constant 0 : i32
    %dma_wait3A_56 = arith.constant 0 : i32
    %dma_wait3A_57 = tpu.memref_slice %arg3[%dma_wait3A_54, %dma_wait3A_55, %add3A_43, %dma_wait3A_56, %mul3A_48] : memref<26x4x128x8x128xf32, #tpu.memory_space<hbm>> -> memref<26x4x1x8x32xf32, #tpu.memory_space<hbm>>
    %dma_wait3A_58 = tpu.memref_squeeze %dma_wait3A_57 : memref<26x4x1x8x32xf32, #tpu.memory_space<hbm>> -> memref<26x4x8x32xf32, #tpu.memory_space<hbm>>
    tpu.wait_dma2 semaphore(%arg11 : memref<!tpu.dma_semaphore, #tpu.memory_space<semaphore_mem>>) src(%arg7 : memref<26x4x8x32xf32, #tpu.memory_space<vmem>>) dst(%dma_wait3A_58 : memref<26x4x8x32xf32, #tpu.memory_space<hbm>>)
    return
  }
}

</mosaic_0001>

<sc_bundles>
// kernel: kernel.4.cloned.1.call-start
scs
__scs_entry_jumppad:
0x0: {  	(pc) =	sbr.rel $0x88, $3  }
0x1: {  	(tag) =	ssettag $0x0;
	lr =	simm.s32 $0x1  }
0x2: {  	[smem:$0x3F9F] =	sst lr;
	_ =	strace $0xD0000000  }
0x3: {  	_ = 	snop  }
0x4: {  	_ = 	snop  }
0x5: {  	_ = 	snop  }
0x6: {  	_ = 	snop  }
0x7: {  	_ = 	snop  }
__scs_overlays_trampoline_lowered:
0x8: {  	[smem:$0x3FAE] =	sst s0  }
0x9: {  	[smem:$0x3FAF] =	sst s1  }
0xa: {  	[smem:$0x3FB0] =	sst s2  }
0xb: {  	[smem:$0x3FB1] =	sst s3  }
0xc: {  	[smem:$0x3FB2] =	sst s4  }
0xd: {  	[smem:$0x3FB3] =	sst s5  }
0xe: {  	[smem:$0x3FB4] =	sst s6  }
0xf: {  	[smem:$0x3FB5] =	sst s7  }
0x10: {  	[smem:$0x3FB6] =	sst s8  }
0x11: {  	[smem:$0x3FB7] =	sst s9;
	s0 =	simm.s32 @!p0 $0x0  }
0x12: {  	s1 =	sld [smem:$0x3F9D];
	s0 =	simm.s32 @p0 $0x1  }
0x13: {  	[smem:$0x3FB8] =	sst s0;
	s0 =	simm.s32 @!p1 $0x0  }
0x14: {  	s2 =	sld [smem:$0x3F9C];
	s0 =	simm.s32 @p1 $0x1  }
0x15: {  	[smem:$0x3FB9] =	sst s0;
	s0 =	simm.s32 @!p2 $0x0  }
0x16: {  	s3 =	sld [smem:$0x3FDB];
	s0 =	simm.s32 @p2 $0x1  }
0x17: {  	s4 =	simm.s32 $0x1BF5;
	[smem:$0x3FBB] =	sst s0  }
0x18: {  	s0 =	sld [smem:$0x3F9E];
	_ =	swait.ge [sflag:s4], $0x0  }
0x19: {  	s7 =	sld [smem:$0x3F9F]  }
0x1a: {  	s8 =	sadd.s32 $0xFFFFE003, lr  }
0x1b: {  	s9 =	sadd.s32 $0xFFFFFEF7, lr;
	s5 =	simm.s32 $0xFFFFFFFF;
	p2 =	slt.u32 s8, $0xFFFFF086  }
0x1c: {  	p1 =	slt.u32 s9, $0xF7A;
	s5 =	simm.s32 @!p2 $0x0  }
0x1d: {  	s5 =	simm.s32 @p1 $0x1;
	p0 =	seq.s32 s7, s2  }
0x1e: {  	s7 =	smul.u32 @!p0 $0xF7A, s2;
	p2 =	seq.s32 @!p0 s5, $0x0  }
0x1f: {  	s9 =	smul.u32 $0xF7A, s1;
	s8 =	simm.s32 @!p0 $0x1BF5;
	p2 =	por !p2, p0  }
0x20: {  	[sflag:s8] =	ssyncset.s32 @!p0 $0xFFFFF086;
	s6 =	sadd.s32 @!p0 s3, s7;
	s7 =	simm.s32 @!p0 $0x108  }
0x21: {  	s3 =	sadd.s32 s3, s9;
	s6 =	sadd.s32 @!p0 $0x88, s6;
	s7 =	simm.s32 @p2 $0x1082  }
0x22: {  	[simem:s7], [sflag:s8] =	dma.local @!p0 [hbm:s6], $0xF7A  }
0x23: {  	s9 =	sor.u32 $0xD0000000, s2;
	s6 =	simm.s32 $0x108;
	_ =	swait.ge @!p0 [sflag:s8], $0x0  }
0x24: {  	s3 =	sadd.s32 $0x88, s3;
	s6 =	simm.s32 @!p1 $0x1082;
	[sflag:s4] =	ssyncset.s32 $0xFFFFF086  }
0x25: {  	[simem:s6], [sflag:s4] =	dma.local [hbm:s3], $0xF7A  }
0x26: {  	[smem:$0x3F9F] =	sst s1;
	(tag) =	ssettag s2;
	_ =	strace s9  }
0x27: {  	s1 =	sld [smem:$0x3FAF]  }
0x28: {  	s2 =	sld [smem:$0x3FB0]  }
0x29: {  	s4 =	sld [smem:$0x3FB2]  }
0x2a: {  	p0 =	seq.s32 s5, $0x0;
	s5 =	sld [smem:$0x3FB3]  }
0x2b: {  	s6 =	sld [smem:$0x3FB4]  }
0x2c: {  	s7 =	sld [smem:$0x3FB5]  }
0x2d: {  	s3 =	simm.s32 $0x108;
	s8 =	sld [smem:$0x3FB6]  }
0x2e: {  	s3 =	simm.s32 @!p0 $0x1082;
	s9 =	sld [smem:$0x3FB7]  }
0x2f: {  	lr =	sadd.s32 s0, s3;
	s0 =	sld [smem:$0x3FAE]  }
0x30: {  	s3 =	sld [smem:$0x3FB1]  }
0x31: {  	[smem:$0x3FBA] =	sst s10  }
0x32: {  	s10 =	sld [smem:$0x3FB8];
	_ =	sdelay $0x3  }
0x33: {  	p0 =	seq.s32 s10, $0x1;
	s10 =	sld [smem:$0x3FBA];
	_ =	sdelay $0x3  }
0x34: {  	[smem:$0x3FBA] =	sst s10  }
0x35: {  	s10 =	sld [smem:$0x3FB9];
	_ =	sdelay $0x3  }
0x36: {  	p1 =	seq.s32 s10, $0x1;
	s10 =	sld [smem:$0x3FBA];
	_ =	sdelay $0x3  }
0x37: {  	[smem:$0x3FBA] =	sst s10  }
0x38: {  	s10 =	sld [smem:$0x3FBB]  }
0x39: {  	_ = 	snop;
	(pc) =	sbr.ind lr, $3  }
0x3a: {  	_ = 	snop  }
0x3b: {  	_ = 	snop  }
0x3c: {  	p2 =	seq.s32 s10, $0x1;
	s10 =	sld [smem:$0x3FBA]  }
0x3d: {  	_ =	shalt  }
0x3e: {  	_ =	shalt  }
0x3f: {  	_ =	shalt  }
0x40: {  	_ =	shalt  }
0x41: {  	_ =	shalt  }
0x42: {  	_ =	shalt  }
0x43: {  	_ =	shalt  }
0x44: {  	_ =	shalt  }
0x45: {  	_ =	shalt  }
0x46: {  	_ =	shalt  }
0x47: {  	_ =	shalt  }
0x48: {  	_ =	shalt  }
0x49: {  	_ =	shalt  }
0x4a: {  	_ =	shalt  }
0x4b: {  	_ =	shalt  }
0x4c: {  	_ =	shalt  }
0x4d: {  	_ =	shalt  }
0x4e: {  	_ =	shalt  }
0x4f: {  	_ =	shalt  }
0x50: {  	_ =	shalt  }
0x51: {  	_ =	shalt  }
0x52: {  	_ =	shalt  }
0x53: {  	_ =	shalt  }
0x54: {  	_ =	shalt  }
0x55: {  	_ =	shalt  }
0x56: {  	_ =	shalt  }
0x57: {  	_ =	shalt  }
0x58: {  	_ =	shalt  }
0x59: {  	_ =	shalt  }
0x5a: {  	_ =	shalt  }
0x5b: {  	_ =	shalt  }
0x5c: {  	_ =	shalt  }
0x5d: {  	_ =	shalt  }
0x5e: {  	_ =	shalt  }
0x5f: {  	_ =	shalt  }
0x60: {  	_ =	shalt  }
0x61: {  	_ =	shalt  }
0x62: {  	_ =	shalt  }
0x63: {  	_ =	shalt  }
0x64: {  	_ =	shalt  }
0x65: {  	_ =	shalt  }
0x66: {  	_ =	shalt  }
0x67: {  	_ =	shalt  }
0x68: {  	_ =	shalt  }
0x69: {  	_ =	shalt  }
0x6a: {  	_ =	shalt  }
0x6b: {  	_ =	shalt  }
0x6c: {  	_ =	shalt  }
0x6d: {  	_ =	shalt  }
0x6e: {  	_ =	shalt  }
0x6f: {  	_ =	shalt  }
0x70: {  	_ =	shalt  }
0x71: {  	_ =	shalt  }
0x72: {  	_ =	shalt  }
0x73: {  	_ =	shalt  }
0x74: {  	_ =	shalt  }
0x75: {  	_ =	shalt  }
0x76: {  	_ =	shalt  }
0x77: {  	_ =	shalt  }
0x78: {  	_ =	shalt  }
0x79: {  	_ =	shalt  }
0x7a: {  	_ =	shalt  }
0x7b: {  	_ =	shalt  }
0x7c: {  	_ =	shalt  }
0x7d: {  	_ =	shalt  }
0x7e: {  	_ =	shalt  }
0x7f: {  	_ =	shalt  }
0x80: {  	_ =	shalt  }
0x81: {  	_ =	shalt  }
0x82: {  	_ =	shalt  }
0x83: {  	_ =	shalt  }
0x84: {  	_ =	shalt  }
0x85: {  	_ =	shalt  }
0x86: {  	_ =	shalt  }
0x87: {  	_ =	shalt  }
.Lfunc_end0:
.L_simem_size_0:
called_computation_lowered:
.L_overlay_start_0:
0x88: {  	s2 =	sld [smem:$0x3FD9]  }
0x89: {  	s3 =	sld [smem:$0x3FFE];
	_ =	sdelay $0x1  }
0x8a: {  	s1 =	srdreg.scid  }
0x8b: {  	s0 =	sand.u32 $0x1, s1  }
0x8c: {  	s17 =	sshll.u32 s0, $0xA;
	s2 =	sadd.s32 s3, s2  }
0x8d: {  	s2 =	sadd.s32 s2, s17  }
0x8e: {  	[smem:$0x3FC6] =	sst s2  }
0x8f: {  	_ = 	snop  }
0x90: {  	s2 =	sld [smem:$0x3FD0];
	(tm) =	ssettm $0x1  }
0x91: {  	s18 =	sld [smem:$0x3FFB];
	_ =	sdelay $0x3  }
0x92: {  	_ =	strace s18  }
0x93: {  	s3 =	sld [smem:$0x3FFC];
	_ =	sdelay $0x3  }
0x94: {  	_ =	strace s3  }
0x95: {  	s3 =	sld [smem:$0x3FFD];
	_ =	sdelay $0x3  }
0x96: {  	_ =	strace s3  }
0x97: {  	_ =	strace $0x8FFFFFFF  }
0x98: {  	s19 =	sld [smem:$0x3FDB];
	_ =	sdelay $0x1  }
0x99: {  	s4 =	simm.s32 $_scs_section_size  }
0x9a: {  	s5 =	simm.s32 $_size__tile_overlayer_lowered;
	s6 =	simm.s32 $_tile_overlayer_lowered  }
0x9b: {  	s22 =	simm.s32 $0x1BFF;
	s21 =	sshll.u32 s6, $0x1;
	s3 =	sadd.s32 s4, s19  }
0x9c: {  	s7 =	simm.s32 $0x0;
	s20 =	sshll.u32 s5, $0x1;
	s5 =	sadd.s32 s21, s3  }
0x9d: {  	[timem:s7], [sflag:s22] =	dma.local [hbm:s5], s20  }
0x9e: {  	_ =	swait.ge [sflag:s22], s20  }
0x9f: {  	s4 =	ssub.s32 $0x0, s20;
	[sflag:s22] =	ssyncset.done $0x0  }
0xa0: {  	[sflag:s22] =	ssyncadd.s32 s4;
	_ =	sdelay $0x1  }
0xa1: {  	s23 =	simm.s32 $0x1B8B  }
0xa2: {  	_ =	swait.ge [sflag:s23], $0x1  }
0xa3: {  	[sflag:s23] =	ssyncset.done $0x0  }
0xa4: {  	s25 =	simm.s32 $0x1B8E;
	s24 =	sld [smem:$0x3FFE];
	[sflag:s23] =	ssyncadd.s32 $0xFFFFFFFF  }
0xa5: {  	s26 =	simm.s32 $execute0_lowered;
	[smem:$0x3FD2] =	sst s25  }
0xa6: {  	s5 =	sshll.u32 s26, $0x1;
	_ =	strace $0x80000046;
	[dreg:$0x1] =	wrdreg $0xFFFFFFFF  }
0xa7: {  	s28 =	simm.s32 $_size_execute0_lowered;
	s3 =	sadd.s32 s3, s5;
	[dreg:$0x0] =	wrdreg $0x0  }
0xa8: {  	s5 =	sshll.u32 s28, $0x1;
	[dreg:$0x2] =	wrdreg s3  }
0xa9: {  	[dreg:$0x3] =	wrdreg s5  }
0xaa: {  	[dreg:$0x4] =	wrdreg $0xC0  }
0xab: {  	_ =	task [dreg:s7], $0x5FFFF  }
0xac: {  	[dreg:$0x1] =	wrdreg $0xFFFFFFFF  }
0xad: {  	[dreg:$0x0] =	wrdreg $0x60  }
0xae: {  	[dreg:$0x2] =	wrdreg s2  }
0xaf: {  	[dreg:$0x3] =	wrdreg s24  }
0xb0: {  	[dreg:$0x4] =	wrdreg $0x9  }
0xb1: {  	_ =	task.clear_ibuf [dreg:s7], $0x5FFFF;
	_ =	strace $0x90000046  }
0xb2: {  	s29 =	simm.s32 $0x9;
	_ =	strace $0x80000048  }
0xb3: {  	_ =	swait.ge [sflag:s29], $0x1  }
0xb4: {  	[sflag:s29] =	ssyncadd.s32 $0xFFFFFFFF  }
0xb5: {  	_ =	strace $0x90000048  }
0xb6: {  	_ =	sfence  }
0xb7: {  	s30 =	sld [smem:$0x0];
	_ =	sdelay $0x2  }
0xb8: {  	s31 =	sshll.u32 s1, $0xD;
	s1 =	sshrl.u32 s1, $0x2  }
0xb9: {  	s3 =	sand.u32 $0x4000, s31;
	s1 =	sadd.s32 s1, s30  }
0xba: {  	s0 =	sor.u32 s3, s0;
	s1 =	sshll.u32 s1, $0x11  }
0xbb: {  	s0 =	sor.u32 s1, s0  }
0xbc: {  	s0 =	sadd.s32 $0x8F2B, s0  }
0xbd: {  	[sflag:s0] =	ssyncadd.remote.s32 $0x1  }
0xbe: {  	_ =	sfence.sel $0xFFFF  }
0xbf: {  	[dreg:$0x0] =	wrdreg $0xFFFFFFFF;
	(pc) =	sbr.abs _section_cstart, $3  }
0xc0: {  	[dreg:$0x1] =	wrdreg $0xFFFFFFFF  }
0xc1: {  	_ =	task.clear_ibuf [dreg:s7], $0x2FFFF;
	_ =	strace $0x9FFFFFFF  }
0xc2: {  	(tm) =	ssettm $0x7FFFFFFF  }
0xc3: {  	_ =	shalt  }
tec
execute0_lowered:
.L_overlay_start_1:
0x0: {  	(tag) =	ssettag $0x1  }
0x1: {  	s1 =	srdreg.scid;
	s0 =	stileid.u32  }
0x2: {  	s3 =	rddreg [dreg:$0x0];
	s26 =	sand.u32 $0x1, s1;
	s31 =	sshll.u32 s0, $0x1  }
0x3: {  	s9 =	rddreg [dreg:$0x1];
	s12 =	sor.u32 s26, s31  }
0x4: {  	s2 =	simm.s32 $0x0;
	s1 =	rddreg [dreg:$0x2];
	s4 =	smul.u32 $0x680, s12  }
0x5: {  	[smem:$0x7FF] =	sst s2  }
0x6: {  	_ =	strace $0x80000047;
	s3 =	sadd.s32 s3, s4;
	s4 =	simm.s32 $0x5  }
0x7: {  	[tilespmem:s2], [sflag:$0x5] =	stream.linear.gather [hbm4b:s3+s2], $0x3400, $0x38;
	[tilespmem:$0x1D400] =	vst v63  }
0x8: {  	_ =	swait.ge [sflag:s4], $0x3400  }
0x9: {  	s6 =	simm.s32 $0x680;
	s7 =	simm.s32 $0x3400;
	[sflag:s4] =	ssyncset.done $0x0  }
0xa: {  	s8 =	simm.s32 $0x1;
	s5 =	sadd.s32 $0xF42E00, s9;
	[sflag:s4] =	ssyncadd.s32 $0xFFFFCC00  }
0xb: {  	[tilespmem:s7], [sflag:$0x1] =	stream.indirect.gather [hbm4b:s5+s6], $0x20, s2, s6, $0xb8;
	[tilespmem:$0x1D400] =	vst v63  }
0xc: {  	_ =	swait.ge [sflag:s8], $0xD000  }
0xd: {  	s13 =	sadd.s32 $0xA00, s9;
	[sflag:s8] =	ssyncset.done $0x0  }
0xe: {  	s9 =	simm.s32 $0x10400;
	s10 =	smul.u32 $0xD000, s12;
	[sflag:s8] =	ssyncadd.s32 $0xFFFF3000  }
0xf: {  	[tilespmem:s9], [sflag:$0x2] =	stream.indirect.gather [hbm4b:s5+s6], $0x20, s6, s6, $0xb8;
	[tilespmem:$0x1D400] =	vst v63  }
0x10: {  	s11 =	simm.s32 $0x2;
	s10 =	sadd.s32 s13, s10  }
0x11: {  	[hbm4b:s10+s2] =	stream.linear.scatter [tilespmem:s7], [sflag:$0x3], $0xD000, $0x38;
	[tilespmem:$0x1D400] =	vst v63  }
0x12: {  	_ =	swait.ge [sflag:s11], $0xD000  }
0x13: {  	[sflag:s11] =	ssyncset.done $0x0  }
0x14: {  	s14 =	smul.u32 $0x68000, s12;
	s12 =	simm.s32 $0x3;
	[sflag:s11] =	ssyncadd.s32 $0xFFFF3000  }
0x15: {  	_ =	swait.ge [sflag:s12], $0xD000  }
0x16: {  	s14 =	sshrl.u32 s14, $0x3;
	[sflag:s12] =	ssyncset.done $0x0  }
0x17: {  	s28 =	sadd.s32 s13, s14;
	s13 =	simm.s32 $0xD00;
	[sflag:s12] =	ssyncadd.s32 $0xFFFF3000  }
0x18: {  	[tilespmem:s7], [sflag:$0x1] =	stream.indirect.gather [hbm4b:s5+s6], $0x20, s13, s6, $0xb8;
	[tilespmem:$0x1D400] =	vst v63  }
0x19: {  	s14 =	sadd.s32 $0x1A00, s28  }
0x1a: {  	[hbm4b:s14+s2] =	stream.linear.scatter [tilespmem:s9], [sflag:$0x4], $0xD000, $0x38;
	[tilespmem:$0x1D400] =	vst v63  }
0x1b: {  	_ =	swait.ge [sflag:s8], $0xD000  }
0x1c: {  	[sflag:s8] =	ssyncset.done $0x0  }
0x1d: {  	s15 =	simm.s32 $0x4;
	[sflag:s8] =	ssyncadd.s32 $0xFFFF3000  }
0x1e: {  	_ =	swait.ge [sflag:s15], $0xD000  }
0x1f: {  	[sflag:s15] =	ssyncset.done $0x0  }
0x20: {  	s16 =	simm.s32 $0x1380;
	[sflag:s15] =	ssyncadd.s32 $0xFFFF3000  }
0x21: {  	[tilespmem:s9], [sflag:$0x2] =	stream.indirect.gather [hbm4b:s5+s6], $0x20, s16, s6, $0xb8;
	[tilespmem:$0x1D400] =	vst v63  }
0x22: {  	s17 =	sadd.s32 $0x3400, s28  }
0x23: {  	[hbm4b:s17+s2] =	stream.linear.scatter [tilespmem:s7], [sflag:$0x3], $0xD000, $0x38;
	[tilespmem:$0x1D400] =	vst v63  }
0x24: {  	_ =	swait.ge [sflag:s11], $0xD000  }
0x25: {  	[sflag:s11] =	ssyncset.done $0x0  }
0x26: {  	[sflag:s11] =	ssyncadd.s32 $0xFFFF3000  }
0x27: {  	_ =	swait.ge [sflag:s12], $0xD000  }
0x28: {  	[sflag:s12] =	ssyncset.done $0x0  }
0x29: {  	s18 =	simm.s32 $0x1A00;
	[sflag:s12] =	ssyncadd.s32 $0xFFFF3000  }
0x2a: {  	[tilespmem:s7], [sflag:$0x1] =	stream.indirect.gather [hbm4b:s5+s6], $0x20, s18, s6, $0xb8;
	[tilespmem:$0x1D400] =	vst v63  }
0x2b: {  	s19 =	sadd.s32 $0x4E00, s28  }
0x2c: {  	[hbm4b:s19+s2] =	stream.linear.scatter [tilespmem:s9], [sflag:$0x4], $0xD000, $0x38;
	[tilespmem:$0x1D400] =	vst v63  }
0x2d: {  	_ =	swait.ge [sflag:s8], $0xD000  }
0x2e: {  	[sflag:s8] =	ssyncset.done $0x0  }
0x2f: {  	[sflag:s8] =	ssyncadd.s32 $0xFFFF3000  }
0x30: {  	_ =	swait.ge [sflag:s15], $0xD000  }
0x31: {  	[sflag:s15] =	ssyncset.done $0x0  }
0x32: {  	s20 =	simm.s32 $0x2080;
	[sflag:s15] =	ssyncadd.s32 $0xFFFF3000  }
0x33: {  	[tilespmem:s9], [sflag:$0x2] =	stream.indirect.gather [hbm4b:s5+s6], $0x20, s20, s6, $0xb8;
	[tilespmem:$0x1D400] =	vst v63  }
0x34: {  	s21 =	sadd.s32 $0x6800, s28  }
0x35: {  	[hbm4b:s21+s2] =	stream.linear.scatter [tilespmem:s7], [sflag:$0x3], $0xD000, $0x38;
	[tilespmem:$0x1D400] =	vst v63  }
0x36: {  	_ =	swait.ge [sflag:s11], $0xD000  }
0x37: {  	[sflag:s11] =	ssyncset.done $0x0  }
0x38: {  	[sflag:s11] =	ssyncadd.s32 $0xFFFF3000  }
0x39: {  	_ =	swait.ge [sflag:s12], $0xD000  }
0x3a: {  	[sflag:s12] =	ssyncset.done $0x0  }
0x3b: {  	s22 =	simm.s32 $0x2700;
	[sflag:s12] =	ssyncadd.s32 $0xFFFF3000  }
0x3c: {  	[tilespmem:s7], [sflag:$0x1] =	stream.indirect.gather [hbm4b:s5+s6], $0x20, s22, s6, $0xb8;
	[tilespmem:$0x1D400] =	vst v63  }
0x3d: {  	s23 =	sadd.s32 $0x8200, s28  }
0x3e: {  	[hbm4b:s23+s2] =	stream.linear.scatter [tilespmem:s9], [sflag:$0x4], $0xD000, $0x38;
	[tilespmem:$0x1D400] =	vst v63  }
0x3f: {  	_ =	swait.ge [sflag:s8], $0xD000  }
0x40: {  	[sflag:s8] =	ssyncset.done $0x0  }
0x41: {  	[sflag:s8] =	ssyncadd.s32 $0xFFFF3000  }
0x42: {  	_ =	swait.ge [sflag:s15], $0xD000  }
0x43: {  	[sflag:s15] =	ssyncset.done $0x0  }
0x44: {  	s24 =	simm.s32 $0x2D80;
	s29 =	ssub.s32 $0x2, s26;
	[sflag:s15] =	ssyncadd.s32 $0xFFFF3000  }
0x45: {  	[tilespmem:s9], [sflag:$0x2] =	stream.indirect.gather [hbm4b:s5+s6], $0x20, s24, s6, $0xb8;
	[tilespmem:$0x1D400] =	vst v63  }
0x46: {  	s25 =	sadd.s32 $0x9C00, s28;
	s26 =	sadd.s32 $0xB600, s28;
	s28 =	sshrl.u32 s29, $0x1  }
0x47: {  	[hbm4b:s25+s2] =	stream.linear.scatter [tilespmem:s7], [sflag:$0x3], $0xD000, $0x38;
	[tilespmem:$0x1D400] =	vst v63  }
0x48: {  	s28 =	ssub.s32 s29, s28;
	_ =	swait.ge [sflag:s11], $0xD000  }
0x49: {  	s28 =	smax.u32 s28, $0x1;
	[sflag:s11] =	ssyncset.done $0x0  }
0x4a: {  	p0 =	sne.s32 s28, $0x1;
	[sflag:s11] =	ssyncadd.s32 $0xFFFF3000  }
0x4b: {  	[hbm4b:s26+s2] =	stream.linear.scatter [tilespmem:s9], [sflag:$0x4], $0xD000, $0x38;
	[tilespmem:$0x1D400] =	vst v63  }
.Ltmp0:
0x4c: {  	_ =	swait.ge [sflag:s12], $0xD000;
	(pc) =	sbr.rel @!p0 .LBB2_2-.Ltmp0, $4  }
0x4d: {  	[sflag:s12] =	ssyncset.done $0x0  }
0x4e: {  	[sflag:s12] =	ssyncadd.s32 $0xFFFF3000  }
0x4f: {  	_ =	swait.ge [sflag:s15], $0xD000  }
0x50: {  	s28 =	sadd.s32 $0xFFFFFFFF, s28;
	[sflag:s15] =	ssyncset.done $0x0  }
.LBB2_1:
0x51: {  	p0 =	sne.s32 s28, $0x1;
	s28 =	sadd.s32 $0xFFFFFFFF, s28;
	[sflag:s15] =	ssyncadd.s32 $0xFFFF3000  }
0x52: {  	[tilespmem:s2], [sflag:$0x5] =	stream.linear.gather [hbm4b:s3+s2], $0x3400, $0x38;
	[tilespmem:$0x1D400] =	vst v63  }
0x53: {  	_ =	swait.ge [sflag:s4], $0x3400  }
0x54: {  	[sflag:s4] =	ssyncset.done $0x0  }
0x55: {  	[sflag:s4] =	ssyncadd.s32 $0xFFFFCC00  }
0x56: {  	[tilespmem:s7], [sflag:$0x1] =	stream.indirect.gather [hbm4b:s5+s6], $0x20, s2, s6, $0xb8;
	[tilespmem:$0x1D400] =	vst v63  }
0x57: {  	_ =	swait.ge [sflag:s8], $0xD000  }
0x58: {  	[sflag:s8] =	ssyncset.done $0x0  }
0x59: {  	[sflag:s8] =	ssyncadd.s32 $0xFFFF3000  }
0x5a: {  	[tilespmem:s9], [sflag:$0x2] =	stream.indirect.gather [hbm4b:s5+s6], $0x20, s6, s6, $0xb8;
	[tilespmem:$0x1D400] =	vst v63  }
0x5b: {  	_ = 	snop  }
0x5c: {  	[hbm4b:s10+s2] =	stream.linear.scatter [tilespmem:s7], [sflag:$0x3], $0xD000, $0x38;
	[tilespmem:$0x1D400] =	vst v63  }
0x5d: {  	_ =	swait.ge [sflag:s11], $0xD000  }
0x5e: {  	[sflag:s11] =	ssyncset.done $0x0  }
0x5f: {  	[sflag:s11] =	ssyncadd.s32 $0xFFFF3000  }
0x60: {  	_ =	swait.ge [sflag:s12], $0xD000  }
0x61: {  	[sflag:s12] =	ssyncset.done $0x0  }
0x62: {  	[sflag:s12] =	ssyncadd.s32 $0xFFFF3000  }
0x63: {  	[tilespmem:s7], [sflag:$0x1] =	stream.indirect.gather [hbm4b:s5+s6], $0x20, s13, s6, $0xb8;
	[tilespmem:$0x1D400] =	vst v63  }
0x64: {  	_ = 	snop  }
0x65: {  	[hbm4b:s14+s2] =	stream.linear.scatter [tilespmem:s9], [sflag:$0x4], $0xD000, $0x38;
	[tilespmem:$0x1D400] =	vst v63  }
0x66: {  	_ =	swait.ge [sflag:s8], $0xD000  }
0x67: {  	[sflag:s8] =	ssyncset.done $0x0  }
0x68: {  	[sflag:s8] =	ssyncadd.s32 $0xFFFF3000  }
0x69: {  	_ =	swait.ge [sflag:s15], $0xD000  }
0x6a: {  	[sflag:s15] =	ssyncset.done $0x0  }
0x6b: {  	[sflag:s15] =	ssyncadd.s32 $0xFFFF3000  }
0x6c: {  	[tilespmem:s9], [sflag:$0x2] =	stream.indirect.gather [hbm4b:s5+s6], $0x20, s16, s6, $0xb8;
	[tilespmem:$0x1D400] =	vst v63  }
0x6d: {  	_ = 	snop  }
0x6e: {  	[hbm4b:s17+s2] =	stream.linear.scatter [tilespmem:s7], [sflag:$0x3], $0xD000, $0x38;
	[tilespmem:$0x1D400] =	vst v63  }
0x6f: {  	_ =	swait.ge [sflag:s11], $0xD000  }
0x70: {  	[sflag:s11] =	ssyncset.done $0x0  }
0x71: {  	[sflag:s11] =	ssyncadd.s32 $0xFFFF3000  }
0x72: {  	_ =	swait.ge [sflag:s12], $0xD000  }
0x73: {  	[sflag:s12] =	ssyncset.done $0x0  }
0x74: {  	[sflag:s12] =	ssyncadd.s32 $0xFFFF3000  }
0x75: {  	[tilespmem:s7], [sflag:$0x1] =	stream.indirect.gather [hbm4b:s5+s6], $0x20, s18, s6, $0xb8;
	[tilespmem:$0x1D400] =	vst v63  }
0x76: {  	_ = 	snop  }
0x77: {  	[hbm4b:s19+s2] =	stream.linear.scatter [tilespmem:s9], [sflag:$0x4], $0xD000, $0x38;
	[tilespmem:$0x1D400] =	vst v63  }
0x78: {  	_ =	swait.ge [sflag:s8], $0xD000  }
0x79: {  	[sflag:s8] =	ssyncset.done $0x0  }
0x7a: {  	[sflag:s8] =	ssyncadd.s32 $0xFFFF3000  }
0x7b: {  	_ =	swait.ge [sflag:s15], $0xD000  }
0x7c: {  	[sflag:s15] =	ssyncset.done $0x0  }
0x7d: {  	[sflag:s15] =	ssyncadd.s32 $0xFFFF3000  }
0x7e: {  	[tilespmem:s9], [sflag:$0x2] =	stream.indirect.gather [hbm4b:s5+s6], $0x20, s20, s6, $0xb8;
	[tilespmem:$0x1D400] =	vst v63  }
0x7f: {  	_ = 	snop  }
0x80: {  	[hbm4b:s21+s2] =	stream.linear.scatter [tilespmem:s7], [sflag:$0x3], $0xD000, $0x38;
	[tilespmem:$0x1D400] =	vst v63  }
0x81: {  	_ =	swait.ge [sflag:s11], $0xD000  }
0x82: {  	[sflag:s11] =	ssyncset.done $0x0  }
0x83: {  	[sflag:s11] =	ssyncadd.s32 $0xFFFF3000  }
0x84: {  	_ =	swait.ge [sflag:s12], $0xD000  }
0x85: {  	[sflag:s12] =	ssyncset.done $0x0  }
0x86: {  	[sflag:s12] =	ssyncadd.s32 $0xFFFF3000  }
0x87: {  	[tilespmem:s7], [sflag:$0x1] =	stream.indirect.gather [hbm4b:s5+s6], $0x20, s22, s6, $0xb8;
	[tilespmem:$0x1D400] =	vst v63  }
0x88: {  	_ = 	snop  }
0x89: {  	[hbm4b:s23+s2] =	stream.linear.scatter [tilespmem:s9], [sflag:$0x4], $0xD000, $0x38;
	[tilespmem:$0x1D400] =	vst v63  }
0x8a: {  	_ =	swait.ge [sflag:s8], $0xD000  }
0x8b: {  	[sflag:s8] =	ssyncset.done $0x0  }
0x8c: {  	[sflag:s8] =	ssyncadd.s32 $0xFFFF3000  }
0x8d: {  	_ =	swait.ge [sflag:s15], $0xD000  }
0x8e: {  	[sflag:s15] =	ssyncset.done $0x0  }
0x8f: {  	[sflag:s15] =	ssyncadd.s32 $0xFFFF3000  }
0x90: {  	[tilespmem:s9], [sflag:$0x2] =	stream.indirect.gather [hbm4b:s5+s6], $0x20, s24, s6, $0xb8;
	[tilespmem:$0x1D400] =	vst v63  }
0x91: {  	_ = 	snop  }
0x92: {  	[hbm4b:s25+s2] =	stream.linear.scatter [tilespmem:s7], [sflag:$0x3], $0xD000, $0x38;
	[tilespmem:$0x1D400] =	vst v63  }
0x93: {  	_ =	swait.ge [sflag:s11], $0xD000  }
0x94: {  	[sflag:s11] =	ssyncset.done $0x0  }
0x95: {  	[sflag:s11] =	ssyncadd.s32 $0xFFFF3000  }
0x96: {  	[hbm4b:s26+s2] =	stream.linear.scatter [tilespmem:s9], [sflag:$0x4], $0xD000, $0x38;
	[tilespmem:$0x1D400] =	vst v63  }
.Ltmp1:
0x97: {  	_ =	swait.ge [sflag:s12], $0xD000;
	(pc) =	sbr.rel @p0 .LBB2_1-.Ltmp1, $4  }
0x98: {  	[sflag:s12] =	ssyncset.done $0x0  }
0x99: {  	[sflag:s12] =	ssyncadd.s32 $0xFFFF3000  }
0x9a: {  	_ =	swait.ge [sflag:s15], $0xD000  }
0x9b: {  	[sflag:s15] =	ssyncset.done $0x0  }
.LBB2_2:
0x9c: {  	[sflag:s15] =	ssyncadd.s32 $0xFFFF3000  }
0x9d: {  	_ =	sfence.sel $0x180000  }
0x9e: {  	[bflag:$0x0] =	sbarrier.arrive $0xFFFF  }
0x9f: {  	p0 =	sne.s32 s0, $0x0;
	_ =	strace $0x90000047  }
0xa0: {  	s0 =	sadd.s32 @!p0 $0x100000, s1;
	[bflag:$0x2] =	sbarrier.arrive $0xFFFF  }
0xa1: {  	[sflag:s0] =	ssyncadd.tile.s32 @!p0 $0x1;
	_ =	shalt  }
.Lfunc_end2:
_tile_overlayer_lowered:
.L_overlay_start_2:
0xa2: {  	(tag) =	ssettag $0x2  }
0xa3: {  	s0 =	rddreg [dreg:$0x0];
	s2 =	stileid.u32  }
0xa4: {  	s1 =	rddreg [dreg:$0x1];
	p0 =	sne.s32 s2, $0x0  }
0xa5: {  	s3 =	rddreg [dreg:$0x2];
	[bflag:$0x3] =	sbarrier.arrive $0xFFFF;
	s2 =	simm.s32 @!p0 $0x1C05  }
0xa6: {  	[timem:s3], [sflag:s2] =	dma.local @!p0 [hbm:s0], s1  }
0xa7: {  	s0 =	simm.s32 @!p0 $0x5  }
0xa8: {  	_ =	swait.ge @!p0 [sflag:s0], s1  }
0xa9: {  	s1 =	ssub.s32 @!p0 $0x0, s1;
	[sflag:s0] =	ssyncset.done @!p0 $0x0  }
0xaa: {  	[sflag:s0] =	ssyncadd.s32 @!p0 s1  }
0xab: {  	[bflag:$0x3] =	sbarrier.arrive $0xFFFF  }
0xac: {  	_ =	shalt  }

// kernel: kernel.7.cloned.1.call-start
scs
__scs_entry_jumppad:
0x0: {  	(pc) =	sbr.rel $0x88, $3  }
0x1: {  	(tag) =	ssettag $0x0;
	lr =	simm.s32 $0x1  }
0x2: {  	[smem:$0x3F9F] =	sst lr;
	_ =	strace $0xD0000000  }
0x3: {  	_ = 	snop  }
0x4: {  	_ = 	snop  }
0x5: {  	_ = 	snop  }
0x6: {  	_ = 	snop  }
0x7: {  	_ = 	snop  }
__scs_overlays_trampoline_lowered:
0x8: {  	[smem:$0x3FAE] =	sst s0  }
0x9: {  	[smem:$0x3FAF] =	sst s1  }
0xa: {  	[smem:$0x3FB0] =	sst s2  }
0xb: {  	[smem:$0x3FB1] =	sst s3  }
0xc: {  	[smem:$0x3FB2] =	sst s4  }
0xd: {  	[smem:$0x3FB3] =	sst s5  }
0xe: {  	[smem:$0x3FB4] =	sst s6  }
0xf: {  	[smem:$0x3FB5] =	sst s7  }
0x10: {  	[smem:$0x3FB6] =	sst s8  }
0x11: {  	[smem:$0x3FB7] =	sst s9;
	s0 =	simm.s32 @!p0 $0x0  }
0x12: {  	s1 =	sld [smem:$0x3F9D];
	s0 =	simm.s32 @p0 $0x1  }
0x13: {  	[smem:$0x3FB8] =	sst s0;
	s0 =	simm.s32 @!p1 $0x0  }
0x14: {  	s2 =	sld [smem:$0x3F9C];
	s0 =	simm.s32 @p1 $0x1  }
0x15: {  	[smem:$0x3FB9] =	sst s0;
	s0 =	simm.s32 @!p2 $0x0  }
0x16: {  	s3 =	sld [smem:$0x3FDB];
	s0 =	simm.s32 @p2 $0x1  }
0x17: {  	s4 =	simm.s32 $0x1BF5;
	[smem:$0x3FBB] =	sst s0  }
0x18: {  	s0 =	sld [smem:$0x3F9E];
	_ =	swait.ge [sflag:s4], $0x0  }
0x19: {  	s7 =	sld [smem:$0x3F9F]  }
0x1a: {  	s8 =	sadd.s32 $0xFFFFE003, lr  }
0x1b: {  	s9 =	sadd.s32 $0xFFFFFEF7, lr;
	s5 =	simm.s32 $0xFFFFFFFF;
	p2 =	slt.u32 s8, $0xFFFFF086  }
0x1c: {  	p1 =	slt.u32 s9, $0xF7A;
	s5 =	simm.s32 @!p2 $0x0  }
0x1d: {  	s5 =	simm.s32 @p1 $0x1;
	p0 =	seq.s32 s7, s2  }
0x1e: {  	s7 =	smul.u32 @!p0 $0xF7A, s2;
	p2 =	seq.s32 @!p0 s5, $0x0  }
0x1f: {  	s9 =	smul.u32 $0xF7A, s1;
	s8 =	simm.s32 @!p0 $0x1BF5;
	p2 =	por !p2, p0  }
0x20: {  	[sflag:s8] =	ssyncset.s32 @!p0 $0xFFFFF086;
	s6 =	sadd.s32 @!p0 s3, s7;
	s7 =	simm.s32 @!p0 $0x108  }
0x21: {  	s3 =	sadd.s32 s3, s9;
	s6 =	sadd.s32 @!p0 $0x88, s6;
	s7 =	simm.s32 @p2 $0x1082  }
0x22: {  	[simem:s7], [sflag:s8] =	dma.local @!p0 [hbm:s6], $0xF7A  }
0x23: {  	s9 =	sor.u32 $0xD0000000, s2;
	s6 =	simm.s32 $0x108;
	_ =	swait.ge @!p0 [sflag:s8], $0x0  }
0x24: {  	s3 =	sadd.s32 $0x88, s3;
	s6 =	simm.s32 @!p1 $0x1082;
	[sflag:s4] =	ssyncset.s32 $0xFFFFF086  }
0x25: {  	[simem:s6], [sflag:s4] =	dma.local [hbm:s3], $0xF7A  }
0x26: {  	[smem:$0x3F9F] =	sst s1;
	(tag) =	ssettag s2;
	_ =	strace s9  }
0x27: {  	s1 =	sld [smem:$0x3FAF]  }
0x28: {  	s2 =	sld [smem:$0x3FB0]  }
0x29: {  	s4 =	sld [smem:$0x3FB2]  }
0x2a: {  	p0 =	seq.s32 s5, $0x0;
	s5 =	sld [smem:$0x3FB3]  }
0x2b: {  	s6 =	sld [smem:$0x3FB4]  }
0x2c: {  	s7 =	sld [smem:$0x3FB5]  }
0x2d: {  	s3 =	simm.s32 $0x108;
	s8 =	sld [smem:$0x3FB6]  }
0x2e: {  	s3 =	simm.s32 @!p0 $0x1082;
	s9 =	sld [smem:$0x3FB7]  }
0x2f: {  	lr =	sadd.s32 s0, s3;
	s0 =	sld [smem:$0x3FAE]  }
0x30: {  	s3 =	sld [smem:$0x3FB1]  }
0x31: {  	[smem:$0x3FBA] =	sst s10  }
0x32: {  	s10 =	sld [smem:$0x3FB8];
	_ =	sdelay $0x3  }
0x33: {  	p0 =	seq.s32 s10, $0x1;
	s10 =	sld [smem:$0x3FBA];
	_ =	sdelay $0x3  }
0x34: {  	[smem:$0x3FBA] =	sst s10  }
0x35: {  	s10 =	sld [smem:$0x3FB9];
	_ =	sdelay $0x3  }
0x36: {  	p1 =	seq.s32 s10, $0x1;
	s10 =	sld [smem:$0x3FBA];
	_ =	sdelay $0x3  }
0x37: {  	[smem:$0x3FBA] =	sst s10  }
0x38: {  	s10 =	sld [smem:$0x3FBB]  }
0x39: {  	_ = 	snop;
	(pc) =	sbr.ind lr, $3  }
0x3a: {  	_ = 	snop  }
0x3b: {  	_ = 	snop  }
0x3c: {  	p2 =	seq.s32 s10, $0x1;
	s10 =	sld [smem:$0x3FBA]  }
0x3d: {  	_ =	shalt  }
0x3e: {  	_ =	shalt  }
0x3f: {  	_ =	shalt  }
0x40: {  	_ =	shalt  }
0x41: {  	_ =	shalt  }
0x42: {  	_ =	shalt  }
0x43: {  	_ =	shalt  }
0x44: {  	_ =	shalt  }
0x45: {  	_ =	shalt  }
0x46: {  	_ =	shalt  }
0x47: {  	_ =	shalt  }
0x48: {  	_ =	shalt  }
0x49: {  	_ =	shalt  }
0x4a: {  	_ =	shalt  }
0x4b: {  	_ =	shalt  }
0x4c: {  	_ =	shalt  }
0x4d: {  	_ =	shalt  }
0x4e: {  	_ =	shalt  }
0x4f: {  	_ =	shalt  }
0x50: {  	_ =	shalt  }
0x51: {  	_ =	shalt  }
0x52: {  	_ =	shalt  }
0x53: {  	_ =	shalt  }
0x54: {  	_ =	shalt  }
0x55: {  	_ =	shalt  }
0x56: {  	_ =	shalt  }
0x57: {  	_ =	shalt  }
0x58: {  	_ =	shalt  }
0x59: {  	_ =	shalt  }
0x5a: {  	_ =	shalt  }
0x5b: {  	_ =	shalt  }
0x5c: {  	_ =	shalt  }
0x5d: {  	_ =	shalt  }
0x5e: {  	_ =	shalt  }
0x5f: {  	_ =	shalt  }
0x60: {  	_ =	shalt  }
0x61: {  	_ =	shalt  }
0x62: {  	_ =	shalt  }
0x63: {  	_ =	shalt  }
0x64: {  	_ =	shalt  }
0x65: {  	_ =	shalt  }
0x66: {  	_ =	shalt  }
0x67: {  	_ =	shalt  }
0x68: {  	_ =	shalt  }
0x69: {  	_ =	shalt  }
0x6a: {  	_ =	shalt  }
0x6b: {  	_ =	shalt  }
0x6c: {  	_ =	shalt  }
0x6d: {  	_ =	shalt  }
0x6e: {  	_ =	shalt  }
0x6f: {  	_ =	shalt  }
0x70: {  	_ =	shalt  }
0x71: {  	_ =	shalt  }
0x72: {  	_ =	shalt  }
0x73: {  	_ =	shalt  }
0x74: {  	_ =	shalt  }
0x75: {  	_ =	shalt  }
0x76: {  	_ =	shalt  }
0x77: {  	_ =	shalt  }
0x78: {  	_ =	shalt  }
0x79: {  	_ =	shalt  }
0x7a: {  	_ =	shalt  }
0x7b: {  	_ =	shalt  }
0x7c: {  	_ =	shalt  }
0x7d: {  	_ =	shalt  }
0x7e: {  	_ =	shalt  }
0x7f: {  	_ =	shalt  }
0x80: {  	_ =	shalt  }
0x81: {  	_ =	shalt  }
0x82: {  	_ =	shalt  }
0x83: {  	_ =	shalt  }
0x84: {  	_ =	shalt  }
0x85: {  	_ =	shalt  }
0x86: {  	_ =	shalt  }
0x87: {  	_ =	shalt  }
.Lfunc_end0:
.L_simem_size_0:
called_computation.1_lowered:
.L_overlay_start_0:
0x88: {  	s2 =	sld [smem:$0x3FD9]  }
0x89: {  	s3 =	sld [smem:$0x3FFE];
	_ =	sdelay $0x1  }
0x8a: {  	s1 =	srdreg.scid  }
0x8b: {  	s0 =	sand.u32 $0x1, s1  }
0x8c: {  	s17 =	sshll.u32 s0, $0xA;
	s2 =	sadd.s32 s3, s2  }
0x8d: {  	s2 =	sadd.s32 s2, s17  }
0x8e: {  	[smem:$0x3FC6] =	sst s2  }
0x8f: {  	_ = 	snop  }
0x90: {  	s2 =	sld [smem:$0x3FD0];
	(tm) =	ssettm $0x1  }
0x91: {  	s18 =	sld [smem:$0x3FFB];
	_ =	sdelay $0x3  }
0x92: {  	_ =	strace s18  }
0x93: {  	s3 =	sld [smem:$0x3FFC];
	_ =	sdelay $0x3  }
0x94: {  	_ =	strace s3  }
0x95: {  	s3 =	sld [smem:$0x3FFD];
	_ =	sdelay $0x3  }
0x96: {  	_ =	strace s3  }
0x97: {  	_ =	strace $0x8FFFFFFF  }
0x98: {  	s19 =	sld [smem:$0x3FDB];
	_ =	sdelay $0x1  }
0x99: {  	s4 =	simm.s32 $_scs_section_size  }
0x9a: {  	s5 =	simm.s32 $_size__tile_overlayer_lowered;
	s6 =	simm.s32 $_tile_overlayer_lowered  }
0x9b: {  	s22 =	simm.s32 $0x1BFF;
	s21 =	sshll.u32 s6, $0x1;
	s3 =	sadd.s32 s4, s19  }
0x9c: {  	s7 =	simm.s32 $0x0;
	s20 =	sshll.u32 s5, $0x1;
	s5 =	sadd.s32 s21, s3  }
0x9d: {  	[timem:s7], [sflag:s22] =	dma.local [hbm:s5], s20  }
0x9e: {  	_ =	swait.ge [sflag:s22], s20  }
0x9f: {  	s4 =	ssub.s32 $0x0, s20;
	[sflag:s22] =	ssyncset.done $0x0  }
0xa0: {  	[sflag:s22] =	ssyncadd.s32 s4;
	_ =	sdelay $0x1  }
0xa1: {  	s23 =	simm.s32 $0x1B8B  }
0xa2: {  	_ =	swait.ge [sflag:s23], $0x1  }
0xa3: {  	[sflag:s23] =	ssyncset.done $0x0  }
0xa4: {  	s25 =	simm.s32 $0x1B8E;
	s24 =	sld [smem:$0x3FFE];
	[sflag:s23] =	ssyncadd.s32 $0xFFFFFFFF  }
0xa5: {  	s26 =	simm.s32 $execute0_lowered;
	[smem:$0x3FD2] =	sst s25  }
0xa6: {  	s5 =	sshll.u32 s26, $0x1;
	_ =	strace $0x80000049;
	[dreg:$0x1] =	wrdreg $0xFFFFFFFF  }
0xa7: {  	s28 =	simm.s32 $_size_execute0_lowered;
	s3 =	sadd.s32 s3, s5;
	[dreg:$0x0] =	wrdreg $0x0  }
0xa8: {  	s5 =	sshll.u32 s28, $0x1;
	[dreg:$0x2] =	wrdreg s3  }
0xa9: {  	[dreg:$0x3] =	wrdreg s5  }
0xaa: {  	[dreg:$0x4] =	wrdreg $0xC0  }
0xab: {  	_ =	task [dreg:s7], $0x5FFFF  }
0xac: {  	[dreg:$0x1] =	wrdreg $0xFFFFFFFF  }
0xad: {  	[dreg:$0x0] =	wrdreg $0x60  }
0xae: {  	[dreg:$0x2] =	wrdreg s24  }
0xaf: {  	[dreg:$0x3] =	wrdreg s2  }
0xb0: {  	[dreg:$0x4] =	wrdreg $0x9  }
0xb1: {  	_ =	task.clear_ibuf [dreg:s7], $0x5FFFF;
	_ =	strace $0x90000049  }
0xb2: {  	s29 =	simm.s32 $0x9;
	_ =	strace $0x8000004B  }
0xb3: {  	_ =	swait.ge [sflag:s29], $0x1  }
0xb4: {  	[sflag:s29] =	ssyncadd.s32 $0xFFFFFFFF  }
0xb5: {  	_ =	strace $0x9000004B  }
0xb6: {  	_ =	sfence  }
0xb7: {  	s30 =	sld [smem:$0x0];
	_ =	sdelay $0x2  }
0xb8: {  	s31 =	sshll.u32 s1, $0xD;
	s1 =	sshrl.u32 s1, $0x2  }
0xb9: {  	s3 =	sand.u32 $0x4000, s31;
	s1 =	sadd.s32 s1, s30  }
0xba: {  	s0 =	sor.u32 s3, s0;
	s1 =	sshll.u32 s1, $0x11  }
0xbb: {  	s0 =	sor.u32 s1, s0  }
0xbc: {  	s0 =	sadd.s32 $0x8F2B, s0  }
0xbd: {  	[sflag:s0] =	ssyncadd.remote.s32 $0x1  }
0xbe: {  	_ =	sfence.sel $0xFFFF  }
0xbf: {  	[dreg:$0x0] =	wrdreg $0xFFFFFFFF;
	(pc) =	sbr.abs _section_cstart, $3  }
0xc0: {  	[dreg:$0x1] =	wrdreg $0xFFFFFFFF  }
0xc1: {  	_ =	task.clear_ibuf [dreg:s7], $0x2FFFF;
	_ =	strace $0x9FFFFFFF  }
0xc2: {  	(tm) =	ssettm $0x7FFFFFFF  }
0xc3: {  	_ =	shalt  }
tec
execute0_lowered:
.L_overlay_start_1:
0x0: {  	(tag) =	ssettag $0x1  }
0x1: {  	v0 =	vlaneseq.u32  }
0x2: {  	v0 =	vmul.u32 $0x410, v0;
	_ =	sdelay $0x1  }
0x3: {  	v1 =	vor.u32 $0x1, v0  }
0x4: {  	s5 =	rddreg [dreg:$0x0];
	s1 =	srdreg.scid;
	v2 =	vor.u32 $0x2, v0;
	v3 =	vor.u32 $0x3, v0;
	v4 =	vor.u32 $0x4, v0  }
0x5: {  	s0 =	stileid.u32;
	s2 =	rddreg [dreg:$0x1];
	s11 =	simm.s32 $0x20;
	v5 =	vor.u32 $0x5, v0;
	v6 =	vor.u32 $0x6, v0;
	v7 =	vor.u32 $0x7, v0  }
0x6: {  	s12 =	simm.s32 $0x80;
	s13 =	simm.s32 $0x2;
	s14 =	simm.s32 $0x8200;
	v8 =	vor.u32 $0x8, v0;
	v9 =	vor.u32 $0x9, v0;
	v10 =	vor.u32 $0xA, v0  }
0x7: {  	s15 =	simm.s32 $0x3;
	s4 =	sand.u32 $0x1, s1;
	s3 =	sshll.u32 s0, $0x1;
	v11 =	vor.u32 $0xB, v0;
	v12 =	vor.u32 $0xC, v0;
	v13 =	vor.u32 $0xD, v0  }
0x8: {  	s16 =	simm.s32 $0x4;
	s17 =	simm.s32 $0x0;
	s7 =	sor.u32 s4, s3;
	v14 =	vor.u32 $0xE, v0;
	v15 =	vor.u32 $0xF, v0;
	v16 =	vadd.s32 $0x10, v0  }
0x9: {  	s1 =	rddreg [dreg:$0x2];
	s6 =	ssub.s32 $0x2, s4;
	s4 =	smul.u32 $0x3400, s7;
	v17 =	vadd.s32 $0x11, v0;
	v18 =	vadd.s32 $0x12, v0;
	v19 =	vadd.s32 $0x13, v0  }
0xa: {  	s5 =	sadd.s32 $0xA00, s5;
	s3 =	simm.s32 $0x0;
	s9 =	smul.u32 $0xD000, s7;
	v20 =	vadd.s32 $0x14, v0;
	v21 =	vadd.s32 $0x15, v0;
	v22 =	vadd.s32 $0x16, v0  }
0xb: {  	[smem:$0x7FF] =	sst s3;
	s8 =	sshrl.u32 s6, $0x1;
	s7 =	sshll.u32 s7, $0x9;
	v23 =	vadd.s32 $0x17, v0;
	v24 =	vadd.s32 $0x18, v0;
	v25 =	vadd.s32 $0x19, v0  }
0xc: {  	v26 =	vadd.s32 $0x1A, v0;
	v27 =	vadd.s32 $0x1B, v0;
	v28 =	vadd.s32 $0x1C, v0;
	_ =	strace $0x8000004A;
	s10 =	ssub.s32 s6, s8;
	s6 =	sadd.s32 s5, s9  }
0xd: {  	v29 =	vadd.s32 $0x1D, v0;
	v30 =	vadd.s32 $0x1E, v0;
	v31 =	vadd.s32 $0x1F, v0;
	s8 =	sadd.s32 $0x680, s4;
	s9 =	smax.u32 s10, $0x1;
	s10 =	simm.s32 $0x1  }
.LBB2_1:
0xe: {  	s18 =	sadd.s32 $0x0, s6;
	s19 =	simm.s32 $0x4;
	s20 =	simm.s32 $0x0  }
0xf: {  	[tilespmem:s3], [sflag:$0x1] =	stream.linear.gather [hbm4b:s18+s3], $0x20, $0x38;
	[tilespmem:$0x1D400] =	vst v63  }
.LBB2_2:
0x10: {  	p0 =	sne.s32 s19, $0xCFC  }
.Ltmp0:
0x11: {  	_ = 	snop;
	(pc) =	sbr.rel @p0 .LBB2_2-.Ltmp0, $4  }
0x12: {  	_ = 	snop  }
0x13: {  	s21 =	sadd.s32 s19, s6;
	s20 =	sadd.s32 $0x28, s20  }
0x14: {  	s18 =	simm.s32 $0x0;
	s19 =	sadd.s32 $0x4, s19  }
0x15: {  	[tilespmem:s20], [sflag:$0x1] =	stream.linear.gather [hbm4b:s21+s18], $0x20, $0x38;
	[tilespmem:$0x1D400] =	vst v63  }
.LBB2_3:
0x16: {  	s19 =	sshll.u32 s18, $0x1  }
0x17: {  	s19 =	sor.u32 $0x1, s19  }
0x18: {  	_ =	swait.ge [sflag:s10], $0x6800;
	s20 =	smul.u32 $0x340, s19  }
0x19: {  	p0 =	seq.s32 s18, $0x0;
	[sflag:s10] =	ssyncset.done $0x0  }
0x1a: {  	s21 =	simm.s32 @!p0 $0x3;
	[sflag:s10] =	ssyncadd.s32 $0xFFFF9800;
	s20 =	sadd.s32 s4, s20  }
0x1b: {  	_ =	swait.ge @!p0 [sflag:s21], $0x6800;
	s20 =	sshll.u32 s20, $0x2  }
0x1c: {  	s22 =	simm.s32 $0x8200;
	[sflag:s21] =	ssyncset.done @!p0 $0x0;
	s20 =	sand.u32 $0x1FFFFF00, s20  }
0x1d: {  	s23 =	simm.s32 $0x0;
	[sflag:s21] =	ssyncadd.s32 @!p0 $0xFFFF9800;
	s21 =	sadd.s32 s5, s20  }
.LBB2_4:
0x1e: {  	p1 =	sne.s32 s23, $0xCFC  }
.Ltmp1:
0x1f: {  	_ = 	snop;
	(pc) =	sbr.rel @p1 .LBB2_4-.Ltmp1, $4  }
0x20: {  	_ = 	snop  }
0x21: {  	s24 =	sadd.s32 s23, s21;
	s20 =	simm.s32 $0x0  }
0x22: {  	[tilespmem:s22], [sflag:$0x2] =	stream.linear.gather [hbm4b:s24+s20], $0x20, $0x38;
	[tilespmem:$0x1D400] =	vst v63  }
0x23: {  	s23 =	sadd.s32 $0x4, s23;
	s22 =	sadd.s32 $0x28, s22  }
0x24: {  	s21 =	simm.s32 $0x1  }
0x25: {  	v32 =	vmov s21  }
0x26: {  	v32 =	vmul.u32 $0x28, v32;
	_ =	sdelay $0x1  }
0x27: {  	v35 =	vbroadcast v32, $0x0;
	_ =	sdelay $0x1  }
0x28: {  	v33 =	vmov s20;
	v32 =	vadd.s32 v0, v35  }
0x29: {  	v33 =	vmul.u32 $0x28, v33;
	_ =	sdelay $0x1  }
0x2a: {  	v34 =	vbroadcast v33, $0x0;
	_ =	sdelay $0x1  }
0x2b: {  	v33 =	vadd.s32 v0, v34;
	v32 =	vld.idx.msk [tilespmem:v32+s3+$0x0], $0xffff  }
0x2c: {  	v36 =	vadd.s32 v1, v35;
	_ =	sdelay $0x2  }
0x2d: {  	s22 =	simm.s32 $0x10800  }
0x2e: {  	v33 =	vld.idx.msk [tilespmem:v33+s3+$0x0], $0xffff;
	[tilespmem:s22+$0x0] =	vst v32  }
0x2f: {  	v37 =	vadd.s32 v1, v34;
	v32 =	vld.idx.msk [tilespmem:v36+s3+$0x0], $0xffff  }
0x30: {  	v44 =	vadd.s32 v2, v35;
	_ =	sdelay $0x2  }
0x31: {  	[tilespmem:s22+$0xFFFFFC00] =	vst v33  }
0x32: {  	v33 =	vld.idx.msk [tilespmem:v37+s3+$0x0], $0xffff;
	[tilespmem:s22+$0x20] =	vst v32  }
0x33: {  	v46 =	vadd.s32 v2, v34;
	v32 =	vld.idx.msk [tilespmem:v44+s3+$0x0], $0xffff  }
0x34: {  	v45 =	vadd.s32 v3, v35;
	_ =	sdelay $0x2  }
0x35: {  	[tilespmem:s22+$0xFFFFFC20] =	vst v33  }
0x36: {  	v33 =	vld.idx.msk [tilespmem:v46+s3+$0x0], $0xffff;
	[tilespmem:s22+$0x40] =	vst v32  }
0x37: {  	v48 =	vadd.s32 v3, v34;
	v32 =	vld.idx.msk [tilespmem:v45+s3+$0x0], $0xffff  }
0x38: {  	v47 =	vadd.s32 v4, v35;
	_ =	sdelay $0x2  }
0x39: {  	[tilespmem:s22+$0xFFFFFC40] =	vst v33  }
0x3a: {  	v33 =	vld.idx.msk [tilespmem:v48+s3+$0x0], $0xffff;
	[tilespmem:s22+$0x60] =	vst v32  }
0x3b: {  	v50 =	vadd.s32 v4, v34;
	v32 =	vld.idx.msk [tilespmem:v47+s3+$0x0], $0xffff  }
0x3c: {  	v49 =	vadd.s32 v5, v35;
	_ =	sdelay $0x2  }
0x3d: {  	[tilespmem:s22+$0xFFFFFC60] =	vst v33  }
0x3e: {  	v33 =	vld.idx.msk [tilespmem:v50+s3+$0x0], $0xffff;
	[tilespmem:s22+$0x80] =	vst v32  }
0x3f: {  	v52 =	vadd.s32 v5, v34;
	v32 =	vld.idx.msk [tilespmem:v49+s3+$0x0], $0xffff  }
0x40: {  	v51 =	vadd.s32 v6, v35;
	_ =	sdelay $0x2  }
0x41: {  	[tilespmem:s22+$0xFFFFFC80] =	vst v33  }
0x42: {  	v33 =	vld.idx.msk [tilespmem:v52+s3+$0x0], $0xffff;
	[tilespmem:s22+$0xA0] =	vst v32  }
0x43: {  	v54 =	vadd.s32 v6, v34;
	v32 =	vld.idx.msk [tilespmem:v51+s3+$0x0], $0xffff  }
0x44: {  	v53 =	vadd.s32 v7, v35;
	_ =	sdelay $0x2  }
0x45: {  	[tilespmem:s22+$0xFFFFFCA0] =	vst v33  }
0x46: {  	v33 =	vld.idx.msk [tilespmem:v54+s3+$0x0], $0xffff;
	[tilespmem:s22+$0xC0] =	vst v32  }
0x47: {  	v56 =	vadd.s32 v7, v34;
	v32 =	vld.idx.msk [tilespmem:v53+s3+$0x0], $0xffff  }
0x48: {  	v55 =	vadd.s32 v8, v35;
	_ =	sdelay $0x2  }
0x49: {  	[tilespmem:s22+$0xFFFFFCC0] =	vst v33  }
0x4a: {  	v33 =	vld.idx.msk [tilespmem:v56+s3+$0x0], $0xffff;
	[tilespmem:s22+$0xE0] =	vst v32  }
0x4b: {  	v58 =	vadd.s32 v8, v34;
	v32 =	vld.idx.msk [tilespmem:v55+s3+$0x0], $0xffff  }
0x4c: {  	v57 =	vadd.s32 v9, v35;
	_ =	sdelay $0x2  }
0x4d: {  	[tilespmem:s22+$0xFFFFFCE0] =	vst v33  }
0x4e: {  	v33 =	vld.idx.msk [tilespmem:v58+s3+$0x0], $0xffff;
	[tilespmem:s22+$0x100] =	vst v32  }
0x4f: {  	v60 =	vadd.s32 v9, v34;
	v32 =	vld.idx.msk [tilespmem:v57+s3+$0x0], $0xffff  }
0x50: {  	v59 =	vadd.s32 v10, v35;
	_ =	sdelay $0x2  }
0x51: {  	[tilespmem:s22+$0xFFFFFD00] =	vst v33  }
0x52: {  	v33 =	vld.idx.msk [tilespmem:v60+s3+$0x0], $0xffff;
	[tilespmem:s22+$0x120] =	vst v32  }
0x53: {  	v62 =	vadd.s32 v10, v34;
	v32 =	vld.idx.msk [tilespmem:v59+s3+$0x0], $0xffff  }
0x54: {  	v61 =	vadd.s32 v11, v35;
	_ =	sdelay $0x2  }
0x55: {  	[tilespmem:s22+$0xFFFFFD20] =	vst v33  }
0x56: {  	v33 =	vld.idx.msk [tilespmem:v62+s3+$0x0], $0xffff;
	[tilespmem:s22+$0x140] =	vst v32  }
0x57: {  	v40 =	vadd.s32 v11, v34;
	v32 =	vld.idx.msk [tilespmem:v61+s3+$0x0], $0xffff  }
0x58: {  	v63 =	vadd.s32 v12, v35;
	_ =	sdelay $0x2  }
0x59: {  	[tilespmem:s22+$0xFFFFFD40] =	vst v33  }
0x5a: {  	v33 =	vld.idx.msk [tilespmem:v40+s3+$0x0], $0xffff;
	[tilespmem:s22+$0x160] =	vst v32  }
0x5b: {  	v42 =	vadd.s32 v12, v34;
	v32 =	vld.idx.msk [tilespmem:v63+s3+$0x0], $0xffff  }
0x5c: {  	v41 =	vadd.s32 v13, v35;
	_ =	sdelay $0x2  }
0x5d: {  	[tilespmem:s22+$0xFFFFFD60] =	vst v33  }
0x5e: {  	v33 =	vld.idx.msk [tilespmem:v42+s3+$0x0], $0xffff;
	[tilespmem:s22+$0x180] =	vst v32  }
0x5f: {  	v44 =	vadd.s32 v13, v34;
	v32 =	vld.idx.msk [tilespmem:v41+s3+$0x0], $0xffff  }
0x60: {  	v43 =	vadd.s32 v14, v35;
	_ =	sdelay $0x2  }
0x61: {  	[tilespmem:s22+$0xFFFFFD80] =	vst v33  }
0x62: {  	v33 =	vld.idx.msk [tilespmem:v44+s3+$0x0], $0xffff;
	[tilespmem:s22+$0x1A0] =	vst v32  }
0x63: {  	v46 =	vadd.s32 v14, v34;
	v32 =	vld.idx.msk [tilespmem:v43+s3+$0x0], $0xffff  }
0x64: {  	v45 =	vadd.s32 v15, v35;
	_ =	sdelay $0x2  }
0x65: {  	[tilespmem:s22+$0xFFFFFDA0] =	vst v33  }
0x66: {  	v33 =	vld.idx.msk [tilespmem:v46+s3+$0x0], $0xffff;
	[tilespmem:s22+$0x1C0] =	vst v32  }
0x67: {  	v48 =	vadd.s32 v15, v34;
	v32 =	vld.idx.msk [tilespmem:v45+s3+$0x0], $0xffff  }
0x68: {  	v47 =	vadd.s32 v16, v35;
	_ =	sdelay $0x2  }
0x69: {  	[tilespmem:s22+$0xFFFFFDC0] =	vst v33  }
0x6a: {  	s25 =	simm.s32 $0x3;
	v37 =	vld.idx.msk [tilespmem:v48+s3+$0x0], $0xffff;
	[tilespmem:s22+$0x1E0] =	vst v32  }
0x6b: {  	v38 =	vadd.s32 v16, v34;
	v50 =	vmov s25;
	v32 =	vld.idx.msk [tilespmem:v47+s3+$0x0], $0xffff  }
0x6c: {  	v49 =	vadd.s32 v17, v35;
	v51 =	vmul.u32 $0x28, v50;
	_ =	sdelay $0x1  }
0x6d: {  	s26 =	simm.s32 $0x2;
	v33 =	vbroadcast v51, $0x0  }
0x6e: {  	v39 =	vmov s26;
	[tilespmem:s22+$0xFFFFFDE0] =	vst v37  }
0x6f: {  	v52 =	vmul.u32 $0x28, v39;
	v53 =	vadd.s32 v0, v33;
	v37 =	vld.idx.msk [tilespmem:v38+s3+$0x0], $0xffff;
	[tilespmem:s22+$0x200] =	vst v32  }
0x70: {  	v54 =	vadd.s32 v17, v34;
	v36 =	vld.idx.msk [tilespmem:v49+s3+$0x0], $0xffff  }
0x71: {  	v40 =	vadd.s32 v18, v35;
	v32 =	vbroadcast v52, $0x0;
	_ =	sdelay $0x1  }
0x72: {  	v55 =	vadd.s32 v0, v32  }
0x73: {  	v56 =	vld.idx.msk [tilespmem:v53+s3+$0x0], $0xffff;
	[tilespmem:s22+$0xFFFFFE00] =	vst v37  }
0x74: {  	v58 =	vadd.s32 v1, v33;
	v57 =	vld.idx.msk [tilespmem:v54+s3+$0x0], $0xffff;
	[tilespmem:s22+$0x220] =	vst v36  }
0x75: {  	v42 =	vadd.s32 v18, v34;
	v40 =	vld.idx.msk [tilespmem:v40+s3+$0x0], $0xffff  }
0x76: {  	v41 =	vadd.s32 v19, v35  }
0x77: {  	s20 =	simm.s32 $0x11000;
	v36 =	vld.idx.msk [tilespmem:v55+s3+$0x0], $0xffff  }
0x78: {  	[tilespmem:s20+$0x0] =	vst v56;
	v59 =	vadd.s32 v1, v32  }
0x79: {  	v61 =	vld.idx.msk [tilespmem:v58+s3+$0x0], $0xffff;
	[tilespmem:s22+$0xFFFFFE20] =	vst v57  }
0x7a: {  	v63 =	vadd.s32 v2, v33;
	v62 =	vld.idx.msk [tilespmem:v42+s3+$0x0], $0xffff;
	[tilespmem:s22+$0x240] =	vst v40  }
0x7b: {  	v43 =	vadd.s32 v19, v34;
	v41 =	vld.idx.msk [tilespmem:v41+s3+$0x0], $0xffff  }
0x7c: {  	v60 =	vadd.s32 v20, v35;
	[tilespmem:s20+$0xFFFFFC00] =	vst v36  }
0x7d: {  	v36 =	vld.idx.msk [tilespmem:v59+s3+$0x0], $0xffff  }
0x7e: {  	v45 =	vadd.s32 v2, v32;
	[tilespmem:s20+$0x20] =	vst v61  }
0x7f: {  	v47 =	vld.idx.msk [tilespmem:v63+s3+$0x0], $0xffff;
	[tilespmem:s22+$0xFFFFFE40] =	vst v62  }
0x80: {  	v49 =	vadd.s32 v3, v33;
	v48 =	vld.idx.msk [tilespmem:v43+s3+$0x0], $0xffff;
	[tilespmem:s22+$0x260] =	vst v41  }
0x81: {  	v50 =	vadd.s32 v20, v34;
	v37 =	vld.idx.msk [tilespmem:v60+s3+$0x0], $0xffff  }
0x82: {  	v46 =	vadd.s32 v21, v35;
	[tilespmem:s20+$0xFFFFFC20] =	vst v36  }
0x83: {  	v36 =	vld.idx.msk [tilespmem:v45+s3+$0x0], $0xffff  }
0x84: {  	v51 =	vadd.s32 v3, v32;
	[tilespmem:s20+$0x40] =	vst v47  }
0x85: {  	v53 =	vld.idx.msk [tilespmem:v49+s3+$0x0], $0xffff;
	[tilespmem:s22+$0xFFFFFE60] =	vst v48  }
0x86: {  	v54 =	vadd.s32 v4, v33;
	v41 =	vld.idx.msk [tilespmem:v50+s3+$0x0], $0xffff;
	[tilespmem:s22+$0x280] =	vst v37  }
0x87: {  	v55 =	vadd.s32 v21, v34;
	v38 =	vld.idx.msk [tilespmem:v46+s3+$0x0], $0xffff  }
0x88: {  	v52 =	vadd.s32 v22, v35;
	[tilespmem:s20+$0xFFFFFC40] =	vst v36  }
0x89: {  	v36 =	vld.idx.msk [tilespmem:v51+s3+$0x0], $0xffff  }
0x8a: {  	v56 =	vadd.s32 v4, v32;
	[tilespmem:s20+$0x60] =	vst v53  }
0x8b: {  	v40 =	vld.idx.msk [tilespmem:v54+s3+$0x0], $0xffff;
	[tilespmem:s22+$0xFFFFFE80] =	vst v41  }
0x8c: {  	v58 =	vadd.s32 v5, v33;
	v41 =	vld.idx.msk [tilespmem:v55+s3+$0x0], $0xffff;
	[tilespmem:s22+$0x2A0] =	vst v38  }
0x8d: {  	v59 =	vadd.s32 v22, v34;
	v38 =	vld.idx.msk [tilespmem:v52+s3+$0x0], $0xffff  }
0x8e: {  	v57 =	vadd.s32 v23, v35;
	[tilespmem:s20+$0xFFFFFC60] =	vst v36  }
0x8f: {  	v36 =	vld.idx.msk [tilespmem:v56+s3+$0x0], $0xffff  }
0x90: {  	v60 =	vadd.s32 v5, v32;
	[tilespmem:s20+$0x80] =	vst v40  }
0x91: {  	v40 =	vld.idx.msk [tilespmem:v58+s3+$0x0], $0xffff;
	[tilespmem:s22+$0xFFFFFEA0] =	vst v41  }
0x92: {  	v62 =	vadd.s32 v6, v33;
	v41 =	vld.idx.msk [tilespmem:v59+s3+$0x0], $0xffff;
	[tilespmem:s22+$0x2C0] =	vst v38  }
0x93: {  	v63 =	vadd.s32 v23, v34;
	v38 =	vld.idx.msk [tilespmem:v57+s3+$0x0], $0xffff  }
0x94: {  	v61 =	vadd.s32 v24, v35;
	[tilespmem:s20+$0xFFFFFC80] =	vst v36  }
0x95: {  	v36 =	vld.idx.msk [tilespmem:v60+s3+$0x0], $0xffff  }
0x96: {  	v45 =	vadd.s32 v6, v32;
	[tilespmem:s20+$0xA0] =	vst v40  }
0x97: {  	v40 =	vld.idx.msk [tilespmem:v62+s3+$0x0], $0xffff;
	[tilespmem:s22+$0xFFFFFEC0] =	vst v41  }
0x98: {  	v47 =	vadd.s32 v7, v33;
	v41 =	vld.idx.msk [tilespmem:v63+s3+$0x0], $0xffff;
	[tilespmem:s22+$0x2E0] =	vst v38  }
0x99: {  	v48 =	vadd.s32 v24, v34;
	v38 =	vld.idx.msk [tilespmem:v61+s3+$0x0], $0xffff  }
0x9a: {  	v46 =	vadd.s32 v25, v35;
	[tilespmem:s20+$0xFFFFFCA0] =	vst v36  }
0x9b: {  	v36 =	vld.idx.msk [tilespmem:v45+s3+$0x0], $0xffff  }
0x9c: {  	v49 =	vadd.s32 v7, v32;
	[tilespmem:s20+$0xC0] =	vst v40  }
0x9d: {  	v40 =	vld.idx.msk [tilespmem:v47+s3+$0x0], $0xffff;
	[tilespmem:s22+$0xFFFFFEE0] =	vst v41  }
0x9e: {  	v51 =	vadd.s32 v8, v33;
	v41 =	vld.idx.msk [tilespmem:v48+s3+$0x0], $0xffff;
	[tilespmem:s22+$0x300] =	vst v38  }
0x9f: {  	v52 =	vadd.s32 v25, v34;
	v38 =	vld.idx.msk [tilespmem:v46+s3+$0x0], $0xffff  }
0xa0: {  	v50 =	vadd.s32 v26, v35;
	[tilespmem:s20+$0xFFFFFCC0] =	vst v36  }
0xa1: {  	v36 =	vld.idx.msk [tilespmem:v49+s3+$0x0], $0xffff  }
0xa2: {  	v53 =	vadd.s32 v8, v32;
	[tilespmem:s20+$0xE0] =	vst v40  }
0xa3: {  	v40 =	vld.idx.msk [tilespmem:v51+s3+$0x0], $0xffff;
	[tilespmem:s22+$0xFFFFFF00] =	vst v41  }
0xa4: {  	v55 =	vadd.s32 v9, v33;
	v41 =	vld.idx.msk [tilespmem:v52+s3+$0x0], $0xffff;
	[tilespmem:s22+$0x320] =	vst v38  }
0xa5: {  	v56 =	vadd.s32 v26, v34;
	v38 =	vld.idx.msk [tilespmem:v50+s3+$0x0], $0xffff  }
0xa6: {  	v54 =	vadd.s32 v27, v35;
	[tilespmem:s20+$0xFFFFFCE0] =	vst v36  }
0xa7: {  	v36 =	vld.idx.msk [tilespmem:v53+s3+$0x0], $0xffff  }
0xa8: {  	v57 =	vadd.s32 v9, v32;
	[tilespmem:s20+$0x100] =	vst v40  }
0xa9: {  	v40 =	vld.idx.msk [tilespmem:v55+s3+$0x0], $0xffff;
	[tilespmem:s22+$0xFFFFFF20] =	vst v41  }
0xaa: {  	v59 =	vadd.s32 v10, v33;
	v41 =	vld.idx.msk [tilespmem:v56+s3+$0x0], $0xffff;
	[tilespmem:s22+$0x340] =	vst v38  }
0xab: {  	v60 =	vadd.s32 v27, v34;
	v38 =	vld.idx.msk [tilespmem:v54+s3+$0x0], $0xffff  }
0xac: {  	v58 =	vadd.s32 v28, v35;
	[tilespmem:s20+$0xFFFFFD00] =	vst v36  }
0xad: {  	v36 =	vld.idx.msk [tilespmem:v57+s3+$0x0], $0xffff  }
0xae: {  	v61 =	vadd.s32 v10, v32;
	[tilespmem:s20+$0x120] =	vst v40  }
0xaf: {  	v63 =	vld.idx.msk [tilespmem:v59+s3+$0x0], $0xffff;
	[tilespmem:s22+$0xFFFFFF40] =	vst v41  }
0xb0: {  	v50 =	vadd.s32 v11, v33;
	v49 =	vld.idx.msk [tilespmem:v60+s3+$0x0], $0xffff;
	[tilespmem:s22+$0x360] =	vst v38  }
0xb1: {  	v44 =	vadd.s32 v28, v34;
	v38 =	vld.idx.msk [tilespmem:v58+s3+$0x0], $0xffff  }
0xb2: {  	v62 =	vadd.s32 v29, v35;
	[tilespmem:s20+$0xFFFFFD20] =	vst v36  }
0xb3: {  	s30 =	simm.s32 $0x4;
	v36 =	vld.idx.msk [tilespmem:v61+s3+$0x0], $0xffff  }
0xb4: {  	v48 =	vmov s30;
	v51 =	vadd.s32 v11, v32;
	[tilespmem:s20+$0x140] =	vst v63  }
0xb5: {  	v39 =	vmul.u32 $0x28, v48;
	v54 =	vld.idx.msk [tilespmem:v50+s3+$0x0], $0xffff;
	[tilespmem:s22+$0xFFFFFF60] =	vst v49  }
0xb6: {  	v56 =	vadd.s32 v12, v33;
	v55 =	vld.idx.msk [tilespmem:v44+s3+$0x0], $0xffff;
	[tilespmem:s22+$0x380] =	vst v38  }
0xb7: {  	v45 =	vadd.s32 v29, v34;
	v39 =	vbroadcast v39, $0x0;
	v38 =	vld.idx.msk [tilespmem:v62+s3+$0x0], $0xffff  }
0xb8: {  	v52 =	vadd.s32 v30, v35;
	[tilespmem:s20+$0xFFFFFD40] =	vst v36  }
0xb9: {  	v53 =	vadd.s32 v0, v39;
	v36 =	vld.idx.msk [tilespmem:v51+s3+$0x0], $0xffff  }
0xba: {  	[tilespmem:s20+$0x160] =	vst v54;
	v58 =	vadd.s32 v12, v32  }
0xbb: {  	v42 =	vld.idx.msk [tilespmem:v56+s3+$0x0], $0xffff;
	[tilespmem:s22+$0xFFFFFF80] =	vst v55  }
0xbc: {  	v60 =	vadd.s32 v13, v33;
	v43 =	vld.idx.msk [tilespmem:v45+s3+$0x0], $0xffff;
	[tilespmem:s22+$0x3A0] =	vst v38  }
0xbd: {  	v61 =	vadd.s32 v30, v34;
	v57 =	vld.idx.msk [tilespmem:v52+s3+$0x0], $0xffff  }
0xbe: {  	s31 =	simm.s32 $0x1A1;
	v35 =	vadd.s32 v31, v35;
	v40 =	vld.idx.msk [tilespmem:v53+s3+$0x0], $0xffff;
	[tilespmem:s20+$0xFFFFFD60] =	vst v36  }
0xbf: {  	v59 =	vmov s31;
	v36 =	vld.idx.msk [tilespmem:v58+s3+$0x0], $0xffff  }
0xc0: {  	v63 =	vadd.s32 v13, v32;
	v38 =	vmul.u32 $0x28, v59;
	[tilespmem:s20+$0x180] =	vst v42  }
0xc1: {  	[tilespmem:s22+$0xFFFFFFA0] =	vst v43;
	v42 =	vld.idx.msk [tilespmem:v60+s3+$0x0], $0xffff  }
0xc2: {  	v48 =	vadd.s32 v14, v33;
	v38 =	vbroadcast v38, $0x0;
	v43 =	vld.idx.msk [tilespmem:v61+s3+$0x0], $0xffff;
	[tilespmem:s22+$0x3C0] =	vst v57  }
0xc3: {  	s23 =	simm.s32 $0x1A0;
	v34 =	vadd.s32 v31, v34;
	v35 =	vld.idx.msk [tilespmem:v35+s3+$0x0], $0xffff  }
0xc4: {  	v49 =	vmov s23;
	v62 =	vadd.s32 v0, v38;
	[tilespmem:s20+$0xFFFFFD80] =	vst v36  }
0xc5: {  	v50 =	vmul.u32 $0x28, v49;
	v41 =	vld.idx.msk [tilespmem:v63+s3+$0x0], $0xffff  }
0xc6: {  	v52 =	vadd.s32 v14, v32;
	[tilespmem:s20+$0x1A0] =	vst v42  }
0xc7: {  	[tilespmem:s22+$0xFFFFFFC0] =	vst v43;
	v36 =	vbroadcast v50, $0x0;
	v53 =	vld.idx.msk [tilespmem:v48+s3+$0x0], $0xffff  }
0xc8: {  	v54 =	vadd.s32 v15, v33;
	v34 =	vld.idx.msk [tilespmem:v34+s3+$0x0], $0xffff;
	[tilespmem:s22+$0x3E0] =	vst v35  }
0xc9: {  	v55 =	vadd.s32 v0, v36;
	v37 =	vld.idx.msk [tilespmem:v62+s3+$0x0], $0xffff  }
0xca: {  	v51 =	vadd.s32 v1, v38;
	[tilespmem:s20+$0xFFFFFDA0] =	vst v41  }
0xcb: {  	v41 =	vld.idx.msk [tilespmem:v52+s3+$0x0], $0xffff  }
0xcc: {  	v57 =	vadd.s32 v15, v32;
	[tilespmem:s20+$0x1C0] =	vst v53  }
0xcd: {  	[tilespmem:s22+$0xFFFFFFE0] =	vst v34;
	v58 =	vld.idx.msk [tilespmem:v54+s3+$0x0], $0xffff  }
0xce: {  	v60 =	vadd.s32 v16, v33;
	v59 =	vld.idx.msk [tilespmem:v55+s3+$0x0], $0xffff;
	[tilespmem:s22+$0x10] =	vst v37  }
0xcf: {  	v61 =	vadd.s32 v1, v36;
	v37 =	vld.idx.msk [tilespmem:v51+s3+$0x0], $0xffff  }
0xd0: {  	v56 =	vadd.s32 v2, v38;
	[tilespmem:s20+$0xFFFFFDC0] =	vst v41  }
0xd1: {  	v34 =	vld.idx.msk [tilespmem:v57+s3+$0x0], $0xffff  }
0xd2: {  	v63 =	vadd.s32 v16, v32;
	[tilespmem:s20+$0x1E0] =	vst v58  }
0xd3: {  	[tilespmem:s22+$0xFFFFFC10] =	vst v59;
	v42 =	vld.idx.msk [tilespmem:v60+s3+$0x0], $0xffff  }
0xd4: {  	v48 =	vadd.s32 v17, v33;
	v43 =	vld.idx.msk [tilespmem:v61+s3+$0x0], $0xffff;
	[tilespmem:s22+$0x30] =	vst v37  }
0xd5: {  	v49 =	vadd.s32 v2, v36;
	v35 =	vld.idx.msk [tilespmem:v56+s3+$0x0], $0xffff  }
0xd6: {  	v62 =	vadd.s32 v3, v38;
	[tilespmem:s20+$0xFFFFFDE0] =	vst v34  }
0xd7: {  	v52 =	vld.idx.msk [tilespmem:v63+s3+$0x0], $0xffff  }
0xd8: {  	v54 =	vadd.s32 v17, v32;
	[tilespmem:s20+$0x200] =	vst v42  }
0xd9: {  	s24 =	simm.s32 $0x5;
	[tilespmem:s22+$0xFFFFFC30] =	vst v43;
	v55 =	vld.idx.msk [tilespmem:v48+s3+$0x0], $0xffff  }
0xda: {  	v51 =	vmov s24;
	v57 =	vadd.s32 v18, v33;
	v56 =	vld.idx.msk [tilespmem:v49+s3+$0x0], $0xffff;
	[tilespmem:s22+$0x50] =	vst v35  }
0xdb: {  	v46 =	vadd.s32 v3, v36;
	v35 =	vmul.u32 $0x28, v51;
	v50 =	vld.idx.msk [tilespmem:v62+s3+$0x0], $0xffff  }
0xdc: {  	v53 =	vadd.s32 v4, v38;
	[tilespmem:s20+$0xFFFFFE00] =	vst v52  }
0xdd: {  	v35 =	vbroadcast v35, $0x0;
	v37 =	vld.idx.msk [tilespmem:v54+s3+$0x0], $0xffff  }
0xde: {  	v59 =	vadd.s32 v18, v32;
	[tilespmem:s20+$0x220] =	vst v55  }
0xdf: {  	[tilespmem:s22+$0xFFFFFC50] =	vst v56;
	v43 =	vld.idx.msk [tilespmem:v57+s3+$0x0], $0xffff;
	v47 =	vadd.s32 v0, v35  }
0xe0: {  	v60 =	vadd.s32 v19, v33;
	v44 =	vld.idx.msk [tilespmem:v46+s3+$0x0], $0xffff;
	[tilespmem:s22+$0x70] =	vst v50  }
0xe1: {  	v61 =	vadd.s32 v4, v36;
	v34 =	vld.idx.msk [tilespmem:v53+s3+$0x0], $0xffff  }
0xe2: {  	v58 =	vadd.s32 v5, v38;
	[tilespmem:s20+$0xFFFFFE20] =	vst v37  }
0xe3: {  	v62 =	vadd.s32 v1, v39;
	v63 =	vld.idx.msk [tilespmem:v59+s3+$0x0], $0xffff  }
0xe4: {  	[tilespmem:s20+$0x240] =	vst v43;
	v53 =	vadd.s32 v19, v32;
	v47 =	vld.idx.msk [tilespmem:v47+s3+$0x0], $0xffff  }
0xe5: {  	v48 =	vadd.s32 v1, v35;
	[tilespmem:s22+$0xFFFFFC70] =	vst v44;
	v43 =	vld.idx.msk [tilespmem:v60+s3+$0x0], $0xffff  }
0xe6: {  	s21 =	simm.s32 $0x11800;
	v55 =	vadd.s32 v20, v33;
	v54 =	vld.idx.msk [tilespmem:v61+s3+$0x0], $0xffff;
	[tilespmem:s22+$0x90] =	vst v34  }
0xe7: {  	[tilespmem:s21+$0xFFFFFC00] =	vst v40;
	v56 =	vadd.s32 v5, v36;
	v34 =	vld.idx.msk [tilespmem:v58+s3+$0x0], $0xffff  }
0xe8: {  	v52 =	vadd.s32 v6, v38;
	v37 =	vld.idx.msk [tilespmem:v62+s3+$0x0], $0xffff;
	[tilespmem:s20+$0xFFFFFE40] =	vst v63  }
0xe9: {  	v58 =	vadd.s32 v2, v39;
	[tilespmem:s21+$0x0] =	vst v47;
	v59 =	vld.idx.msk [tilespmem:v53+s3+$0x0], $0xffff  }
0xea: {  	v62 =	vadd.s32 v20, v32;
	[tilespmem:s20+$0x260] =	vst v43;
	v47 =	vld.idx.msk [tilespmem:v48+s3+$0x0], $0xffff  }
0xeb: {  	v57 =	vadd.s32 v2, v35;
	[tilespmem:s22+$0xFFFFFC90] =	vst v54;
	v61 =	vld.idx.msk [tilespmem:v55+s3+$0x0], $0xffff  }
0xec: {  	v63 =	vadd.s32 v21, v33;
	v40 =	vld.idx.msk [tilespmem:v56+s3+$0x0], $0xffff;
	[tilespmem:s22+$0xB0] =	vst v34  }
0xed: {  	[tilespmem:s21+$0xFFFFFC20] =	vst v37;
	v34 =	vld.idx.msk [tilespmem:v52+s3+$0x0], $0xffff;
	v52 =	vadd.s32 v6, v36  }
0xee: {  	v60 =	vadd.s32 v7, v38;
	v41 =	vld.idx.msk [tilespmem:v58+s3+$0x0], $0xffff;
	[tilespmem:s20+$0xFFFFFE60] =	vst v59  }
0xef: {  	v54 =	vadd.s32 v3, v39;
	[tilespmem:s21+$0x20] =	vst v47;
	v55 =	vld.idx.msk [tilespmem:v62+s3+$0x0], $0xffff  }
0xf0: {  	v58 =	vadd.s32 v21, v32;
	[tilespmem:s20+$0x280] =	vst v61;
	v47 =	vld.idx.msk [tilespmem:v57+s3+$0x0], $0xffff  }
0xf1: {  	v53 =	vadd.s32 v3, v35;
	[tilespmem:s22+$0xFFFFFCB0] =	vst v40;
	v57 =	vld.idx.msk [tilespmem:v63+s3+$0x0], $0xffff  }
0xf2: {  	v59 =	vadd.s32 v22, v33;
	[tilespmem:s22+$0xD0] =	vst v34;
	v37 =	vld.idx.msk [tilespmem:v52+s3+$0x0], $0xffff  }
0xf3: {  	[tilespmem:s21+$0xFFFFFC40] =	vst v41;
	v34 =	vld.idx.msk [tilespmem:v60+s3+$0x0], $0xffff;
	v60 =	vadd.s32 v7, v36  }
0xf4: {  	v56 =	vadd.s32 v8, v38;
	v42 =	vld.idx.msk [tilespmem:v54+s3+$0x0], $0xffff;
	[tilespmem:s20+$0xFFFFFE80] =	vst v55  }
0xf5: {  	v62 =	vadd.s32 v4, v39;
	[tilespmem:s21+$0x40] =	vst v47;
	v40 =	vld.idx.msk [tilespmem:v58+s3+$0x0], $0xffff  }
0xf6: {  	v52 =	vadd.s32 v22, v32;
	[tilespmem:s20+$0x2A0] =	vst v57;
	v47 =	vld.idx.msk [tilespmem:v53+s3+$0x0], $0xffff  }
0xf7: {  	v61 =	vadd.s32 v4, v35;
	v45 =	vld.idx.msk [tilespmem:v59+s3+$0x0], $0xffff;
	[tilespmem:s22+$0xFFFFFCD0] =	vst v37  }
0xf8: {  	v53 =	vadd.s32 v23, v33;
	[tilespmem:s22+$0xF0] =	vst v34;
	v41 =	vld.idx.msk [tilespmem:v60+s3+$0x0], $0xffff  }
0xf9: {  	v54 =	vadd.s32 v8, v36;
	[tilespmem:s21+$0xFFFFFC60] =	vst v42;
	v34 =	vld.idx.msk [tilespmem:v56+s3+$0x0], $0xffff  }
0xfa: {  	v63 =	vadd.s32 v9, v38;
	v43 =	vld.idx.msk [tilespmem:v62+s3+$0x0], $0xffff;
	[tilespmem:s20+$0xFFFFFEA0] =	vst v40  }
0xfb: {  	v56 =	vadd.s32 v5, v39;
	[tilespmem:s21+$0x60] =	vst v47;
	v37 =	vld.idx.msk [tilespmem:v52+s3+$0x0], $0xffff  }
0xfc: {  	v58 =	vadd.s32 v23, v32;
	[tilespmem:s20+$0x2C0] =	vst v45;
	v47 =	vld.idx.msk [tilespmem:v61+s3+$0x0], $0xffff  }
0xfd: {  	v55 =	vadd.s32 v5, v35;
	v45 =	vld.idx.msk [tilespmem:v53+s3+$0x0], $0xffff;
	[tilespmem:s22+$0xFFFFFCF0] =	vst v41  }
0xfe: {  	v59 =	vadd.s32 v24, v33;
	[tilespmem:s22+$0x110] =	vst v34;
	v42 =	vld.idx.msk [tilespmem:v54+s3+$0x0], $0xffff  }
0xff: {  	v60 =	vadd.s32 v9, v36;
	[tilespmem:s21+$0xFFFFFC80] =	vst v43;
	v34 =	vld.idx.msk [tilespmem:v63+s3+$0x0], $0xffff  }
0x100: {  	v57 =	vadd.s32 v10, v38;
	v40 =	vld.idx.msk [tilespmem:v56+s3+$0x0], $0xffff;
	[tilespmem:s20+$0xFFFFFEC0] =	vst v37  }
0x101: {  	v62 =	vadd.s32 v6, v39;
	[tilespmem:s21+$0x80] =	vst v47;
	v41 =	vld.idx.msk [tilespmem:v58+s3+$0x0], $0xffff  }
0x102: {  	v52 =	vadd.s32 v24, v32;
	[tilespmem:s20+$0x2E0] =	vst v45;
	v47 =	vld.idx.msk [tilespmem:v55+s3+$0x0], $0xffff  }
0x103: {  	v61 =	vadd.s32 v6, v35;
	v45 =	vld.idx.msk [tilespmem:v59+s3+$0x0], $0xffff;
	[tilespmem:s22+$0xFFFFFD10] =	vst v42  }
0x104: {  	v53 =	vadd.s32 v25, v33;
	[tilespmem:s22+$0x130] =	vst v34;
	v43 =	vld.idx.msk [tilespmem:v60+s3+$0x0], $0xffff  }
0x105: {  	v54 =	vadd.s32 v10, v36;
	[tilespmem:s21+$0xFFFFFCA0] =	vst v40;
	v34 =	vld.idx.msk [tilespmem:v57+s3+$0x0], $0xffff  }
0x106: {  	v63 =	vadd.s32 v11, v38;
	v37 =	vld.idx.msk [tilespmem:v62+s3+$0x0], $0xffff;
	[tilespmem:s20+$0xFFFFFEE0] =	vst v41  }
0x107: {  	v56 =	vadd.s32 v7, v39;
	[tilespmem:s21+$0xA0] =	vst v47;
	v42 =	vld.idx.msk [tilespmem:v52+s3+$0x0], $0xffff  }
0x108: {  	v58 =	vadd.s32 v25, v32;
	[tilespmem:s20+$0x300] =	vst v45;
	v47 =	vld.idx.msk [tilespmem:v61+s3+$0x0], $0xffff  }
0x109: {  	v55 =	vadd.s32 v7, v35;
	v45 =	vld.idx.msk [tilespmem:v53+s3+$0x0], $0xffff;
	[tilespmem:s22+$0xFFFFFD30] =	vst v43  }
0x10a: {  	v59 =	vadd.s32 v26, v33;
	[tilespmem:s22+$0x150] =	vst v34;
	v40 =	vld.idx.msk [tilespmem:v54+s3+$0x0], $0xffff  }
0x10b: {  	v60 =	vadd.s32 v11, v36;
	[tilespmem:s21+$0xFFFFFCC0] =	vst v37;
	v34 =	vld.idx.msk [tilespmem:v63+s3+$0x0], $0xffff  }
0x10c: {  	v57 =	vadd.s32 v12, v38;
	v41 =	vld.idx.msk [tilespmem:v56+s3+$0x0], $0xffff;
	[tilespmem:s20+$0xFFFFFF00] =	vst v42  }
0x10d: {  	v63 =	vadd.s32 v8, v39;
	[tilespmem:s21+$0xC0] =	vst v47;
	v43 =	vld.idx.msk [tilespmem:v58+s3+$0x0], $0xffff  }
0x10e: {  	v53 =	vadd.s32 v26, v32;
	[tilespmem:s20+$0x320] =	vst v45;
	v47 =	vld.idx.msk [tilespmem:v55+s3+$0x0], $0xffff  }
0x10f: {  	v61 =	vadd.s32 v8, v35;
	v46 =	vld.idx.msk [tilespmem:v59+s3+$0x0], $0xffff;
	[tilespmem:s22+$0xFFFFFD50] =	vst v40  }
0x110: {  	s23 =	simm.s32 $0x6;
	v54 =	vadd.s32 v27, v33;
	[tilespmem:s22+$0x170] =	vst v34;
	v37 =	vld.idx.msk [tilespmem:v60+s3+$0x0], $0xffff  }
0x111: {  	v51 =	vmov s23;
	v55 =	vadd.s32 v12, v36;
	[tilespmem:s21+$0xFFFFFCE0] =	vst v41;
	v62 =	vld.idx.msk [tilespmem:v57+s3+$0x0], $0xffff  }
0x112: {  	v52 =	vadd.s32 v13, v38;
	v34 =	vmul.u32 $0x28, v51;
	v44 =	vld.idx.msk [tilespmem:v63+s3+$0x0], $0xffff;
	[tilespmem:s20+$0xFFFFFF20] =	vst v43  }
0x113: {  	v58 =	vadd.s32 v9, v39;
	[tilespmem:s21+$0xE0] =	vst v47;
	v50 =	vld.idx.msk [tilespmem:v53+s3+$0x0], $0xffff  }
0x114: {  	v60 =	vadd.s32 v27, v32;
	v34 =	vbroadcast v34, $0x0;
	[tilespmem:s20+$0x340] =	vst v46;
	v48 =	vld.idx.msk [tilespmem:v61+s3+$0x0], $0xffff  }
0x115: {  	v49 =	vadd.s32 v9, v35;
	v46 =	vld.idx.msk [tilespmem:v54+s3+$0x0], $0xffff;
	[tilespmem:s22+$0xFFFFFD70] =	vst v37  }
0x116: {  	v56 =	vadd.s32 v0, v34;
	[tilespmem:s22+$0x190] =	vst v62;
	v41 =	vld.idx.msk [tilespmem:v55+s3+$0x0], $0xffff  }
0x117: {  	v61 =	vadd.s32 v28, v33;
	[tilespmem:s21+$0xFFFFFD00] =	vst v44;
	v57 =	vld.idx.msk [tilespmem:v52+s3+$0x0], $0xffff  }
0x118: {  	v59 =	vadd.s32 v14, v38;
	v44 =	vld.idx.msk [tilespmem:v58+s3+$0x0], $0xffff;
	[tilespmem:s20+$0xFFFFFF40] =	vst v50  }
0x119: {  	v62 =	vadd.s32 v13, v36;
	[tilespmem:s21+$0x100] =	vst v48;
	v47 =	vld.idx.msk [tilespmem:v60+s3+$0x0], $0xffff  }
0x11a: {  	v52 =	vadd.s32 v10, v39;
	v48 =	vld.idx.msk [tilespmem:v49+s3+$0x0], $0xffff  }
0x11b: {  	v63 =	vadd.s32 v10, v35;
	[tilespmem:s20+$0x360] =	vst v46;
	v40 =	vld.idx.msk [tilespmem:v56+s3+$0x0], $0xffff  }
0x11c: {  	v54 =	vadd.s32 v28, v32;
	v49 =	vld.idx.msk [tilespmem:v61+s3+$0x0], $0xffff;
	[tilespmem:s22+$0x1B0] =	vst v57  }
0x11d: {  	v55 =	vadd.s32 v29, v33;
	[tilespmem:s22+$0xFFFFFD90] =	vst v41;
	v37 =	vld.idx.msk [tilespmem:v59+s3+$0x0], $0xffff  }
0x11e: {  	v53 =	vadd.s32 v15, v38;
	[tilespmem:s21+$0xFFFFFD20] =	vst v44;
	v42 =	vld.idx.msk [tilespmem:v62+s3+$0x0], $0xffff  }
0x11f: {  	v56 =	vadd.s32 v14, v36;
	v43 =	vld.idx.msk [tilespmem:v52+s3+$0x0], $0xffff;
	[tilespmem:s21+$0x120] =	vst v48  }
0x120: {  	v58 =	vadd.s32 v11, v39;
	[tilespmem:s20+$0xFFFFFF60] =	vst v47;
	v45 =	vld.idx.msk [tilespmem:v63+s3+$0x0], $0xffff  }
0x121: {  	v57 =	vadd.s32 v11, v35;
	v41 =	vld.idx.msk [tilespmem:v54+s3+$0x0], $0xffff;
	[tilespmem:s20+$0x380] =	vst v49  }
0x122: {  	v60 =	vadd.s32 v29, v32;
	v48 =	vld.idx.msk [tilespmem:v55+s3+$0x0], $0xffff;
	[tilespmem:s22+$0x1D0] =	vst v37  }
0x123: {  	v61 =	vadd.s32 v30, v33;
	[tilespmem:s22+$0xFFFFFDB0] =	vst v42;
	v37 =	vld.idx.msk [tilespmem:v53+s3+$0x0], $0xffff  }
0x124: {  	v59 =	vadd.s32 v16, v38;
	[tilespmem:s21+$0xFFFFFD40] =	vst v43;
	v44 =	vld.idx.msk [tilespmem:v56+s3+$0x0], $0xffff  }
0x125: {  	v63 =	vadd.s32 v15, v36;
	v46 =	vld.idx.msk [tilespmem:v58+s3+$0x0], $0xffff;
	[tilespmem:s21+$0x140] =	vst v45  }
0x126: {  	[tilespmem:s20+$0xFFFFFF80] =	vst v41;
	v53 =	vadd.s32 v12, v39;
	v62 =	vld.idx.msk [tilespmem:v57+s3+$0x0], $0xffff  }
0x127: {  	v52 =	vadd.s32 v12, v35;
	v42 =	vld.idx.msk [tilespmem:v60+s3+$0x0], $0xffff;
	[tilespmem:s20+$0x3A0] =	vst v48  }
0x128: {  	v55 =	vadd.s32 v30, v32;
	v45 =	vld.idx.msk [tilespmem:v61+s3+$0x0], $0xffff;
	[tilespmem:s22+$0x1F0] =	vst v37  }
0x129: {  	s24 =	simm.s32 $0x1A3;
	v56 =	vadd.s32 v31, v33;
	[tilespmem:s22+$0xFFFFFDD0] =	vst v44;
	v37 =	vld.idx.msk [tilespmem:v59+s3+$0x0], $0xffff  }
0x12a: {  	v54 =	vadd.s32 v17, v38;
	v58 =	vmov s24;
	[tilespmem:s21+$0xFFFFFD60] =	vst v46;
	v43 =	vld.idx.msk [tilespmem:v63+s3+$0x0], $0xffff  }
0x12b: {  	v33 =	vmul.u32 $0x28, v58;
	v57 =	vadd.s32 v16, v36;
	v41 =	vld.idx.msk [tilespmem:v53+s3+$0x0], $0xffff;
	[tilespmem:s21+$0x160] =	vst v62  }
0x12c: {  	v60 =	vadd.s32 v13, v39;
	[tilespmem:s20+$0xFFFFFFA0] =	vst v42;
	v49 =	vld.idx.msk [tilespmem:v52+s3+$0x0], $0xffff  }
0x12d: {  	v33 =	vbroadcast v33, $0x0;
	v59 =	vadd.s32 v13, v35;
	v44 =	vld.idx.msk [tilespmem:v55+s3+$0x0], $0xffff;
	[tilespmem:s20+$0x3C0] =	vst v45  }
0x12e: {  	s25 =	simm.s32 $0x1A2;
	v63 =	vadd.s32 v31, v32;
	v62 =	vld.idx.msk [tilespmem:v56+s3+$0x0], $0xffff;
	[tilespmem:s22+$0x210] =	vst v37  }
0x12f: {  	v53 =	vmov s25;
	v52 =	vadd.s32 v0, v33;
	[tilespmem:s22+$0xFFFFFDF0] =	vst v43;
	v37 =	vld.idx.msk [tilespmem:v54+s3+$0x0], $0xffff  }
0x130: {  	v61 =	vadd.s32 v18, v38;
	v32 =	vmul.u32 $0x28, v53;
	[tilespmem:s21+$0xFFFFFD80] =	vst v41;
	v46 =	vld.idx.msk [tilespmem:v57+s3+$0x0], $0xffff  }
0x131: {  	v42 =	vld.idx.msk [tilespmem:v60+s3+$0x0], $0xffff;
	v54 =	vadd.s32 v17, v36;
	[tilespmem:s21+$0x180] =	vst v49  }
0x132: {  	v56 =	vadd.s32 v14, v39;
	v32 =	vbroadcast v32, $0x0;
	[tilespmem:s20+$0xFFFFFFC0] =	vst v44;
	v49 =	vld.idx.msk [tilespmem:v59+s3+$0x0], $0xffff  }
0x133: {  	v55 =	vadd.s32 v14, v35;
	v43 =	vld.idx.msk [tilespmem:v63+s3+$0x0], $0xffff;
	[tilespmem:s20+$0x3E0] =	vst v62  }
0x134: {  	v58 =	vadd.s32 v0, v32;
	v47 =	vld.idx.msk [tilespmem:v52+s3+$0x0], $0xffff;
	[tilespmem:s22+$0x230] =	vst v37  }
0x135: {  	v59 =	vadd.s32 v1, v33;
	[tilespmem:s22+$0xFFFFFE10] =	vst v46;
	v37 =	vld.idx.msk [tilespmem:v61+s3+$0x0], $0xffff  }
0x136: {  	v57 =	vadd.s32 v19, v38;
	[tilespmem:s21+$0xFFFFFDA0] =	vst v42;
	v41 =	vld.idx.msk [tilespmem:v54+s3+$0x0], $0xffff  }
0x137: {  	v60 =	vadd.s32 v18, v36;
	v44 =	vld.idx.msk [tilespmem:v56+s3+$0x0], $0xffff;
	[tilespmem:s21+$0x1A0] =	vst v49  }
0x138: {  	v62 =	vadd.s32 v15, v39;
	[tilespmem:s20+$0xFFFFFFE0] =	vst v43;
	v49 =	vld.idx.msk [tilespmem:v55+s3+$0x0], $0xffff  }
0x139: {  	v61 =	vadd.s32 v15, v35;
	v63 =	vld.idx.msk [tilespmem:v58+s3+$0x0], $0xffff;
	[tilespmem:s20+$0x10] =	vst v47  }
0x13a: {  	v53 =	vadd.s32 v1, v32;
	v47 =	vld.idx.msk [tilespmem:v59+s3+$0x0], $0xffff;
	[tilespmem:s22+$0x250] =	vst v37  }
0x13b: {  	v54 =	vadd.s32 v2, v33;
	[tilespmem:s22+$0xFFFFFE30] =	vst v41;
	v37 =	vld.idx.msk [tilespmem:v57+s3+$0x0], $0xffff  }
0x13c: {  	v52 =	vadd.s32 v20, v38;
	[tilespmem:s21+$0xFFFFFDC0] =	vst v44;
	v42 =	vld.idx.msk [tilespmem:v60+s3+$0x0], $0xffff  }
0x13d: {  	v55 =	vadd.s32 v19, v36;
	v43 =	vld.idx.msk [tilespmem:v62+s3+$0x0], $0xffff;
	[tilespmem:s21+$0x1C0] =	vst v49  }
0x13e: {  	[tilespmem:s20+$0xFFFFFC10] =	vst v63;
	v57 =	vadd.s32 v16, v39;
	v49 =	vld.idx.msk [tilespmem:v61+s3+$0x0], $0xffff  }
0x13f: {  	v56 =	vadd.s32 v16, v35;
	v41 =	vld.idx.msk [tilespmem:v53+s3+$0x0], $0xffff;
	[tilespmem:s20+$0x30] =	vst v47  }
0x140: {  	v59 =	vadd.s32 v2, v32;
	v47 =	vld.idx.msk [tilespmem:v54+s3+$0x0], $0xffff;
	[tilespmem:s22+$0x270] =	vst v37  }
0x141: {  	v60 =	vadd.s32 v3, v33;
	[tilespmem:s22+$0xFFFFFE50] =	vst v42;
	v37 =	vld.idx.msk [tilespmem:v52+s3+$0x0], $0xffff  }
0x142: {  	v58 =	vadd.s32 v21, v38;
	[tilespmem:s21+$0xFFFFFDE0] =	vst v43;
	v44 =	vld.idx.msk [tilespmem:v55+s3+$0x0], $0xffff  }
0x143: {  	v61 =	vadd.s32 v20, v36;
	v45 =	vld.idx.msk [tilespmem:v57+s3+$0x0], $0xffff;
	[tilespmem:s21+$0x1E0] =	vst v49  }
0x144: {  	v54 =	vadd.s32 v17, v39;
	[tilespmem:s20+$0xFFFFFC30] =	vst v41;
	v49 =	vld.idx.msk [tilespmem:v56+s3+$0x0], $0xffff  }
0x145: {  	v62 =	vadd.s32 v17, v35;
	v42 =	vld.idx.msk [tilespmem:v59+s3+$0x0], $0xffff;
	[tilespmem:s20+$0x50] =	vst v47  }
0x146: {  	s26 =	simm.s32 $0x7;
	v57 =	vadd.s32 v3, v32;
	v48 =	vld.idx.msk [tilespmem:v60+s3+$0x0], $0xffff;
	[tilespmem:s22+$0x290] =	vst v37  }
0x147: {  	v56 =	vmov s26;
	[tilespmem:s22+$0xFFFFFE70] =	vst v44;
	v63 =	vld.idx.msk [tilespmem:v58+s3+$0x0], $0xffff;
	v58 =	vadd.s32 v4, v33  }
0x148: {  	v55 =	vadd.s32 v22, v38;
	[tilespmem:s21+$0xFFFFFE00] =	vst v45;
	v37 =	vmul.u32 $0x28, v56;
	v43 =	vld.idx.msk [tilespmem:v61+s3+$0x0], $0xffff  }
0x149: {  	v59 =	vadd.s32 v21, v36;
	v46 =	vld.idx.msk [tilespmem:v54+s3+$0x0], $0xffff;
	[tilespmem:s21+$0x200] =	vst v49  }
0x14a: {  	[tilespmem:s20+$0xFFFFFC50] =	vst v42;
	v37 =	vbroadcast v37, $0x0;
	v50 =	vld.idx.msk [tilespmem:v62+s3+$0x0], $0xffff;
	v62 =	vadd.s32 v18, v39  }
0x14b: {  	v51 =	vadd.s32 v18, v35;
	v44 =	vld.idx.msk [tilespmem:v57+s3+$0x0], $0xffff;
	[tilespmem:s20+$0x70] =	vst v48  }
0x14c: {  	v60 =	vadd.s32 v0, v37;
	[tilespmem:s22+$0x2B0] =	vst v63;
	v48 =	vld.idx.msk [tilespmem:v58+s3+$0x0], $0xffff  }
0x14d: {  	[tilespmem:s22+$0xFFFFFE90] =	vst v43;
	v63 =	vadd.s32 v5, v33;
	v41 =	vld.idx.msk [tilespmem:v55+s3+$0x0], $0xffff  }
0x14e: {  	v61 =	vadd.s32 v23, v38;
	[tilespmem:s21+$0xFFFFFE20] =	vst v46;
	v45 =	vld.idx.msk [tilespmem:v59+s3+$0x0], $0xffff  }
0x14f: {  	v57 =	vadd.s32 v22, v36;
	[tilespmem:s21+$0x220] =	vst v50;
	v43 =	vld.idx.msk [tilespmem:v62+s3+$0x0], $0xffff  }
0x150: {  	v56 =	vadd.s32 v4, v32;
	[tilespmem:s20+$0xFFFFFC70] =	vst v44;
	v50 =	vld.idx.msk [tilespmem:v51+s3+$0x0], $0xffff  }
0x151: {  	v52 =	vadd.s32 v19, v35;
	v42 =	vld.idx.msk [tilespmem:v60+s3+$0x0], $0xffff;
	[tilespmem:s20+$0x90] =	vst v48  }
0x152: {  	v59 =	vadd.s32 v1, v37;
	[tilespmem:s22+$0x2D0] =	vst v41;
	v44 =	vld.idx.msk [tilespmem:v63+s3+$0x0], $0xffff  }
0x153: {  	s26 =	simm.s32 $0x12000;
	[tilespmem:s22+$0xFFFFFEB0] =	vst v45;
	v58 =	vld.idx.msk [tilespmem:v61+s3+$0x0], $0xffff;
	v61 =	vadd.s32 v1, v34  }
0x154: {  	[tilespmem:s26+$0xFFFFFC00] =	vst v40;
	v60 =	vadd.s32 v24, v38;
	v41 =	vld.idx.msk [tilespmem:v57+s3+$0x0], $0xffff  }
0x155: {  	v62 =	vadd.s32 v6, v33;
	[tilespmem:s21+$0x240] =	vst v50;
	v50 =	vld.idx.msk [tilespmem:v56+s3+$0x0], $0xffff  }
0x156: {  	v63 =	vadd.s32 v19, v39;
	[tilespmem:s26+$0x0] =	vst v42;
	v45 =	vld.idx.msk [tilespmem:v52+s3+$0x0], $0xffff  }
0x157: {  	v57 =	vadd.s32 v5, v32;
	[tilespmem:s21+$0xFFFFFE40] =	vst v43;
	v47 =	vld.idx.msk [tilespmem:v59+s3+$0x0], $0xffff  }
0x158: {  	v56 =	vadd.s32 v20, v35;
	[tilespmem:s22+$0x2F0] =	vst v58;
	v58 =	vld.idx.msk [tilespmem:v61+s3+$0x0], $0xffff  }
0x159: {  	v59 =	vadd.s32 v2, v37;
	[tilespmem:s20+$0xB0] =	vst v44;
	v46 =	vld.idx.msk [tilespmem:v60+s3+$0x0], $0xffff  }
0x15a: {  	[tilespmem:s22+$0xFFFFFED0] =	vst v41;
	v60 =	vld.idx.msk [tilespmem:v62+s3+$0x0], $0xffff;
	v62 =	vadd.s32 v2, v34  }
0x15b: {  	v42 =	vld.idx.msk [tilespmem:v63+s3+$0x0], $0xffff;
	v61 =	vadd.s32 v25, v38;
	[tilespmem:s20+$0xFFFFFC90] =	vst v50  }
0x15c: {  	v63 =	vadd.s32 v7, v33;
	[tilespmem:s21+$0x260] =	vst v45;
	v40 =	vld.idx.msk [tilespmem:v57+s3+$0x0], $0xffff  }
0x15d: {  	[tilespmem:s26+$0x20] =	vst v47;
	v45 =	vld.idx.msk [tilespmem:v56+s3+$0x0], $0xffff;
	v56 =	vadd.s32 v20, v39  }
0x15e: {  	v57 =	vadd.s32 v21, v35;
	v49 =	vld.idx.msk [tilespmem:v59+s3+$0x0], $0xffff;
	[tilespmem:s26+$0xFFFFFC20] =	vst v58  }
0x15f: {  	v59 =	vadd.s32 v3, v37;
	[tilespmem:s22+$0x310] =	vst v46;
	v48 =	vld.idx.msk [tilespmem:v62+s3+$0x0], $0xffff  }
0x160: {  	v58 =	vadd.s32 v6, v32;
	[tilespmem:s20+$0xD0] =	vst v60;
	v44 =	vld.idx.msk [tilespmem:v61+s3+$0x0], $0xffff  }
0x161: {  	[tilespmem:s21+$0xFFFFFE60] =	vst v42;
	v62 =	vadd.s32 v3, v34;
	v60 =	vld.idx.msk [tilespmem:v63+s3+$0x0], $0xffff  }
0x162: {  	v61 =	vadd.s32 v26, v38;
	v47 =	vld.idx.msk [tilespmem:v56+s3+$0x0], $0xffff;
	[tilespmem:s21+$0x280] =	vst v45  }
0x163: {  	v63 =	vadd.s32 v8, v33;
	[tilespmem:s26+$0x40] =	vst v49;
	v45 =	vld.idx.msk [tilespmem:v57+s3+$0x0], $0xffff  }
0x164: {  	[tilespmem:s20+$0xFFFFFCB0] =	vst v40;
	v56 =	vadd.s32 v21, v39;
	v51 =	vld.idx.msk [tilespmem:v59+s3+$0x0], $0xffff  }
0x165: {  	v57 =	vadd.s32 v22, v35;
	v46 =	vld.idx.msk [tilespmem:v58+s3+$0x0], $0xffff;
	[tilespmem:s26+$0xFFFFFC40] =	vst v48  }
0x166: {  	v59 =	vadd.s32 v4, v37;
	[tilespmem:s22+$0x330] =	vst v44;
	v48 =	vld.idx.msk [tilespmem:v62+s3+$0x0], $0xffff  }
0x167: {  	v58 =	vadd.s32 v7, v32;
	[tilespmem:s20+$0xF0] =	vst v60;
	v43 =	vld.idx.msk [tilespmem:v61+s3+$0x0], $0xffff  }
0x168: {  	[tilespmem:s21+$0xFFFFFE80] =	vst v47;
	v40 =	vld.idx.msk [tilespmem:v63+s3+$0x0], $0xffff;
	v61 =	vadd.s32 v4, v34  }
0x169: {  	v60 =	vadd.s32 v27, v38;
	v49 =	vld.idx.msk [tilespmem:v56+s3+$0x0], $0xffff;
	[tilespmem:s21+$0x2A0] =	vst v45  }
0x16a: {  	v62 =	vadd.s32 v9, v33;
	[tilespmem:s26+$0x60] =	vst v51;
	v45 =	vld.idx.msk [tilespmem:v57+s3+$0x0], $0xffff  }
0x16b: {  	v63 =	vadd.s32 v22, v39;
	[tilespmem:s20+$0xFFFFFCD0] =	vst v46;
	v50 =	vld.idx.msk [tilespmem:v59+s3+$0x0], $0xffff  }
0x16c: {  	v56 =	vadd.s32 v23, v35;
	v44 =	vld.idx.msk [tilespmem:v58+s3+$0x0], $0xffff;
	[tilespmem:s26+$0xFFFFFC60] =	vst v48  }
0x16d: {  	v58 =	vadd.s32 v5, v37;
	[tilespmem:s22+$0x350] =	vst v43;
	v47 =	vld.idx.msk [tilespmem:v61+s3+$0x0], $0xffff  }
0x16e: {  	v57 =	vadd.s32 v8, v32;
	[tilespmem:s20+$0x110] =	vst v40;
	v42 =	vld.idx.msk [tilespmem:v60+s3+$0x0], $0xffff  }
0x16f: {  	[tilespmem:s21+$0xFFFFFEA0] =	vst v49;
	v40 =	vld.idx.msk [tilespmem:v62+s3+$0x0], $0xffff;
	v60 =	vadd.s32 v5, v34  }
0x170: {  	v59 =	vadd.s32 v28, v38;
	v51 =	vld.idx.msk [tilespmem:v63+s3+$0x0], $0xffff;
	[tilespmem:s21+$0x2C0] =	vst v45  }
0x171: {  	v61 =	vadd.s32 v10, v33;
	[tilespmem:s26+$0x80] =	vst v50;
	v45 =	vld.idx.msk [tilespmem:v56+s3+$0x0], $0xffff  }
0x172: {  	v62 =	vadd.s32 v23, v39;
	[tilespmem:s20+$0xFFFFFCF0] =	vst v44;
	v48 =	vld.idx.msk [tilespmem:v58+s3+$0x0], $0xffff  }
0x173: {  	v63 =	vadd.s32 v24, v35;
	v43 =	vld.idx.msk [tilespmem:v57+s3+$0x0], $0xffff;
	[tilespmem:s26+$0xFFFFFC80] =	vst v47  }
0x174: {  	v55 =	vadd.s32 v6, v37;
	[tilespmem:s22+$0x370] =	vst v42;
	v47 =	vld.idx.msk [tilespmem:v60+s3+$0x0], $0xffff  }
0x175: {  	v54 =	vadd.s32 v9, v32;
	[tilespmem:s20+$0x130] =	vst v40;
	v46 =	vld.idx.msk [tilespmem:v59+s3+$0x0], $0xffff  }
0x176: {  	v57 =	vadd.s32 v6, v34;
	[tilespmem:s21+$0xFFFFFEC0] =	vst v51;
	v40 =	vld.idx.msk [tilespmem:v61+s3+$0x0], $0xffff  }
0x177: {  	v56 =	vadd.s32 v29, v38;
	v50 =	vld.idx.msk [tilespmem:v62+s3+$0x0], $0xffff;
	[tilespmem:s21+$0x2E0] =	vst v45  }
0x178: {  	v58 =	vadd.s32 v11, v33;
	[tilespmem:s26+$0xA0] =	vst v48;
	v45 =	vld.idx.msk [tilespmem:v63+s3+$0x0], $0xffff  }
0x179: {  	v59 =	vadd.s32 v24, v39;
	[tilespmem:s20+$0xFFFFFD10] =	vst v43;
	v49 =	vld.idx.msk [tilespmem:v55+s3+$0x0], $0xffff  }
0x17a: {  	v60 =	vadd.s32 v25, v35;
	v42 =	vld.idx.msk [tilespmem:v54+s3+$0x0], $0xffff;
	[tilespmem:s26+$0xFFFFFCA0] =	vst v47  }
0x17b: {  	v62 =	vadd.s32 v7, v37;
	[tilespmem:s22+$0x390] =	vst v46;
	v47 =	vld.idx.msk [tilespmem:v57+s3+$0x0], $0xffff  }
0x17c: {  	v61 =	vadd.s32 v10, v32;
	[tilespmem:s20+$0x150] =	vst v40;
	v44 =	vld.idx.msk [tilespmem:v56+s3+$0x0], $0xffff  }
0x17d: {  	[tilespmem:s21+$0xFFFFFEE0] =	vst v50;
	v40 =	vld.idx.msk [tilespmem:v58+s3+$0x0], $0xffff;
	v56 =	vadd.s32 v7, v34  }
0x17e: {  	v63 =	vadd.s32 v30, v38;
	v48 =	vld.idx.msk [tilespmem:v59+s3+$0x0], $0xffff;
	[tilespmem:s21+$0x300] =	vst v45  }
0x17f: {  	v57 =	vadd.s32 v12, v33;
	[tilespmem:s26+$0xC0] =	vst v49;
	v45 =	vld.idx.msk [tilespmem:v60+s3+$0x0], $0xffff  }
0x180: {  	v58 =	vadd.s32 v25, v39;
	[tilespmem:s20+$0xFFFFFD30] =	vst v42;
	v51 =	vld.idx.msk [tilespmem:v62+s3+$0x0], $0xffff  }
0x181: {  	v59 =	vadd.s32 v26, v35;
	v46 =	vld.idx.msk [tilespmem:v61+s3+$0x0], $0xffff;
	[tilespmem:s26+$0xFFFFFCC0] =	vst v47  }
0x182: {  	s25 =	simm.s32 $0x8;
	v61 =	vadd.s32 v8, v37;
	[tilespmem:s22+$0x3B0] =	vst v44;
	v47 =	vld.idx.msk [tilespmem:v56+s3+$0x0], $0xffff  }
0x183: {  	v55 =	vmov s25;
	v60 =	vadd.s32 v11, v32;
	[tilespmem:s20+$0x170] =	vst v40;
	v43 =	vld.idx.msk [tilespmem:v63+s3+$0x0], $0xffff  }
0x184: {  	v62 =	vadd.s32 v31, v38;
	v38 =	vmul.u32 $0x28, v55;
	[tilespmem:s21+$0xFFFFFF00] =	vst v48;
	v40 =	vld.idx.msk [tilespmem:v57+s3+$0x0], $0xffff;
	v63 =	vadd.s32 v8, v34  }
0x185: {  	v49 =	vld.idx.msk [tilespmem:v58+s3+$0x0], $0xffff;
	[tilespmem:s21+$0x320] =	vst v45  }
0x186: {  	v38 =	vbroadcast v38, $0x0;
	v56 =	vadd.s32 v13, v33;
	[tilespmem:s26+$0xE0] =	vst v51;
	v45 =	vld.idx.msk [tilespmem:v59+s3+$0x0], $0xffff  }
0x187: {  	v57 =	vadd.s32 v26, v39;
	[tilespmem:s20+$0xFFFFFD50] =	vst v46;
	v50 =	vld.idx.msk [tilespmem:v61+s3+$0x0], $0xffff  }
0x188: {  	v61 =	vadd.s32 v0, v38;
	v44 =	vld.idx.msk [tilespmem:v60+s3+$0x0], $0xffff;
	[tilespmem:s26+$0xFFFFFCE0] =	vst v47  }
0x189: {  	v58 =	vadd.s32 v27, v35;
	[tilespmem:s22+$0x3D0] =	vst v43;
	v47 =	vld.idx.msk [tilespmem:v63+s3+$0x0], $0xffff  }
0x18a: {  	v60 =	vadd.s32 v9, v37;
	[tilespmem:s20+$0x190] =	vst v40;
	v42 =	vld.idx.msk [tilespmem:v62+s3+$0x0], $0xffff  }
0x18b: {  	v59 =	vadd.s32 v12, v32;
	[tilespmem:s21+$0xFFFFFF20] =	vst v49;
	v46 =	vld.idx.msk [tilespmem:v56+s3+$0x0], $0xffff  }
0x18c: {  	v62 =	vadd.s32 v9, v34;
	v51 =	vld.idx.msk [tilespmem:v57+s3+$0x0], $0xffff;
	[tilespmem:s21+$0x340] =	vst v45  }
0x18d: {  	v63 =	vadd.s32 v14, v33;
	[tilespmem:s26+$0x100] =	vst v50;
	v40 =	vld.idx.msk [tilespmem:v61+s3+$0x0], $0xffff  }
0x18e: {  	v56 =	vadd.s32 v27, v39;
	v45 =	vld.idx.msk [tilespmem:v58+s3+$0x0], $0xffff;
	[tilespmem:s20+$0xFFFFFD70] =	vst v44  }
0x18f: {  	v48 =	vld.idx.msk [tilespmem:v60+s3+$0x0], $0xffff;
	v60 =	vadd.s32 v23, v36;
	[tilespmem:s26+$0xFFFFFD00] =	vst v47  }
0x190: {  	v57 =	vadd.s32 v28, v35;
	v43 =	vld.idx.msk [tilespmem:v59+s3+$0x0], $0xffff;
	[tilespmem:s22+$0x3F0] =	vst v42  }
0x191: {  	v59 =	vadd.s32 v10, v37;
	v47 =	vld.idx.msk [tilespmem:v62+s3+$0x0], $0xffff;
	[tilespmem:s20+$0x1B0] =	vst v46  }
0x192: {  	v58 =	vadd.s32 v13, v32;
	[tilespmem:s21+$0xFFFFFF40] =	vst v51;
	v44 =	vld.idx.msk [tilespmem:v63+s3+$0x0], $0xffff  }
0x193: {  	v61 =	vadd.s32 v10, v34;
	v50 =	vld.idx.msk [tilespmem:v56+s3+$0x0], $0xffff;
	[tilespmem:s21+$0x360] =	vst v45  }
0x194: {  	v62 =	vadd.s32 v15, v33;
	[tilespmem:s26+$0x120] =	vst v48;
	v46 =	vld.idx.msk [tilespmem:v60+s3+$0x0], $0xffff  }
0x195: {  	v63 =	vadd.s32 v28, v39;
	v45 =	vld.idx.msk [tilespmem:v57+s3+$0x0], $0xffff;
	[tilespmem:s20+$0xFFFFFD90] =	vst v43  }
0x196: {  	v49 =	vld.idx.msk [tilespmem:v59+s3+$0x0], $0xffff;
	v59 =	vadd.s32 v24, v36;
	[tilespmem:s26+$0xFFFFFD20] =	vst v47  }
0x197: {  	v56 =	vadd.s32 v29, v35;
	v42 =	vld.idx.msk [tilespmem:v58+s3+$0x0], $0xffff;
	[tilespmem:s20+$0x1D0] =	vst v44  }
0x198: {  	v58 =	vadd.s32 v11, v37;
	v47 =	vld.idx.msk [tilespmem:v61+s3+$0x0], $0xffff;
	[tilespmem:s21+$0xFFFFFF60] =	vst v50  }
0x199: {  	v57 =	vadd.s32 v14, v32;
	v43 =	vld.idx.msk [tilespmem:v62+s3+$0x0], $0xffff;
	[tilespmem:s22+$0xFFFFFEF0] =	vst v46  }
0x19a: {  	v60 =	vadd.s32 v11, v34;
	v48 =	vld.idx.msk [tilespmem:v63+s3+$0x0], $0xffff;
	[tilespmem:s21+$0x380] =	vst v45  }
0x19b: {  	v61 =	vadd.s32 v16, v33;
	[tilespmem:s26+$0x140] =	vst v49;
	v44 =	vld.idx.msk [tilespmem:v59+s3+$0x0], $0xffff  }
0x19c: {  	v62 =	vadd.s32 v29, v39;
	v45 =	vld.idx.msk [tilespmem:v56+s3+$0x0], $0xffff;
	[tilespmem:s20+$0xFFFFFDB0] =	vst v42  }
0x19d: {  	v63 =	vadd.s32 v30, v35;
	v51 =	vld.idx.msk [tilespmem:v58+s3+$0x0], $0xffff;
	[tilespmem:s26+$0xFFFFFD40] =	vst v47  }
0x19e: {  	v56 =	vadd.s32 v12, v37;
	v41 =	vld.idx.msk [tilespmem:v57+s3+$0x0], $0xffff;
	[tilespmem:s20+$0x1F0] =	vst v43  }
0x19f: {  	v57 =	vadd.s32 v25, v36;
	v47 =	vld.idx.msk [tilespmem:v60+s3+$0x0], $0xffff;
	[tilespmem:s21+$0xFFFFFF80] =	vst v48  }
0x1a0: {  	v55 =	vadd.s32 v15, v32;
	v42 =	vld.idx.msk [tilespmem:v61+s3+$0x0], $0xffff;
	[tilespmem:s22+$0xFFFFFF10] =	vst v44  }
0x1a1: {  	v58 =	vadd.s32 v12, v34;
	v49 =	vld.idx.msk [tilespmem:v62+s3+$0x0], $0xffff;
	[tilespmem:s21+$0x3A0] =	vst v45  }
0x1a2: {  	v59 =	vadd.s32 v17, v33;
	[tilespmem:s26+$0x160] =	vst v51;
	v45 =	vld.idx.msk [tilespmem:v63+s3+$0x0], $0xffff  }
0x1a3: {  	v60 =	vadd.s32 v30, v39;
	[tilespmem:s20+$0xFFFFFDD0] =	vst v41;
	v50 =	vld.idx.msk [tilespmem:v56+s3+$0x0], $0xffff  }
0x1a4: {  	v35 =	vadd.s32 v31, v35;
	v43 =	vld.idx.msk [tilespmem:v57+s3+$0x0], $0xffff;
	[tilespmem:s26+$0xFFFFFD60] =	vst v47  }
0x1a5: {  	v62 =	vadd.s32 v13, v37;
	v46 =	vld.idx.msk [tilespmem:v55+s3+$0x0], $0xffff;
	[tilespmem:s20+$0x210] =	vst v42  }
0x1a6: {  	s30 =	simm.s32 $0x1A5;
	v57 =	vadd.s32 v26, v36;
	v47 =	vld.idx.msk [tilespmem:v58+s3+$0x0], $0xffff;
	[tilespmem:s21+$0xFFFFFFA0] =	vst v49  }
0x1a7: {  	v61 =	vadd.s32 v16, v32;
	v63 =	vmov s30;
	v41 =	vld.idx.msk [tilespmem:v59+s3+$0x0], $0xffff;
	[tilespmem:s21+$0x3C0] =	vst v45  }
0x1a8: {  	v56 =	vmul.u32 $0x28, v63;
	v58 =	vadd.s32 v13, v34;
	v51 =	vld.idx.msk [tilespmem:v60+s3+$0x0], $0xffff;
	[tilespmem:s26+$0x180] =	vst v50  }
0x1a9: {  	v59 =	vadd.s32 v18, v33;
	[tilespmem:s22+$0xFFFFFF30] =	vst v43;
	v45 =	vld.idx.msk [tilespmem:v35+s3+$0x0], $0xffff  }
0x1aa: {  	v39 =	vadd.s32 v31, v39;
	v35 =	vbroadcast v56, $0x0;
	[tilespmem:s20+$0xFFFFFDF0] =	vst v46;
	v56 =	vld.idx.msk [tilespmem:v62+s3+$0x0], $0xffff  }
0x1ab: {  	s31 =	simm.s32 $0x1A4;
	v49 =	vld.idx.msk [tilespmem:v57+s3+$0x0], $0xffff;
	v57 =	vadd.s32 v14, v37;
	[tilespmem:s26+$0xFFFFFD80] =	vst v47  }
0x1ac: {  	v44 =	vld.idx.msk [tilespmem:v61+s3+$0x0], $0xffff;
	v61 =	vmov s31;
	v60 =	vadd.s32 v0, v35;
	[tilespmem:s20+$0x230] =	vst v41  }
0x1ad: {  	v62 =	vadd.s32 v17, v32;
	v43 =	vmul.u32 $0x28, v61;
	v63 =	vld.idx.msk [tilespmem:v58+s3+$0x0], $0xffff;
	[tilespmem:s21+$0xFFFFFFC0] =	vst v51  }
0x1ae: {  	v58 =	vadd.s32 v27, v36;
	v41 =	vld.idx.msk [tilespmem:v59+s3+$0x0], $0xffff;
	[tilespmem:s21+$0x3E0] =	vst v45  }
0x1af: {  	v59 =	vadd.s32 v14, v34;
	v53 =	vld.idx.msk [tilespmem:v39+s3+$0x0], $0xffff;
	v39 =	vbroadcast v43, $0x0;
	[tilespmem:s26+$0x1A0] =	vst v56  }
0x1b0: {  	v55 =	vadd.s32 v19, v33;
	[tilespmem:s22+$0xFFFFFF50] =	vst v49;
	v61 =	vld.idx.msk [tilespmem:v57+s3+$0x0], $0xffff  }
0x1b1: {  	[tilespmem:s20+$0xFFFFFE10] =	vst v44;
	v43 =	vld.idx.msk [tilespmem:v60+s3+$0x0], $0xffff;
	v56 =	vadd.s32 v0, v39  }
0x1b2: {  	v57 =	vadd.s32 v15, v37;
	v60 =	vld.idx.msk [tilespmem:v62+s3+$0x0], $0xffff;
	[tilespmem:s26+$0xFFFFFDA0] =	vst v63  }
0x1b3: {  	v62 =	vadd.s32 v1, v35;
	v42 =	vld.idx.msk [tilespmem:v58+s3+$0x0], $0xffff;
	[tilespmem:s20+$0x250] =	vst v41  }
0x1b4: {  	v63 =	vadd.s32 v18, v32;
	v50 =	vld.idx.msk [tilespmem:v59+s3+$0x0], $0xffff;
	[tilespmem:s21+$0xFFFFFFE0] =	vst v53  }
0x1b5: {  	v58 =	vadd.s32 v28, v36;
	v41 =	vld.idx.msk [tilespmem:v55+s3+$0x0], $0xffff;
	[tilespmem:s26+$0x1C0] =	vst v61  }
0x1b6: {  	v59 =	vadd.s32 v15, v34;
	v45 =	vld.idx.msk [tilespmem:v56+s3+$0x0], $0xffff;
	[tilespmem:s21+$0x10] =	vst v43  }
0x1b7: {  	[tilespmem:s20+$0xFFFFFE30] =	vst v60;
	v60 =	vadd.s32 v20, v33;
	v49 =	vld.idx.msk [tilespmem:v57+s3+$0x0], $0xffff  }
0x1b8: {  	v56 =	vadd.s32 v1, v39;
	v43 =	vld.idx.msk [tilespmem:v62+s3+$0x0], $0xffff;
	[tilespmem:s22+$0xFFFFFF70] =	vst v42  }
0x1b9: {  	v57 =	vadd.s32 v16, v37;
	v61 =	vld.idx.msk [tilespmem:v63+s3+$0x0], $0xffff;
	[tilespmem:s26+$0xFFFFFDC0] =	vst v50  }
0x1ba: {  	v62 =	vadd.s32 v2, v35;
	v44 =	vld.idx.msk [tilespmem:v58+s3+$0x0], $0xffff;
	[tilespmem:s20+$0x270] =	vst v41  }
0x1bb: {  	v63 =	vadd.s32 v19, v32;
	v50 =	vld.idx.msk [tilespmem:v59+s3+$0x0], $0xffff;
	[tilespmem:s21+$0xFFFFFC10] =	vst v45  }
0x1bc: {  	v59 =	vadd.s32 v29, v36;
	v58 =	vld.idx.msk [tilespmem:v60+s3+$0x0], $0xffff;
	[tilespmem:s26+$0x1E0] =	vst v49  }
0x1bd: {  	v60 =	vadd.s32 v16, v34;
	v47 =	vld.idx.msk [tilespmem:v56+s3+$0x0], $0xffff;
	[tilespmem:s21+$0x30] =	vst v43  }
0x1be: {  	[tilespmem:s20+$0xFFFFFE50] =	vst v61;
	v61 =	vadd.s32 v21, v33;
	v46 =	vld.idx.msk [tilespmem:v57+s3+$0x0], $0xffff  }
0x1bf: {  	v54 =	vld.idx.msk [tilespmem:v62+s3+$0x0], $0xffff;
	v62 =	vadd.s32 v2, v39  }
0x1c0: {  	v55 =	vld.idx.msk [tilespmem:v63+s3+$0x0], $0xffff;
	v63 =	vadd.s32 v3, v35;
	[tilespmem:s22+$0xFFFFFF90] =	vst v44  }
0x1c1: {  	v49 =	vadd.s32 v20, v32;
	[tilespmem:s26+$0xFFFFFDE0] =	vst v50;
	v41 =	vld.idx.msk [tilespmem:v59+s3+$0x0], $0xffff  }
0x1c2: {  	v51 =	vadd.s32 v17, v37;
	v42 =	vld.idx.msk [tilespmem:v60+s3+$0x0], $0xffff;
	[tilespmem:s20+$0x290] =	vst v58  }
0x1c3: {  	[tilespmem:s21+$0xFFFFFC30] =	vst v47;
	v43 =	vld.idx.msk [tilespmem:v61+s3+$0x0], $0xffff;
	v47 =	vadd.s32 v30, v36  }
0x1c4: {  	v48 =	vadd.s32 v17, v34;
	v45 =	vld.idx.msk [tilespmem:v62+s3+$0x0], $0xffff;
	[tilespmem:s21+$0x50] =	vst v54  }
0x1c5: {  	s29 =	simm.s32 $0x9;
	s28 =	simm.s32 $0xA;
	s24 =	simm.s32 $0x12000;
	v50 =	vadd.s32 v22, v33;
	[tilespmem:s20+$0xFFFFFE70] =	vst v55;
	v44 =	vld.idx.msk [tilespmem:v63+s3+$0x0], $0xffff  }
.LBB2_6:
0x1c6: {  	p1 =	slt.u32 s28, $0x18;
	v52 =	vmov s29;
	[tilespmem:s26+$0x200] =	vst v46;
	v46 =	vadd.s32 v3, v39;
	v49 =	vld.idx.msk [tilespmem:v49+s3+$0x0], $0xffff  }
0x1c7: {  	v53 =	vadd.s32 v4, v35;
	v52 =	vmul.u32 $0x28, v52;
	v51 =	vld.idx.msk [tilespmem:v51+s3+$0x0], $0xffff;
	[tilespmem:s22+$0xFFFFFFB0] =	vst v41  }
0x1c8: {  	[tilespmem:s26+$0xFFFFFE00] =	vst v42;
	v42 =	vadd.s32 v21, v32;
	v47 =	vld.idx.msk [tilespmem:v47+s3+$0x0], $0xffff  }
0x1c9: {  	v41 =	vbroadcast v52, $0x0;
	v48 =	vld.idx.msk [tilespmem:v48+s3+$0x0], $0xffff;
	v52 =	vadd.s32 v18, v37;
	[tilespmem:s20+$0x2B0] =	vst v43  }
0x1ca: {  	[tilespmem:s21+$0xFFFFFC50] =	vst v45;
	v43 =	vld.idx.msk [tilespmem:v50+s3+$0x0], $0xffff;
	v45 =	vadd.s32 v31, v36;
	v36 =	vmov v32;
	v32 =	vmov v39  }
0x1cb: {  	v39 =	vadd.s32 v0, v41;
	v46 =	vld.idx.msk [tilespmem:v46+s3+$0x0], $0xffff;
	[tilespmem:s21+$0x70] =	vst v44  }
0x1cc: {  	v44 =	vld.idx.msk [tilespmem:v53+s3+$0x0], $0xffff;
	[tilespmem:s20+$0xFFFFFE90] =	vst v49;
	v49 =	vadd.s32 v23, v33  }
0x1cd: {  	v50 =	vadd.s32 v18, v34;
	[tilespmem:s26+$0x220] =	vst v51;
	v42 =	vld.idx.msk [tilespmem:v42+s3+$0x0], $0xffff  }
0x1ce: {  	v51 =	vld.idx.msk [tilespmem:v52+s3+$0x0], $0xffff;
	v52 =	vadd.s32 v5, v35;
	[tilespmem:s22+$0xFFFFFFD0] =	vst v47  }
0x1cf: {  	v47 =	vadd.s32 v4, v32;
	[tilespmem:s26+$0xFFFFFE20] =	vst v48;
	v45 =	vld.idx.msk [tilespmem:v45+s3+$0x0], $0xffff  }
0x1d0: {  	v48 =	vadd.s32 v19, v37;
	v39 =	vld.idx.msk [tilespmem:v39+s3+$0x0], $0xffff;
	[tilespmem:s20+$0x2D0] =	vst v43  }
0x1d1: {  	v43 =	vadd.s32 v22, v36;
	[tilespmem:s21+$0xFFFFFC70] =	vst v46;
	v46 =	vld.idx.msk [tilespmem:v49+s3+$0x0], $0xffff  }
0x1d2: {  	v49 =	vadd.s32 v1, v41;
	v50 =	vld.idx.msk [tilespmem:v50+s3+$0x0], $0xffff;
	[tilespmem:s21+$0x90] =	vst v44  }
0x1d3: {  	v44 =	vld.idx.msk [tilespmem:v52+s3+$0x0], $0xffff;
	[tilespmem:s20+$0xFFFFFEB0] =	vst v42;
	v42 =	vadd.s32 v24, v33  }
0x1d4: {  	v52 =	vadd.s32 v1, v38;
	[tilespmem:s26+$0x240] =	vst v51;
	v47 =	vld.idx.msk [tilespmem:v47+s3+$0x0], $0xffff  }
0x1d5: {  	s26 =	sadd.s32 $0x800, s26;
	v51 =	vadd.s32 v6, v35;
	v48 =	vld.idx.msk [tilespmem:v48+s3+$0x0], $0xffff;
	[tilespmem:s22+$0xFFFFFFF0] =	vst v45;
	s22 =	smov.u32 s20;
	s20 =	smov.u32 s21  }
0x1d6: {  	v45 =	vadd.s32 v19, v34;
	s21 =	smov.u32 s24;
	s24 =	smov.u32 s26;
	[tilespmem:s26+$0x0] =	vst v39;
	v39 =	vld.idx.msk [tilespmem:v43+s3+$0x0], $0xffff  }
0x1d7: {  	v43 =	vld.idx.msk [tilespmem:v49+s3+$0x0], $0xffff;
	v49 =	vadd.s32 v20, v37;
	[tilespmem:s22+$0x2F0] =	vst v46  }
0x1d8: {  	[tilespmem:s26+$0xFFFFFC00] =	vst v40;
	v40 =	vadd.s32 v5, v32;
	v42 =	vld.idx.msk [tilespmem:v42+s3+$0x0], $0xffff  }
0x1d9: {  	v46 =	vld.idx.msk [tilespmem:v52+s3+$0x0], $0xffff;
	v52 =	vadd.s32 v2, v41;
	[tilespmem:s20+$0xB0] =	vst v44  }
0x1da: {  	[tilespmem:s21+$0xFFFFFE40] =	vst v50;
	v44 =	vld.idx.msk [tilespmem:v51+s3+$0x0], $0xffff;
	v50 =	vadd.s32 v25, v33  }
0x1db: {  	v51 =	vadd.s32 v2, v38;
	v45 =	vld.idx.msk [tilespmem:v45+s3+$0x0], $0xffff;
	[tilespmem:s21+$0x260] =	vst v48  }
0x1dc: {  	v48 =	vld.idx.msk [tilespmem:v49+s3+$0x0], $0xffff;
	[tilespmem:s20+$0xFFFFFC90] =	vst v47;
	v47 =	vadd.s32 v7, v35  }
0x1dd: {  	[tilespmem:s26+$0x20] =	vst v43;
	v43 =	vadd.s32 v20, v34;
	v40 =	vld.idx.msk [tilespmem:v40+s3+$0x0], $0xffff  }
0x1de: {  	v49 =	vld.idx.msk [tilespmem:v52+s3+$0x0], $0xffff;
	v52 =	vadd.s32 v21, v37;
	[tilespmem:s22+$0x310] =	vst v42  }
0x1df: {  	v42 =	vadd.s32 v6, v32;
	[tilespmem:s26+$0xFFFFFC20] =	vst v46;
	v46 =	vld.idx.msk [tilespmem:v50+s3+$0x0], $0xffff  }
0x1e0: {  	v50 =	vld.idx.msk [tilespmem:v51+s3+$0x0], $0xffff;
	v51 =	vadd.s32 v3, v41;
	[tilespmem:s20+$0xD0] =	vst v44  }
0x1e1: {  	[tilespmem:s21+$0xFFFFFE60] =	vst v45;
	v44 =	vld.idx.msk [tilespmem:v47+s3+$0x0], $0xffff;
	v45 =	vadd.s32 v26, v33  }
0x1e2: {  	v47 =	vadd.s32 v3, v38;
	v43 =	vld.idx.msk [tilespmem:v43+s3+$0x0], $0xffff;
	[tilespmem:s21+$0x280] =	vst v48  }
0x1e3: {  	v48 =	vld.idx.msk [tilespmem:v52+s3+$0x0], $0xffff;
	[tilespmem:s20+$0xFFFFFCB0] =	vst v40;
	v40 =	vadd.s32 v8, v35  }
0x1e4: {  	[tilespmem:s26+$0x40] =	vst v49;
	v49 =	vadd.s32 v21, v34;
	v42 =	vld.idx.msk [tilespmem:v42+s3+$0x0], $0xffff  }
0x1e5: {  	v52 =	vadd.s32 v22, v37;
	v51 =	vld.idx.msk [tilespmem:v51+s3+$0x0], $0xffff;
	[tilespmem:s22+$0x330] =	vst v46  }
0x1e6: {  	v46 =	vadd.s32 v7, v32;
	[tilespmem:s26+$0xFFFFFC40] =	vst v50;
	v45 =	vld.idx.msk [tilespmem:v45+s3+$0x0], $0xffff  }
0x1e7: {  	v50 =	vadd.s32 v4, v41;
	v47 =	vld.idx.msk [tilespmem:v47+s3+$0x0], $0xffff;
	[tilespmem:s20+$0xF0] =	vst v44  }
0x1e8: {  	[tilespmem:s21+$0xFFFFFE80] =	vst v43;
	v40 =	vld.idx.msk [tilespmem:v40+s3+$0x0], $0xffff;
	v43 =	vadd.s32 v27, v33  }
0x1e9: {  	v44 =	vadd.s32 v4, v38;
	v49 =	vld.idx.msk [tilespmem:v49+s3+$0x0], $0xffff;
	[tilespmem:s21+$0x2A0] =	vst v48  }
0x1ea: {  	v48 =	vld.idx.msk [tilespmem:v52+s3+$0x0], $0xffff;
	[tilespmem:s20+$0xFFFFFCD0] =	vst v42;
	v42 =	vadd.s32 v9, v35  }
0x1eb: {  	[tilespmem:s26+$0x60] =	vst v51;
	v51 =	vadd.s32 v22, v34;
	v46 =	vld.idx.msk [tilespmem:v46+s3+$0x0], $0xffff  }
0x1ec: {  	v52 =	vadd.s32 v23, v37;
	v50 =	vld.idx.msk [tilespmem:v50+s3+$0x0], $0xffff;
	[tilespmem:s22+$0x350] =	vst v45  }
0x1ed: {  	v45 =	vadd.s32 v8, v32;
	[tilespmem:s26+$0xFFFFFC60] =	vst v47;
	v43 =	vld.idx.msk [tilespmem:v43+s3+$0x0], $0xffff  }
0x1ee: {  	v47 =	vadd.s32 v5, v41;
	v44 =	vld.idx.msk [tilespmem:v44+s3+$0x0], $0xffff;
	[tilespmem:s20+$0x110] =	vst v40  }
0x1ef: {  	[tilespmem:s21+$0xFFFFFEA0] =	vst v49;
	v40 =	vld.idx.msk [tilespmem:v42+s3+$0x0], $0xffff;
	v42 =	vadd.s32 v28, v33  }
0x1f0: {  	v49 =	vadd.s32 v5, v38;
	v51 =	vld.idx.msk [tilespmem:v51+s3+$0x0], $0xffff;
	[tilespmem:s21+$0x2C0] =	vst v48  }
0x1f1: {  	v48 =	vld.idx.msk [tilespmem:v52+s3+$0x0], $0xffff;
	[tilespmem:s20+$0xFFFFFCF0] =	vst v46;
	v46 =	vadd.s32 v10, v35  }
0x1f2: {  	[tilespmem:s26+$0x80] =	vst v50;
	v50 =	vadd.s32 v23, v34;
	v45 =	vld.idx.msk [tilespmem:v45+s3+$0x0], $0xffff  }
0x1f3: {  	v52 =	vadd.s32 v24, v37;
	v47 =	vld.idx.msk [tilespmem:v47+s3+$0x0], $0xffff;
	[tilespmem:s22+$0x370] =	vst v43  }
0x1f4: {  	v43 =	vadd.s32 v9, v32;
	[tilespmem:s26+$0xFFFFFC80] =	vst v44;
	v42 =	vld.idx.msk [tilespmem:v42+s3+$0x0], $0xffff  }
0x1f5: {  	v44 =	vld.idx.msk [tilespmem:v49+s3+$0x0], $0xffff;
	v49 =	vadd.s32 v6, v41;
	[tilespmem:s20+$0x130] =	vst v40  }
0x1f6: {  	[tilespmem:s21+$0xFFFFFEC0] =	vst v51;
	v40 =	vld.idx.msk [tilespmem:v46+s3+$0x0], $0xffff;
	v46 =	vadd.s32 v29, v33  }
0x1f7: {  	v51 =	vadd.s32 v6, v38;
	v50 =	vld.idx.msk [tilespmem:v50+s3+$0x0], $0xffff;
	[tilespmem:s21+$0x2E0] =	vst v48  }
0x1f8: {  	v48 =	vld.idx.msk [tilespmem:v52+s3+$0x0], $0xffff;
	[tilespmem:s20+$0xFFFFFD10] =	vst v45;
	v45 =	vadd.s32 v11, v35  }
0x1f9: {  	[tilespmem:s26+$0xA0] =	vst v47;
	v47 =	vadd.s32 v24, v34;
	v43 =	vld.idx.msk [tilespmem:v43+s3+$0x0], $0xffff  }
0x1fa: {  	v52 =	vadd.s32 v25, v37;
	v49 =	vld.idx.msk [tilespmem:v49+s3+$0x0], $0xffff;
	[tilespmem:s22+$0x390] =	vst v42  }
0x1fb: {  	v42 =	vadd.s32 v10, v32;
	[tilespmem:s26+$0xFFFFFCA0] =	vst v44;
	v44 =	vld.idx.msk [tilespmem:v46+s3+$0x0], $0xffff  }
0x1fc: {  	v46 =	vld.idx.msk [tilespmem:v51+s3+$0x0], $0xffff;
	v51 =	vadd.s32 v7, v41;
	[tilespmem:s20+$0x150] =	vst v40  }
0x1fd: {  	[tilespmem:s21+$0xFFFFFEE0] =	vst v50;
	v40 =	vld.idx.msk [tilespmem:v45+s3+$0x0], $0xffff;
	v45 =	vadd.s32 v30, v33  }
0x1fe: {  	v50 =	vadd.s32 v7, v38;
	v47 =	vld.idx.msk [tilespmem:v47+s3+$0x0], $0xffff;
	[tilespmem:s21+$0x300] =	vst v48  }
0x1ff: {  	v48 =	vld.idx.msk [tilespmem:v52+s3+$0x0], $0xffff;
	[tilespmem:s20+$0xFFFFFD30] =	vst v43;
	v43 =	vadd.s32 v12, v35  }
0x200: {  	[tilespmem:s26+$0xC0] =	vst v49;
	v49 =	vadd.s32 v25, v34;
	v42 =	vld.idx.msk [tilespmem:v42+s3+$0x0], $0xffff  }
0x201: {  	v52 =	vadd.s32 v26, v37;
	v51 =	vld.idx.msk [tilespmem:v51+s3+$0x0], $0xffff;
	[tilespmem:s22+$0x3B0] =	vst v44  }
0x202: {  	v44 =	vadd.s32 v11, v32;
	[tilespmem:s26+$0xFFFFFCC0] =	vst v46;
	v45 =	vld.idx.msk [tilespmem:v45+s3+$0x0], $0xffff  }
0x203: {  	v46 =	vld.idx.msk [tilespmem:v50+s3+$0x0], $0xffff;
	v50 =	vadd.s32 v8, v41;
	[tilespmem:s20+$0x170] =	vst v40  }
0x204: {  	[tilespmem:s21+$0xFFFFFF00] =	vst v47;
	v40 =	vld.idx.msk [tilespmem:v43+s3+$0x0], $0xffff;
	v43 =	vadd.s32 v31, v33;
	v33 =	vmov v35  }
0x205: {  	v35 =	vadd.s32 v8, v38;
	v47 =	vld.idx.msk [tilespmem:v49+s3+$0x0], $0xffff;
	[tilespmem:s21+$0x320] =	vst v48  }
0x206: {  	v48 =	vmov s28;
	v49 =	vld.idx.msk [tilespmem:v52+s3+$0x0], $0xffff;
	[tilespmem:s20+$0xFFFFFD50] =	vst v42;
	v52 =	vadd.s32 v13, v33  }
0x207: {  	v42 =	vmul.u32 $0x28, v48;
	v48 =	vadd.s32 v26, v34;
	[tilespmem:s26+$0xE0] =	vst v51;
	v44 =	vld.idx.msk [tilespmem:v44+s3+$0x0], $0xffff  }
0x208: {  	v51 =	vadd.s32 v27, v37;
	v50 =	vld.idx.msk [tilespmem:v50+s3+$0x0], $0xffff;
	[tilespmem:s22+$0x3D0] =	vst v45  }
0x209: {  	v42 =	vbroadcast v42, $0x0;
	v45 =	vadd.s32 v12, v32;
	[tilespmem:s26+$0xFFFFFCE0] =	vst v46;
	v43 =	vld.idx.msk [tilespmem:v43+s3+$0x0], $0xffff  }
0x20a: {  	v46 =	vadd.s32 v9, v41;
	v35 =	vld.idx.msk [tilespmem:v35+s3+$0x0], $0xffff;
	[tilespmem:s20+$0x190] =	vst v40  }
0x20b: {  	v40 =	vadd.s32 v0, v42;
	[tilespmem:s21+$0xFFFFFF20] =	vst v47;
	v47 =	vld.idx.msk [tilespmem:v52+s3+$0x0], $0xffff  }
0x20c: {  	v52 =	vadd.s32 v9, v38;
	v48 =	vld.idx.msk [tilespmem:v48+s3+$0x0], $0xffff;
	[tilespmem:s21+$0x340] =	vst v49  }
0x20d: {  	v49 =	vld.idx.msk [tilespmem:v51+s3+$0x0], $0xffff;
	[tilespmem:s20+$0xFFFFFD70] =	vst v44;
	v44 =	vadd.s32 v14, v33  }
0x20e: {  	[tilespmem:s26+$0x100] =	vst v50;
	v50 =	vadd.s32 v27, v34;
	v45 =	vld.idx.msk [tilespmem:v45+s3+$0x0], $0xffff  }
0x20f: {  	v51 =	vadd.s32 v28, v37;
	v46 =	vld.idx.msk [tilespmem:v46+s3+$0x0], $0xffff;
	[tilespmem:s22+$0x3F0] =	vst v43  }
0x210: {  	v40 =	vld.idx.msk [tilespmem:v40+s3+$0x0], $0xffff;
	[tilespmem:s26+$0xFFFFFD00] =	vst v35;
	v35 =	vadd.s32 v13, v32  }
0x211: {  	v43 =	vld.idx.msk [tilespmem:v52+s3+$0x0], $0xffff;
	v52 =	vadd.s32 v10, v41;
	[tilespmem:s20+$0x1B0] =	vst v47  }
0x212: {  	v47 =	vadd.s32 v23, v36;
	[tilespmem:s21+$0xFFFFFF40] =	vst v48;
	v44 =	vld.idx.msk [tilespmem:v44+s3+$0x0], $0xffff  }
0x213: {  	v48 =	vadd.s32 v10, v38;
	v50 =	vld.idx.msk [tilespmem:v50+s3+$0x0], $0xffff;
	[tilespmem:s21+$0x360] =	vst v49  }
0x214: {  	v49 =	vld.idx.msk [tilespmem:v51+s3+$0x0], $0xffff;
	[tilespmem:s20+$0xFFFFFD90] =	vst v45;
	v45 =	vadd.s32 v15, v33  }
0x215: {  	[tilespmem:s26+$0x120] =	vst v46;
	v46 =	vadd.s32 v28, v34;
	v35 =	vld.idx.msk [tilespmem:v35+s3+$0x0], $0xffff  }
0x216: {  	v51 =	vld.idx.msk [tilespmem:v52+s3+$0x0], $0xffff;
	v52 =	vadd.s32 v29, v37;
	[tilespmem:s22+$0xFFFFFED0] =	vst v39  }
0x217: {  	v39 =	vadd.s32 v14, v32;
	[tilespmem:s26+$0xFFFFFD20] =	vst v43;
	v43 =	vld.idx.msk [tilespmem:v47+s3+$0x0], $0xffff  }
0x218: {  	v47 =	vld.idx.msk [tilespmem:v48+s3+$0x0], $0xffff;
	v48 =	vadd.s32 v11, v41;
	[tilespmem:s20+$0x1D0] =	vst v44  }
0x219: {  	[tilespmem:s21+$0xFFFFFF60] =	vst v50;
	v44 =	vld.idx.msk [tilespmem:v45+s3+$0x0], $0xffff;
	v45 =	vadd.s32 v24, v36  }
0x21a: {  	v50 =	vadd.s32 v11, v38;
	v46 =	vld.idx.msk [tilespmem:v46+s3+$0x0], $0xffff;
	[tilespmem:s21+$0x380] =	vst v49  }
0x21b: {  	v49 =	vld.idx.msk [tilespmem:v52+s3+$0x0], $0xffff;
	[tilespmem:s20+$0xFFFFFDB0] =	vst v35;
	v35 =	vadd.s32 v16, v33  }
0x21c: {  	[tilespmem:s26+$0x140] =	vst v51;
	v51 =	vadd.s32 v29, v34;
	v39 =	vld.idx.msk [tilespmem:v39+s3+$0x0], $0xffff  }
0x21d: {  	v52 =	vadd.s32 v30, v37;
	v48 =	vld.idx.msk [tilespmem:v48+s3+$0x0], $0xffff;
	[tilespmem:s22+$0xFFFFFEF0] =	vst v43  }
0x21e: {  	v43 =	vadd.s32 v15, v32;
	[tilespmem:s26+$0xFFFFFD40] =	vst v47;
	v45 =	vld.idx.msk [tilespmem:v45+s3+$0x0], $0xffff  }
0x21f: {  	v47 =	vld.idx.msk [tilespmem:v50+s3+$0x0], $0xffff;
	v50 =	vadd.s32 v12, v41;
	[tilespmem:s20+$0x1F0] =	vst v44  }
0x220: {  	v44 =	vadd.s32 v25, v36;
	[tilespmem:s21+$0xFFFFFF80] =	vst v46;
	v35 =	vld.idx.msk [tilespmem:v35+s3+$0x0], $0xffff  }
0x221: {  	v46 =	vadd.s32 v12, v38;
	v51 =	vld.idx.msk [tilespmem:v51+s3+$0x0], $0xffff;
	[tilespmem:s21+$0x3A0] =	vst v49  }
0x222: {  	v49 =	vld.idx.msk [tilespmem:v52+s3+$0x0], $0xffff;
	[tilespmem:s20+$0xFFFFFDD0] =	vst v39;
	v39 =	vadd.s32 v17, v33  }
0x223: {  	[tilespmem:s26+$0x160] =	vst v48;
	v48 =	vadd.s32 v30, v34;
	v43 =	vld.idx.msk [tilespmem:v43+s3+$0x0], $0xffff  }
0x224: {  	v52 =	vadd.s32 v31, v37;
	v37 =	vmov v41;
	v50 =	vld.idx.msk [tilespmem:v50+s3+$0x0], $0xffff;
	[tilespmem:s22+$0xFFFFFF10] =	vst v45  }
0x225: {  	s29 =	sadd.s32 $0x1A1, s23;
	v41 =	vadd.s32 v16, v32;
	[tilespmem:s26+$0xFFFFFD60] =	vst v47;
	v44 =	vld.idx.msk [tilespmem:v44+s3+$0x0], $0xffff  }
0x226: {  	v47 =	vmov s29;
	v45 =	vld.idx.msk [tilespmem:v46+s3+$0x0], $0xffff;
	v46 =	vadd.s32 v13, v37;
	[tilespmem:s20+$0x210] =	vst v35  }
0x227: {  	v35 =	vmul.u32 $0x28, v47;
	v47 =	vadd.s32 v26, v36;
	[tilespmem:s21+$0xFFFFFFA0] =	vst v51;
	v39 =	vld.idx.msk [tilespmem:v39+s3+$0x0], $0xffff  }
0x228: {  	v51 =	vadd.s32 v13, v38;
	v48 =	vld.idx.msk [tilespmem:v48+s3+$0x0], $0xffff;
	[tilespmem:s21+$0x3C0] =	vst v49  }
0x229: {  	v35 =	vbroadcast v35, $0x0;
	v49 =	vld.idx.msk [tilespmem:v52+s3+$0x0], $0xffff;
	[tilespmem:s20+$0xFFFFFDF0] =	vst v43;
	v43 =	vadd.s32 v18, v33  }
0x22a: {  	[tilespmem:s26+$0x180] =	vst v50;
	v50 =	vadd.s32 v31, v34;
	v41 =	vld.idx.msk [tilespmem:v41+s3+$0x0], $0xffff;
	v34 =	vmov v38;
	v38 =	vmov v42  }
0x22b: {  	s29 =	sadd.s32 $0x1A0, s23;
	s23 =	smov.u32 s25;
	s25 =	smov.u32 s28;
	v42 =	vld.idx.msk [tilespmem:v46+s3+$0x0], $0xffff;
	v46 =	vadd.s32 v0, v35;
	[tilespmem:s22+$0xFFFFFF30] =	vst v44  }
0x22c: {  	v44 =	vmov s29;
	[tilespmem:s26+$0xFFFFFD80] =	vst v45;
	v45 =	vadd.s32 v17, v32;
	v47 =	vld.idx.msk [tilespmem:v47+s3+$0x0], $0xffff  }
0x22d: {  	v52 =	vadd.s32 v14, v37;
	v44 =	vmul.u32 $0x28, v44;
	v51 =	vld.idx.msk [tilespmem:v51+s3+$0x0], $0xffff;
	[tilespmem:s20+$0x230] =	vst v39  }
0x22e: {  	[tilespmem:s21+$0xFFFFFFC0] =	vst v48;
	v43 =	vld.idx.msk [tilespmem:v43+s3+$0x0], $0xffff;
	v48 =	vadd.s32 v27, v36  }
0x22f: {  	v53 =	vadd.s32 v14, v34;
	v39 =	vbroadcast v44, $0x0;
	v50 =	vld.idx.msk [tilespmem:v50+s3+$0x0], $0xffff;
	[tilespmem:s21+$0x3E0] =	vst v49  }
0x230: {  	v44 =	vld.idx.msk [tilespmem:v46+s3+$0x0], $0xffff;
	[tilespmem:s20+$0xFFFFFE10] =	vst v41;
	v41 =	vadd.s32 v19, v33  }
0x231: {  	[tilespmem:s26+$0x1A0] =	vst v42;
	v42 =	vadd.s32 v0, v39;
	v45 =	vld.idx.msk [tilespmem:v45+s3+$0x0], $0xffff  }
0x232: {  	v49 =	vadd.s32 v1, v35;
	v46 =	vld.idx.msk [tilespmem:v52+s3+$0x0], $0xffff;
	[tilespmem:s22+$0xFFFFFF50] =	vst v47  }
0x233: {  	v47 =	vadd.s32 v18, v32;
	[tilespmem:s26+$0xFFFFFDA0] =	vst v51;
	v48 =	vld.idx.msk [tilespmem:v48+s3+$0x0], $0xffff  }
0x234: {  	v52 =	vadd.s32 v15, v37;
	v51 =	vld.idx.msk [tilespmem:v53+s3+$0x0], $0xffff;
	[tilespmem:s20+$0x250] =	vst v43  }
0x235: {  	v43 =	vadd.s32 v28, v36;
	[tilespmem:s21+$0xFFFFFFE0] =	vst v50;
	v41 =	vld.idx.msk [tilespmem:v41+s3+$0x0], $0xffff  }
0x236: {  	v50 =	vadd.s32 v15, v34;
	v42 =	vld.idx.msk [tilespmem:v42+s3+$0x0], $0xffff;
	[tilespmem:s21+$0x10] =	vst v44  }
0x237: {  	v44 =	vld.idx.msk [tilespmem:v49+s3+$0x0], $0xffff;
	[tilespmem:s20+$0xFFFFFE30] =	vst v45;
	v45 =	vadd.s32 v20, v33  }
0x238: {  	[tilespmem:s26+$0x1C0] =	vst v46;
	v46 =	vadd.s32 v1, v39;
	v47 =	vld.idx.msk [tilespmem:v47+s3+$0x0], $0xffff  }
0x239: {  	v49 =	vld.idx.msk [tilespmem:v52+s3+$0x0], $0xffff;
	v52 =	vadd.s32 v2, v35;
	[tilespmem:s22+$0xFFFFFF70] =	vst v48  }
0x23a: {  	v48 =	vadd.s32 v19, v32;
	[tilespmem:s26+$0xFFFFFDC0] =	vst v51;
	v43 =	vld.idx.msk [tilespmem:v43+s3+$0x0], $0xffff  }
0x23b: {  	v51 =	vadd.s32 v16, v37;
	v50 =	vld.idx.msk [tilespmem:v50+s3+$0x0], $0xffff;
	[tilespmem:s20+$0x270] =	vst v41  }
0x23c: {  	v41 =	vadd.s32 v29, v36;
	[tilespmem:s21+$0xFFFFFC10] =	vst v42;
	v45 =	vld.idx.msk [tilespmem:v45+s3+$0x0], $0xffff  }
0x23d: {  	v42 =	vadd.s32 v16, v34;
	v53 =	vld.idx.msk [tilespmem:v46+s3+$0x0], $0xffff;
	[tilespmem:s21+$0x30] =	vst v44  }
0x23e: {  	v44 =	vld.idx.msk [tilespmem:v52+s3+$0x0], $0xffff;
	[tilespmem:s20+$0xFFFFFE50] =	vst v47;
	v47 =	vadd.s32 v21, v33  }
0x23f: {  	v52 =	vadd.s32 v2, v39;
	[tilespmem:s26+$0x1E0] =	vst v49;
	v54 =	vld.idx.msk [tilespmem:v48+s3+$0x0], $0xffff  }
0x240: {  	v55 =	vadd.s32 v3, v35;
	v46 =	vld.idx.msk [tilespmem:v51+s3+$0x0], $0xffff;
	[tilespmem:s22+$0xFFFFFF90] =	vst v43  }
.Ltmp2:
0x241: {  	v49 =	vadd.s32 v20, v32;
	[tilespmem:s26+$0xFFFFFDE0] =	vst v50;
	v41 =	vld.idx.msk [tilespmem:v41+s3+$0x0], $0xffff;
	(pc) =	sbr.rel @p1 .LBB2_6-.Ltmp2, $4  }
0x242: {  	v51 =	vadd.s32 v17, v37;
	v42 =	vld.idx.msk [tilespmem:v42+s3+$0x0], $0xffff;
	[tilespmem:s20+$0x290] =	vst v45  }
0x243: {  	[tilespmem:s21+$0xFFFFFC30] =	vst v53;
	v43 =	vld.idx.msk [tilespmem:v47+s3+$0x0], $0xffff;
	v47 =	vadd.s32 v30, v36  }
0x244: {  	v48 =	vadd.s32 v17, v34;
	v45 =	vld.idx.msk [tilespmem:v52+s3+$0x0], $0xffff;
	[tilespmem:s21+$0x50] =	vst v44  }
0x245: {  	s28 =	sadd.s32 $0x2, s28;
	s29 =	sadd.s32 $0x1, s25;
	v50 =	vadd.s32 v22, v33;
	v44 =	vld.idx.msk [tilespmem:v55+s3+$0x0], $0xffff;
	[tilespmem:s20+$0xFFFFFE70] =	vst v54  }
0x246: {  	_ =	sdelay $0x3  }
0x247: {  	[tilespmem:s26+$0x200] =	vst v46;
	v57 =	vadd.s32 v3, v39;
	v49 =	vld.idx.msk [tilespmem:v49+s3+$0x0], $0xffff  }
0x248: {  	v53 =	vadd.s32 v4, v35;
	[tilespmem:s22+$0xFFFFFFB0] =	vst v41;
	v51 =	vld.idx.msk [tilespmem:v51+s3+$0x0], $0xffff  }
0x249: {  	v52 =	vmov s29;
	v58 =	vadd.s32 v21, v32;
	[tilespmem:s26+$0xFFFFFE00] =	vst v42;
	v47 =	vld.idx.msk [tilespmem:v47+s3+$0x0], $0xffff  }
0x24a: {  	v59 =	vadd.s32 v18, v37;
	v52 =	vmul.u32 $0x28, v52;
	v48 =	vld.idx.msk [tilespmem:v48+s3+$0x0], $0xffff;
	[tilespmem:s20+$0x2B0] =	vst v43  }
0x24b: {  	v36 =	vadd.s32 v31, v36;
	[tilespmem:s21+$0xFFFFFC50] =	vst v45;
	v43 =	vld.idx.msk [tilespmem:v50+s3+$0x0], $0xffff  }
0x24c: {  	v62 =	vadd.s32 v18, v34;
	v42 =	vbroadcast v52, $0x0;
	[tilespmem:s21+$0x70] =	vst v44;
	v46 =	vld.idx.msk [tilespmem:v57+s3+$0x0], $0xffff  }
0x24d: {  	v61 =	vadd.s32 v23, v33;
	v44 =	vld.idx.msk [tilespmem:v53+s3+$0x0], $0xffff;
	[tilespmem:s20+$0xFFFFFE90] =	vst v49  }
0x24e: {  	v60 =	vadd.s32 v0, v42;
	[tilespmem:s26+$0x220] =	vst v51;
	v41 =	vld.idx.msk [tilespmem:v58+s3+$0x0], $0xffff  }
0x24f: {  	v63 =	vadd.s32 v5, v35;
	[tilespmem:s22+$0xFFFFFFD0] =	vst v47;
	v51 =	vld.idx.msk [tilespmem:v59+s3+$0x0], $0xffff  }
0x250: {  	v56 =	vadd.s32 v4, v39;
	[tilespmem:s26+$0xFFFFFE20] =	vst v48;
	v36 =	vld.idx.msk [tilespmem:v36+s3+$0x0], $0xffff  }
0x251: {  	v58 =	vadd.s32 v22, v32;
	[tilespmem:s20+$0x2D0] =	vst v43;
	v50 =	vld.idx.msk [tilespmem:v62+s3+$0x0], $0xffff  }
0x252: {  	v57 =	vadd.s32 v19, v37;
	v59 =	vld.idx.msk [tilespmem:v61+s3+$0x0], $0xffff;
	[tilespmem:s21+$0xFFFFFC70] =	vst v46  }
0x253: {  	v61 =	vadd.s32 v24, v33;
	v45 =	vld.idx.msk [tilespmem:v60+s3+$0x0], $0xffff;
	[tilespmem:s21+$0x90] =	vst v44  }
0x254: {  	v60 =	vadd.s32 v1, v42;
	v44 =	vld.idx.msk [tilespmem:v63+s3+$0x0], $0xffff;
	[tilespmem:s20+$0xFFFFFEB0] =	vst v41  }
0x255: {  	v62 =	vadd.s32 v1, v38;
	v47 =	vld.idx.msk [tilespmem:v56+s3+$0x0], $0xffff;
	[tilespmem:s26+$0x240] =	vst v51  }
0x256: {  	v56 =	vadd.s32 v19, v34;
	[tilespmem:s22+$0xFFFFFFF0] =	vst v36;
	v41 =	vld.idx.msk [tilespmem:v58+s3+$0x0], $0xffff  }
0x257: {  	v63 =	vadd.s32 v6, v35;
	s26 =	sadd.s32 $0x800, s26;
	v48 =	vld.idx.msk [tilespmem:v57+s3+$0x0], $0xffff;
	[tilespmem:s20+$0x2F0] =	vst v59  }
0x258: {  	v58 =	vadd.s32 v20, v37;
	[tilespmem:s26+$0x0] =	vst v45;
	v46 =	vld.idx.msk [tilespmem:v61+s3+$0x0], $0xffff  }
0x259: {  	[tilespmem:s26+$0xFFFFFC00] =	vst v40;
	v59 =	vadd.s32 v5, v39;
	v57 =	vld.idx.msk [tilespmem:v60+s3+$0x0], $0xffff  }
0x25a: {  	[tilespmem:s24+$0xFFFFFE40] =	vst v50;
	v60 =	vld.idx.msk [tilespmem:v62+s3+$0x0], $0xffff;
	v62 =	vadd.s32 v25, v33  }
0x25b: {  	v61 =	vadd.s32 v2, v42;
	[tilespmem:s21+$0xB0] =	vst v44;
	v36 =	vld.idx.msk [tilespmem:v56+s3+$0x0], $0xffff  }
0x25c: {  	v44 =	vld.idx.msk [tilespmem:v63+s3+$0x0], $0xffff;
	v63 =	vadd.s32 v2, v38;
	[tilespmem:s24+$0x260] =	vst v48  }
0x25d: {  	[tilespmem:s21+$0xFFFFFC90] =	vst v47;
	v56 =	vadd.s32 v7, v35;
	v45 =	vld.idx.msk [tilespmem:v58+s3+$0x0], $0xffff  }
0x25e: {  	v40 =	vld.idx.msk [tilespmem:v59+s3+$0x0], $0xffff;
	v58 =	vadd.s32 v21, v37;
	[tilespmem:s20+$0x310] =	vst v46  }
0x25f: {  	[tilespmem:s26+$0x20] =	vst v57;
	v57 =	vadd.s32 v20, v34;
	v49 =	vld.idx.msk [tilespmem:v62+s3+$0x0], $0xffff  }
0x260: {  	v59 =	vadd.s32 v6, v39;
	[tilespmem:s26+$0xFFFFFC20] =	vst v60;
	v48 =	vld.idx.msk [tilespmem:v61+s3+$0x0], $0xffff  }
0x261: {  	v60 =	vld.idx.msk [tilespmem:v63+s3+$0x0], $0xffff;
	[tilespmem:s21+$0xD0] =	vst v44;
	v63 =	vadd.s32 v26, v33  }
0x262: {  	v61 =	vadd.s32 v3, v42;
	v62 =	vld.idx.msk [tilespmem:v56+s3+$0x0], $0xffff;
	[tilespmem:s24+$0x280] =	vst v45  }
0x263: {  	[tilespmem:s24+$0xFFFFFE60] =	vst v36;
	v56 =	vadd.s32 v3, v38;
	v45 =	vld.idx.msk [tilespmem:v58+s3+$0x0], $0xffff  }
0x264: {  	[tilespmem:s21+$0xFFFFFCB0] =	vst v40;
	v43 =	vld.idx.msk [tilespmem:v57+s3+$0x0], $0xffff;
	v57 =	vadd.s32 v8, v35  }
0x265: {  	v46 =	vld.idx.msk [tilespmem:v59+s3+$0x0], $0xffff;
	v59 =	vadd.s32 v22, v37;
	[tilespmem:s20+$0x330] =	vst v49  }
0x266: {  	v58 =	vadd.s32 v21, v34;
	[tilespmem:s26+$0x40] =	vst v48;
	v44 =	vld.idx.msk [tilespmem:v63+s3+$0x0], $0xffff  }
0x267: {  	[tilespmem:s26+$0xFFFFFC40] =	vst v60;
	v60 =	vadd.s32 v7, v39;
	v51 =	vld.idx.msk [tilespmem:v61+s3+$0x0], $0xffff  }
0x268: {  	v47 =	vld.idx.msk [tilespmem:v56+s3+$0x0], $0xffff;
	[tilespmem:s21+$0xF0] =	vst v62;
	v62 =	vadd.s32 v27, v33  }
0x269: {  	v61 =	vadd.s32 v4, v42;
	[tilespmem:s24+$0x2A0] =	vst v45;
	v36 =	vld.idx.msk [tilespmem:v57+s3+$0x0], $0xffff  }
0x26a: {  	v63 =	vadd.s32 v4, v38;
	[tilespmem:s24+$0xFFFFFE80] =	vst v43;
	v45 =	vld.idx.msk [tilespmem:v59+s3+$0x0], $0xffff  }
0x26b: {  	v56 =	vadd.s32 v9, v35;
	[tilespmem:s21+$0xFFFFFCD0] =	vst v46;
	v48 =	vld.idx.msk [tilespmem:v58+s3+$0x0], $0xffff  }
0x26c: {  	v49 =	vld.idx.msk [tilespmem:v60+s3+$0x0], $0xffff;
	v58 =	vadd.s32 v23, v37;
	[tilespmem:s20+$0x350] =	vst v44  }
0x26d: {  	v57 =	vadd.s32 v22, v34;
	[tilespmem:s26+$0x60] =	vst v51;
	v40 =	vld.idx.msk [tilespmem:v62+s3+$0x0], $0xffff  }
0x26e: {  	v59 =	vadd.s32 v8, v39;
	[tilespmem:s26+$0xFFFFFC60] =	vst v47;
	v50 =	vld.idx.msk [tilespmem:v61+s3+$0x0], $0xffff  }
0x26f: {  	v43 =	vld.idx.msk [tilespmem:v63+s3+$0x0], $0xffff;
	v61 =	vadd.s32 v28, v33;
	[tilespmem:s21+$0x110] =	vst v36  }
0x270: {  	v60 =	vadd.s32 v5, v42;
	[tilespmem:s24+$0x2C0] =	vst v45;
	v36 =	vld.idx.msk [tilespmem:v56+s3+$0x0], $0xffff  }
0x271: {  	v62 =	vadd.s32 v5, v38;
	[tilespmem:s24+$0xFFFFFEA0] =	vst v48;
	v45 =	vld.idx.msk [tilespmem:v58+s3+$0x0], $0xffff  }
0x272: {  	v63 =	vadd.s32 v10, v35;
	[tilespmem:s21+$0xFFFFFCF0] =	vst v49;
	v51 =	vld.idx.msk [tilespmem:v57+s3+$0x0], $0xffff  }
0x273: {  	v44 =	vld.idx.msk [tilespmem:v59+s3+$0x0], $0xffff;
	v57 =	vadd.s32 v24, v37;
	[tilespmem:s20+$0x370] =	vst v40  }
0x274: {  	v56 =	vadd.s32 v23, v34;
	[tilespmem:s26+$0x80] =	vst v50;
	v59 =	vld.idx.msk [tilespmem:v61+s3+$0x0], $0xffff  }
0x275: {  	v58 =	vadd.s32 v9, v39;
	[tilespmem:s26+$0xFFFFFC80] =	vst v43;
	v47 =	vld.idx.msk [tilespmem:v60+s3+$0x0], $0xffff  }
0x276: {  	v61 =	vadd.s32 v6, v42;
	v60 =	vld.idx.msk [tilespmem:v62+s3+$0x0], $0xffff;
	[tilespmem:s21+$0x130] =	vst v36  }
0x277: {  	v62 =	vadd.s32 v6, v38;
	[tilespmem:s24+$0x2E0] =	vst v45;
	v36 =	vld.idx.msk [tilespmem:v63+s3+$0x0], $0xffff  }
0x278: {  	[tilespmem:s24+$0xFFFFFEC0] =	vst v51;
	v45 =	vld.idx.msk [tilespmem:v57+s3+$0x0], $0xffff  }
0x279: {  	v63 =	vadd.s32 v29, v33;
	[tilespmem:s21+$0xFFFFFD10] =	vst v44;
	v50 =	vld.idx.msk [tilespmem:v56+s3+$0x0], $0xffff  }
0x27a: {  	v56 =	vadd.s32 v11, v35;
	v44 =	vld.idx.msk [tilespmem:v58+s3+$0x0], $0xffff;
	[tilespmem:s26+$0xA0] =	vst v47  }
0x27b: {  	v57 =	vadd.s32 v24, v34;
	[tilespmem:s26+$0xFFFFFCA0] =	vst v60;
	v48 =	vld.idx.msk [tilespmem:v61+s3+$0x0], $0xffff  }
0x27c: {  	v58 =	vadd.s32 v7, v42;
	v46 =	vld.idx.msk [tilespmem:v62+s3+$0x0], $0xffff  }
0x27d: {  	[tilespmem:s20+$0x390] =	vst v59;
	v59 =	vadd.s32 v7, v38  }
0x27e: {  	v40 =	vld.idx.msk [tilespmem:v63+s3+$0x0], $0xffff;
	[tilespmem:s21+$0x150] =	vst v36  }
0x27f: {  	[tilespmem:s24+$0xFFFFFEE0] =	vst v50;
	v43 =	vld.idx.msk [tilespmem:v56+s3+$0x0], $0xffff  }
0x280: {  	v47 =	vld.idx.msk [tilespmem:v57+s3+$0x0], $0xffff;
	[tilespmem:s26+$0xC0] =	vst v48  }
0x281: {  	[tilespmem:s26+$0xFFFFFCC0] =	vst v46;
	v48 =	vld.idx.msk [tilespmem:v58+s3+$0x0], $0xffff  }
0x282: {  	v60 =	vadd.s32 v8, v42;
	v36 =	vld.idx.msk [tilespmem:v59+s3+$0x0], $0xffff  }
0x283: {  	v61 =	vadd.s32 v8, v38;
	_ =	sdelay $0x2  }
0x284: {  	[tilespmem:s26+$0xE0] =	vst v48  }
0x285: {  	[tilespmem:s26+$0xFFFFFCE0] =	vst v36;
	v46 =	vld.idx.msk [tilespmem:v60+s3+$0x0], $0xffff  }
0x286: {  	v62 =	vadd.s32 v9, v42;
	v36 =	vld.idx.msk [tilespmem:v61+s3+$0x0], $0xffff  }
0x287: {  	v63 =	vadd.s32 v9, v38;
	_ =	sdelay $0x2  }
0x288: {  	[tilespmem:s26+$0x100] =	vst v46  }
0x289: {  	[tilespmem:s26+$0xFFFFFD00] =	vst v36;
	v46 =	vld.idx.msk [tilespmem:v62+s3+$0x0], $0xffff  }
0x28a: {  	v52 =	vadd.s32 v10, v42;
	v36 =	vld.idx.msk [tilespmem:v63+s3+$0x0], $0xffff  }
0x28b: {  	v53 =	vadd.s32 v10, v38;
	_ =	sdelay $0x2  }
0x28c: {  	[tilespmem:s26+$0x120] =	vst v46  }
0x28d: {  	[tilespmem:s26+$0xFFFFFD20] =	vst v36;
	v46 =	vld.idx.msk [tilespmem:v52+s3+$0x0], $0xffff  }
0x28e: {  	v54 =	vadd.s32 v11, v42;
	v36 =	vld.idx.msk [tilespmem:v53+s3+$0x0], $0xffff  }
0x28f: {  	v55 =	vadd.s32 v11, v38;
	_ =	sdelay $0x2  }
0x290: {  	[tilespmem:s26+$0x140] =	vst v46  }
0x291: {  	[tilespmem:s26+$0xFFFFFD40] =	vst v36;
	v46 =	vld.idx.msk [tilespmem:v54+s3+$0x0], $0xffff  }
0x292: {  	v56 =	vadd.s32 v12, v42;
	v36 =	vld.idx.msk [tilespmem:v55+s3+$0x0], $0xffff  }
0x293: {  	v57 =	vadd.s32 v12, v38;
	_ =	sdelay $0x2  }
0x294: {  	[tilespmem:s26+$0x160] =	vst v46  }
0x295: {  	[tilespmem:s26+$0xFFFFFD60] =	vst v36;
	v46 =	vld.idx.msk [tilespmem:v56+s3+$0x0], $0xffff  }
0x296: {  	v58 =	vadd.s32 v13, v42;
	v36 =	vld.idx.msk [tilespmem:v57+s3+$0x0], $0xffff  }
0x297: {  	v59 =	vadd.s32 v13, v38;
	_ =	sdelay $0x2  }
0x298: {  	[tilespmem:s26+$0x180] =	vst v46  }
0x299: {  	[tilespmem:s26+$0xFFFFFD80] =	vst v36;
	v46 =	vld.idx.msk [tilespmem:v58+s3+$0x0], $0xffff  }
0x29a: {  	v60 =	vadd.s32 v14, v42;
	v36 =	vld.idx.msk [tilespmem:v59+s3+$0x0], $0xffff  }
0x29b: {  	v61 =	vadd.s32 v14, v38;
	_ =	sdelay $0x2  }
0x29c: {  	[tilespmem:s26+$0x1A0] =	vst v46  }
0x29d: {  	[tilespmem:s26+$0xFFFFFDA0] =	vst v36;
	v46 =	vld.idx.msk [tilespmem:v60+s3+$0x0], $0xffff  }
0x29e: {  	v62 =	vadd.s32 v15, v42;
	v36 =	vld.idx.msk [tilespmem:v61+s3+$0x0], $0xffff  }
0x29f: {  	v63 =	vadd.s32 v15, v38;
	_ =	sdelay $0x2  }
0x2a0: {  	[tilespmem:s26+$0x1C0] =	vst v46  }
0x2a1: {  	[tilespmem:s26+$0xFFFFFDC0] =	vst v36;
	v46 =	vld.idx.msk [tilespmem:v62+s3+$0x0], $0xffff  }
0x2a2: {  	v52 =	vadd.s32 v16, v42;
	v36 =	vld.idx.msk [tilespmem:v63+s3+$0x0], $0xffff  }
0x2a3: {  	v53 =	vadd.s32 v16, v38;
	_ =	sdelay $0x2  }
0x2a4: {  	[tilespmem:s26+$0x1E0] =	vst v46  }
0x2a5: {  	[tilespmem:s26+$0xFFFFFDE0] =	vst v36;
	v46 =	vld.idx.msk [tilespmem:v52+s3+$0x0], $0xffff  }
0x2a6: {  	v54 =	vadd.s32 v17, v42;
	v36 =	vld.idx.msk [tilespmem:v53+s3+$0x0], $0xffff  }
0x2a7: {  	v55 =	vadd.s32 v17, v38;
	_ =	sdelay $0x2  }
0x2a8: {  	[tilespmem:s26+$0x200] =	vst v46  }
0x2a9: {  	[tilespmem:s26+$0xFFFFFE00] =	vst v36;
	v46 =	vld.idx.msk [tilespmem:v54+s3+$0x0], $0xffff  }
0x2aa: {  	v56 =	vadd.s32 v18, v42;
	v36 =	vld.idx.msk [tilespmem:v55+s3+$0x0], $0xffff  }
0x2ab: {  	v57 =	vadd.s32 v18, v38;
	_ =	sdelay $0x2  }
0x2ac: {  	[tilespmem:s26+$0x220] =	vst v46  }
0x2ad: {  	[tilespmem:s26+$0xFFFFFE20] =	vst v36;
	v46 =	vld.idx.msk [tilespmem:v56+s3+$0x0], $0xffff  }
0x2ae: {  	v58 =	vadd.s32 v19, v42;
	v59 =	vld.idx.msk [tilespmem:v57+s3+$0x0], $0xffff  }
0x2af: {  	v60 =	vadd.s32 v19, v38;
	_ =	sdelay $0x2  }
0x2b0: {  	[tilespmem:s26+$0x240] =	vst v46  }
0x2b1: {  	[tilespmem:s26+$0xFFFFFE40] =	vst v59;
	v36 =	vld.idx.msk [tilespmem:v58+s3+$0x0], $0xffff  }
0x2b2: {  	v61 =	vadd.s32 v20, v42;
	v48 =	vld.idx.msk [tilespmem:v60+s3+$0x0], $0xffff  }
0x2b3: {  	v62 =	vadd.s32 v20, v38;
	_ =	sdelay $0x2  }
0x2b4: {  	[tilespmem:s26+$0x260] =	vst v36  }
0x2b5: {  	[tilespmem:s26+$0xFFFFFE60] =	vst v48;
	v36 =	vld.idx.msk [tilespmem:v61+s3+$0x0], $0xffff  }
0x2b6: {  	v63 =	vadd.s32 v21, v42;
	v48 =	vld.idx.msk [tilespmem:v62+s3+$0x0], $0xffff  }
0x2b7: {  	v52 =	vadd.s32 v21, v38;
	_ =	sdelay $0x2  }
0x2b8: {  	[tilespmem:s26+$0x280] =	vst v36  }
0x2b9: {  	[tilespmem:s26+$0xFFFFFE80] =	vst v48;
	v36 =	vld.idx.msk [tilespmem:v63+s3+$0x0], $0xffff  }
0x2ba: {  	v53 =	vadd.s32 v22, v42;
	v48 =	vld.idx.msk [tilespmem:v52+s3+$0x0], $0xffff  }
0x2bb: {  	v54 =	vadd.s32 v22, v38;
	_ =	sdelay $0x2  }
0x2bc: {  	[tilespmem:s26+$0x2A0] =	vst v36  }
0x2bd: {  	[tilespmem:s26+$0xFFFFFEA0] =	vst v48;
	v36 =	vld.idx.msk [tilespmem:v53+s3+$0x0], $0xffff  }
0x2be: {  	v55 =	vadd.s32 v23, v42;
	v48 =	vld.idx.msk [tilespmem:v54+s3+$0x0], $0xffff  }
0x2bf: {  	v56 =	vadd.s32 v23, v38;
	_ =	sdelay $0x2  }
0x2c0: {  	[tilespmem:s26+$0x2C0] =	vst v36  }
0x2c1: {  	[tilespmem:s26+$0xFFFFFEC0] =	vst v48;
	v36 =	vld.idx.msk [tilespmem:v55+s3+$0x0], $0xffff  }
0x2c2: {  	v57 =	vadd.s32 v24, v42;
	v48 =	vld.idx.msk [tilespmem:v56+s3+$0x0], $0xffff  }
0x2c3: {  	v58 =	vadd.s32 v24, v38;
	_ =	sdelay $0x1  }
0x2c4: {  	v60 =	vadd.s32 v25, v34  }
0x2c5: {  	v59 =	vadd.s32 v25, v37;
	[tilespmem:s26+$0x2E0] =	vst v36  }
0x2c6: {  	[tilespmem:s26+$0xFFFFFEE0] =	vst v48;
	v46 =	vld.idx.msk [tilespmem:v57+s3+$0x0], $0xffff  }
0x2c7: {  	v61 =	vadd.s32 v25, v42;
	v49 =	vld.idx.msk [tilespmem:v58+s3+$0x0], $0xffff  }
0x2c8: {  	[tilespmem:s24+$0xFFFFFF00] =	vst v47;
	v62 =	vadd.s32 v25, v38  }
0x2c9: {  	[tilespmem:s24+$0x300] =	vst v45;
	v36 =	vld.idx.msk [tilespmem:v60+s3+$0x0], $0xffff  }
0x2ca: {  	v45 =	vld.idx.msk [tilespmem:v59+s3+$0x0], $0xffff;
	v54 =	vadd.s32 v26, v34  }
0x2cb: {  	v63 =	vadd.s32 v26, v37;
	[tilespmem:s26+$0x300] =	vst v46  }
0x2cc: {  	[tilespmem:s26+$0xFFFFFF00] =	vst v49;
	v48 =	vld.idx.msk [tilespmem:v61+s3+$0x0], $0xffff  }
0x2cd: {  	v55 =	vadd.s32 v26, v42;
	v56 =	vld.idx.msk [tilespmem:v62+s3+$0x0], $0xffff  }
0x2ce: {  	v57 =	vadd.s32 v26, v38;
	[tilespmem:s24+$0xFFFFFF20] =	vst v36  }
0x2cf: {  	[tilespmem:s24+$0x320] =	vst v45;
	v46 =	vld.idx.msk [tilespmem:v54+s3+$0x0], $0xffff  }
0x2d0: {  	v59 =	vadd.s32 v27, v34;
	v45 =	vld.idx.msk [tilespmem:v63+s3+$0x0], $0xffff  }
0x2d1: {  	v58 =	vadd.s32 v27, v37;
	[tilespmem:s26+$0x320] =	vst v48  }
0x2d2: {  	[tilespmem:s26+$0xFFFFFF20] =	vst v56;
	v48 =	vld.idx.msk [tilespmem:v55+s3+$0x0], $0xffff  }
0x2d3: {  	v60 =	vadd.s32 v27, v42;
	v50 =	vld.idx.msk [tilespmem:v57+s3+$0x0], $0xffff  }
0x2d4: {  	v61 =	vadd.s32 v27, v38;
	[tilespmem:s24+$0xFFFFFF40] =	vst v46  }
0x2d5: {  	[tilespmem:s24+$0x340] =	vst v45;
	v46 =	vld.idx.msk [tilespmem:v59+s3+$0x0], $0xffff  }
0x2d6: {  	v63 =	vadd.s32 v28, v34;
	v36 =	vld.idx.msk [tilespmem:v58+s3+$0x0], $0xffff  }
0x2d7: {  	v62 =	vadd.s32 v28, v37;
	[tilespmem:s26+$0x340] =	vst v48  }
0x2d8: {  	[tilespmem:s26+$0xFFFFFF40] =	vst v50;
	v48 =	vld.idx.msk [tilespmem:v60+s3+$0x0], $0xffff  }
0x2d9: {  	v54 =	vadd.s32 v28, v42;
	v50 =	vld.idx.msk [tilespmem:v61+s3+$0x0], $0xffff  }
0x2da: {  	v55 =	vadd.s32 v28, v38;
	[tilespmem:s24+$0xFFFFFF60] =	vst v46  }
0x2db: {  	[tilespmem:s24+$0x360] =	vst v36;
	v46 =	vld.idx.msk [tilespmem:v63+s3+$0x0], $0xffff  }
0x2dc: {  	v36 =	vld.idx.msk [tilespmem:v62+s3+$0x0], $0xffff;
	v57 =	vadd.s32 v29, v34  }
0x2dd: {  	v56 =	vadd.s32 v29, v37;
	[tilespmem:s26+$0x360] =	vst v48  }
0x2de: {  	[tilespmem:s26+$0xFFFFFF60] =	vst v50;
	v48 =	vld.idx.msk [tilespmem:v54+s3+$0x0], $0xffff  }
0x2df: {  	v58 =	vadd.s32 v29, v42;
	v50 =	vld.idx.msk [tilespmem:v55+s3+$0x0], $0xffff  }
0x2e0: {  	v59 =	vadd.s32 v29, v38;
	[tilespmem:s24+$0xFFFFFF80] =	vst v46  }
0x2e1: {  	[tilespmem:s24+$0x380] =	vst v36;
	v46 =	vld.idx.msk [tilespmem:v57+s3+$0x0], $0xffff  }
0x2e2: {  	v36 =	vld.idx.msk [tilespmem:v56+s3+$0x0], $0xffff;
	v61 =	vadd.s32 v30, v34  }
0x2e3: {  	v60 =	vadd.s32 v30, v37;
	[tilespmem:s26+$0x380] =	vst v48  }
0x2e4: {  	[tilespmem:s26+$0xFFFFFF80] =	vst v50;
	v48 =	vld.idx.msk [tilespmem:v58+s3+$0x0], $0xffff  }
0x2e5: {  	v62 =	vadd.s32 v30, v42;
	v50 =	vld.idx.msk [tilespmem:v59+s3+$0x0], $0xffff  }
0x2e6: {  	v63 =	vadd.s32 v30, v38;
	[tilespmem:s24+$0xFFFFFFA0] =	vst v46  }
0x2e7: {  	[tilespmem:s24+$0x3A0] =	vst v36;
	v45 =	vld.idx.msk [tilespmem:v61+s3+$0x0], $0xffff  }
0x2e8: {  	v47 =	vadd.s32 v31, v34;
	v36 =	vld.idx.msk [tilespmem:v60+s3+$0x0], $0xffff  }
0x2e9: {  	s31 =	sadd.s32 $0x1A0, s23;
	v54 =	vadd.s32 v31, v37;
	[tilespmem:s26+$0x3A0] =	vst v48  }
0x2ea: {  	s30 =	sadd.s32 $0x1A1, s23;
	v57 =	vmov s31;
	[tilespmem:s26+$0xFFFFFFA0] =	vst v50;
	v48 =	vld.idx.msk [tilespmem:v62+s3+$0x0], $0xffff  }
0x2eb: {  	s23 =	sadd.s32 $0x1A1, s25;
	v42 =	vadd.s32 v31, v42;
	v55 =	vmov s30;
	v46 =	vmul.u32 $0x28, v57;
	v58 =	vld.idx.msk [tilespmem:v63+s3+$0x0], $0xffff  }
0x2ec: {  	s28 =	sadd.s32 $0x1A0, s25;
	v60 =	vadd.s32 v31, v38;
	v56 =	vmul.u32 $0x28, v55;
	v59 =	vmov s23;
	[tilespmem:s24+$0xFFFFFFC0] =	vst v45  }
0x2ed: {  	[tilespmem:s24+$0x3C0] =	vst v36;
	v36 =	vbroadcast v46, $0x0;
	v61 =	vmul.u32 $0x28, v59;
	v47 =	vld.idx.msk [tilespmem:v47+s3+$0x0], $0xffff;
	v62 =	vmov s28  }
0x2ee: {  	v34 =	vbroadcast v56, $0x0;
	v63 =	vld.idx.msk [tilespmem:v54+s3+$0x0], $0xffff;
	v54 =	vmul.u32 $0x28, v62  }
0x2ef: {  	v56 =	vadd.s32 v0, v36;
	v37 =	vbroadcast v61, $0x0;
	[tilespmem:s26+$0x3C0] =	vst v48  }
0x2f0: {  	v55 =	vadd.s32 v0, v34;
	v38 =	vbroadcast v54, $0x0;
	[tilespmem:s26+$0xFFFFFFC0] =	vst v58;
	v42 =	vld.idx.msk [tilespmem:v42+s3+$0x0], $0xffff  }
0x2f1: {  	v57 =	vadd.s32 v0, v37;
	v49 =	vld.idx.msk [tilespmem:v60+s3+$0x0], $0xffff  }
0x2f2: {  	v58 =	vadd.s32 v0, v38  }
0x2f3: {  	[tilespmem:s24+$0xFFFFFFE0] =	vst v47  }
0x2f4: {  	[tilespmem:s24+$0x3E0] =	vst v63;
	v48 =	vld.idx.msk [tilespmem:v56+s3+$0x0], $0xffff  }
0x2f5: {  	v46 =	vld.idx.msk [tilespmem:v55+s3+$0x0], $0xffff;
	v60 =	vadd.s32 v1, v36;
	[tilespmem:s26+$0x3E0] =	vst v42  }
0x2f6: {  	v59 =	vadd.s32 v1, v34;
	[tilespmem:s26+$0xFFFFFFE0] =	vst v49;
	v45 =	vld.idx.msk [tilespmem:v57+s3+$0x0], $0xffff  }
0x2f7: {  	v61 =	vadd.s32 v1, v37;
	v50 =	vld.idx.msk [tilespmem:v58+s3+$0x0], $0xffff  }
0x2f8: {  	v62 =	vadd.s32 v1, v38  }
0x2f9: {  	[tilespmem:s24+$0xFFFFFC10] =	vst v48  }
0x2fa: {  	[tilespmem:s24+$0x10] =	vst v46;
	v42 =	vld.idx.msk [tilespmem:v60+s3+$0x0], $0xffff  }
0x2fb: {  	v54 =	vadd.s32 v2, v36;
	v46 =	vld.idx.msk [tilespmem:v59+s3+$0x0], $0xffff;
	[tilespmem:s26+$0x10] =	vst v45  }
0x2fc: {  	v63 =	vadd.s32 v2, v34;
	[tilespmem:s26+$0xFFFFFC10] =	vst v50;
	v55 =	vld.idx.msk [tilespmem:v61+s3+$0x0], $0xffff  }
0x2fd: {  	v56 =	vadd.s32 v2, v37;
	v50 =	vld.idx.msk [tilespmem:v62+s3+$0x0], $0xffff  }
0x2fe: {  	v57 =	vadd.s32 v2, v38  }
0x2ff: {  	[tilespmem:s24+$0xFFFFFC30] =	vst v42  }
0x300: {  	[tilespmem:s24+$0x30] =	vst v46;
	v45 =	vld.idx.msk [tilespmem:v54+s3+$0x0], $0xffff  }
0x301: {  	v59 =	vadd.s32 v3, v36;
	v46 =	vld.idx.msk [tilespmem:v63+s3+$0x0], $0xffff;
	[tilespmem:s26+$0x30] =	vst v55  }
0x302: {  	v58 =	vadd.s32 v3, v34;
	[tilespmem:s26+$0xFFFFFC30] =	vst v50;
	v48 =	vld.idx.msk [tilespmem:v56+s3+$0x0], $0xffff  }
0x303: {  	v60 =	vadd.s32 v3, v37;
	v50 =	vld.idx.msk [tilespmem:v57+s3+$0x0], $0xffff  }
0x304: {  	v61 =	vadd.s32 v3, v38  }
0x305: {  	[tilespmem:s24+$0xFFFFFC50] =	vst v45  }
0x306: {  	[tilespmem:s24+$0x50] =	vst v46;
	v63 =	vld.idx.msk [tilespmem:v59+s3+$0x0], $0xffff  }
0x307: {  	v54 =	vadd.s32 v4, v36;
	v42 =	vld.idx.msk [tilespmem:v58+s3+$0x0], $0xffff;
	[tilespmem:s26+$0x50] =	vst v48  }
0x308: {  	v62 =	vadd.s32 v4, v34;
	[tilespmem:s26+$0xFFFFFC50] =	vst v50;
	v48 =	vld.idx.msk [tilespmem:v60+s3+$0x0], $0xffff  }
0x309: {  	v55 =	vadd.s32 v4, v37;
	v50 =	vld.idx.msk [tilespmem:v61+s3+$0x0], $0xffff  }
0x30a: {  	[tilespmem:s21+$0xFFFFFD30] =	vst v44;
	v56 =	vadd.s32 v4, v38  }
0x30b: {  	v58 =	vadd.s32 v30, v33;
	[tilespmem:s24+$0xFFFFFC70] =	vst v63  }
0x30c: {  	v57 =	vadd.s32 v10, v39;
	[tilespmem:s24+$0x70] =	vst v42;
	v47 =	vld.idx.msk [tilespmem:v54+s3+$0x0], $0xffff  }
0x30d: {  	v45 =	vld.idx.msk [tilespmem:v62+s3+$0x0], $0xffff;
	v60 =	vadd.s32 v5, v36;
	[tilespmem:s26+$0x70] =	vst v48  }
0x30e: {  	v59 =	vadd.s32 v5, v34;
	[tilespmem:s26+$0xFFFFFC70] =	vst v50;
	v49 =	vld.idx.msk [tilespmem:v55+s3+$0x0], $0xffff  }
0x30f: {  	[tilespmem:s20+$0x3B0] =	vst v40;
	v61 =	vadd.s32 v5, v37;
	v44 =	vld.idx.msk [tilespmem:v56+s3+$0x0], $0xffff  }
0x310: {  	[tilespmem:s20+$0xFFFFFED0] =	vst v41;
	v63 =	vadd.s32 v5, v38;
	v42 =	vld.idx.msk [tilespmem:v58+s3+$0x0], $0xffff  }
0x311: {  	v62 =	vld.idx.msk [tilespmem:v57+s3+$0x0], $0xffff;
	[tilespmem:s24+$0xFFFFFC90] =	vst v47  }
0x312: {  	v54 =	vadd.s32 v12, v35;
	[tilespmem:s24+$0x90] =	vst v45;
	v48 =	vld.idx.msk [tilespmem:v60+s3+$0x0], $0xffff  }
0x313: {  	v57 =	vadd.s32 v6, v36;
	v46 =	vld.idx.msk [tilespmem:v59+s3+$0x0], $0xffff;
	[tilespmem:s26+$0x90] =	vst v49  }
0x314: {  	v56 =	vadd.s32 v6, v34;
	[tilespmem:s26+$0xFFFFFC90] =	vst v44;
	v40 =	vld.idx.msk [tilespmem:v61+s3+$0x0], $0xffff  }
0x315: {  	[tilespmem:s21+$0x170] =	vst v43;
	v58 =	vadd.s32 v6, v37;
	v43 =	vld.idx.msk [tilespmem:v63+s3+$0x0], $0xffff  }
0x316: {  	[tilespmem:s20+$0x3D0] =	vst v42;
	v60 =	vadd.s32 v6, v38  }
0x317: {  	v55 =	vadd.s32 v11, v39;
	v59 =	vld.idx.msk [tilespmem:v54+s3+$0x0], $0xffff;
	[tilespmem:s24+$0xFFFFFCB0] =	vst v48  }
0x318: {  	[tilespmem:s24+$0xB0] =	vst v46;
	v49 =	vld.idx.msk [tilespmem:v57+s3+$0x0], $0xffff;
	v61 =	vadd.s32 v31, v33  }
0x319: {  	v52 =	vadd.s32 v7, v36;
	v47 =	vld.idx.msk [tilespmem:v56+s3+$0x0], $0xffff;
	[tilespmem:s26+$0xB0] =	vst v40  }
0x31a: {  	v63 =	vadd.s32 v7, v34;
	[tilespmem:s26+$0xFFFFFCB0] =	vst v43;
	v44 =	vld.idx.msk [tilespmem:v58+s3+$0x0], $0xffff  }
0x31b: {  	v53 =	vadd.s32 v7, v37;
	[tilespmem:s21+$0xFFFFFD50] =	vst v62;
	v42 =	vld.idx.msk [tilespmem:v60+s3+$0x0], $0xffff  }
0x31c: {  	v54 =	vadd.s32 v7, v38;
	v45 =	vld.idx.msk [tilespmem:v55+s3+$0x0], $0xffff;
	[tilespmem:s21+$0x190] =	vst v59  }
0x31d: {  	v62 =	vadd.s32 v13, v35;
	[tilespmem:s24+$0xFFFFFCD0] =	vst v49;
	v33 =	vld.idx.msk [tilespmem:v61+s3+$0x0], $0xffff  }
0x31e: {  	v55 =	vadd.s32 v12, v39;
	[tilespmem:s24+$0xD0] =	vst v47;
	v40 =	vld.idx.msk [tilespmem:v52+s3+$0x0], $0xffff  }
0x31f: {  	v57 =	vadd.s32 v8, v36;
	v47 =	vld.idx.msk [tilespmem:v63+s3+$0x0], $0xffff;
	[tilespmem:s26+$0xD0] =	vst v44  }
0x320: {  	v56 =	vadd.s32 v8, v34;
	[tilespmem:s26+$0xFFFFFCD0] =	vst v42;
	v43 =	vld.idx.msk [tilespmem:v53+s3+$0x0], $0xffff  }
0x321: {  	[tilespmem:s21+$0xFFFFFD70] =	vst v45;
	v58 =	vadd.s32 v8, v37;
	v42 =	vld.idx.msk [tilespmem:v54+s3+$0x0], $0xffff  }
0x322: {  	v46 =	vld.idx.msk [tilespmem:v62+s3+$0x0], $0xffff;
	v60 =	vadd.s32 v8, v38;
	[tilespmem:s20+$0x3F0] =	vst v33  }
0x323: {  	v59 =	vld.idx.msk [tilespmem:v55+s3+$0x0], $0xffff;
	v61 =	vadd.s32 v14, v35;
	[tilespmem:s24+$0xFFFFFCF0] =	vst v40  }
0x324: {  	v62 =	vadd.s32 v13, v39;
	[tilespmem:s24+$0xF0] =	vst v47;
	v44 =	vld.idx.msk [tilespmem:v57+s3+$0x0], $0xffff  }
0x325: {  	v52 =	vadd.s32 v9, v36;
	v48 =	vld.idx.msk [tilespmem:v56+s3+$0x0], $0xffff;
	[tilespmem:s26+$0xF0] =	vst v43  }
0x326: {  	v63 =	vadd.s32 v9, v34;
	[tilespmem:s26+$0xFFFFFCF0] =	vst v42;
	v33 =	vld.idx.msk [tilespmem:v58+s3+$0x0], $0xffff  }
0x327: {  	[tilespmem:s21+$0x1B0] =	vst v46;
	v53 =	vadd.s32 v9, v37;
	v54 =	vld.idx.msk [tilespmem:v60+s3+$0x0], $0xffff  }
0x328: {  	[tilespmem:s21+$0xFFFFFD90] =	vst v59;
	v55 =	vld.idx.msk [tilespmem:v61+s3+$0x0], $0xffff;
	v56 =	vadd.s32 v9, v38  }
0x329: {  	v57 =	vadd.s32 v23, v32;
	v47 =	vld.idx.msk [tilespmem:v62+s3+$0x0], $0xffff;
	[tilespmem:s24+$0xFFFFFD10] =	vst v44  }
0x32a: {  	[tilespmem:s24+$0x110] =	vst v48;
	v43 =	vld.idx.msk [tilespmem:v52+s3+$0x0], $0xffff;
	v58 =	vadd.s32 v15, v35  }
0x32b: {  	v40 =	vld.idx.msk [tilespmem:v63+s3+$0x0], $0xffff;
	v60 =	vadd.s32 v10, v36;
	[tilespmem:s26+$0x110] =	vst v33  }
0x32c: {  	v59 =	vadd.s32 v10, v34;
	[tilespmem:s26+$0xFFFFFD10] =	vst v54;
	v42 =	vld.idx.msk [tilespmem:v53+s3+$0x0], $0xffff  }
0x32d: {  	v61 =	vadd.s32 v10, v37;
	[tilespmem:s21+$0x1D0] =	vst v55;
	v41 =	vld.idx.msk [tilespmem:v56+s3+$0x0], $0xffff  }
0x32e: {  	v62 =	vld.idx.msk [tilespmem:v57+s3+$0x0], $0xffff;
	[tilespmem:s21+$0xFFFFFDB0] =	vst v47;
	v63 =	vadd.s32 v10, v38  }
0x32f: {  	v52 =	vadd.s32 v14, v39;
	[tilespmem:s24+$0xFFFFFD30] =	vst v43;
	v48 =	vld.idx.msk [tilespmem:v58+s3+$0x0], $0xffff  }
0x330: {  	[tilespmem:s24+$0x130] =	vst v40;
	v33 =	vld.idx.msk [tilespmem:v60+s3+$0x0], $0xffff;
	v53 =	vadd.s32 v24, v32  }
0x331: {  	v55 =	vadd.s32 v11, v36;
	v44 =	vld.idx.msk [tilespmem:v59+s3+$0x0], $0xffff;
	[tilespmem:s26+$0x130] =	vst v42  }
0x332: {  	v54 =	vadd.s32 v11, v34;
	[tilespmem:s26+$0xFFFFFD30] =	vst v41;
	v45 =	vld.idx.msk [tilespmem:v61+s3+$0x0], $0xffff  }
0x333: {  	[tilespmem:s20+$0xFFFFFEF0] =	vst v62;
	v56 =	vadd.s32 v11, v37;
	v57 =	vld.idx.msk [tilespmem:v63+s3+$0x0], $0xffff  }
0x334: {  	v58 =	vld.idx.msk [tilespmem:v52+s3+$0x0], $0xffff;
	v59 =	vadd.s32 v11, v38;
	[tilespmem:s21+$0x1F0] =	vst v48  }
0x335: {  	v60 =	vadd.s32 v16, v35;
	[tilespmem:s24+$0xFFFFFD50] =	vst v33;
	v40 =	vld.idx.msk [tilespmem:v53+s3+$0x0], $0xffff  }
0x336: {  	[tilespmem:s24+$0x150] =	vst v44;
	v42 =	vld.idx.msk [tilespmem:v55+s3+$0x0], $0xffff;
	v61 =	vadd.s32 v15, v39  }
0x337: {  	v43 =	vld.idx.msk [tilespmem:v54+s3+$0x0], $0xffff;
	v63 =	vadd.s32 v12, v36;
	[tilespmem:s26+$0x150] =	vst v45  }
0x338: {  	v62 =	vadd.s32 v12, v34;
	[tilespmem:s26+$0xFFFFFD50] =	vst v57;
	v41 =	vld.idx.msk [tilespmem:v56+s3+$0x0], $0xffff  }
0x339: {  	v52 =	vadd.s32 v12, v37;
	[tilespmem:s21+$0xFFFFFDD0] =	vst v58;
	v53 =	vld.idx.msk [tilespmem:v59+s3+$0x0], $0xffff  }
0x33a: {  	v55 =	vadd.s32 v12, v38;
	v54 =	vld.idx.msk [tilespmem:v60+s3+$0x0], $0xffff;
	[tilespmem:s20+$0xFFFFFF10] =	vst v40  }
0x33b: {  	[tilespmem:s24+$0xFFFFFD70] =	vst v42;
	v44 =	vld.idx.msk [tilespmem:v61+s3+$0x0], $0xffff;
	v57 =	vadd.s32 v17, v35  }
0x33c: {  	[tilespmem:s24+$0x170] =	vst v43;
	v45 =	vld.idx.msk [tilespmem:v63+s3+$0x0], $0xffff;
	v56 =	vadd.s32 v25, v32  }
0x33d: {  	v33 =	vld.idx.msk [tilespmem:v62+s3+$0x0], $0xffff;
	v59 =	vadd.s32 v13, v36;
	[tilespmem:s26+$0x170] =	vst v41  }
0x33e: {  	v58 =	vadd.s32 v13, v34;
	[tilespmem:s26+$0xFFFFFD70] =	vst v53;
	v46 =	vld.idx.msk [tilespmem:v52+s3+$0x0], $0xffff  }
0x33f: {  	v60 =	vadd.s32 v13, v37;
	[tilespmem:s21+$0x210] =	vst v54;
	v40 =	vld.idx.msk [tilespmem:v55+s3+$0x0], $0xffff  }
0x340: {  	v62 =	vadd.s32 v13, v38;
	[tilespmem:s21+$0xFFFFFDF0] =	vst v44;
	v43 =	vld.idx.msk [tilespmem:v57+s3+$0x0], $0xffff  }
0x341: {  	v63 =	vadd.s32 v16, v39;
	[tilespmem:s24+$0xFFFFFD90] =	vst v45;
	v61 =	vld.idx.msk [tilespmem:v56+s3+$0x0], $0xffff  }
0x342: {  	[tilespmem:s24+$0x190] =	vst v33;
	v41 =	vld.idx.msk [tilespmem:v59+s3+$0x0], $0xffff;
	v52 =	vadd.s32 v26, v32  }
0x343: {  	v54 =	vadd.s32 v14, v36;
	v42 =	vld.idx.msk [tilespmem:v58+s3+$0x0], $0xffff;
	[tilespmem:s26+$0x190] =	vst v46  }
0x344: {  	v53 =	vadd.s32 v14, v34;
	[tilespmem:s26+$0xFFFFFD90] =	vst v40;
	v47 =	vld.idx.msk [tilespmem:v60+s3+$0x0], $0xffff  }
0x345: {  	v55 =	vadd.s32 v14, v37;
	[tilespmem:s21+$0x230] =	vst v43;
	v44 =	vld.idx.msk [tilespmem:v62+s3+$0x0], $0xffff  }
0x346: {  	v57 =	vadd.s32 v14, v38;
	v56 =	vld.idx.msk [tilespmem:v63+s3+$0x0], $0xffff;
	[tilespmem:s20+$0xFFFFFF30] =	vst v61  }
0x347: {  	v58 =	vadd.s32 v18, v35;
	[tilespmem:s24+$0xFFFFFDB0] =	vst v41;
	v33 =	vld.idx.msk [tilespmem:v52+s3+$0x0], $0xffff  }
0x348: {  	v59 =	vadd.s32 v17, v39;
	[tilespmem:s24+$0x1B0] =	vst v42;
	v46 =	vld.idx.msk [tilespmem:v54+s3+$0x0], $0xffff  }
0x349: {  	v61 =	vadd.s32 v15, v36;
	v45 =	vld.idx.msk [tilespmem:v53+s3+$0x0], $0xffff;
	[tilespmem:s26+$0x1B0] =	vst v47  }
0x34a: {  	v60 =	vadd.s32 v15, v34;
	[tilespmem:s26+$0xFFFFFDB0] =	vst v44;
	v40 =	vld.idx.msk [tilespmem:v55+s3+$0x0], $0xffff  }
0x34b: {  	[tilespmem:s21+$0xFFFFFE10] =	vst v56;
	v62 =	vadd.s32 v15, v37;
	v43 =	vld.idx.msk [tilespmem:v57+s3+$0x0], $0xffff  }
0x34c: {  	v63 =	vld.idx.msk [tilespmem:v58+s3+$0x0], $0xffff;
	v52 =	vadd.s32 v15, v38;
	[tilespmem:s20+$0xFFFFFF50] =	vst v33  }
0x34d: {  	v42 =	vld.idx.msk [tilespmem:v59+s3+$0x0], $0xffff;
	v53 =	vadd.s32 v27, v32;
	[tilespmem:s24+$0xFFFFFDD0] =	vst v46  }
0x34e: {  	v54 =	vadd.s32 v19, v35;
	[tilespmem:s24+$0x1D0] =	vst v45;
	v47 =	vld.idx.msk [tilespmem:v61+s3+$0x0], $0xffff  }
0x34f: {  	v56 =	vadd.s32 v16, v36;
	v41 =	vld.idx.msk [tilespmem:v60+s3+$0x0], $0xffff;
	[tilespmem:s26+$0x1D0] =	vst v40  }
0x350: {  	v55 =	vadd.s32 v16, v34;
	[tilespmem:s26+$0xFFFFFDD0] =	vst v43;
	v44 =	vld.idx.msk [tilespmem:v62+s3+$0x0], $0xffff  }
0x351: {  	[tilespmem:s21+$0x250] =	vst v63;
	v57 =	vadd.s32 v16, v37;
	v33 =	vld.idx.msk [tilespmem:v52+s3+$0x0], $0xffff  }
0x352: {  	v59 =	vadd.s32 v16, v38;
	[tilespmem:s21+$0xFFFFFE30] =	vst v42;
	v58 =	vld.idx.msk [tilespmem:v53+s3+$0x0], $0xffff  }
0x353: {  	v45 =	vld.idx.msk [tilespmem:v54+s3+$0x0], $0xffff;
	v60 =	vadd.s32 v18, v39;
	[tilespmem:s24+$0xFFFFFDF0] =	vst v47  }
0x354: {  	v61 =	vadd.s32 v28, v32;
	[tilespmem:s24+$0x1F0] =	vst v41;
	v40 =	vld.idx.msk [tilespmem:v56+s3+$0x0], $0xffff  }
0x355: {  	v63 =	vadd.s32 v17, v36;
	v46 =	vld.idx.msk [tilespmem:v55+s3+$0x0], $0xffff;
	[tilespmem:s26+$0x1F0] =	vst v44  }
0x356: {  	v62 =	vadd.s32 v17, v34;
	[tilespmem:s26+$0xFFFFFDF0] =	vst v33;
	v43 =	vld.idx.msk [tilespmem:v57+s3+$0x0], $0xffff  }
0x357: {  	[tilespmem:s20+$0xFFFFFF70] =	vst v58;
	v52 =	vadd.s32 v17, v37;
	v42 =	vld.idx.msk [tilespmem:v59+s3+$0x0], $0xffff  }
0x358: {  	v54 =	vadd.s32 v17, v38;
	[tilespmem:s21+$0x270] =	vst v45;
	v53 =	vld.idx.msk [tilespmem:v60+s3+$0x0], $0xffff  }
0x359: {  	v41 =	vld.idx.msk [tilespmem:v61+s3+$0x0], $0xffff;
	v55 =	vadd.s32 v20, v35;
	[tilespmem:s24+$0xFFFFFE10] =	vst v40  }
0x35a: {  	v56 =	vadd.s32 v19, v39;
	[tilespmem:s24+$0x210] =	vst v46;
	v44 =	vld.idx.msk [tilespmem:v63+s3+$0x0], $0xffff  }
0x35b: {  	v58 =	vadd.s32 v18, v36;
	v47 =	vld.idx.msk [tilespmem:v62+s3+$0x0], $0xffff;
	[tilespmem:s26+$0x210] =	vst v43  }
0x35c: {  	v57 =	vadd.s32 v18, v34;
	[tilespmem:s26+$0xFFFFFE10] =	vst v42;
	v33 =	vld.idx.msk [tilespmem:v52+s3+$0x0], $0xffff  }
0x35d: {  	[tilespmem:s21+$0xFFFFFE50] =	vst v53;
	v59 =	vadd.s32 v18, v37;
	v45 =	vld.idx.msk [tilespmem:v54+s3+$0x0], $0xffff  }
0x35e: {  	v61 =	vadd.s32 v18, v38;
	[tilespmem:s20+$0xFFFFFF90] =	vst v41;
	v60 =	vld.idx.msk [tilespmem:v55+s3+$0x0], $0xffff  }
0x35f: {  	v46 =	vld.idx.msk [tilespmem:v56+s3+$0x0], $0xffff;
	v62 =	vadd.s32 v29, v32;
	[tilespmem:s24+$0xFFFFFE30] =	vst v44  }
0x360: {  	v63 =	vadd.s32 v21, v35;
	[tilespmem:s24+$0x230] =	vst v47;
	v43 =	vld.idx.msk [tilespmem:v58+s3+$0x0], $0xffff  }
0x361: {  	v53 =	vadd.s32 v19, v36;
	v40 =	vld.idx.msk [tilespmem:v57+s3+$0x0], $0xffff;
	[tilespmem:s26+$0x230] =	vst v33  }
0x362: {  	v52 =	vadd.s32 v19, v34;
	[tilespmem:s26+$0xFFFFFE30] =	vst v45;
	v42 =	vld.idx.msk [tilespmem:v59+s3+$0x0], $0xffff  }
0x363: {  	[tilespmem:s21+$0x290] =	vst v60;
	v54 =	vadd.s32 v19, v37;
	v41 =	vld.idx.msk [tilespmem:v61+s3+$0x0], $0xffff  }
0x364: {  	v56 =	vadd.s32 v19, v38;
	[tilespmem:s21+$0xFFFFFE70] =	vst v46;
	v55 =	vld.idx.msk [tilespmem:v62+s3+$0x0], $0xffff  }
0x365: {  	v47 =	vld.idx.msk [tilespmem:v63+s3+$0x0], $0xffff;
	v57 =	vadd.s32 v20, v39;
	[tilespmem:s24+$0xFFFFFE50] =	vst v43  }
0x366: {  	v58 =	vadd.s32 v30, v32;
	[tilespmem:s24+$0x250] =	vst v40;
	v33 =	vld.idx.msk [tilespmem:v53+s3+$0x0], $0xffff  }
0x367: {  	v60 =	vadd.s32 v20, v36;
	v44 =	vld.idx.msk [tilespmem:v52+s3+$0x0], $0xffff;
	[tilespmem:s26+$0x250] =	vst v42  }
0x368: {  	v59 =	vadd.s32 v20, v34;
	[tilespmem:s26+$0xFFFFFE50] =	vst v41;
	v45 =	vld.idx.msk [tilespmem:v54+s3+$0x0], $0xffff  }
0x369: {  	[tilespmem:s20+$0xFFFFFFB0] =	vst v55;
	v61 =	vadd.s32 v20, v37;
	v46 =	vld.idx.msk [tilespmem:v56+s3+$0x0], $0xffff  }
0x36a: {  	v63 =	vadd.s32 v20, v38;
	[tilespmem:s21+$0x2B0] =	vst v47;
	v62 =	vld.idx.msk [tilespmem:v57+s3+$0x0], $0xffff  }
0x36b: {  	v40 =	vld.idx.msk [tilespmem:v58+s3+$0x0], $0xffff;
	v53 =	vadd.s32 v21, v39;
	[tilespmem:s24+$0xFFFFFE70] =	vst v33  }
0x36c: {  	v52 =	vadd.s32 v22, v35;
	[tilespmem:s24+$0x270] =	vst v44;
	v42 =	vld.idx.msk [tilespmem:v60+s3+$0x0], $0xffff  }
0x36d: {  	v55 =	vadd.s32 v21, v36;
	v43 =	vld.idx.msk [tilespmem:v59+s3+$0x0], $0xffff;
	[tilespmem:s26+$0x270] =	vst v45  }
0x36e: {  	v54 =	vadd.s32 v21, v34;
	[tilespmem:s26+$0xFFFFFE70] =	vst v46;
	v41 =	vld.idx.msk [tilespmem:v61+s3+$0x0], $0xffff  }
0x36f: {  	[tilespmem:s21+$0xFFFFFE90] =	vst v62;
	v56 =	vadd.s32 v21, v37;
	v47 =	vld.idx.msk [tilespmem:v63+s3+$0x0], $0xffff  }
0x370: {  	v58 =	vadd.s32 v21, v38;
	[tilespmem:s20+$0xFFFFFFD0] =	vst v40;
	v44 =	vld.idx.msk [tilespmem:v53+s3+$0x0], $0xffff  }
0x371: {  	v57 =	vld.idx.msk [tilespmem:v52+s3+$0x0], $0xffff;
	v60 =	vadd.s32 v22, v39;
	[tilespmem:s24+$0xFFFFFE90] =	vst v42  }
0x372: {  	v59 =	vadd.s32 v31, v32;
	[tilespmem:s24+$0x290] =	vst v43;
	v45 =	vld.idx.msk [tilespmem:v55+s3+$0x0], $0xffff  }
0x373: {  	v62 =	vadd.s32 v22, v36;
	v33 =	vld.idx.msk [tilespmem:v54+s3+$0x0], $0xffff;
	[tilespmem:s26+$0x290] =	vst v41  }
0x374: {  	v61 =	vadd.s32 v22, v34;
	[tilespmem:s26+$0xFFFFFE90] =	vst v47;
	v46 =	vld.idx.msk [tilespmem:v56+s3+$0x0], $0xffff  }
0x375: {  	[tilespmem:s21+$0xFFFFFEB0] =	vst v44;
	v63 =	vadd.s32 v22, v37;
	v40 =	vld.idx.msk [tilespmem:v58+s3+$0x0], $0xffff  }
0x376: {  	v52 =	vadd.s32 v22, v38;
	[tilespmem:s21+$0x2D0] =	vst v57;
	v43 =	vld.idx.msk [tilespmem:v60+s3+$0x0], $0xffff  }
0x377: {  	v32 =	vld.idx.msk [tilespmem:v59+s3+$0x0], $0xffff;
	v54 =	vadd.s32 v23, v39;
	[tilespmem:s24+$0xFFFFFEB0] =	vst v45  }
0x378: {  	v53 =	vadd.s32 v23, v35;
	[tilespmem:s24+$0x2B0] =	vst v33;
	v41 =	vld.idx.msk [tilespmem:v62+s3+$0x0], $0xffff  }
0x379: {  	v42 =	vld.idx.msk [tilespmem:v61+s3+$0x0], $0xffff;
	v56 =	vadd.s32 v23, v36;
	[tilespmem:s26+$0x2B0] =	vst v46  }
0x37a: {  	v55 =	vadd.s32 v23, v34;
	[tilespmem:s26+$0xFFFFFEB0] =	vst v40;
	v47 =	vld.idx.msk [tilespmem:v63+s3+$0x0], $0xffff  }
0x37b: {  	v57 =	vadd.s32 v23, v37;
	[tilespmem:s21+$0xFFFFFED0] =	vst v43;
	v40 =	vld.idx.msk [tilespmem:v52+s3+$0x0], $0xffff  }
0x37c: {  	v59 =	vadd.s32 v23, v38;
	[tilespmem:s20+$0xFFFFFFF0] =	vst v32;
	v33 =	vld.idx.msk [tilespmem:v54+s3+$0x0], $0xffff  }
0x37d: {  	v58 =	vld.idx.msk [tilespmem:v53+s3+$0x0], $0xffff;
	v61 =	vadd.s32 v24, v39;
	[tilespmem:s24+$0xFFFFFED0] =	vst v41  }
0x37e: {  	v60 =	vadd.s32 v24, v35;
	[tilespmem:s24+$0x2D0] =	vst v42;
	v46 =	vld.idx.msk [tilespmem:v56+s3+$0x0], $0xffff  }
0x37f: {  	v45 =	vld.idx.msk [tilespmem:v55+s3+$0x0], $0xffff;
	v63 =	vadd.s32 v24, v36;
	[tilespmem:s26+$0x2D0] =	vst v47  }
0x380: {  	v62 =	vadd.s32 v24, v34;
	[tilespmem:s26+$0xFFFFFED0] =	vst v40;
	v32 =	vld.idx.msk [tilespmem:v57+s3+$0x0], $0xffff  }
0x381: {  	[tilespmem:s21+$0xFFFFFEF0] =	vst v33;
	v52 =	vadd.s32 v24, v37;
	v43 =	vld.idx.msk [tilespmem:v59+s3+$0x0], $0xffff  }
0x382: {  	v53 =	vadd.s32 v24, v38;
	[tilespmem:s21+$0x2F0] =	vst v58;
	v42 =	vld.idx.msk [tilespmem:v61+s3+$0x0], $0xffff  }
0x383: {  	v44 =	vld.idx.msk [tilespmem:v60+s3+$0x0], $0xffff;
	v55 =	vadd.s32 v25, v39;
	[tilespmem:s24+$0xFFFFFEF0] =	vst v46  }
0x384: {  	v54 =	vadd.s32 v25, v35;
	[tilespmem:s24+$0x2F0] =	vst v45;
	v47 =	vld.idx.msk [tilespmem:v63+s3+$0x0], $0xffff  }
0x385: {  	v41 =	vld.idx.msk [tilespmem:v62+s3+$0x0], $0xffff;
	v57 =	vadd.s32 v25, v36;
	[tilespmem:s26+$0x2F0] =	vst v32  }
0x386: {  	v56 =	vadd.s32 v25, v34;
	[tilespmem:s26+$0xFFFFFEF0] =	vst v43;
	v40 =	vld.idx.msk [tilespmem:v52+s3+$0x0], $0xffff  }
0x387: {  	v58 =	vadd.s32 v25, v37;
	[tilespmem:s21+$0xFFFFFF10] =	vst v42;
	v33 =	vld.idx.msk [tilespmem:v53+s3+$0x0], $0xffff  }
0x388: {  	[tilespmem:s21+$0x310] =	vst v44;
	v45 =	vld.idx.msk [tilespmem:v55+s3+$0x0], $0xffff;
	v59 =	vadd.s32 v25, v38  }
0x389: {  	v61 =	vadd.s32 v26, v39;
	v44 =	vld.idx.msk [tilespmem:v54+s3+$0x0], $0xffff;
	[tilespmem:s24+$0xFFFFFF10] =	vst v47  }
0x38a: {  	v60 =	vadd.s32 v26, v35;
	[tilespmem:s24+$0x310] =	vst v41;
	v32 =	vld.idx.msk [tilespmem:v57+s3+$0x0], $0xffff  }
0x38b: {  	v63 =	vadd.s32 v26, v36;
	v46 =	vld.idx.msk [tilespmem:v56+s3+$0x0], $0xffff;
	[tilespmem:s26+$0x310] =	vst v40  }
0x38c: {  	v62 =	vadd.s32 v26, v34;
	[tilespmem:s26+$0xFFFFFF10] =	vst v33;
	v43 =	vld.idx.msk [tilespmem:v58+s3+$0x0], $0xffff  }
0x38d: {  	[tilespmem:s21+$0xFFFFFF30] =	vst v45;
	v52 =	vadd.s32 v26, v37;
	v42 =	vld.idx.msk [tilespmem:v59+s3+$0x0], $0xffff  }
0x38e: {  	[tilespmem:s21+$0x330] =	vst v44;
	v41 =	vld.idx.msk [tilespmem:v61+s3+$0x0], $0xffff;
	v53 =	vadd.s32 v26, v38  }
0x38f: {  	v55 =	vadd.s32 v27, v39;
	v44 =	vld.idx.msk [tilespmem:v60+s3+$0x0], $0xffff;
	[tilespmem:s24+$0xFFFFFF30] =	vst v32  }
0x390: {  	v54 =	vadd.s32 v27, v35;
	[tilespmem:s24+$0x330] =	vst v46;
	v40 =	vld.idx.msk [tilespmem:v63+s3+$0x0], $0xffff  }
0x391: {  	v57 =	vadd.s32 v27, v36;
	v47 =	vld.idx.msk [tilespmem:v62+s3+$0x0], $0xffff;
	[tilespmem:s26+$0x330] =	vst v43  }
0x392: {  	v56 =	vadd.s32 v27, v34;
	[tilespmem:s26+$0xFFFFFF30] =	vst v42;
	v33 =	vld.idx.msk [tilespmem:v52+s3+$0x0], $0xffff  }
0x393: {  	[tilespmem:s21+$0xFFFFFF50] =	vst v41;
	v58 =	vadd.s32 v27, v37;
	v59 =	vld.idx.msk [tilespmem:v53+s3+$0x0], $0xffff  }
0x394: {  	v61 =	vadd.s32 v27, v38;
	[tilespmem:s21+$0x350] =	vst v44;
	v46 =	vld.idx.msk [tilespmem:v55+s3+$0x0], $0xffff  }
0x395: {  	v63 =	vadd.s32 v28, v39;
	v60 =	vld.idx.msk [tilespmem:v54+s3+$0x0], $0xffff;
	[tilespmem:s24+$0xFFFFFF50] =	vst v40  }
0x396: {  	v62 =	vadd.s32 v28, v35;
	[tilespmem:s24+$0x350] =	vst v47;
	v43 =	vld.idx.msk [tilespmem:v57+s3+$0x0], $0xffff  }
0x397: {  	v32 =	vld.idx.msk [tilespmem:v56+s3+$0x0], $0xffff;
	v53 =	vadd.s32 v28, v36;
	[tilespmem:s26+$0x350] =	vst v33  }
0x398: {  	v52 =	vadd.s32 v28, v34;
	[tilespmem:s26+$0xFFFFFF50] =	vst v59;
	v42 =	vld.idx.msk [tilespmem:v58+s3+$0x0], $0xffff  }
0x399: {  	v54 =	vadd.s32 v28, v37;
	[tilespmem:s21+$0xFFFFFF70] =	vst v46;
	v41 =	vld.idx.msk [tilespmem:v61+s3+$0x0], $0xffff  }
0x39a: {  	v55 =	vadd.s32 v28, v38;
	[tilespmem:s21+$0x370] =	vst v60;
	v47 =	vld.idx.msk [tilespmem:v63+s3+$0x0], $0xffff  }
0x39b: {  	v57 =	vadd.s32 v29, v39;
	v45 =	vld.idx.msk [tilespmem:v62+s3+$0x0], $0xffff;
	[tilespmem:s24+$0xFFFFFF70] =	vst v43  }
0x39c: {  	v56 =	vadd.s32 v29, v35;
	[tilespmem:s24+$0x370] =	vst v32;
	v33 =	vld.idx.msk [tilespmem:v53+s3+$0x0], $0xffff  }
0x39d: {  	v59 =	vadd.s32 v29, v36;
	v40 =	vld.idx.msk [tilespmem:v52+s3+$0x0], $0xffff;
	[tilespmem:s26+$0x370] =	vst v42  }
0x39e: {  	v58 =	vadd.s32 v29, v34;
	[tilespmem:s26+$0xFFFFFF70] =	vst v41;
	v44 =	vld.idx.msk [tilespmem:v54+s3+$0x0], $0xffff  }
0x39f: {  	v60 =	vadd.s32 v29, v37;
	[tilespmem:s21+$0xFFFFFF90] =	vst v47;
	v61 =	vld.idx.msk [tilespmem:v55+s3+$0x0], $0xffff  }
0x3a0: {  	v63 =	vadd.s32 v29, v38;
	[tilespmem:s21+$0x390] =	vst v45;
	v32 =	vld.idx.msk [tilespmem:v57+s3+$0x0], $0xffff  }
0x3a1: {  	v53 =	vadd.s32 v30, v39;
	v62 =	vld.idx.msk [tilespmem:v56+s3+$0x0], $0xffff;
	[tilespmem:s24+$0xFFFFFF90] =	vst v33  }
0x3a2: {  	v52 =	vadd.s32 v30, v35;
	[tilespmem:s24+$0x390] =	vst v40;
	v42 =	vld.idx.msk [tilespmem:v59+s3+$0x0], $0xffff  }
0x3a3: {  	v43 =	vld.idx.msk [tilespmem:v58+s3+$0x0], $0xffff;
	v55 =	vadd.s32 v30, v36;
	[tilespmem:s26+$0x390] =	vst v44  }
0x3a4: {  	v54 =	vadd.s32 v30, v34;
	[tilespmem:s26+$0xFFFFFF90] =	vst v61;
	v41 =	vld.idx.msk [tilespmem:v60+s3+$0x0], $0xffff  }
0x3a5: {  	v56 =	vadd.s32 v30, v37;
	[tilespmem:s21+$0xFFFFFFB0] =	vst v32;
	v57 =	vld.idx.msk [tilespmem:v63+s3+$0x0], $0xffff  }
0x3a6: {  	[tilespmem:s21+$0x3B0] =	vst v62;
	v59 =	vadd.s32 v30, v38;
	v40 =	vld.idx.msk [tilespmem:v53+s3+$0x0], $0xffff  }
0x3a7: {  	v58 =	vld.idx.msk [tilespmem:v52+s3+$0x0], $0xffff;
	[tilespmem:s24+$0xFFFFFFB0] =	vst v42;
	v61 =	vadd.s32 v31, v39  }
0x3a8: {  	[tilespmem:s24+$0x3B0] =	vst v43;
	v42 =	vld.idx.msk [tilespmem:v55+s3+$0x0], $0xffff;
	v60 =	vadd.s32 v31, v35  }
0x3a9: {  	v36 =	vadd.s32 v31, v36;
	v33 =	vld.idx.msk [tilespmem:v54+s3+$0x0], $0xffff;
	[tilespmem:s26+$0x3B0] =	vst v41  }
0x3aa: {  	v34 =	vadd.s32 v31, v34;
	[tilespmem:s26+$0xFFFFFFB0] =	vst v57;
	v41 =	vld.idx.msk [tilespmem:v56+s3+$0x0], $0xffff  }
0x3ab: {  	v37 =	vadd.s32 v31, v37;
	[tilespmem:s21+$0xFFFFFFD0] =	vst v40;
	v32 =	vld.idx.msk [tilespmem:v59+s3+$0x0], $0xffff  }
0x3ac: {  	v38 =	vadd.s32 v31, v38;
	[tilespmem:s21+$0x3D0] =	vst v58;
	v39 =	vld.idx.msk [tilespmem:v61+s3+$0x0], $0xffff  }
0x3ad: {  	[tilespmem:s24+$0xFFFFFFD0] =	vst v42;
	v35 =	vld.idx.msk [tilespmem:v60+s3+$0x0], $0xffff  }
0x3ae: {  	[tilespmem:s24+$0x3D0] =	vst v33;
	v62 =	vld.idx.msk [tilespmem:v36+s3+$0x0], $0xffff  }
0x3af: {  	v33 =	vld.idx.msk [tilespmem:v34+s3+$0x0], $0xffff;
	[tilespmem:s26+$0x3D0] =	vst v41  }
0x3b0: {  	[tilespmem:s26+$0xFFFFFFD0] =	vst v32;
	v63 =	vld.idx.msk [tilespmem:v37+s3+$0x0], $0xffff  }
0x3b1: {  	[tilespmem:s21+$0xFFFFFFF0] =	vst v39;
	v32 =	vld.idx.msk [tilespmem:v38+s3+$0x0], $0xffff  }
0x3b2: {  	[tilespmem:s21+$0x3F0] =	vst v35  }
0x3b3: {  	s29 =	sshll.u32 s18, $0x6;
	s30 =	sshll.u32 s18, $0x3;
	[tilespmem:s24+$0xFFFFFFF0] =	vst v62  }
0x3b4: {  	s20 =	sand.u32 $0x180, s29;
	s21 =	sand.u32 $0x8, s30;
	[tilespmem:s24+$0x3F0] =	vst v33  }
0x3b5: {  	s20 =	sor.u32 s7, s20;
	s21 =	sadd.s32 s2, s21;
	[tilespmem:s26+$0x3F0] =	vst v63  }
0x3b6: {  	s22 =	simm.s32 $0x400;
	s31 =	simm.s32 $0x10400;
	s21 =	sadd.s32 s20, s21;
	[tilespmem:s26+$0xFFFFFFF0] =	vst v32  }
0x3b7: {  	[hbm4b:s21+s11] =	stream.strided.scatter [tilespmem:s31], [sflag:$0x3], $0x100, s12, s11, $0x38;
	[tilespmem:$0x1D400] =	vst v63  }
.LBB2_8:
0x3b8: {  	p1 =	sne.s32 s22, $0x19C00  }
.Ltmp3:
0x3b9: {  	_ = 	snop;
	(pc) =	sbr.rel @p1 .LBB2_8-.Ltmp3, $4  }
0x3ba: {  	_ = 	snop  }
0x3bb: {  	s23 =	sshra.s32 s22, $0x2;
	s22 =	sadd.s32 $0x400, s22  }
0x3bc: {  	s21 =	sadd.s32 $0x4000, s21;
	s23 =	sadd.s32 $0x10400, s23  }
0x3bd: {  	[hbm4b:s21+s11] =	stream.strided.scatter [tilespmem:s23], [sflag:$0x3], $0x100, s12, s11, $0x38;
	[tilespmem:$0x1D400] =	vst v63  }
0x3be: {  	p1 =	seq.s32 @!p0 s18, $0x7  }
0x3bf: {  	_ =	swait.ge [sflag:s13], $0x6800;
	p1 =	por p0, !p1  }
.Ltmp4:
0x3c0: {  	[sflag:s13] =	ssyncset.done $0x0;
	(pc) =	sbr.rel @!p1 .LBB2_13-.Ltmp4, $4  }
0x3c1: {  	s21 =	simm.s32 @!p0 $0x4;
	[sflag:s13] =	ssyncadd.s32 $0xFFFF9800  }
0x3c2: {  	_ =	swait.ge @!p0 [sflag:s21], $0x6800  }
0x3c3: {  	[sflag:s21] =	ssyncset.done @!p0 $0x0  }
0x3c4: {  	[sflag:s21] =	ssyncadd.s32 @!p0 $0xFFFF9800  }
0x3c5: {  	s21 =	smul.u32 $0x680, s18;
	_ =	sdelay $0x1  }
0x3c6: {  	s21 =	sadd.s32 s21, s8  }
0x3c7: {  	s21 =	sshll.u32 s21, $0x2  }
0x3c8: {  	s21 =	sand.u32 $0x1FFFFE00, s21  }
0x3c9: {  	s22 =	simm.s32 $0x0;
	s21 =	sadd.s32 s5, s21  }
0x3ca: {  	s23 =	simm.s32 $0x4;
	s24 =	simm.s32 $0x28;
	s25 =	sadd.s32 $0x0, s21  }
.LBB2_11:
0x3cb: {  	[tilespmem:s22], [sflag:$0x1] =	stream.linear.gather [hbm4b:s25+s3], $0x20, $0x38;
	[tilespmem:$0x1D400] =	vst v63  }
0x3cc: {  	s25 =	smov.u32 s23;
	s22 =	smov.u32 s24;
	p0 =	sne.s32 s23, $0xCFC  }
.Ltmp5:
0x3cd: {  	s23 =	sadd.s32 $0x4, s23;
	(pc) =	sbr.rel @p0 .LBB2_11-.Ltmp5, $2  }
0x3ce: {  	_ =	sdelay $0x2  }
0x3cf: {  	s24 =	sadd.s32 $0x28, s24;
	s25 =	sadd.s32 s25, s21  }
0x3d0: {  	[tilespmem:s22], [sflag:$0x1] =	stream.linear.gather [hbm4b:s25+s3], $0x20, $0x38;
	[tilespmem:$0x1D400] =	vst v63  }
.LBB2_13:
0x3d1: {  	s21 =	simm.s32 $0x1  }
0x3d2: {  	v32 =	vmov s21  }
0x3d3: {  	v32 =	vmul.u32 $0x28, v32;
	_ =	sdelay $0x1  }
0x3d4: {  	v35 =	vbroadcast v32, $0x0  }
0x3d5: {  	s26 =	simm.s32 $0x0  }
0x3d6: {  	v33 =	vmov s26;
	v32 =	vadd.s32 v0, v35  }
0x3d7: {  	v33 =	vmul.u32 $0x28, v33;
	_ =	sdelay $0x1  }
0x3d8: {  	v34 =	vbroadcast v33, $0x0;
	_ =	sdelay $0x1  }
0x3d9: {  	v33 =	vadd.s32 v0, v34;
	v32 =	vld.idx.msk [tilespmem:v32+s14+$0x0], $0xffff  }
0x3da: {  	v36 =	vadd.s32 v1, v35;
	_ =	sdelay $0x2  }
0x3db: {  	s23 =	simm.s32 $0x17000  }
0x3dc: {  	v33 =	vld.idx.msk [tilespmem:v33+s14+$0x0], $0xffff;
	[tilespmem:s23+$0x0] =	vst v32  }
0x3dd: {  	v37 =	vadd.s32 v1, v34;
	v32 =	vld.idx.msk [tilespmem:v36+s14+$0x0], $0xffff  }
0x3de: {  	v44 =	vadd.s32 v2, v35;
	_ =	sdelay $0x2  }
0x3df: {  	[tilespmem:s23+$0xFFFFFC00] =	vst v33  }
0x3e0: {  	v33 =	vld.idx.msk [tilespmem:v37+s14+$0x0], $0xffff;
	[tilespmem:s23+$0x20] =	vst v32  }
0x3e1: {  	v46 =	vadd.s32 v2, v34;
	v32 =	vld.idx.msk [tilespmem:v44+s14+$0x0], $0xffff  }
0x3e2: {  	v45 =	vadd.s32 v3, v35;
	_ =	sdelay $0x2  }
0x3e3: {  	[tilespmem:s23+$0xFFFFFC20] =	vst v33  }
0x3e4: {  	v33 =	vld.idx.msk [tilespmem:v46+s14+$0x0], $0xffff;
	[tilespmem:s23+$0x40] =	vst v32  }
0x3e5: {  	v48 =	vadd.s32 v3, v34;
	v32 =	vld.idx.msk [tilespmem:v45+s14+$0x0], $0xffff  }
0x3e6: {  	v47 =	vadd.s32 v4, v35;
	_ =	sdelay $0x2  }
0x3e7: {  	[tilespmem:s23+$0xFFFFFC40] =	vst v33  }
0x3e8: {  	v33 =	vld.idx.msk [tilespmem:v48+s14+$0x0], $0xffff;
	[tilespmem:s23+$0x60] =	vst v32  }
0x3e9: {  	v50 =	vadd.s32 v4, v34;
	v32 =	vld.idx.msk [tilespmem:v47+s14+$0x0], $0xffff  }
0x3ea: {  	v49 =	vadd.s32 v5, v35;
	_ =	sdelay $0x2  }
0x3eb: {  	[tilespmem:s23+$0xFFFFFC60] =	vst v33  }
0x3ec: {  	v33 =	vld.idx.msk [tilespmem:v50+s14+$0x0], $0xffff;
	[tilespmem:s23+$0x80] =	vst v32  }
0x3ed: {  	v52 =	vadd.s32 v5, v34;
	v32 =	vld.idx.msk [tilespmem:v49+s14+$0x0], $0xffff  }
0x3ee: {  	v51 =	vadd.s32 v6, v35;
	_ =	sdelay $0x2  }
0x3ef: {  	[tilespmem:s23+$0xFFFFFC80] =	vst v33  }
0x3f0: {  	v33 =	vld.idx.msk [tilespmem:v52+s14+$0x0], $0xffff;
	[tilespmem:s23+$0xA0] =	vst v32  }
0x3f1: {  	v54 =	vadd.s32 v6, v34;
	v32 =	vld.idx.msk [tilespmem:v51+s14+$0x0], $0xffff  }
0x3f2: {  	v53 =	vadd.s32 v7, v35;
	_ =	sdelay $0x2  }
0x3f3: {  	[tilespmem:s23+$0xFFFFFCA0] =	vst v33  }
0x3f4: {  	v33 =	vld.idx.msk [tilespmem:v54+s14+$0x0], $0xffff;
	[tilespmem:s23+$0xC0] =	vst v32  }
0x3f5: {  	v56 =	vadd.s32 v7, v34;
	v32 =	vld.idx.msk [tilespmem:v53+s14+$0x0], $0xffff  }
0x3f6: {  	v55 =	vadd.s32 v8, v35;
	_ =	sdelay $0x2  }
0x3f7: {  	[tilespmem:s23+$0xFFFFFCC0] =	vst v33  }
0x3f8: {  	v33 =	vld.idx.msk [tilespmem:v56+s14+$0x0], $0xffff;
	[tilespmem:s23+$0xE0] =	vst v32  }
0x3f9: {  	v58 =	vadd.s32 v8, v34;
	v32 =	vld.idx.msk [tilespmem:v55+s14+$0x0], $0xffff  }
0x3fa: {  	v57 =	vadd.s32 v9, v35;
	_ =	sdelay $0x2  }
0x3fb: {  	[tilespmem:s23+$0xFFFFFCE0] =	vst v33  }
0x3fc: {  	v33 =	vld.idx.msk [tilespmem:v58+s14+$0x0], $0xffff;
	[tilespmem:s23+$0x100] =	vst v32  }
0x3fd: {  	v60 =	vadd.s32 v9, v34;
	v32 =	vld.idx.msk [tilespmem:v57+s14+$0x0], $0xffff  }
0x3fe: {  	v59 =	vadd.s32 v10, v35;
	_ =	sdelay $0x2  }
0x3ff: {  	[tilespmem:s23+$0xFFFFFD00] =	vst v33  }
0x400: {  	v33 =	vld.idx.msk [tilespmem:v60+s14+$0x0], $0xffff;
	[tilespmem:s23+$0x120] =	vst v32  }
0x401: {  	v62 =	vadd.s32 v10, v34;
	v32 =	vld.idx.msk [tilespmem:v59+s14+$0x0], $0xffff  }
0x402: {  	v61 =	vadd.s32 v11, v35;
	_ =	sdelay $0x2  }
0x403: {  	[tilespmem:s23+$0xFFFFFD20] =	vst v33  }
0x404: {  	v33 =	vld.idx.msk [tilespmem:v62+s14+$0x0], $0xffff;
	[tilespmem:s23+$0x140] =	vst v32  }
0x405: {  	v40 =	vadd.s32 v11, v34;
	v32 =	vld.idx.msk [tilespmem:v61+s14+$0x0], $0xffff  }
0x406: {  	v63 =	vadd.s32 v12, v35;
	_ =	sdelay $0x2  }
0x407: {  	[tilespmem:s23+$0xFFFFFD40] =	vst v33  }
0x408: {  	v33 =	vld.idx.msk [tilespmem:v40+s14+$0x0], $0xffff;
	[tilespmem:s23+$0x160] =	vst v32  }
0x409: {  	v42 =	vadd.s32 v12, v34;
	v32 =	vld.idx.msk [tilespmem:v63+s14+$0x0], $0xffff  }
0x40a: {  	v41 =	vadd.s32 v13, v35;
	_ =	sdelay $0x2  }
0x40b: {  	[tilespmem:s23+$0xFFFFFD60] =	vst v33  }
0x40c: {  	v33 =	vld.idx.msk [tilespmem:v42+s14+$0x0], $0xffff;
	[tilespmem:s23+$0x180] =	vst v32  }
0x40d: {  	v44 =	vadd.s32 v13, v34;
	v32 =	vld.idx.msk [tilespmem:v41+s14+$0x0], $0xffff  }
0x40e: {  	v43 =	vadd.s32 v14, v35;
	_ =	sdelay $0x2  }
0x40f: {  	[tilespmem:s23+$0xFFFFFD80] =	vst v33  }
0x410: {  	v33 =	vld.idx.msk [tilespmem:v44+s14+$0x0], $0xffff;
	[tilespmem:s23+$0x1A0] =	vst v32  }
0x411: {  	v46 =	vadd.s32 v14, v34;
	v32 =	vld.idx.msk [tilespmem:v43+s14+$0x0], $0xffff  }
0x412: {  	v45 =	vadd.s32 v15, v35;
	_ =	sdelay $0x2  }
0x413: {  	[tilespmem:s23+$0xFFFFFDA0] =	vst v33  }
0x414: {  	v33 =	vld.idx.msk [tilespmem:v46+s14+$0x0], $0xffff;
	[tilespmem:s23+$0x1C0] =	vst v32  }
0x415: {  	v48 =	vadd.s32 v15, v34;
	v32 =	vld.idx.msk [tilespmem:v45+s14+$0x0], $0xffff  }
0x416: {  	v47 =	vadd.s32 v16, v35;
	_ =	sdelay $0x2  }
0x417: {  	[tilespmem:s23+$0xFFFFFDC0] =	vst v33  }
0x418: {  	s31 =	simm.s32 $0x3;
	v37 =	vld.idx.msk [tilespmem:v48+s14+$0x0], $0xffff;
	[tilespmem:s23+$0x1E0] =	vst v32  }
0x419: {  	v38 =	vadd.s32 v16, v34;
	v50 =	vmov s31;
	v32 =	vld.idx.msk [tilespmem:v47+s14+$0x0], $0xffff  }
0x41a: {  	v49 =	vadd.s32 v17, v35;
	v51 =	vmul.u32 $0x28, v50;
	_ =	sdelay $0x1  }
0x41b: {  	s22 =	simm.s32 $0x2;
	v33 =	vbroadcast v51, $0x0  }
0x41c: {  	v39 =	vmov s22;
	[tilespmem:s23+$0xFFFFFDE0] =	vst v37  }
0x41d: {  	v52 =	vmul.u32 $0x28, v39;
	v53 =	vadd.s32 v0, v33;
	v37 =	vld.idx.msk [tilespmem:v38+s14+$0x0], $0xffff;
	[tilespmem:s23+$0x200] =	vst v32  }
0x41e: {  	v54 =	vadd.s32 v17, v34;
	v36 =	vld.idx.msk [tilespmem:v49+s14+$0x0], $0xffff  }
0x41f: {  	v40 =	vadd.s32 v18, v35;
	v32 =	vbroadcast v52, $0x0;
	_ =	sdelay $0x1  }
0x420: {  	v55 =	vadd.s32 v0, v32  }
0x421: {  	v56 =	vld.idx.msk [tilespmem:v53+s14+$0x0], $0xffff;
	[tilespmem:s23+$0xFFFFFE00] =	vst v37  }
0x422: {  	v58 =	vadd.s32 v1, v33;
	v57 =	vld.idx.msk [tilespmem:v54+s14+$0x0], $0xffff;
	[tilespmem:s23+$0x220] =	vst v36  }
0x423: {  	v42 =	vadd.s32 v18, v34;
	v40 =	vld.idx.msk [tilespmem:v40+s14+$0x0], $0xffff  }
0x424: {  	v41 =	vadd.s32 v19, v35  }
0x425: {  	s21 =	simm.s32 $0x17800;
	v36 =	vld.idx.msk [tilespmem:v55+s14+$0x0], $0xffff  }
0x426: {  	[tilespmem:s21+$0x0] =	vst v56;
	v59 =	vadd.s32 v1, v32  }
0x427: {  	v61 =	vld.idx.msk [tilespmem:v58+s14+$0x0], $0xffff;
	[tilespmem:s23+$0xFFFFFE20] =	vst v57  }
0x428: {  	v63 =	vadd.s32 v2, v33;
	v62 =	vld.idx.msk [tilespmem:v42+s14+$0x0], $0xffff;
	[tilespmem:s23+$0x240] =	vst v40  }
0x429: {  	v43 =	vadd.s32 v19, v34;
	v41 =	vld.idx.msk [tilespmem:v41+s14+$0x0], $0xffff  }
0x42a: {  	v60 =	vadd.s32 v20, v35;
	[tilespmem:s21+$0xFFFFFC00] =	vst v36  }
0x42b: {  	v36 =	vld.idx.msk [tilespmem:v59+s14+$0x0], $0xffff  }
0x42c: {  	v45 =	vadd.s32 v2, v32;
	[tilespmem:s21+$0x20] =	vst v61  }
0x42d: {  	v47 =	vld.idx.msk [tilespmem:v63+s14+$0x0], $0xffff;
	[tilespmem:s23+$0xFFFFFE40] =	vst v62  }
0x42e: {  	v49 =	vadd.s32 v3, v33;
	v48 =	vld.idx.msk [tilespmem:v43+s14+$0x0], $0xffff;
	[tilespmem:s23+$0x260] =	vst v41  }
0x42f: {  	v50 =	vadd.s32 v20, v34;
	v37 =	vld.idx.msk [tilespmem:v60+s14+$0x0], $0xffff  }
0x430: {  	v46 =	vadd.s32 v21, v35;
	[tilespmem:s21+$0xFFFFFC20] =	vst v36  }
0x431: {  	v36 =	vld.idx.msk [tilespmem:v45+s14+$0x0], $0xffff  }
0x432: {  	v51 =	vadd.s32 v3, v32;
	[tilespmem:s21+$0x40] =	vst v47  }
0x433: {  	v53 =	vld.idx.msk [tilespmem:v49+s14+$0x0], $0xffff;
	[tilespmem:s23+$0xFFFFFE60] =	vst v48  }
0x434: {  	v54 =	vadd.s32 v4, v33;
	v41 =	vld.idx.msk [tilespmem:v50+s14+$0x0], $0xffff;
	[tilespmem:s23+$0x280] =	vst v37  }
0x435: {  	v55 =	vadd.s32 v21, v34;
	v38 =	vld.idx.msk [tilespmem:v46+s14+$0x0], $0xffff  }
0x436: {  	v52 =	vadd.s32 v22, v35;
	[tilespmem:s21+$0xFFFFFC40] =	vst v36  }
0x437: {  	v36 =	vld.idx.msk [tilespmem:v51+s14+$0x0], $0xffff  }
0x438: {  	v56 =	vadd.s32 v4, v32;
	[tilespmem:s21+$0x60] =	vst v53  }
0x439: {  	v40 =	vld.idx.msk [tilespmem:v54+s14+$0x0], $0xffff;
	[tilespmem:s23+$0xFFFFFE80] =	vst v41  }
0x43a: {  	v58 =	vadd.s32 v5, v33;
	v41 =	vld.idx.msk [tilespmem:v55+s14+$0x0], $0xffff;
	[tilespmem:s23+$0x2A0] =	vst v38  }
0x43b: {  	v59 =	vadd.s32 v22, v34;
	v38 =	vld.idx.msk [tilespmem:v52+s14+$0x0], $0xffff  }
0x43c: {  	v57 =	vadd.s32 v23, v35;
	[tilespmem:s21+$0xFFFFFC60] =	vst v36  }
0x43d: {  	v36 =	vld.idx.msk [tilespmem:v56+s14+$0x0], $0xffff  }
0x43e: {  	v60 =	vadd.s32 v5, v32;
	[tilespmem:s21+$0x80] =	vst v40  }
0x43f: {  	v40 =	vld.idx.msk [tilespmem:v58+s14+$0x0], $0xffff;
	[tilespmem:s23+$0xFFFFFEA0] =	vst v41  }
0x440: {  	v62 =	vadd.s32 v6, v33;
	v41 =	vld.idx.msk [tilespmem:v59+s14+$0x0], $0xffff;
	[tilespmem:s23+$0x2C0] =	vst v38  }
0x441: {  	v63 =	vadd.s32 v23, v34;
	v38 =	vld.idx.msk [tilespmem:v57+s14+$0x0], $0xffff  }
0x442: {  	v61 =	vadd.s32 v24, v35;
	[tilespmem:s21+$0xFFFFFC80] =	vst v36  }
0x443: {  	v36 =	vld.idx.msk [tilespmem:v60+s14+$0x0], $0xffff  }
0x444: {  	v45 =	vadd.s32 v6, v32;
	[tilespmem:s21+$0xA0] =	vst v40  }
0x445: {  	v40 =	vld.idx.msk [tilespmem:v62+s14+$0x0], $0xffff;
	[tilespmem:s23+$0xFFFFFEC0] =	vst v41  }
0x446: {  	v47 =	vadd.s32 v7, v33;
	v41 =	vld.idx.msk [tilespmem:v63+s14+$0x0], $0xffff;
	[tilespmem:s23+$0x2E0] =	vst v38  }
0x447: {  	v48 =	vadd.s32 v24, v34;
	v38 =	vld.idx.msk [tilespmem:v61+s14+$0x0], $0xffff  }
0x448: {  	v46 =	vadd.s32 v25, v35;
	[tilespmem:s21+$0xFFFFFCA0] =	vst v36  }
0x449: {  	v36 =	vld.idx.msk [tilespmem:v45+s14+$0x0], $0xffff  }
0x44a: {  	v49 =	vadd.s32 v7, v32;
	[tilespmem:s21+$0xC0] =	vst v40  }
0x44b: {  	v40 =	vld.idx.msk [tilespmem:v47+s14+$0x0], $0xffff;
	[tilespmem:s23+$0xFFFFFEE0] =	vst v41  }
0x44c: {  	v51 =	vadd.s32 v8, v33;
	v41 =	vld.idx.msk [tilespmem:v48+s14+$0x0], $0xffff;
	[tilespmem:s23+$0x300] =	vst v38  }
0x44d: {  	v52 =	vadd.s32 v25, v34;
	v38 =	vld.idx.msk [tilespmem:v46+s14+$0x0], $0xffff  }
0x44e: {  	v50 =	vadd.s32 v26, v35;
	[tilespmem:s21+$0xFFFFFCC0] =	vst v36  }
0x44f: {  	v36 =	vld.idx.msk [tilespmem:v49+s14+$0x0], $0xffff  }
0x450: {  	v53 =	vadd.s32 v8, v32;
	[tilespmem:s21+$0xE0] =	vst v40  }
0x451: {  	v40 =	vld.idx.msk [tilespmem:v51+s14+$0x0], $0xffff;
	[tilespmem:s23+$0xFFFFFF00] =	vst v41  }
0x452: {  	v55 =	vadd.s32 v9, v33;
	v41 =	vld.idx.msk [tilespmem:v52+s14+$0x0], $0xffff;
	[tilespmem:s23+$0x320] =	vst v38  }
0x453: {  	v56 =	vadd.s32 v26, v34;
	v38 =	vld.idx.msk [tilespmem:v50+s14+$0x0], $0xffff  }
0x454: {  	v54 =	vadd.s32 v27, v35;
	[tilespmem:s21+$0xFFFFFCE0] =	vst v36  }
0x455: {  	v36 =	vld.idx.msk [tilespmem:v53+s14+$0x0], $0xffff  }
0x456: {  	v57 =	vadd.s32 v9, v32;
	[tilespmem:s21+$0x100] =	vst v40  }
0x457: {  	v40 =	vld.idx.msk [tilespmem:v55+s14+$0x0], $0xffff;
	[tilespmem:s23+$0xFFFFFF20] =	vst v41  }
0x458: {  	v59 =	vadd.s32 v10, v33;
	v41 =	vld.idx.msk [tilespmem:v56+s14+$0x0], $0xffff;
	[tilespmem:s23+$0x340] =	vst v38  }
0x459: {  	v60 =	vadd.s32 v27, v34;
	v38 =	vld.idx.msk [tilespmem:v54+s14+$0x0], $0xffff  }
0x45a: {  	v58 =	vadd.s32 v28, v35;
	[tilespmem:s21+$0xFFFFFD00] =	vst v36  }
0x45b: {  	v36 =	vld.idx.msk [tilespmem:v57+s14+$0x0], $0xffff  }
0x45c: {  	v61 =	vadd.s32 v10, v32;
	[tilespmem:s21+$0x120] =	vst v40  }
0x45d: {  	v63 =	vld.idx.msk [tilespmem:v59+s14+$0x0], $0xffff;
	[tilespmem:s23+$0xFFFFFF40] =	vst v41  }
0x45e: {  	v50 =	vadd.s32 v11, v33;
	v49 =	vld.idx.msk [tilespmem:v60+s14+$0x0], $0xffff;
	[tilespmem:s23+$0x360] =	vst v38  }
0x45f: {  	v44 =	vadd.s32 v28, v34;
	v38 =	vld.idx.msk [tilespmem:v58+s14+$0x0], $0xffff  }
0x460: {  	v62 =	vadd.s32 v29, v35;
	[tilespmem:s21+$0xFFFFFD20] =	vst v36  }
0x461: {  	s22 =	simm.s32 $0x4;
	v36 =	vld.idx.msk [tilespmem:v61+s14+$0x0], $0xffff  }
0x462: {  	v48 =	vmov s22;
	v51 =	vadd.s32 v11, v32;
	[tilespmem:s21+$0x140] =	vst v63  }
0x463: {  	v39 =	vmul.u32 $0x28, v48;
	v54 =	vld.idx.msk [tilespmem:v50+s14+$0x0], $0xffff;
	[tilespmem:s23+$0xFFFFFF60] =	vst v49  }
0x464: {  	v56 =	vadd.s32 v12, v33;
	v55 =	vld.idx.msk [tilespmem:v44+s14+$0x0], $0xffff;
	[tilespmem:s23+$0x380] =	vst v38  }
0x465: {  	v45 =	vadd.s32 v29, v34;
	v39 =	vbroadcast v39, $0x0;
	v38 =	vld.idx.msk [tilespmem:v62+s14+$0x0], $0xffff  }
0x466: {  	v52 =	vadd.s32 v30, v35;
	[tilespmem:s21+$0xFFFFFD40] =	vst v36  }
0x467: {  	v53 =	vadd.s32 v0, v39;
	v36 =	vld.idx.msk [tilespmem:v51+s14+$0x0], $0xffff  }
0x468: {  	[tilespmem:s21+$0x160] =	vst v54;
	v58 =	vadd.s32 v12, v32  }
0x469: {  	v42 =	vld.idx.msk [tilespmem:v56+s14+$0x0], $0xffff;
	[tilespmem:s23+$0xFFFFFF80] =	vst v55  }
0x46a: {  	v60 =	vadd.s32 v13, v33;
	v43 =	vld.idx.msk [tilespmem:v45+s14+$0x0], $0xffff;
	[tilespmem:s23+$0x3A0] =	vst v38  }
0x46b: {  	v61 =	vadd.s32 v30, v34;
	v57 =	vld.idx.msk [tilespmem:v52+s14+$0x0], $0xffff  }
0x46c: {  	s24 =	simm.s32 $0x1A1;
	v35 =	vadd.s32 v31, v35;
	v40 =	vld.idx.msk [tilespmem:v53+s14+$0x0], $0xffff;
	[tilespmem:s21+$0xFFFFFD60] =	vst v36  }
0x46d: {  	v59 =	vmov s24;
	v36 =	vld.idx.msk [tilespmem:v58+s14+$0x0], $0xffff  }
0x46e: {  	v63 =	vadd.s32 v13, v32;
	v38 =	vmul.u32 $0x28, v59;
	[tilespmem:s21+$0x180] =	vst v42  }
0x46f: {  	[tilespmem:s23+$0xFFFFFFA0] =	vst v43;
	v42 =	vld.idx.msk [tilespmem:v60+s14+$0x0], $0xffff  }
0x470: {  	v48 =	vadd.s32 v14, v33;
	v38 =	vbroadcast v38, $0x0;
	v43 =	vld.idx.msk [tilespmem:v61+s14+$0x0], $0xffff;
	[tilespmem:s23+$0x3C0] =	vst v57  }
0x471: {  	s25 =	simm.s32 $0x1A0;
	v34 =	vadd.s32 v31, v34;
	v35 =	vld.idx.msk [tilespmem:v35+s14+$0x0], $0xffff  }
0x472: {  	v49 =	vmov s25;
	v62 =	vadd.s32 v0, v38;
	[tilespmem:s21+$0xFFFFFD80] =	vst v36  }
0x473: {  	v50 =	vmul.u32 $0x28, v49;
	v41 =	vld.idx.msk [tilespmem:v63+s14+$0x0], $0xffff  }
0x474: {  	v52 =	vadd.s32 v14, v32;
	[tilespmem:s21+$0x1A0] =	vst v42  }
0x475: {  	[tilespmem:s23+$0xFFFFFFC0] =	vst v43;
	v36 =	vbroadcast v50, $0x0;
	v53 =	vld.idx.msk [tilespmem:v48+s14+$0x0], $0xffff  }
0x476: {  	v54 =	vadd.s32 v15, v33;
	v34 =	vld.idx.msk [tilespmem:v34+s14+$0x0], $0xffff;
	[tilespmem:s23+$0x3E0] =	vst v35  }
0x477: {  	v55 =	vadd.s32 v0, v36;
	v37 =	vld.idx.msk [tilespmem:v62+s14+$0x0], $0xffff  }
0x478: {  	v51 =	vadd.s32 v1, v38;
	[tilespmem:s21+$0xFFFFFDA0] =	vst v41  }
0x479: {  	v41 =	vld.idx.msk [tilespmem:v52+s14+$0x0], $0xffff  }
0x47a: {  	v57 =	vadd.s32 v15, v32;
	[tilespmem:s21+$0x1C0] =	vst v53  }
0x47b: {  	[tilespmem:s23+$0xFFFFFFE0] =	vst v34;
	v58 =	vld.idx.msk [tilespmem:v54+s14+$0x0], $0xffff  }
0x47c: {  	v60 =	vadd.s32 v16, v33;
	v59 =	vld.idx.msk [tilespmem:v55+s14+$0x0], $0xffff;
	[tilespmem:s23+$0x10] =	vst v37  }
0x47d: {  	v61 =	vadd.s32 v1, v36;
	v37 =	vld.idx.msk [tilespmem:v51+s14+$0x0], $0xffff  }
0x47e: {  	v56 =	vadd.s32 v2, v38;
	[tilespmem:s21+$0xFFFFFDC0] =	vst v41  }
0x47f: {  	v34 =	vld.idx.msk [tilespmem:v57+s14+$0x0], $0xffff  }
0x480: {  	v63 =	vadd.s32 v16, v32;
	[tilespmem:s21+$0x1E0] =	vst v58  }
0x481: {  	[tilespmem:s23+$0xFFFFFC10] =	vst v59;
	v42 =	vld.idx.msk [tilespmem:v60+s14+$0x0], $0xffff  }
0x482: {  	v48 =	vadd.s32 v17, v33;
	v43 =	vld.idx.msk [tilespmem:v61+s14+$0x0], $0xffff;
	[tilespmem:s23+$0x30] =	vst v37  }
0x483: {  	v49 =	vadd.s32 v2, v36;
	v35 =	vld.idx.msk [tilespmem:v56+s14+$0x0], $0xffff  }
0x484: {  	v62 =	vadd.s32 v3, v38;
	[tilespmem:s21+$0xFFFFFDE0] =	vst v34  }
0x485: {  	v52 =	vld.idx.msk [tilespmem:v63+s14+$0x0], $0xffff  }
0x486: {  	v54 =	vadd.s32 v17, v32;
	[tilespmem:s21+$0x200] =	vst v42  }
0x487: {  	s26 =	simm.s32 $0x5;
	[tilespmem:s23+$0xFFFFFC30] =	vst v43;
	v55 =	vld.idx.msk [tilespmem:v48+s14+$0x0], $0xffff  }
0x488: {  	v51 =	vmov s26;
	v57 =	vadd.s32 v18, v33;
	v56 =	vld.idx.msk [tilespmem:v49+s14+$0x0], $0xffff;
	[tilespmem:s23+$0x50] =	vst v35  }
0x489: {  	v46 =	vadd.s32 v3, v36;
	v35 =	vmul.u32 $0x28, v51;
	v50 =	vld.idx.msk [tilespmem:v62+s14+$0x0], $0xffff  }
0x48a: {  	v53 =	vadd.s32 v4, v38;
	[tilespmem:s21+$0xFFFFFE00] =	vst v52  }
0x48b: {  	v35 =	vbroadcast v35, $0x0;
	v37 =	vld.idx.msk [tilespmem:v54+s14+$0x0], $0xffff  }
0x48c: {  	v59 =	vadd.s32 v18, v32;
	[tilespmem:s21+$0x220] =	vst v55  }
0x48d: {  	[tilespmem:s23+$0xFFFFFC50] =	vst v56;
	v43 =	vld.idx.msk [tilespmem:v57+s14+$0x0], $0xffff;
	v47 =	vadd.s32 v0, v35  }
0x48e: {  	v60 =	vadd.s32 v19, v33;
	v44 =	vld.idx.msk [tilespmem:v46+s14+$0x0], $0xffff;
	[tilespmem:s23+$0x70] =	vst v50  }
0x48f: {  	v61 =	vadd.s32 v4, v36;
	v34 =	vld.idx.msk [tilespmem:v53+s14+$0x0], $0xffff  }
0x490: {  	v58 =	vadd.s32 v5, v38;
	[tilespmem:s21+$0xFFFFFE20] =	vst v37  }
0x491: {  	v62 =	vadd.s32 v1, v39;
	v63 =	vld.idx.msk [tilespmem:v59+s14+$0x0], $0xffff  }
0x492: {  	[tilespmem:s21+$0x240] =	vst v43;
	v53 =	vadd.s32 v19, v32;
	v47 =	vld.idx.msk [tilespmem:v47+s14+$0x0], $0xffff  }
0x493: {  	v48 =	vadd.s32 v1, v35;
	[tilespmem:s23+$0xFFFFFC70] =	vst v44;
	v43 =	vld.idx.msk [tilespmem:v60+s14+$0x0], $0xffff  }
0x494: {  	s22 =	simm.s32 $0x18000;
	v55 =	vadd.s32 v20, v33;
	v54 =	vld.idx.msk [tilespmem:v61+s14+$0x0], $0xffff;
	[tilespmem:s23+$0x90] =	vst v34  }
0x495: {  	[tilespmem:s22+$0xFFFFFC00] =	vst v40;
	v56 =	vadd.s32 v5, v36;
	v34 =	vld.idx.msk [tilespmem:v58+s14+$0x0], $0xffff  }
0x496: {  	v52 =	vadd.s32 v6, v38;
	v37 =	vld.idx.msk [tilespmem:v62+s14+$0x0], $0xffff;
	[tilespmem:s21+$0xFFFFFE40] =	vst v63  }
0x497: {  	v58 =	vadd.s32 v2, v39;
	[tilespmem:s22+$0x0] =	vst v47;
	v59 =	vld.idx.msk [tilespmem:v53+s14+$0x0], $0xffff  }
0x498: {  	v62 =	vadd.s32 v20, v32;
	[tilespmem:s21+$0x260] =	vst v43;
	v47 =	vld.idx.msk [tilespmem:v48+s14+$0x0], $0xffff  }
0x499: {  	v57 =	vadd.s32 v2, v35;
	[tilespmem:s23+$0xFFFFFC90] =	vst v54;
	v61 =	vld.idx.msk [tilespmem:v55+s14+$0x0], $0xffff  }
0x49a: {  	v63 =	vadd.s32 v21, v33;
	v40 =	vld.idx.msk [tilespmem:v56+s14+$0x0], $0xffff;
	[tilespmem:s23+$0xB0] =	vst v34  }
0x49b: {  	[tilespmem:s22+$0xFFFFFC20] =	vst v37;
	v34 =	vld.idx.msk [tilespmem:v52+s14+$0x0], $0xffff;
	v52 =	vadd.s32 v6, v36  }
0x49c: {  	v60 =	vadd.s32 v7, v38;
	v41 =	vld.idx.msk [tilespmem:v58+s14+$0x0], $0xffff;
	[tilespmem:s21+$0xFFFFFE60] =	vst v59  }
0x49d: {  	v54 =	vadd.s32 v3, v39;
	[tilespmem:s22+$0x20] =	vst v47;
	v55 =	vld.idx.msk [tilespmem:v62+s14+$0x0], $0xffff  }
0x49e: {  	v58 =	vadd.s32 v21, v32;
	[tilespmem:s21+$0x280] =	vst v61;
	v47 =	vld.idx.msk [tilespmem:v57+s14+$0x0], $0xffff  }
0x49f: {  	v53 =	vadd.s32 v3, v35;
	[tilespmem:s23+$0xFFFFFCB0] =	vst v40;
	v57 =	vld.idx.msk [tilespmem:v63+s14+$0x0], $0xffff  }
0x4a0: {  	v59 =	vadd.s32 v22, v33;
	[tilespmem:s23+$0xD0] =	vst v34;
	v37 =	vld.idx.msk [tilespmem:v52+s14+$0x0], $0xffff  }
0x4a1: {  	[tilespmem:s22+$0xFFFFFC40] =	vst v41;
	v34 =	vld.idx.msk [tilespmem:v60+s14+$0x0], $0xffff;
	v60 =	vadd.s32 v7, v36  }
0x4a2: {  	v56 =	vadd.s32 v8, v38;
	v42 =	vld.idx.msk [tilespmem:v54+s14+$0x0], $0xffff;
	[tilespmem:s21+$0xFFFFFE80] =	vst v55  }
0x4a3: {  	v62 =	vadd.s32 v4, v39;
	[tilespmem:s22+$0x40] =	vst v47;
	v40 =	vld.idx.msk [tilespmem:v58+s14+$0x0], $0xffff  }
0x4a4: {  	v52 =	vadd.s32 v22, v32;
	[tilespmem:s21+$0x2A0] =	vst v57;
	v47 =	vld.idx.msk [tilespmem:v53+s14+$0x0], $0xffff  }
0x4a5: {  	v61 =	vadd.s32 v4, v35;
	v45 =	vld.idx.msk [tilespmem:v59+s14+$0x0], $0xffff;
	[tilespmem:s23+$0xFFFFFCD0] =	vst v37  }
0x4a6: {  	v53 =	vadd.s32 v23, v33;
	[tilespmem:s23+$0xF0] =	vst v34;
	v41 =	vld.idx.msk [tilespmem:v60+s14+$0x0], $0xffff  }
0x4a7: {  	v54 =	vadd.s32 v8, v36;
	[tilespmem:s22+$0xFFFFFC60] =	vst v42;
	v34 =	vld.idx.msk [tilespmem:v56+s14+$0x0], $0xffff  }
0x4a8: {  	v63 =	vadd.s32 v9, v38;
	v43 =	vld.idx.msk [tilespmem:v62+s14+$0x0], $0xffff;
	[tilespmem:s21+$0xFFFFFEA0] =	vst v40  }
0x4a9: {  	v56 =	vadd.s32 v5, v39;
	[tilespmem:s22+$0x60] =	vst v47;
	v37 =	vld.idx.msk [tilespmem:v52+s14+$0x0], $0xffff  }
0x4aa: {  	v58 =	vadd.s32 v23, v32;
	[tilespmem:s21+$0x2C0] =	vst v45;
	v47 =	vld.idx.msk [tilespmem:v61+s14+$0x0], $0xffff  }
0x4ab: {  	v55 =	vadd.s32 v5, v35;
	v45 =	vld.idx.msk [tilespmem:v53+s14+$0x0], $0xffff;
	[tilespmem:s23+$0xFFFFFCF0] =	vst v41  }
0x4ac: {  	v59 =	vadd.s32 v24, v33;
	[tilespmem:s23+$0x110] =	vst v34;
	v42 =	vld.idx.msk [tilespmem:v54+s14+$0x0], $0xffff  }
0x4ad: {  	v60 =	vadd.s32 v9, v36;
	[tilespmem:s22+$0xFFFFFC80] =	vst v43;
	v34 =	vld.idx.msk [tilespmem:v63+s14+$0x0], $0xffff  }
0x4ae: {  	v57 =	vadd.s32 v10, v38;
	v40 =	vld.idx.msk [tilespmem:v56+s14+$0x0], $0xffff;
	[tilespmem:s21+$0xFFFFFEC0] =	vst v37  }
0x4af: {  	v62 =	vadd.s32 v6, v39;
	[tilespmem:s22+$0x80] =	vst v47;
	v41 =	vld.idx.msk [tilespmem:v58+s14+$0x0], $0xffff  }
0x4b0: {  	v52 =	vadd.s32 v24, v32;
	[tilespmem:s21+$0x2E0] =	vst v45;
	v47 =	vld.idx.msk [tilespmem:v55+s14+$0x0], $0xffff  }
0x4b1: {  	v61 =	vadd.s32 v6, v35;
	v45 =	vld.idx.msk [tilespmem:v59+s14+$0x0], $0xffff;
	[tilespmem:s23+$0xFFFFFD10] =	vst v42  }
0x4b2: {  	v53 =	vadd.s32 v25, v33;
	[tilespmem:s23+$0x130] =	vst v34;
	v43 =	vld.idx.msk [tilespmem:v60+s14+$0x0], $0xffff  }
0x4b3: {  	v54 =	vadd.s32 v10, v36;
	[tilespmem:s22+$0xFFFFFCA0] =	vst v40;
	v34 =	vld.idx.msk [tilespmem:v57+s14+$0x0], $0xffff  }
0x4b4: {  	v63 =	vadd.s32 v11, v38;
	v37 =	vld.idx.msk [tilespmem:v62+s14+$0x0], $0xffff;
	[tilespmem:s21+$0xFFFFFEE0] =	vst v41  }
0x4b5: {  	v56 =	vadd.s32 v7, v39;
	[tilespmem:s22+$0xA0] =	vst v47;
	v42 =	vld.idx.msk [tilespmem:v52+s14+$0x0], $0xffff  }
0x4b6: {  	v58 =	vadd.s32 v25, v32;
	[tilespmem:s21+$0x300] =	vst v45;
	v47 =	vld.idx.msk [tilespmem:v61+s14+$0x0], $0xffff  }
0x4b7: {  	v55 =	vadd.s32 v7, v35;
	v45 =	vld.idx.msk [tilespmem:v53+s14+$0x0], $0xffff;
	[tilespmem:s23+$0xFFFFFD30] =	vst v43  }
0x4b8: {  	v59 =	vadd.s32 v26, v33;
	[tilespmem:s23+$0x150] =	vst v34;
	v40 =	vld.idx.msk [tilespmem:v54+s14+$0x0], $0xffff  }
0x4b9: {  	v60 =	vadd.s32 v11, v36;
	[tilespmem:s22+$0xFFFFFCC0] =	vst v37;
	v34 =	vld.idx.msk [tilespmem:v63+s14+$0x0], $0xffff  }
0x4ba: {  	v57 =	vadd.s32 v12, v38;
	v41 =	vld.idx.msk [tilespmem:v56+s14+$0x0], $0xffff;
	[tilespmem:s21+$0xFFFFFF00] =	vst v42  }
0x4bb: {  	v63 =	vadd.s32 v8, v39;
	[tilespmem:s22+$0xC0] =	vst v47;
	v43 =	vld.idx.msk [tilespmem:v58+s14+$0x0], $0xffff  }
0x4bc: {  	v53 =	vadd.s32 v26, v32;
	[tilespmem:s21+$0x320] =	vst v45;
	v47 =	vld.idx.msk [tilespmem:v55+s14+$0x0], $0xffff  }
0x4bd: {  	v61 =	vadd.s32 v8, v35;
	v46 =	vld.idx.msk [tilespmem:v59+s14+$0x0], $0xffff;
	[tilespmem:s23+$0xFFFFFD50] =	vst v40  }
0x4be: {  	s24 =	simm.s32 $0x6;
	v54 =	vadd.s32 v27, v33;
	[tilespmem:s23+$0x170] =	vst v34;
	v37 =	vld.idx.msk [tilespmem:v60+s14+$0x0], $0xffff  }
0x4bf: {  	v51 =	vmov s24;
	v55 =	vadd.s32 v12, v36;
	[tilespmem:s22+$0xFFFFFCE0] =	vst v41;
	v62 =	vld.idx.msk [tilespmem:v57+s14+$0x0], $0xffff  }
0x4c0: {  	v52 =	vadd.s32 v13, v38;
	v34 =	vmul.u32 $0x28, v51;
	v44 =	vld.idx.msk [tilespmem:v63+s14+$0x0], $0xffff;
	[tilespmem:s21+$0xFFFFFF20] =	vst v43  }
0x4c1: {  	v58 =	vadd.s32 v9, v39;
	[tilespmem:s22+$0xE0] =	vst v47;
	v50 =	vld.idx.msk [tilespmem:v53+s14+$0x0], $0xffff  }
0x4c2: {  	v60 =	vadd.s32 v27, v32;
	v34 =	vbroadcast v34, $0x0;
	[tilespmem:s21+$0x340] =	vst v46;
	v48 =	vld.idx.msk [tilespmem:v61+s14+$0x0], $0xffff  }
0x4c3: {  	v49 =	vadd.s32 v9, v35;
	v46 =	vld.idx.msk [tilespmem:v54+s14+$0x0], $0xffff;
	[tilespmem:s23+$0xFFFFFD70] =	vst v37  }
0x4c4: {  	v56 =	vadd.s32 v0, v34;
	[tilespmem:s23+$0x190] =	vst v62;
	v41 =	vld.idx.msk [tilespmem:v55+s14+$0x0], $0xffff  }
0x4c5: {  	v61 =	vadd.s32 v28, v33;
	[tilespmem:s22+$0xFFFFFD00] =	vst v44;
	v57 =	vld.idx.msk [tilespmem:v52+s14+$0x0], $0xffff  }
0x4c6: {  	v59 =	vadd.s32 v14, v38;
	v44 =	vld.idx.msk [tilespmem:v58+s14+$0x0], $0xffff;
	[tilespmem:s21+$0xFFFFFF40] =	vst v50  }
0x4c7: {  	v62 =	vadd.s32 v13, v36;
	[tilespmem:s22+$0x100] =	vst v48;
	v47 =	vld.idx.msk [tilespmem:v60+s14+$0x0], $0xffff  }
0x4c8: {  	v52 =	vadd.s32 v10, v39;
	v48 =	vld.idx.msk [tilespmem:v49+s14+$0x0], $0xffff  }
0x4c9: {  	v63 =	vadd.s32 v10, v35;
	[tilespmem:s21+$0x360] =	vst v46;
	v40 =	vld.idx.msk [tilespmem:v56+s14+$0x0], $0xffff  }
0x4ca: {  	v54 =	vadd.s32 v28, v32;
	v49 =	vld.idx.msk [tilespmem:v61+s14+$0x0], $0xffff;
	[tilespmem:s23+$0x1B0] =	vst v57  }
0x4cb: {  	v55 =	vadd.s32 v29, v33;
	[tilespmem:s23+$0xFFFFFD90] =	vst v41;
	v37 =	vld.idx.msk [tilespmem:v59+s14+$0x0], $0xffff  }
0x4cc: {  	v53 =	vadd.s32 v15, v38;
	[tilespmem:s22+$0xFFFFFD20] =	vst v44;
	v42 =	vld.idx.msk [tilespmem:v62+s14+$0x0], $0xffff  }
0x4cd: {  	v56 =	vadd.s32 v14, v36;
	v43 =	vld.idx.msk [tilespmem:v52+s14+$0x0], $0xffff;
	[tilespmem:s22+$0x120] =	vst v48  }
0x4ce: {  	v58 =	vadd.s32 v11, v39;
	[tilespmem:s21+$0xFFFFFF60] =	vst v47;
	v45 =	vld.idx.msk [tilespmem:v63+s14+$0x0], $0xffff  }
0x4cf: {  	v57 =	vadd.s32 v11, v35;
	v41 =	vld.idx.msk [tilespmem:v54+s14+$0x0], $0xffff;
	[tilespmem:s21+$0x380] =	vst v49  }
0x4d0: {  	v60 =	vadd.s32 v29, v32;
	v48 =	vld.idx.msk [tilespmem:v55+s14+$0x0], $0xffff;
	[tilespmem:s23+$0x1D0] =	vst v37  }
0x4d1: {  	v61 =	vadd.s32 v30, v33;
	[tilespmem:s23+$0xFFFFFDB0] =	vst v42;
	v37 =	vld.idx.msk [tilespmem:v53+s14+$0x0], $0xffff  }
0x4d2: {  	v59 =	vadd.s32 v16, v38;
	[tilespmem:s22+$0xFFFFFD40] =	vst v43;
	v44 =	vld.idx.msk [tilespmem:v56+s14+$0x0], $0xffff  }
0x4d3: {  	v63 =	vadd.s32 v15, v36;
	v46 =	vld.idx.msk [tilespmem:v58+s14+$0x0], $0xffff;
	[tilespmem:s22+$0x140] =	vst v45  }
0x4d4: {  	[tilespmem:s21+$0xFFFFFF80] =	vst v41;
	v53 =	vadd.s32 v12, v39;
	v62 =	vld.idx.msk [tilespmem:v57+s14+$0x0], $0xffff  }
0x4d5: {  	v52 =	vadd.s32 v12, v35;
	v42 =	vld.idx.msk [tilespmem:v60+s14+$0x0], $0xffff;
	[tilespmem:s21+$0x3A0] =	vst v48  }
0x4d6: {  	v55 =	vadd.s32 v30, v32;
	v45 =	vld.idx.msk [tilespmem:v61+s14+$0x0], $0xffff;
	[tilespmem:s23+$0x1F0] =	vst v37  }
0x4d7: {  	s25 =	simm.s32 $0x1A3;
	v56 =	vadd.s32 v31, v33;
	[tilespmem:s23+$0xFFFFFDD0] =	vst v44;
	v37 =	vld.idx.msk [tilespmem:v59+s14+$0x0], $0xffff  }
0x4d8: {  	v54 =	vadd.s32 v17, v38;
	v58 =	vmov s25;
	[tilespmem:s22+$0xFFFFFD60] =	vst v46;
	v43 =	vld.idx.msk [tilespmem:v63+s14+$0x0], $0xffff  }
0x4d9: {  	v33 =	vmul.u32 $0x28, v58;
	v57 =	vadd.s32 v16, v36;
	v41 =	vld.idx.msk [tilespmem:v53+s14+$0x0], $0xffff;
	[tilespmem:s22+$0x160] =	vst v62  }
0x4da: {  	v60 =	vadd.s32 v13, v39;
	[tilespmem:s21+$0xFFFFFFA0] =	vst v42;
	v49 =	vld.idx.msk [tilespmem:v52+s14+$0x0], $0xffff  }
0x4db: {  	v33 =	vbroadcast v33, $0x0;
	v59 =	vadd.s32 v13, v35;
	v44 =	vld.idx.msk [tilespmem:v55+s14+$0x0], $0xffff;
	[tilespmem:s21+$0x3C0] =	vst v45  }
0x4dc: {  	s31 =	simm.s32 $0x1A2;
	v63 =	vadd.s32 v31, v32;
	v62 =	vld.idx.msk [tilespmem:v56+s14+$0x0], $0xffff;
	[tilespmem:s23+$0x210] =	vst v37  }
0x4dd: {  	v53 =	vmov s31;
	v52 =	vadd.s32 v0, v33;
	[tilespmem:s23+$0xFFFFFDF0] =	vst v43;
	v37 =	vld.idx.msk [tilespmem:v54+s14+$0x0], $0xffff  }
0x4de: {  	v61 =	vadd.s32 v18, v38;
	v32 =	vmul.u32 $0x28, v53;
	[tilespmem:s22+$0xFFFFFD80] =	vst v41;
	v46 =	vld.idx.msk [tilespmem:v57+s14+$0x0], $0xffff  }
0x4df: {  	v42 =	vld.idx.msk [tilespmem:v60+s14+$0x0], $0xffff;
	v54 =	vadd.s32 v17, v36;
	[tilespmem:s22+$0x180] =	vst v49  }
0x4e0: {  	v56 =	vadd.s32 v14, v39;
	v32 =	vbroadcast v32, $0x0;
	[tilespmem:s21+$0xFFFFFFC0] =	vst v44;
	v49 =	vld.idx.msk [tilespmem:v59+s14+$0x0], $0xffff  }
0x4e1: {  	v55 =	vadd.s32 v14, v35;
	v43 =	vld.idx.msk [tilespmem:v63+s14+$0x0], $0xffff;
	[tilespmem:s21+$0x3E0] =	vst v62  }
0x4e2: {  	v58 =	vadd.s32 v0, v32;
	v47 =	vld.idx.msk [tilespmem:v52+s14+$0x0], $0xffff;
	[tilespmem:s23+$0x230] =	vst v37  }
0x4e3: {  	v59 =	vadd.s32 v1, v33;
	[tilespmem:s23+$0xFFFFFE10] =	vst v46;
	v37 =	vld.idx.msk [tilespmem:v61+s14+$0x0], $0xffff  }
0x4e4: {  	v57 =	vadd.s32 v19, v38;
	[tilespmem:s22+$0xFFFFFDA0] =	vst v42;
	v41 =	vld.idx.msk [tilespmem:v54+s14+$0x0], $0xffff  }
0x4e5: {  	v60 =	vadd.s32 v18, v36;
	v44 =	vld.idx.msk [tilespmem:v56+s14+$0x0], $0xffff;
	[tilespmem:s22+$0x1A0] =	vst v49  }
0x4e6: {  	v62 =	vadd.s32 v15, v39;
	[tilespmem:s21+$0xFFFFFFE0] =	vst v43;
	v49 =	vld.idx.msk [tilespmem:v55+s14+$0x0], $0xffff  }
0x4e7: {  	v61 =	vadd.s32 v15, v35;
	v63 =	vld.idx.msk [tilespmem:v58+s14+$0x0], $0xffff;
	[tilespmem:s21+$0x10] =	vst v47  }
0x4e8: {  	v53 =	vadd.s32 v1, v32;
	v47 =	vld.idx.msk [tilespmem:v59+s14+$0x0], $0xffff;
	[tilespmem:s23+$0x250] =	vst v37  }
0x4e9: {  	v54 =	vadd.s32 v2, v33;
	[tilespmem:s23+$0xFFFFFE30] =	vst v41;
	v37 =	vld.idx.msk [tilespmem:v57+s14+$0x0], $0xffff  }
0x4ea: {  	v52 =	vadd.s32 v20, v38;
	[tilespmem:s22+$0xFFFFFDC0] =	vst v44;
	v42 =	vld.idx.msk [tilespmem:v60+s14+$0x0], $0xffff  }
0x4eb: {  	v55 =	vadd.s32 v19, v36;
	v43 =	vld.idx.msk [tilespmem:v62+s14+$0x0], $0xffff;
	[tilespmem:s22+$0x1C0] =	vst v49  }
0x4ec: {  	[tilespmem:s21+$0xFFFFFC10] =	vst v63;
	v57 =	vadd.s32 v16, v39;
	v49 =	vld.idx.msk [tilespmem:v61+s14+$0x0], $0xffff  }
0x4ed: {  	v56 =	vadd.s32 v16, v35;
	v41 =	vld.idx.msk [tilespmem:v53+s14+$0x0], $0xffff;
	[tilespmem:s21+$0x30] =	vst v47  }
0x4ee: {  	v59 =	vadd.s32 v2, v32;
	v47 =	vld.idx.msk [tilespmem:v54+s14+$0x0], $0xffff;
	[tilespmem:s23+$0x270] =	vst v37  }
0x4ef: {  	v60 =	vadd.s32 v3, v33;
	[tilespmem:s23+$0xFFFFFE50] =	vst v42;
	v37 =	vld.idx.msk [tilespmem:v52+s14+$0x0], $0xffff  }
0x4f0: {  	v58 =	vadd.s32 v21, v38;
	[tilespmem:s22+$0xFFFFFDE0] =	vst v43;
	v44 =	vld.idx.msk [tilespmem:v55+s14+$0x0], $0xffff  }
0x4f1: {  	v61 =	vadd.s32 v20, v36;
	v45 =	vld.idx.msk [tilespmem:v57+s14+$0x0], $0xffff;
	[tilespmem:s22+$0x1E0] =	vst v49  }
0x4f2: {  	v54 =	vadd.s32 v17, v39;
	[tilespmem:s21+$0xFFFFFC30] =	vst v41;
	v49 =	vld.idx.msk [tilespmem:v56+s14+$0x0], $0xffff  }
0x4f3: {  	v62 =	vadd.s32 v17, v35;
	v42 =	vld.idx.msk [tilespmem:v59+s14+$0x0], $0xffff;
	[tilespmem:s21+$0x50] =	vst v47  }
0x4f4: {  	s26 =	simm.s32 $0x7;
	v57 =	vadd.s32 v3, v32;
	v48 =	vld.idx.msk [tilespmem:v60+s14+$0x0], $0xffff;
	[tilespmem:s23+$0x290] =	vst v37  }
0x4f5: {  	v56 =	vmov s26;
	[tilespmem:s23+$0xFFFFFE70] =	vst v44;
	v63 =	vld.idx.msk [tilespmem:v58+s14+$0x0], $0xffff;
	v58 =	vadd.s32 v4, v33  }
0x4f6: {  	v55 =	vadd.s32 v22, v38;
	[tilespmem:s22+$0xFFFFFE00] =	vst v45;
	v37 =	vmul.u32 $0x28, v56;
	v43 =	vld.idx.msk [tilespmem:v61+s14+$0x0], $0xffff  }
0x4f7: {  	v59 =	vadd.s32 v21, v36;
	v46 =	vld.idx.msk [tilespmem:v54+s14+$0x0], $0xffff;
	[tilespmem:s22+$0x200] =	vst v49  }
0x4f8: {  	[tilespmem:s21+$0xFFFFFC50] =	vst v42;
	v37 =	vbroadcast v37, $0x0;
	v50 =	vld.idx.msk [tilespmem:v62+s14+$0x0], $0xffff;
	v62 =	vadd.s32 v18, v39  }
0x4f9: {  	v51 =	vadd.s32 v18, v35;
	v44 =	vld.idx.msk [tilespmem:v57+s14+$0x0], $0xffff;
	[tilespmem:s21+$0x70] =	vst v48  }
0x4fa: {  	v60 =	vadd.s32 v0, v37;
	[tilespmem:s23+$0x2B0] =	vst v63;
	v48 =	vld.idx.msk [tilespmem:v58+s14+$0x0], $0xffff  }
0x4fb: {  	[tilespmem:s23+$0xFFFFFE90] =	vst v43;
	v63 =	vadd.s32 v5, v33;
	v41 =	vld.idx.msk [tilespmem:v55+s14+$0x0], $0xffff  }
0x4fc: {  	v61 =	vadd.s32 v23, v38;
	[tilespmem:s22+$0xFFFFFE20] =	vst v46;
	v45 =	vld.idx.msk [tilespmem:v59+s14+$0x0], $0xffff  }
0x4fd: {  	v57 =	vadd.s32 v22, v36;
	[tilespmem:s22+$0x220] =	vst v50;
	v43 =	vld.idx.msk [tilespmem:v62+s14+$0x0], $0xffff  }
0x4fe: {  	v56 =	vadd.s32 v4, v32;
	[tilespmem:s21+$0xFFFFFC70] =	vst v44;
	v50 =	vld.idx.msk [tilespmem:v51+s14+$0x0], $0xffff  }
0x4ff: {  	v52 =	vadd.s32 v19, v35;
	v42 =	vld.idx.msk [tilespmem:v60+s14+$0x0], $0xffff;
	[tilespmem:s21+$0x90] =	vst v48  }
0x500: {  	v59 =	vadd.s32 v1, v37;
	[tilespmem:s23+$0x2D0] =	vst v41;
	v44 =	vld.idx.msk [tilespmem:v63+s14+$0x0], $0xffff  }
0x501: {  	s28 =	simm.s32 $0x18800;
	[tilespmem:s23+$0xFFFFFEB0] =	vst v45;
	v58 =	vld.idx.msk [tilespmem:v61+s14+$0x0], $0xffff;
	v61 =	vadd.s32 v1, v34  }
0x502: {  	[tilespmem:s28+$0xFFFFFC00] =	vst v40;
	v60 =	vadd.s32 v24, v38;
	v41 =	vld.idx.msk [tilespmem:v57+s14+$0x0], $0xffff  }
0x503: {  	v62 =	vadd.s32 v6, v33;
	[tilespmem:s22+$0x240] =	vst v50;
	v50 =	vld.idx.msk [tilespmem:v56+s14+$0x0], $0xffff  }
0x504: {  	v63 =	vadd.s32 v19, v39;
	[tilespmem:s28+$0x0] =	vst v42;
	v45 =	vld.idx.msk [tilespmem:v52+s14+$0x0], $0xffff  }
0x505: {  	v57 =	vadd.s32 v5, v32;
	[tilespmem:s22+$0xFFFFFE40] =	vst v43;
	v47 =	vld.idx.msk [tilespmem:v59+s14+$0x0], $0xffff  }
0x506: {  	v56 =	vadd.s32 v20, v35;
	[tilespmem:s23+$0x2F0] =	vst v58;
	v58 =	vld.idx.msk [tilespmem:v61+s14+$0x0], $0xffff  }
0x507: {  	v59 =	vadd.s32 v2, v37;
	[tilespmem:s21+$0xB0] =	vst v44;
	v46 =	vld.idx.msk [tilespmem:v60+s14+$0x0], $0xffff  }
0x508: {  	[tilespmem:s23+$0xFFFFFED0] =	vst v41;
	v60 =	vld.idx.msk [tilespmem:v62+s14+$0x0], $0xffff;
	v62 =	vadd.s32 v2, v34  }
0x509: {  	v42 =	vld.idx.msk [tilespmem:v63+s14+$0x0], $0xffff;
	v61 =	vadd.s32 v25, v38;
	[tilespmem:s21+$0xFFFFFC90] =	vst v50  }
0x50a: {  	v63 =	vadd.s32 v7, v33;
	[tilespmem:s22+$0x260] =	vst v45;
	v40 =	vld.idx.msk [tilespmem:v57+s14+$0x0], $0xffff  }
0x50b: {  	[tilespmem:s28+$0x20] =	vst v47;
	v45 =	vld.idx.msk [tilespmem:v56+s14+$0x0], $0xffff;
	v56 =	vadd.s32 v20, v39  }
0x50c: {  	v57 =	vadd.s32 v21, v35;
	v49 =	vld.idx.msk [tilespmem:v59+s14+$0x0], $0xffff;
	[tilespmem:s28+$0xFFFFFC20] =	vst v58  }
0x50d: {  	v59 =	vadd.s32 v3, v37;
	[tilespmem:s23+$0x310] =	vst v46;
	v48 =	vld.idx.msk [tilespmem:v62+s14+$0x0], $0xffff  }
0x50e: {  	v58 =	vadd.s32 v6, v32;
	[tilespmem:s21+$0xD0] =	vst v60;
	v44 =	vld.idx.msk [tilespmem:v61+s14+$0x0], $0xffff  }
0x50f: {  	[tilespmem:s22+$0xFFFFFE60] =	vst v42;
	v62 =	vadd.s32 v3, v34;
	v60 =	vld.idx.msk [tilespmem:v63+s14+$0x0], $0xffff  }
0x510: {  	v61 =	vadd.s32 v26, v38;
	v47 =	vld.idx.msk [tilespmem:v56+s14+$0x0], $0xffff;
	[tilespmem:s22+$0x280] =	vst v45  }
0x511: {  	v63 =	vadd.s32 v8, v33;
	[tilespmem:s28+$0x40] =	vst v49;
	v45 =	vld.idx.msk [tilespmem:v57+s14+$0x0], $0xffff  }
0x512: {  	[tilespmem:s21+$0xFFFFFCB0] =	vst v40;
	v56 =	vadd.s32 v21, v39;
	v51 =	vld.idx.msk [tilespmem:v59+s14+$0x0], $0xffff  }
0x513: {  	v57 =	vadd.s32 v22, v35;
	v46 =	vld.idx.msk [tilespmem:v58+s14+$0x0], $0xffff;
	[tilespmem:s28+$0xFFFFFC40] =	vst v48  }
0x514: {  	v59 =	vadd.s32 v4, v37;
	[tilespmem:s23+$0x330] =	vst v44;
	v48 =	vld.idx.msk [tilespmem:v62+s14+$0x0], $0xffff  }
0x515: {  	v58 =	vadd.s32 v7, v32;
	[tilespmem:s21+$0xF0] =	vst v60;
	v43 =	vld.idx.msk [tilespmem:v61+s14+$0x0], $0xffff  }
0x516: {  	[tilespmem:s22+$0xFFFFFE80] =	vst v47;
	v40 =	vld.idx.msk [tilespmem:v63+s14+$0x0], $0xffff;
	v61 =	vadd.s32 v4, v34  }
0x517: {  	v60 =	vadd.s32 v27, v38;
	v49 =	vld.idx.msk [tilespmem:v56+s14+$0x0], $0xffff;
	[tilespmem:s22+$0x2A0] =	vst v45  }
0x518: {  	v62 =	vadd.s32 v9, v33;
	[tilespmem:s28+$0x60] =	vst v51;
	v45 =	vld.idx.msk [tilespmem:v57+s14+$0x0], $0xffff  }
0x519: {  	v63 =	vadd.s32 v22, v39;
	[tilespmem:s21+$0xFFFFFCD0] =	vst v46;
	v50 =	vld.idx.msk [tilespmem:v59+s14+$0x0], $0xffff  }
0x51a: {  	v56 =	vadd.s32 v23, v35;
	v44 =	vld.idx.msk [tilespmem:v58+s14+$0x0], $0xffff;
	[tilespmem:s28+$0xFFFFFC60] =	vst v48  }
0x51b: {  	v58 =	vadd.s32 v5, v37;
	[tilespmem:s23+$0x350] =	vst v43;
	v47 =	vld.idx.msk [tilespmem:v61+s14+$0x0], $0xffff  }
0x51c: {  	v57 =	vadd.s32 v8, v32;
	[tilespmem:s21+$0x110] =	vst v40;
	v42 =	vld.idx.msk [tilespmem:v60+s14+$0x0], $0xffff  }
0x51d: {  	[tilespmem:s22+$0xFFFFFEA0] =	vst v49;
	v40 =	vld.idx.msk [tilespmem:v62+s14+$0x0], $0xffff;
	v60 =	vadd.s32 v5, v34  }
0x51e: {  	v59 =	vadd.s32 v28, v38;
	v51 =	vld.idx.msk [tilespmem:v63+s14+$0x0], $0xffff;
	[tilespmem:s22+$0x2C0] =	vst v45  }
0x51f: {  	v61 =	vadd.s32 v10, v33;
	[tilespmem:s28+$0x80] =	vst v50;
	v45 =	vld.idx.msk [tilespmem:v56+s14+$0x0], $0xffff  }
0x520: {  	v62 =	vadd.s32 v23, v39;
	[tilespmem:s21+$0xFFFFFCF0] =	vst v44;
	v48 =	vld.idx.msk [tilespmem:v58+s14+$0x0], $0xffff  }
0x521: {  	v63 =	vadd.s32 v24, v35;
	v43 =	vld.idx.msk [tilespmem:v57+s14+$0x0], $0xffff;
	[tilespmem:s28+$0xFFFFFC80] =	vst v47  }
0x522: {  	v55 =	vadd.s32 v6, v37;
	[tilespmem:s23+$0x370] =	vst v42;
	v47 =	vld.idx.msk [tilespmem:v60+s14+$0x0], $0xffff  }
0x523: {  	v54 =	vadd.s32 v9, v32;
	[tilespmem:s21+$0x130] =	vst v40;
	v46 =	vld.idx.msk [tilespmem:v59+s14+$0x0], $0xffff  }
0x524: {  	v57 =	vadd.s32 v6, v34;
	[tilespmem:s22+$0xFFFFFEC0] =	vst v51;
	v40 =	vld.idx.msk [tilespmem:v61+s14+$0x0], $0xffff  }
0x525: {  	v56 =	vadd.s32 v29, v38;
	v50 =	vld.idx.msk [tilespmem:v62+s14+$0x0], $0xffff;
	[tilespmem:s22+$0x2E0] =	vst v45  }
0x526: {  	v58 =	vadd.s32 v11, v33;
	[tilespmem:s28+$0xA0] =	vst v48;
	v45 =	vld.idx.msk [tilespmem:v63+s14+$0x0], $0xffff  }
0x527: {  	v59 =	vadd.s32 v24, v39;
	[tilespmem:s21+$0xFFFFFD10] =	vst v43;
	v49 =	vld.idx.msk [tilespmem:v55+s14+$0x0], $0xffff  }
0x528: {  	v60 =	vadd.s32 v25, v35;
	v42 =	vld.idx.msk [tilespmem:v54+s14+$0x0], $0xffff;
	[tilespmem:s28+$0xFFFFFCA0] =	vst v47  }
0x529: {  	v62 =	vadd.s32 v7, v37;
	[tilespmem:s23+$0x390] =	vst v46;
	v47 =	vld.idx.msk [tilespmem:v57+s14+$0x0], $0xffff  }
0x52a: {  	v61 =	vadd.s32 v10, v32;
	[tilespmem:s21+$0x150] =	vst v40;
	v44 =	vld.idx.msk [tilespmem:v56+s14+$0x0], $0xffff  }
0x52b: {  	[tilespmem:s22+$0xFFFFFEE0] =	vst v50;
	v40 =	vld.idx.msk [tilespmem:v58+s14+$0x0], $0xffff;
	v56 =	vadd.s32 v7, v34  }
0x52c: {  	v63 =	vadd.s32 v30, v38;
	v48 =	vld.idx.msk [tilespmem:v59+s14+$0x0], $0xffff;
	[tilespmem:s22+$0x300] =	vst v45  }
0x52d: {  	v57 =	vadd.s32 v12, v33;
	[tilespmem:s28+$0xC0] =	vst v49;
	v45 =	vld.idx.msk [tilespmem:v60+s14+$0x0], $0xffff  }
0x52e: {  	v58 =	vadd.s32 v25, v39;
	[tilespmem:s21+$0xFFFFFD30] =	vst v42;
	v51 =	vld.idx.msk [tilespmem:v62+s14+$0x0], $0xffff  }
0x52f: {  	v59 =	vadd.s32 v26, v35;
	v46 =	vld.idx.msk [tilespmem:v61+s14+$0x0], $0xffff;
	[tilespmem:s28+$0xFFFFFCC0] =	vst v47  }
0x530: {  	s26 =	simm.s32 $0x8;
	v61 =	vadd.s32 v8, v37;
	[tilespmem:s23+$0x3B0] =	vst v44;
	v47 =	vld.idx.msk [tilespmem:v56+s14+$0x0], $0xffff  }
0x531: {  	v55 =	vmov s26;
	v60 =	vadd.s32 v11, v32;
	[tilespmem:s21+$0x170] =	vst v40;
	v43 =	vld.idx.msk [tilespmem:v63+s14+$0x0], $0xffff  }
0x532: {  	v62 =	vadd.s32 v31, v38;
	v38 =	vmul.u32 $0x28, v55;
	[tilespmem:s22+$0xFFFFFF00] =	vst v48;
	v40 =	vld.idx.msk [tilespmem:v57+s14+$0x0], $0xffff;
	v63 =	vadd.s32 v8, v34  }
0x533: {  	v49 =	vld.idx.msk [tilespmem:v58+s14+$0x0], $0xffff;
	[tilespmem:s22+$0x320] =	vst v45  }
0x534: {  	v38 =	vbroadcast v38, $0x0;
	v56 =	vadd.s32 v13, v33;
	[tilespmem:s28+$0xE0] =	vst v51;
	v45 =	vld.idx.msk [tilespmem:v59+s14+$0x0], $0xffff  }
0x535: {  	v57 =	vadd.s32 v26, v39;
	[tilespmem:s21+$0xFFFFFD50] =	vst v46;
	v50 =	vld.idx.msk [tilespmem:v61+s14+$0x0], $0xffff  }
0x536: {  	v61 =	vadd.s32 v0, v38;
	v44 =	vld.idx.msk [tilespmem:v60+s14+$0x0], $0xffff;
	[tilespmem:s28+$0xFFFFFCE0] =	vst v47  }
0x537: {  	v58 =	vadd.s32 v27, v35;
	[tilespmem:s23+$0x3D0] =	vst v43;
	v47 =	vld.idx.msk [tilespmem:v63+s14+$0x0], $0xffff  }
0x538: {  	v60 =	vadd.s32 v9, v37;
	[tilespmem:s21+$0x190] =	vst v40;
	v42 =	vld.idx.msk [tilespmem:v62+s14+$0x0], $0xffff  }
0x539: {  	v59 =	vadd.s32 v12, v32;
	[tilespmem:s22+$0xFFFFFF20] =	vst v49;
	v46 =	vld.idx.msk [tilespmem:v56+s14+$0x0], $0xffff  }
0x53a: {  	v62 =	vadd.s32 v9, v34;
	v51 =	vld.idx.msk [tilespmem:v57+s14+$0x0], $0xffff;
	[tilespmem:s22+$0x340] =	vst v45  }
0x53b: {  	v63 =	vadd.s32 v14, v33;
	[tilespmem:s28+$0x100] =	vst v50;
	v40 =	vld.idx.msk [tilespmem:v61+s14+$0x0], $0xffff  }
0x53c: {  	v56 =	vadd.s32 v27, v39;
	v45 =	vld.idx.msk [tilespmem:v58+s14+$0x0], $0xffff;
	[tilespmem:s21+$0xFFFFFD70] =	vst v44  }
0x53d: {  	v48 =	vld.idx.msk [tilespmem:v60+s14+$0x0], $0xffff;
	v60 =	vadd.s32 v23, v36;
	[tilespmem:s28+$0xFFFFFD00] =	vst v47  }
0x53e: {  	v57 =	vadd.s32 v28, v35;
	v43 =	vld.idx.msk [tilespmem:v59+s14+$0x0], $0xffff;
	[tilespmem:s23+$0x3F0] =	vst v42  }
0x53f: {  	v59 =	vadd.s32 v10, v37;
	v47 =	vld.idx.msk [tilespmem:v62+s14+$0x0], $0xffff;
	[tilespmem:s21+$0x1B0] =	vst v46  }
0x540: {  	v58 =	vadd.s32 v13, v32;
	[tilespmem:s22+$0xFFFFFF40] =	vst v51;
	v44 =	vld.idx.msk [tilespmem:v63+s14+$0x0], $0xffff  }
0x541: {  	v61 =	vadd.s32 v10, v34;
	v50 =	vld.idx.msk [tilespmem:v56+s14+$0x0], $0xffff;
	[tilespmem:s22+$0x360] =	vst v45  }
0x542: {  	v62 =	vadd.s32 v15, v33;
	[tilespmem:s28+$0x120] =	vst v48;
	v46 =	vld.idx.msk [tilespmem:v60+s14+$0x0], $0xffff  }
0x543: {  	v63 =	vadd.s32 v28, v39;
	v45 =	vld.idx.msk [tilespmem:v57+s14+$0x0], $0xffff;
	[tilespmem:s21+$0xFFFFFD90] =	vst v43  }
0x544: {  	v49 =	vld.idx.msk [tilespmem:v59+s14+$0x0], $0xffff;
	v59 =	vadd.s32 v24, v36;
	[tilespmem:s28+$0xFFFFFD20] =	vst v47  }
0x545: {  	v56 =	vadd.s32 v29, v35;
	v42 =	vld.idx.msk [tilespmem:v58+s14+$0x0], $0xffff;
	[tilespmem:s21+$0x1D0] =	vst v44  }
0x546: {  	v58 =	vadd.s32 v11, v37;
	v47 =	vld.idx.msk [tilespmem:v61+s14+$0x0], $0xffff;
	[tilespmem:s22+$0xFFFFFF60] =	vst v50  }
0x547: {  	v57 =	vadd.s32 v14, v32;
	v43 =	vld.idx.msk [tilespmem:v62+s14+$0x0], $0xffff;
	[tilespmem:s23+$0xFFFFFEF0] =	vst v46  }
0x548: {  	v60 =	vadd.s32 v11, v34;
	v48 =	vld.idx.msk [tilespmem:v63+s14+$0x0], $0xffff;
	[tilespmem:s22+$0x380] =	vst v45  }
0x549: {  	v61 =	vadd.s32 v16, v33;
	[tilespmem:s28+$0x140] =	vst v49;
	v44 =	vld.idx.msk [tilespmem:v59+s14+$0x0], $0xffff  }
0x54a: {  	v62 =	vadd.s32 v29, v39;
	v45 =	vld.idx.msk [tilespmem:v56+s14+$0x0], $0xffff;
	[tilespmem:s21+$0xFFFFFDB0] =	vst v42  }
0x54b: {  	v63 =	vadd.s32 v30, v35;
	v51 =	vld.idx.msk [tilespmem:v58+s14+$0x0], $0xffff;
	[tilespmem:s28+$0xFFFFFD40] =	vst v47  }
0x54c: {  	v56 =	vadd.s32 v12, v37;
	v41 =	vld.idx.msk [tilespmem:v57+s14+$0x0], $0xffff;
	[tilespmem:s21+$0x1F0] =	vst v43  }
0x54d: {  	v57 =	vadd.s32 v25, v36;
	v47 =	vld.idx.msk [tilespmem:v60+s14+$0x0], $0xffff;
	[tilespmem:s22+$0xFFFFFF80] =	vst v48  }
0x54e: {  	v55 =	vadd.s32 v15, v32;
	v42 =	vld.idx.msk [tilespmem:v61+s14+$0x0], $0xffff;
	[tilespmem:s23+$0xFFFFFF10] =	vst v44  }
0x54f: {  	v58 =	vadd.s32 v12, v34;
	v49 =	vld.idx.msk [tilespmem:v62+s14+$0x0], $0xffff;
	[tilespmem:s22+$0x3A0] =	vst v45  }
0x550: {  	v59 =	vadd.s32 v17, v33;
	[tilespmem:s28+$0x160] =	vst v51;
	v45 =	vld.idx.msk [tilespmem:v63+s14+$0x0], $0xffff  }
0x551: {  	v60 =	vadd.s32 v30, v39;
	[tilespmem:s21+$0xFFFFFDD0] =	vst v41;
	v50 =	vld.idx.msk [tilespmem:v56+s14+$0x0], $0xffff  }
0x552: {  	v35 =	vadd.s32 v31, v35;
	v43 =	vld.idx.msk [tilespmem:v57+s14+$0x0], $0xffff;
	[tilespmem:s28+$0xFFFFFD60] =	vst v47  }
0x553: {  	v62 =	vadd.s32 v13, v37;
	v46 =	vld.idx.msk [tilespmem:v55+s14+$0x0], $0xffff;
	[tilespmem:s21+$0x210] =	vst v42  }
0x554: {  	s31 =	simm.s32 $0x1A5;
	v57 =	vadd.s32 v26, v36;
	v47 =	vld.idx.msk [tilespmem:v58+s14+$0x0], $0xffff;
	[tilespmem:s22+$0xFFFFFFA0] =	vst v49  }
0x555: {  	v61 =	vadd.s32 v16, v32;
	v63 =	vmov s31;
	v41 =	vld.idx.msk [tilespmem:v59+s14+$0x0], $0xffff;
	[tilespmem:s22+$0x3C0] =	vst v45  }
0x556: {  	v56 =	vmul.u32 $0x28, v63;
	v58 =	vadd.s32 v13, v34;
	v51 =	vld.idx.msk [tilespmem:v60+s14+$0x0], $0xffff;
	[tilespmem:s28+$0x180] =	vst v50  }
0x557: {  	v59 =	vadd.s32 v18, v33;
	[tilespmem:s23+$0xFFFFFF30] =	vst v43;
	v45 =	vld.idx.msk [tilespmem:v35+s14+$0x0], $0xffff  }
0x558: {  	v39 =	vadd.s32 v31, v39;
	v35 =	vbroadcast v56, $0x0;
	[tilespmem:s21+$0xFFFFFDF0] =	vst v46;
	v56 =	vld.idx.msk [tilespmem:v62+s14+$0x0], $0xffff  }
0x559: {  	s31 =	simm.s32 $0x1A4;
	v49 =	vld.idx.msk [tilespmem:v57+s14+$0x0], $0xffff;
	v57 =	vadd.s32 v14, v37;
	[tilespmem:s28+$0xFFFFFD80] =	vst v47  }
0x55a: {  	v44 =	vld.idx.msk [tilespmem:v61+s14+$0x0], $0xffff;
	v61 =	vmov s31;
	v60 =	vadd.s32 v0, v35;
	[tilespmem:s21+$0x230] =	vst v41  }
0x55b: {  	v62 =	vadd.s32 v17, v32;
	v43 =	vmul.u32 $0x28, v61;
	v63 =	vld.idx.msk [tilespmem:v58+s14+$0x0], $0xffff;
	[tilespmem:s22+$0xFFFFFFC0] =	vst v51  }
0x55c: {  	v58 =	vadd.s32 v27, v36;
	v41 =	vld.idx.msk [tilespmem:v59+s14+$0x0], $0xffff;
	[tilespmem:s22+$0x3E0] =	vst v45  }
0x55d: {  	v59 =	vadd.s32 v14, v34;
	v53 =	vld.idx.msk [tilespmem:v39+s14+$0x0], $0xffff;
	v39 =	vbroadcast v43, $0x0;
	[tilespmem:s28+$0x1A0] =	vst v56  }
0x55e: {  	v55 =	vadd.s32 v19, v33;
	[tilespmem:s23+$0xFFFFFF50] =	vst v49;
	v61 =	vld.idx.msk [tilespmem:v57+s14+$0x0], $0xffff  }
0x55f: {  	[tilespmem:s21+$0xFFFFFE10] =	vst v44;
	v43 =	vld.idx.msk [tilespmem:v60+s14+$0x0], $0xffff;
	v56 =	vadd.s32 v0, v39  }
0x560: {  	v57 =	vadd.s32 v15, v37;
	v60 =	vld.idx.msk [tilespmem:v62+s14+$0x0], $0xffff;
	[tilespmem:s28+$0xFFFFFDA0] =	vst v63  }
0x561: {  	v62 =	vadd.s32 v1, v35;
	v42 =	vld.idx.msk [tilespmem:v58+s14+$0x0], $0xffff;
	[tilespmem:s21+$0x250] =	vst v41  }
0x562: {  	v63 =	vadd.s32 v18, v32;
	v50 =	vld.idx.msk [tilespmem:v59+s14+$0x0], $0xffff;
	[tilespmem:s22+$0xFFFFFFE0] =	vst v53  }
0x563: {  	v58 =	vadd.s32 v28, v36;
	v41 =	vld.idx.msk [tilespmem:v55+s14+$0x0], $0xffff;
	[tilespmem:s28+$0x1C0] =	vst v61  }
0x564: {  	v59 =	vadd.s32 v15, v34;
	v45 =	vld.idx.msk [tilespmem:v56+s14+$0x0], $0xffff;
	[tilespmem:s22+$0x10] =	vst v43  }
0x565: {  	[tilespmem:s21+$0xFFFFFE30] =	vst v60;
	v60 =	vadd.s32 v20, v33;
	v49 =	vld.idx.msk [tilespmem:v57+s14+$0x0], $0xffff  }
0x566: {  	v56 =	vadd.s32 v1, v39;
	v43 =	vld.idx.msk [tilespmem:v62+s14+$0x0], $0xffff;
	[tilespmem:s23+$0xFFFFFF70] =	vst v42  }
0x567: {  	v57 =	vadd.s32 v16, v37;
	v61 =	vld.idx.msk [tilespmem:v63+s14+$0x0], $0xffff;
	[tilespmem:s28+$0xFFFFFDC0] =	vst v50  }
0x568: {  	v62 =	vadd.s32 v2, v35;
	v44 =	vld.idx.msk [tilespmem:v58+s14+$0x0], $0xffff;
	[tilespmem:s21+$0x270] =	vst v41  }
0x569: {  	v63 =	vadd.s32 v19, v32;
	v50 =	vld.idx.msk [tilespmem:v59+s14+$0x0], $0xffff;
	[tilespmem:s22+$0xFFFFFC10] =	vst v45  }
0x56a: {  	v59 =	vadd.s32 v29, v36;
	v58 =	vld.idx.msk [tilespmem:v60+s14+$0x0], $0xffff;
	[tilespmem:s28+$0x1E0] =	vst v49  }
0x56b: {  	v60 =	vadd.s32 v16, v34;
	v47 =	vld.idx.msk [tilespmem:v56+s14+$0x0], $0xffff;
	[tilespmem:s22+$0x30] =	vst v43  }
0x56c: {  	[tilespmem:s21+$0xFFFFFE50] =	vst v61;
	v61 =	vadd.s32 v21, v33;
	v46 =	vld.idx.msk [tilespmem:v57+s14+$0x0], $0xffff  }
0x56d: {  	v54 =	vld.idx.msk [tilespmem:v62+s14+$0x0], $0xffff;
	v62 =	vadd.s32 v2, v39  }
0x56e: {  	v55 =	vld.idx.msk [tilespmem:v63+s14+$0x0], $0xffff;
	v63 =	vadd.s32 v3, v35;
	[tilespmem:s23+$0xFFFFFF90] =	vst v44  }
0x56f: {  	v49 =	vadd.s32 v20, v32;
	[tilespmem:s28+$0xFFFFFDE0] =	vst v50;
	v41 =	vld.idx.msk [tilespmem:v59+s14+$0x0], $0xffff  }
0x570: {  	v51 =	vadd.s32 v17, v37;
	v42 =	vld.idx.msk [tilespmem:v60+s14+$0x0], $0xffff;
	[tilespmem:s21+$0x290] =	vst v58  }
0x571: {  	[tilespmem:s22+$0xFFFFFC30] =	vst v47;
	v43 =	vld.idx.msk [tilespmem:v61+s14+$0x0], $0xffff;
	v47 =	vadd.s32 v30, v36  }
0x572: {  	v48 =	vadd.s32 v17, v34;
	v45 =	vld.idx.msk [tilespmem:v62+s14+$0x0], $0xffff;
	[tilespmem:s22+$0x50] =	vst v54  }
0x573: {  	s30 =	simm.s32 $0x9;
	s29 =	simm.s32 $0xA;
	s25 =	simm.s32 $0x18800;
	v50 =	vadd.s32 v22, v33;
	[tilespmem:s21+$0xFFFFFE70] =	vst v55;
	v44 =	vld.idx.msk [tilespmem:v63+s14+$0x0], $0xffff  }
.LBB2_14:
0x574: {  	p0 =	slt.u32 s29, $0x18;
	v52 =	vmov s30;
	[tilespmem:s28+$0x200] =	vst v46;
	v46 =	vadd.s32 v3, v39;
	v49 =	vld.idx.msk [tilespmem:v49+s14+$0x0], $0xffff  }
0x575: {  	v53 =	vadd.s32 v4, v35;
	v52 =	vmul.u32 $0x28, v52;
	v51 =	vld.idx.msk [tilespmem:v51+s14+$0x0], $0xffff;
	[tilespmem:s23+$0xFFFFFFB0] =	vst v41  }
0x576: {  	[tilespmem:s28+$0xFFFFFE00] =	vst v42;
	v42 =	vadd.s32 v21, v32;
	v47 =	vld.idx.msk [tilespmem:v47+s14+$0x0], $0xffff  }
0x577: {  	v41 =	vbroadcast v52, $0x0;
	v48 =	vld.idx.msk [tilespmem:v48+s14+$0x0], $0xffff;
	v52 =	vadd.s32 v18, v37;
	[tilespmem:s21+$0x2B0] =	vst v43  }
0x578: {  	[tilespmem:s22+$0xFFFFFC50] =	vst v45;
	v43 =	vld.idx.msk [tilespmem:v50+s14+$0x0], $0xffff;
	v45 =	vadd.s32 v31, v36;
	v36 =	vmov v32;
	v32 =	vmov v39  }
0x579: {  	v39 =	vadd.s32 v0, v41;
	v46 =	vld.idx.msk [tilespmem:v46+s14+$0x0], $0xffff;
	[tilespmem:s22+$0x70] =	vst v44  }
0x57a: {  	v44 =	vld.idx.msk [tilespmem:v53+s14+$0x0], $0xffff;
	[tilespmem:s21+$0xFFFFFE90] =	vst v49;
	v49 =	vadd.s32 v23, v33  }
0x57b: {  	v50 =	vadd.s32 v18, v34;
	[tilespmem:s28+$0x220] =	vst v51;
	v42 =	vld.idx.msk [tilespmem:v42+s14+$0x0], $0xffff  }
0x57c: {  	v51 =	vld.idx.msk [tilespmem:v52+s14+$0x0], $0xffff;
	v52 =	vadd.s32 v5, v35;
	[tilespmem:s23+$0xFFFFFFD0] =	vst v47  }
0x57d: {  	v47 =	vadd.s32 v4, v32;
	[tilespmem:s28+$0xFFFFFE20] =	vst v48;
	v45 =	vld.idx.msk [tilespmem:v45+s14+$0x0], $0xffff  }
0x57e: {  	v48 =	vadd.s32 v19, v37;
	v39 =	vld.idx.msk [tilespmem:v39+s14+$0x0], $0xffff;
	[tilespmem:s21+$0x2D0] =	vst v43  }
0x57f: {  	v43 =	vadd.s32 v22, v36;
	[tilespmem:s22+$0xFFFFFC70] =	vst v46;
	v46 =	vld.idx.msk [tilespmem:v49+s14+$0x0], $0xffff  }
0x580: {  	v49 =	vadd.s32 v1, v41;
	v50 =	vld.idx.msk [tilespmem:v50+s14+$0x0], $0xffff;
	[tilespmem:s22+$0x90] =	vst v44  }
0x581: {  	v44 =	vld.idx.msk [tilespmem:v52+s14+$0x0], $0xffff;
	[tilespmem:s21+$0xFFFFFEB0] =	vst v42;
	v42 =	vadd.s32 v24, v33  }
0x582: {  	v52 =	vadd.s32 v1, v38;
	[tilespmem:s28+$0x240] =	vst v51;
	v47 =	vld.idx.msk [tilespmem:v47+s14+$0x0], $0xffff  }
0x583: {  	s28 =	sadd.s32 $0x800, s28;
	v51 =	vadd.s32 v6, v35;
	v48 =	vld.idx.msk [tilespmem:v48+s14+$0x0], $0xffff;
	[tilespmem:s23+$0xFFFFFFF0] =	vst v45;
	s23 =	smov.u32 s21;
	s21 =	smov.u32 s22  }
0x584: {  	v45 =	vadd.s32 v19, v34;
	s22 =	smov.u32 s25;
	s25 =	smov.u32 s28;
	[tilespmem:s28+$0x0] =	vst v39;
	v39 =	vld.idx.msk [tilespmem:v43+s14+$0x0], $0xffff  }
0x585: {  	v43 =	vld.idx.msk [tilespmem:v49+s14+$0x0], $0xffff;
	v49 =	vadd.s32 v20, v37;
	[tilespmem:s23+$0x2F0] =	vst v46  }
0x586: {  	[tilespmem:s28+$0xFFFFFC00] =	vst v40;
	v40 =	vadd.s32 v5, v32;
	v42 =	vld.idx.msk [tilespmem:v42+s14+$0x0], $0xffff  }
0x587: {  	v46 =	vld.idx.msk [tilespmem:v52+s14+$0x0], $0xffff;
	v52 =	vadd.s32 v2, v41;
	[tilespmem:s21+$0xB0] =	vst v44  }
0x588: {  	[tilespmem:s22+$0xFFFFFE40] =	vst v50;
	v44 =	vld.idx.msk [tilespmem:v51+s14+$0x0], $0xffff;
	v50 =	vadd.s32 v25, v33  }
0x589: {  	v51 =	vadd.s32 v2, v38;
	v45 =	vld.idx.msk [tilespmem:v45+s14+$0x0], $0xffff;
	[tilespmem:s22+$0x260] =	vst v48  }
0x58a: {  	v48 =	vld.idx.msk [tilespmem:v49+s14+$0x0], $0xffff;
	[tilespmem:s21+$0xFFFFFC90] =	vst v47;
	v47 =	vadd.s32 v7, v35  }
0x58b: {  	[tilespmem:s28+$0x20] =	vst v43;
	v43 =	vadd.s32 v20, v34;
	v40 =	vld.idx.msk [tilespmem:v40+s14+$0x0], $0xffff  }
0x58c: {  	v49 =	vld.idx.msk [tilespmem:v52+s14+$0x0], $0xffff;
	v52 =	vadd.s32 v21, v37;
	[tilespmem:s23+$0x310] =	vst v42  }
0x58d: {  	v42 =	vadd.s32 v6, v32;
	[tilespmem:s28+$0xFFFFFC20] =	vst v46;
	v46 =	vld.idx.msk [tilespmem:v50+s14+$0x0], $0xffff  }
0x58e: {  	v50 =	vld.idx.msk [tilespmem:v51+s14+$0x0], $0xffff;
	v51 =	vadd.s32 v3, v41;
	[tilespmem:s21+$0xD0] =	vst v44  }
0x58f: {  	[tilespmem:s22+$0xFFFFFE60] =	vst v45;
	v44 =	vld.idx.msk [tilespmem:v47+s14+$0x0], $0xffff;
	v45 =	vadd.s32 v26, v33  }
0x590: {  	v47 =	vadd.s32 v3, v38;
	v43 =	vld.idx.msk [tilespmem:v43+s14+$0x0], $0xffff;
	[tilespmem:s22+$0x280] =	vst v48  }
0x591: {  	v48 =	vld.idx.msk [tilespmem:v52+s14+$0x0], $0xffff;
	[tilespmem:s21+$0xFFFFFCB0] =	vst v40;
	v40 =	vadd.s32 v8, v35  }
0x592: {  	[tilespmem:s28+$0x40] =	vst v49;
	v49 =	vadd.s32 v21, v34;
	v42 =	vld.idx.msk [tilespmem:v42+s14+$0x0], $0xffff  }
0x593: {  	v52 =	vadd.s32 v22, v37;
	v51 =	vld.idx.msk [tilespmem:v51+s14+$0x0], $0xffff;
	[tilespmem:s23+$0x330] =	vst v46  }
0x594: {  	v46 =	vadd.s32 v7, v32;
	[tilespmem:s28+$0xFFFFFC40] =	vst v50;
	v45 =	vld.idx.msk [tilespmem:v45+s14+$0x0], $0xffff  }
0x595: {  	v50 =	vadd.s32 v4, v41;
	v47 =	vld.idx.msk [tilespmem:v47+s14+$0x0], $0xffff;
	[tilespmem:s21+$0xF0] =	vst v44  }
0x596: {  	[tilespmem:s22+$0xFFFFFE80] =	vst v43;
	v40 =	vld.idx.msk [tilespmem:v40+s14+$0x0], $0xffff;
	v43 =	vadd.s32 v27, v33  }
0x597: {  	v44 =	vadd.s32 v4, v38;
	v49 =	vld.idx.msk [tilespmem:v49+s14+$0x0], $0xffff;
	[tilespmem:s22+$0x2A0] =	vst v48  }
0x598: {  	v48 =	vld.idx.msk [tilespmem:v52+s14+$0x0], $0xffff;
	[tilespmem:s21+$0xFFFFFCD0] =	vst v42;
	v42 =	vadd.s32 v9, v35  }
0x599: {  	[tilespmem:s28+$0x60] =	vst v51;
	v51 =	vadd.s32 v22, v34;
	v46 =	vld.idx.msk [tilespmem:v46+s14+$0x0], $0xffff  }
0x59a: {  	v52 =	vadd.s32 v23, v37;
	v50 =	vld.idx.msk [tilespmem:v50+s14+$0x0], $0xffff;
	[tilespmem:s23+$0x350] =	vst v45  }
0x59b: {  	v45 =	vadd.s32 v8, v32;
	[tilespmem:s28+$0xFFFFFC60] =	vst v47;
	v43 =	vld.idx.msk [tilespmem:v43+s14+$0x0], $0xffff  }
0x59c: {  	v47 =	vadd.s32 v5, v41;
	v44 =	vld.idx.msk [tilespmem:v44+s14+$0x0], $0xffff;
	[tilespmem:s21+$0x110] =	vst v40  }
0x59d: {  	[tilespmem:s22+$0xFFFFFEA0] =	vst v49;
	v40 =	vld.idx.msk [tilespmem:v42+s14+$0x0], $0xffff;
	v42 =	vadd.s32 v28, v33  }
0x59e: {  	v49 =	vadd.s32 v5, v38;
	v51 =	vld.idx.msk [tilespmem:v51+s14+$0x0], $0xffff;
	[tilespmem:s22+$0x2C0] =	vst v48  }
0x59f: {  	v48 =	vld.idx.msk [tilespmem:v52+s14+$0x0], $0xffff;
	[tilespmem:s21+$0xFFFFFCF0] =	vst v46;
	v46 =	vadd.s32 v10, v35  }
0x5a0: {  	[tilespmem:s28+$0x80] =	vst v50;
	v50 =	vadd.s32 v23, v34;
	v45 =	vld.idx.msk [tilespmem:v45+s14+$0x0], $0xffff  }
0x5a1: {  	v52 =	vadd.s32 v24, v37;
	v47 =	vld.idx.msk [tilespmem:v47+s14+$0x0], $0xffff;
	[tilespmem:s23+$0x370] =	vst v43  }
0x5a2: {  	v43 =	vadd.s32 v9, v32;
	[tilespmem:s28+$0xFFFFFC80] =	vst v44;
	v42 =	vld.idx.msk [tilespmem:v42+s14+$0x0], $0xffff  }
0x5a3: {  	v44 =	vld.idx.msk [tilespmem:v49+s14+$0x0], $0xffff;
	v49 =	vadd.s32 v6, v41;
	[tilespmem:s21+$0x130] =	vst v40  }
0x5a4: {  	[tilespmem:s22+$0xFFFFFEC0] =	vst v51;
	v40 =	vld.idx.msk [tilespmem:v46+s14+$0x0], $0xffff;
	v46 =	vadd.s32 v29, v33  }
0x5a5: {  	v51 =	vadd.s32 v6, v38;
	v50 =	vld.idx.msk [tilespmem:v50+s14+$0x0], $0xffff;
	[tilespmem:s22+$0x2E0] =	vst v48  }
0x5a6: {  	v48 =	vld.idx.msk [tilespmem:v52+s14+$0x0], $0xffff;
	[tilespmem:s21+$0xFFFFFD10] =	vst v45;
	v45 =	vadd.s32 v11, v35  }
0x5a7: {  	[tilespmem:s28+$0xA0] =	vst v47;
	v47 =	vadd.s32 v24, v34;
	v43 =	vld.idx.msk [tilespmem:v43+s14+$0x0], $0xffff  }
0x5a8: {  	v52 =	vadd.s32 v25, v37;
	v49 =	vld.idx.msk [tilespmem:v49+s14+$0x0], $0xffff;
	[tilespmem:s23+$0x390] =	vst v42  }
0x5a9: {  	v42 =	vadd.s32 v10, v32;
	[tilespmem:s28+$0xFFFFFCA0] =	vst v44;
	v44 =	vld.idx.msk [tilespmem:v46+s14+$0x0], $0xffff  }
0x5aa: {  	v46 =	vld.idx.msk [tilespmem:v51+s14+$0x0], $0xffff;
	v51 =	vadd.s32 v7, v41;
	[tilespmem:s21+$0x150] =	vst v40  }
0x5ab: {  	[tilespmem:s22+$0xFFFFFEE0] =	vst v50;
	v40 =	vld.idx.msk [tilespmem:v45+s14+$0x0], $0xffff;
	v45 =	vadd.s32 v30, v33  }
0x5ac: {  	v50 =	vadd.s32 v7, v38;
	v47 =	vld.idx.msk [tilespmem:v47+s14+$0x0], $0xffff;
	[tilespmem:s22+$0x300] =	vst v48  }
0x5ad: {  	v48 =	vld.idx.msk [tilespmem:v52+s14+$0x0], $0xffff;
	[tilespmem:s21+$0xFFFFFD30] =	vst v43;
	v43 =	vadd.s32 v12, v35  }
0x5ae: {  	[tilespmem:s28+$0xC0] =	vst v49;
	v49 =	vadd.s32 v25, v34;
	v42 =	vld.idx.msk [tilespmem:v42+s14+$0x0], $0xffff  }
0x5af: {  	v52 =	vadd.s32 v26, v37;
	v51 =	vld.idx.msk [tilespmem:v51+s14+$0x0], $0xffff;
	[tilespmem:s23+$0x3B0] =	vst v44  }
0x5b0: {  	v44 =	vadd.s32 v11, v32;
	[tilespmem:s28+$0xFFFFFCC0] =	vst v46;
	v45 =	vld.idx.msk [tilespmem:v45+s14+$0x0], $0xffff  }
0x5b1: {  	v46 =	vld.idx.msk [tilespmem:v50+s14+$0x0], $0xffff;
	v50 =	vadd.s32 v8, v41;
	[tilespmem:s21+$0x170] =	vst v40  }
0x5b2: {  	[tilespmem:s22+$0xFFFFFF00] =	vst v47;
	v40 =	vld.idx.msk [tilespmem:v43+s14+$0x0], $0xffff;
	v43 =	vadd.s32 v31, v33;
	v33 =	vmov v35  }
0x5b3: {  	v35 =	vadd.s32 v8, v38;
	v47 =	vld.idx.msk [tilespmem:v49+s14+$0x0], $0xffff;
	[tilespmem:s22+$0x320] =	vst v48  }
0x5b4: {  	v48 =	vmov s29;
	v49 =	vld.idx.msk [tilespmem:v52+s14+$0x0], $0xffff;
	[tilespmem:s21+$0xFFFFFD50] =	vst v42;
	v52 =	vadd.s32 v13, v33  }
0x5b5: {  	v42 =	vmul.u32 $0x28, v48;
	v48 =	vadd.s32 v26, v34;
	[tilespmem:s28+$0xE0] =	vst v51;
	v44 =	vld.idx.msk [tilespmem:v44+s14+$0x0], $0xffff  }
0x5b6: {  	v51 =	vadd.s32 v27, v37;
	v50 =	vld.idx.msk [tilespmem:v50+s14+$0x0], $0xffff;
	[tilespmem:s23+$0x3D0] =	vst v45  }
0x5b7: {  	v42 =	vbroadcast v42, $0x0;
	v45 =	vadd.s32 v12, v32;
	[tilespmem:s28+$0xFFFFFCE0] =	vst v46;
	v43 =	vld.idx.msk [tilespmem:v43+s14+$0x0], $0xffff  }
0x5b8: {  	v46 =	vadd.s32 v9, v41;
	v35 =	vld.idx.msk [tilespmem:v35+s14+$0x0], $0xffff;
	[tilespmem:s21+$0x190] =	vst v40  }
0x5b9: {  	v40 =	vadd.s32 v0, v42;
	[tilespmem:s22+$0xFFFFFF20] =	vst v47;
	v47 =	vld.idx.msk [tilespmem:v52+s14+$0x0], $0xffff  }
0x5ba: {  	v52 =	vadd.s32 v9, v38;
	v48 =	vld.idx.msk [tilespmem:v48+s14+$0x0], $0xffff;
	[tilespmem:s22+$0x340] =	vst v49  }
0x5bb: {  	v49 =	vld.idx.msk [tilespmem:v51+s14+$0x0], $0xffff;
	[tilespmem:s21+$0xFFFFFD70] =	vst v44;
	v44 =	vadd.s32 v14, v33  }
0x5bc: {  	[tilespmem:s28+$0x100] =	vst v50;
	v50 =	vadd.s32 v27, v34;
	v45 =	vld.idx.msk [tilespmem:v45+s14+$0x0], $0xffff  }
0x5bd: {  	v51 =	vadd.s32 v28, v37;
	v46 =	vld.idx.msk [tilespmem:v46+s14+$0x0], $0xffff;
	[tilespmem:s23+$0x3F0] =	vst v43  }
0x5be: {  	v40 =	vld.idx.msk [tilespmem:v40+s14+$0x0], $0xffff;
	[tilespmem:s28+$0xFFFFFD00] =	vst v35;
	v35 =	vadd.s32 v13, v32  }
0x5bf: {  	v43 =	vld.idx.msk [tilespmem:v52+s14+$0x0], $0xffff;
	v52 =	vadd.s32 v10, v41;
	[tilespmem:s21+$0x1B0] =	vst v47  }
0x5c0: {  	v47 =	vadd.s32 v23, v36;
	[tilespmem:s22+$0xFFFFFF40] =	vst v48;
	v44 =	vld.idx.msk [tilespmem:v44+s14+$0x0], $0xffff  }
0x5c1: {  	v48 =	vadd.s32 v10, v38;
	v50 =	vld.idx.msk [tilespmem:v50+s14+$0x0], $0xffff;
	[tilespmem:s22+$0x360] =	vst v49  }
0x5c2: {  	v49 =	vld.idx.msk [tilespmem:v51+s14+$0x0], $0xffff;
	[tilespmem:s21+$0xFFFFFD90] =	vst v45;
	v45 =	vadd.s32 v15, v33  }
0x5c3: {  	[tilespmem:s28+$0x120] =	vst v46;
	v46 =	vadd.s32 v28, v34;
	v35 =	vld.idx.msk [tilespmem:v35+s14+$0x0], $0xffff  }
0x5c4: {  	v51 =	vld.idx.msk [tilespmem:v52+s14+$0x0], $0xffff;
	v52 =	vadd.s32 v29, v37;
	[tilespmem:s23+$0xFFFFFED0] =	vst v39  }
0x5c5: {  	v39 =	vadd.s32 v14, v32;
	[tilespmem:s28+$0xFFFFFD20] =	vst v43;
	v43 =	vld.idx.msk [tilespmem:v47+s14+$0x0], $0xffff  }
0x5c6: {  	v47 =	vld.idx.msk [tilespmem:v48+s14+$0x0], $0xffff;
	v48 =	vadd.s32 v11, v41;
	[tilespmem:s21+$0x1D0] =	vst v44  }
0x5c7: {  	[tilespmem:s22+$0xFFFFFF60] =	vst v50;
	v44 =	vld.idx.msk [tilespmem:v45+s14+$0x0], $0xffff;
	v45 =	vadd.s32 v24, v36  }
0x5c8: {  	v50 =	vadd.s32 v11, v38;
	v46 =	vld.idx.msk [tilespmem:v46+s14+$0x0], $0xffff;
	[tilespmem:s22+$0x380] =	vst v49  }
0x5c9: {  	v49 =	vld.idx.msk [tilespmem:v52+s14+$0x0], $0xffff;
	[tilespmem:s21+$0xFFFFFDB0] =	vst v35;
	v35 =	vadd.s32 v16, v33  }
0x5ca: {  	[tilespmem:s28+$0x140] =	vst v51;
	v51 =	vadd.s32 v29, v34;
	v39 =	vld.idx.msk [tilespmem:v39+s14+$0x0], $0xffff  }
0x5cb: {  	v52 =	vadd.s32 v30, v37;
	v48 =	vld.idx.msk [tilespmem:v48+s14+$0x0], $0xffff;
	[tilespmem:s23+$0xFFFFFEF0] =	vst v43  }
0x5cc: {  	v43 =	vadd.s32 v15, v32;
	[tilespmem:s28+$0xFFFFFD40] =	vst v47;
	v45 =	vld.idx.msk [tilespmem:v45+s14+$0x0], $0xffff  }
0x5cd: {  	v47 =	vld.idx.msk [tilespmem:v50+s14+$0x0], $0xffff;
	v50 =	vadd.s32 v12, v41;
	[tilespmem:s21+$0x1F0] =	vst v44  }
0x5ce: {  	v44 =	vadd.s32 v25, v36;
	[tilespmem:s22+$0xFFFFFF80] =	vst v46;
	v35 =	vld.idx.msk [tilespmem:v35+s14+$0x0], $0xffff  }
0x5cf: {  	v46 =	vadd.s32 v12, v38;
	v51 =	vld.idx.msk [tilespmem:v51+s14+$0x0], $0xffff;
	[tilespmem:s22+$0x3A0] =	vst v49  }
0x5d0: {  	v49 =	vld.idx.msk [tilespmem:v52+s14+$0x0], $0xffff;
	[tilespmem:s21+$0xFFFFFDD0] =	vst v39;
	v39 =	vadd.s32 v17, v33  }
0x5d1: {  	[tilespmem:s28+$0x160] =	vst v48;
	v48 =	vadd.s32 v30, v34;
	v43 =	vld.idx.msk [tilespmem:v43+s14+$0x0], $0xffff  }
0x5d2: {  	v52 =	vadd.s32 v31, v37;
	v37 =	vmov v41;
	v50 =	vld.idx.msk [tilespmem:v50+s14+$0x0], $0xffff;
	[tilespmem:s23+$0xFFFFFF10] =	vst v45  }
0x5d3: {  	s30 =	sadd.s32 $0x1A1, s24;
	v41 =	vadd.s32 v16, v32;
	[tilespmem:s28+$0xFFFFFD60] =	vst v47;
	v44 =	vld.idx.msk [tilespmem:v44+s14+$0x0], $0xffff  }
0x5d4: {  	v47 =	vmov s30;
	v45 =	vld.idx.msk [tilespmem:v46+s14+$0x0], $0xffff;
	v46 =	vadd.s32 v13, v37;
	[tilespmem:s21+$0x210] =	vst v35  }
0x5d5: {  	v35 =	vmul.u32 $0x28, v47;
	v47 =	vadd.s32 v26, v36;
	[tilespmem:s22+$0xFFFFFFA0] =	vst v51;
	v39 =	vld.idx.msk [tilespmem:v39+s14+$0x0], $0xffff  }
0x5d6: {  	v51 =	vadd.s32 v13, v38;
	v48 =	vld.idx.msk [tilespmem:v48+s14+$0x0], $0xffff;
	[tilespmem:s22+$0x3C0] =	vst v49  }
0x5d7: {  	v35 =	vbroadcast v35, $0x0;
	v49 =	vld.idx.msk [tilespmem:v52+s14+$0x0], $0xffff;
	[tilespmem:s21+$0xFFFFFDF0] =	vst v43;
	v43 =	vadd.s32 v18, v33  }
0x5d8: {  	[tilespmem:s28+$0x180] =	vst v50;
	v50 =	vadd.s32 v31, v34;
	v41 =	vld.idx.msk [tilespmem:v41+s14+$0x0], $0xffff;
	v34 =	vmov v38;
	v38 =	vmov v42  }
0x5d9: {  	s30 =	sadd.s32 $0x1A0, s24;
	s24 =	smov.u32 s26;
	s26 =	smov.u32 s29;
	v42 =	vld.idx.msk [tilespmem:v46+s14+$0x0], $0xffff;
	v46 =	vadd.s32 v0, v35;
	[tilespmem:s23+$0xFFFFFF30] =	vst v44  }
0x5da: {  	v44 =	vmov s30;
	[tilespmem:s28+$0xFFFFFD80] =	vst v45;
	v45 =	vadd.s32 v17, v32;
	v47 =	vld.idx.msk [tilespmem:v47+s14+$0x0], $0xffff  }
0x5db: {  	v52 =	vadd.s32 v14, v37;
	v44 =	vmul.u32 $0x28, v44;
	v51 =	vld.idx.msk [tilespmem:v51+s14+$0x0], $0xffff;
	[tilespmem:s21+$0x230] =	vst v39  }
0x5dc: {  	[tilespmem:s22+$0xFFFFFFC0] =	vst v48;
	v43 =	vld.idx.msk [tilespmem:v43+s14+$0x0], $0xffff;
	v48 =	vadd.s32 v27, v36  }
0x5dd: {  	v53 =	vadd.s32 v14, v34;
	v39 =	vbroadcast v44, $0x0;
	v50 =	vld.idx.msk [tilespmem:v50+s14+$0x0], $0xffff;
	[tilespmem:s22+$0x3E0] =	vst v49  }
0x5de: {  	v44 =	vld.idx.msk [tilespmem:v46+s14+$0x0], $0xffff;
	[tilespmem:s21+$0xFFFFFE10] =	vst v41;
	v41 =	vadd.s32 v19, v33  }
0x5df: {  	[tilespmem:s28+$0x1A0] =	vst v42;
	v42 =	vadd.s32 v0, v39;
	v45 =	vld.idx.msk [tilespmem:v45+s14+$0x0], $0xffff  }
0x5e0: {  	v49 =	vadd.s32 v1, v35;
	v46 =	vld.idx.msk [tilespmem:v52+s14+$0x0], $0xffff;
	[tilespmem:s23+$0xFFFFFF50] =	vst v47  }
0x5e1: {  	v47 =	vadd.s32 v18, v32;
	[tilespmem:s28+$0xFFFFFDA0] =	vst v51;
	v48 =	vld.idx.msk [tilespmem:v48+s14+$0x0], $0xffff  }
0x5e2: {  	v52 =	vadd.s32 v15, v37;
	v51 =	vld.idx.msk [tilespmem:v53+s14+$0x0], $0xffff;
	[tilespmem:s21+$0x250] =	vst v43  }
0x5e3: {  	v43 =	vadd.s32 v28, v36;
	[tilespmem:s22+$0xFFFFFFE0] =	vst v50;
	v41 =	vld.idx.msk [tilespmem:v41+s14+$0x0], $0xffff  }
0x5e4: {  	v50 =	vadd.s32 v15, v34;
	v42 =	vld.idx.msk [tilespmem:v42+s14+$0x0], $0xffff;
	[tilespmem:s22+$0x10] =	vst v44  }
0x5e5: {  	v44 =	vld.idx.msk [tilespmem:v49+s14+$0x0], $0xffff;
	[tilespmem:s21+$0xFFFFFE30] =	vst v45;
	v45 =	vadd.s32 v20, v33  }
0x5e6: {  	[tilespmem:s28+$0x1C0] =	vst v46;
	v46 =	vadd.s32 v1, v39;
	v47 =	vld.idx.msk [tilespmem:v47+s14+$0x0], $0xffff  }
0x5e7: {  	v49 =	vld.idx.msk [tilespmem:v52+s14+$0x0], $0xffff;
	v52 =	vadd.s32 v2, v35;
	[tilespmem:s23+$0xFFFFFF70] =	vst v48  }
0x5e8: {  	v48 =	vadd.s32 v19, v32;
	[tilespmem:s28+$0xFFFFFDC0] =	vst v51;
	v43 =	vld.idx.msk [tilespmem:v43+s14+$0x0], $0xffff  }
0x5e9: {  	v51 =	vadd.s32 v16, v37;
	v50 =	vld.idx.msk [tilespmem:v50+s14+$0x0], $0xffff;
	[tilespmem:s21+$0x270] =	vst v41  }
0x5ea: {  	v41 =	vadd.s32 v29, v36;
	[tilespmem:s22+$0xFFFFFC10] =	vst v42;
	v45 =	vld.idx.msk [tilespmem:v45+s14+$0x0], $0xffff  }
0x5eb: {  	v42 =	vadd.s32 v16, v34;
	v53 =	vld.idx.msk [tilespmem:v46+s14+$0x0], $0xffff;
	[tilespmem:s22+$0x30] =	vst v44  }
0x5ec: {  	v44 =	vld.idx.msk [tilespmem:v52+s14+$0x0], $0xffff;
	[tilespmem:s21+$0xFFFFFE50] =	vst v47;
	v47 =	vadd.s32 v21, v33  }
0x5ed: {  	v52 =	vadd.s32 v2, v39;
	[tilespmem:s28+$0x1E0] =	vst v49;
	v54 =	vld.idx.msk [tilespmem:v48+s14+$0x0], $0xffff  }
0x5ee: {  	v55 =	vadd.s32 v3, v35;
	v46 =	vld.idx.msk [tilespmem:v51+s14+$0x0], $0xffff;
	[tilespmem:s23+$0xFFFFFF90] =	vst v43  }
.Ltmp6:
0x5ef: {  	v49 =	vadd.s32 v20, v32;
	[tilespmem:s28+$0xFFFFFDE0] =	vst v50;
	v41 =	vld.idx.msk [tilespmem:v41+s14+$0x0], $0xffff;
	(pc) =	sbr.rel @p0 .LBB2_14-.Ltmp6, $4  }
0x5f0: {  	v51 =	vadd.s32 v17, v37;
	v42 =	vld.idx.msk [tilespmem:v42+s14+$0x0], $0xffff;
	[tilespmem:s21+$0x290] =	vst v45  }
0x5f1: {  	[tilespmem:s22+$0xFFFFFC30] =	vst v53;
	v43 =	vld.idx.msk [tilespmem:v47+s14+$0x0], $0xffff;
	v47 =	vadd.s32 v30, v36  }
0x5f2: {  	v48 =	vadd.s32 v17, v34;
	v45 =	vld.idx.msk [tilespmem:v52+s14+$0x0], $0xffff;
	[tilespmem:s22+$0x50] =	vst v44  }
0x5f3: {  	s29 =	sadd.s32 $0x2, s29;
	s30 =	sadd.s32 $0x1, s26;
	v50 =	vadd.s32 v22, v33;
	v44 =	vld.idx.msk [tilespmem:v55+s14+$0x0], $0xffff;
	[tilespmem:s21+$0xFFFFFE70] =	vst v54  }
0x5f4: {  	_ =	sdelay $0x3  }
0x5f5: {  	[tilespmem:s28+$0x200] =	vst v46;
	v57 =	vadd.s32 v3, v39;
	v49 =	vld.idx.msk [tilespmem:v49+s14+$0x0], $0xffff  }
0x5f6: {  	v53 =	vadd.s32 v4, v35;
	[tilespmem:s23+$0xFFFFFFB0] =	vst v41;
	v51 =	vld.idx.msk [tilespmem:v51+s14+$0x0], $0xffff  }
0x5f7: {  	v52 =	vmov s30;
	v58 =	vadd.s32 v21, v32;
	[tilespmem:s28+$0xFFFFFE00] =	vst v42;
	v47 =	vld.idx.msk [tilespmem:v47+s14+$0x0], $0xffff  }
0x5f8: {  	v59 =	vadd.s32 v18, v37;
	v52 =	vmul.u32 $0x28, v52;
	v48 =	vld.idx.msk [tilespmem:v48+s14+$0x0], $0xffff;
	[tilespmem:s21+$0x2B0] =	vst v43  }
0x5f9: {  	v36 =	vadd.s32 v31, v36;
	[tilespmem:s22+$0xFFFFFC50] =	vst v45;
	v43 =	vld.idx.msk [tilespmem:v50+s14+$0x0], $0xffff  }
0x5fa: {  	v62 =	vadd.s32 v18, v34;
	v42 =	vbroadcast v52, $0x0;
	[tilespmem:s22+$0x70] =	vst v44;
	v46 =	vld.idx.msk [tilespmem:v57+s14+$0x0], $0xffff  }
0x5fb: {  	v61 =	vadd.s32 v23, v33;
	v44 =	vld.idx.msk [tilespmem:v53+s14+$0x0], $0xffff;
	[tilespmem:s21+$0xFFFFFE90] =	vst v49  }
0x5fc: {  	v60 =	vadd.s32 v0, v42;
	[tilespmem:s28+$0x220] =	vst v51;
	v41 =	vld.idx.msk [tilespmem:v58+s14+$0x0], $0xffff  }
0x5fd: {  	v63 =	vadd.s32 v5, v35;
	[tilespmem:s23+$0xFFFFFFD0] =	vst v47;
	v51 =	vld.idx.msk [tilespmem:v59+s14+$0x0], $0xffff  }
0x5fe: {  	v56 =	vadd.s32 v4, v39;
	[tilespmem:s28+$0xFFFFFE20] =	vst v48;
	v36 =	vld.idx.msk [tilespmem:v36+s14+$0x0], $0xffff  }
0x5ff: {  	v58 =	vadd.s32 v22, v32;
	[tilespmem:s21+$0x2D0] =	vst v43;
	v50 =	vld.idx.msk [tilespmem:v62+s14+$0x0], $0xffff  }
0x600: {  	v57 =	vadd.s32 v19, v37;
	v59 =	vld.idx.msk [tilespmem:v61+s14+$0x0], $0xffff;
	[tilespmem:s22+$0xFFFFFC70] =	vst v46  }
0x601: {  	v61 =	vadd.s32 v24, v33;
	v45 =	vld.idx.msk [tilespmem:v60+s14+$0x0], $0xffff;
	[tilespmem:s22+$0x90] =	vst v44  }
0x602: {  	v60 =	vadd.s32 v1, v42;
	v44 =	vld.idx.msk [tilespmem:v63+s14+$0x0], $0xffff;
	[tilespmem:s21+$0xFFFFFEB0] =	vst v41  }
0x603: {  	v62 =	vadd.s32 v1, v38;
	v47 =	vld.idx.msk [tilespmem:v56+s14+$0x0], $0xffff;
	[tilespmem:s28+$0x240] =	vst v51  }
0x604: {  	v56 =	vadd.s32 v19, v34;
	[tilespmem:s23+$0xFFFFFFF0] =	vst v36;
	v41 =	vld.idx.msk [tilespmem:v58+s14+$0x0], $0xffff  }
0x605: {  	v63 =	vadd.s32 v6, v35;
	s28 =	sadd.s32 $0x800, s28;
	v48 =	vld.idx.msk [tilespmem:v57+s14+$0x0], $0xffff;
	[tilespmem:s21+$0x2F0] =	vst v59  }
0x606: {  	v58 =	vadd.s32 v20, v37;
	[tilespmem:s28+$0x0] =	vst v45;
	v46 =	vld.idx.msk [tilespmem:v61+s14+$0x0], $0xffff  }
0x607: {  	[tilespmem:s28+$0xFFFFFC00] =	vst v40;
	v59 =	vadd.s32 v5, v39;
	v57 =	vld.idx.msk [tilespmem:v60+s14+$0x0], $0xffff  }
0x608: {  	[tilespmem:s25+$0xFFFFFE40] =	vst v50;
	v60 =	vld.idx.msk [tilespmem:v62+s14+$0x0], $0xffff;
	v62 =	vadd.s32 v25, v33  }
0x609: {  	v61 =	vadd.s32 v2, v42;
	[tilespmem:s22+$0xB0] =	vst v44;
	v36 =	vld.idx.msk [tilespmem:v56+s14+$0x0], $0xffff  }
0x60a: {  	v44 =	vld.idx.msk [tilespmem:v63+s14+$0x0], $0xffff;
	v63 =	vadd.s32 v2, v38;
	[tilespmem:s25+$0x260] =	vst v48  }
0x60b: {  	[tilespmem:s22+$0xFFFFFC90] =	vst v47;
	v56 =	vadd.s32 v7, v35;
	v45 =	vld.idx.msk [tilespmem:v58+s14+$0x0], $0xffff  }
0x60c: {  	v40 =	vld.idx.msk [tilespmem:v59+s14+$0x0], $0xffff;
	v58 =	vadd.s32 v21, v37;
	[tilespmem:s21+$0x310] =	vst v46  }
0x60d: {  	[tilespmem:s28+$0x20] =	vst v57;
	v57 =	vadd.s32 v20, v34;
	v49 =	vld.idx.msk [tilespmem:v62+s14+$0x0], $0xffff  }
0x60e: {  	v59 =	vadd.s32 v6, v39;
	[tilespmem:s28+$0xFFFFFC20] =	vst v60;
	v48 =	vld.idx.msk [tilespmem:v61+s14+$0x0], $0xffff  }
0x60f: {  	v60 =	vld.idx.msk [tilespmem:v63+s14+$0x0], $0xffff;
	[tilespmem:s22+$0xD0] =	vst v44;
	v63 =	vadd.s32 v26, v33  }
0x610: {  	v61 =	vadd.s32 v3, v42;
	v62 =	vld.idx.msk [tilespmem:v56+s14+$0x0], $0xffff;
	[tilespmem:s25+$0x280] =	vst v45  }
0x611: {  	[tilespmem:s25+$0xFFFFFE60] =	vst v36;
	v56 =	vadd.s32 v3, v38;
	v45 =	vld.idx.msk [tilespmem:v58+s14+$0x0], $0xffff  }
0x612: {  	[tilespmem:s22+$0xFFFFFCB0] =	vst v40;
	v43 =	vld.idx.msk [tilespmem:v57+s14+$0x0], $0xffff;
	v57 =	vadd.s32 v8, v35  }
0x613: {  	v46 =	vld.idx.msk [tilespmem:v59+s14+$0x0], $0xffff;
	v59 =	vadd.s32 v22, v37;
	[tilespmem:s21+$0x330] =	vst v49  }
0x614: {  	v58 =	vadd.s32 v21, v34;
	[tilespmem:s28+$0x40] =	vst v48;
	v44 =	vld.idx.msk [tilespmem:v63+s14+$0x0], $0xffff  }
0x615: {  	[tilespmem:s28+$0xFFFFFC40] =	vst v60;
	v60 =	vadd.s32 v7, v39;
	v51 =	vld.idx.msk [tilespmem:v61+s14+$0x0], $0xffff  }
0x616: {  	v47 =	vld.idx.msk [tilespmem:v56+s14+$0x0], $0xffff;
	[tilespmem:s22+$0xF0] =	vst v62;
	v62 =	vadd.s32 v27, v33  }
0x617: {  	v61 =	vadd.s32 v4, v42;
	[tilespmem:s25+$0x2A0] =	vst v45;
	v36 =	vld.idx.msk [tilespmem:v57+s14+$0x0], $0xffff  }
0x618: {  	v63 =	vadd.s32 v4, v38;
	[tilespmem:s25+$0xFFFFFE80] =	vst v43;
	v45 =	vld.idx.msk [tilespmem:v59+s14+$0x0], $0xffff  }
0x619: {  	v56 =	vadd.s32 v9, v35;
	[tilespmem:s22+$0xFFFFFCD0] =	vst v46;
	v48 =	vld.idx.msk [tilespmem:v58+s14+$0x0], $0xffff  }
0x61a: {  	v49 =	vld.idx.msk [tilespmem:v60+s14+$0x0], $0xffff;
	v58 =	vadd.s32 v23, v37;
	[tilespmem:s21+$0x350] =	vst v44  }
0x61b: {  	v57 =	vadd.s32 v22, v34;
	[tilespmem:s28+$0x60] =	vst v51;
	v40 =	vld.idx.msk [tilespmem:v62+s14+$0x0], $0xffff  }
0x61c: {  	v59 =	vadd.s32 v8, v39;
	[tilespmem:s28+$0xFFFFFC60] =	vst v47;
	v50 =	vld.idx.msk [tilespmem:v61+s14+$0x0], $0xffff  }
0x61d: {  	v43 =	vld.idx.msk [tilespmem:v63+s14+$0x0], $0xffff;
	v61 =	vadd.s32 v28, v33;
	[tilespmem:s22+$0x110] =	vst v36  }
0x61e: {  	v60 =	vadd.s32 v5, v42;
	[tilespmem:s25+$0x2C0] =	vst v45;
	v36 =	vld.idx.msk [tilespmem:v56+s14+$0x0], $0xffff  }
0x61f: {  	v62 =	vadd.s32 v5, v38;
	[tilespmem:s25+$0xFFFFFEA0] =	vst v48;
	v45 =	vld.idx.msk [tilespmem:v58+s14+$0x0], $0xffff  }
0x620: {  	v63 =	vadd.s32 v10, v35;
	[tilespmem:s22+$0xFFFFFCF0] =	vst v49;
	v51 =	vld.idx.msk [tilespmem:v57+s14+$0x0], $0xffff  }
0x621: {  	v44 =	vld.idx.msk [tilespmem:v59+s14+$0x0], $0xffff;
	v57 =	vadd.s32 v24, v37;
	[tilespmem:s21+$0x370] =	vst v40  }
0x622: {  	v56 =	vadd.s32 v23, v34;
	[tilespmem:s28+$0x80] =	vst v50;
	v59 =	vld.idx.msk [tilespmem:v61+s14+$0x0], $0xffff  }
0x623: {  	v58 =	vadd.s32 v9, v39;
	[tilespmem:s28+$0xFFFFFC80] =	vst v43;
	v47 =	vld.idx.msk [tilespmem:v60+s14+$0x0], $0xffff  }
0x624: {  	v61 =	vadd.s32 v6, v42;
	v60 =	vld.idx.msk [tilespmem:v62+s14+$0x0], $0xffff;
	[tilespmem:s22+$0x130] =	vst v36  }
0x625: {  	v62 =	vadd.s32 v6, v38;
	[tilespmem:s25+$0x2E0] =	vst v45;
	v36 =	vld.idx.msk [tilespmem:v63+s14+$0x0], $0xffff  }
0x626: {  	[tilespmem:s25+$0xFFFFFEC0] =	vst v51;
	v45 =	vld.idx.msk [tilespmem:v57+s14+$0x0], $0xffff  }
0x627: {  	v63 =	vadd.s32 v29, v33;
	[tilespmem:s22+$0xFFFFFD10] =	vst v44;
	v50 =	vld.idx.msk [tilespmem:v56+s14+$0x0], $0xffff  }
0x628: {  	v56 =	vadd.s32 v11, v35;
	v44 =	vld.idx.msk [tilespmem:v58+s14+$0x0], $0xffff;
	[tilespmem:s28+$0xA0] =	vst v47  }
0x629: {  	v57 =	vadd.s32 v24, v34;
	[tilespmem:s28+$0xFFFFFCA0] =	vst v60;
	v48 =	vld.idx.msk [tilespmem:v61+s14+$0x0], $0xffff  }
0x62a: {  	v58 =	vadd.s32 v7, v42;
	v46 =	vld.idx.msk [tilespmem:v62+s14+$0x0], $0xffff  }
0x62b: {  	[tilespmem:s21+$0x390] =	vst v59;
	v59 =	vadd.s32 v7, v38  }
0x62c: {  	v40 =	vld.idx.msk [tilespmem:v63+s14+$0x0], $0xffff;
	[tilespmem:s22+$0x150] =	vst v36  }
0x62d: {  	[tilespmem:s25+$0xFFFFFEE0] =	vst v50;
	v43 =	vld.idx.msk [tilespmem:v56+s14+$0x0], $0xffff  }
0x62e: {  	v47 =	vld.idx.msk [tilespmem:v57+s14+$0x0], $0xffff;
	[tilespmem:s28+$0xC0] =	vst v48  }
0x62f: {  	[tilespmem:s28+$0xFFFFFCC0] =	vst v46;
	v48 =	vld.idx.msk [tilespmem:v58+s14+$0x0], $0xffff  }
0x630: {  	v60 =	vadd.s32 v8, v42;
	v36 =	vld.idx.msk [tilespmem:v59+s14+$0x0], $0xffff  }
0x631: {  	v61 =	vadd.s32 v8, v38;
	_ =	sdelay $0x2  }
0x632: {  	[tilespmem:s28+$0xE0] =	vst v48  }
0x633: {  	[tilespmem:s28+$0xFFFFFCE0] =	vst v36;
	v46 =	vld.idx.msk [tilespmem:v60+s14+$0x0], $0xffff  }
0x634: {  	v62 =	vadd.s32 v9, v42;
	v36 =	vld.idx.msk [tilespmem:v61+s14+$0x0], $0xffff  }
0x635: {  	v63 =	vadd.s32 v9, v38;
	_ =	sdelay $0x2  }
0x636: {  	[tilespmem:s28+$0x100] =	vst v46  }
0x637: {  	[tilespmem:s28+$0xFFFFFD00] =	vst v36;
	v46 =	vld.idx.msk [tilespmem:v62+s14+$0x0], $0xffff  }
0x638: {  	v52 =	vadd.s32 v10, v42;
	v36 =	vld.idx.msk [tilespmem:v63+s14+$0x0], $0xffff  }
0x639: {  	v53 =	vadd.s32 v10, v38;
	_ =	sdelay $0x2  }
0x63a: {  	[tilespmem:s28+$0x120] =	vst v46  }
0x63b: {  	[tilespmem:s28+$0xFFFFFD20] =	vst v36;
	v46 =	vld.idx.msk [tilespmem:v52+s14+$0x0], $0xffff  }
0x63c: {  	v54 =	vadd.s32 v11, v42;
	v36 =	vld.idx.msk [tilespmem:v53+s14+$0x0], $0xffff  }
0x63d: {  	v55 =	vadd.s32 v11, v38;
	_ =	sdelay $0x2  }
0x63e: {  	[tilespmem:s28+$0x140] =	vst v46  }
0x63f: {  	[tilespmem:s28+$0xFFFFFD40] =	vst v36;
	v46 =	vld.idx.msk [tilespmem:v54+s14+$0x0], $0xffff  }
0x640: {  	v56 =	vadd.s32 v12, v42;
	v36 =	vld.idx.msk [tilespmem:v55+s14+$0x0], $0xffff  }
0x641: {  	v57 =	vadd.s32 v12, v38;
	_ =	sdelay $0x2  }
0x642: {  	[tilespmem:s28+$0x160] =	vst v46  }
0x643: {  	[tilespmem:s28+$0xFFFFFD60] =	vst v36;
	v46 =	vld.idx.msk [tilespmem:v56+s14+$0x0], $0xffff  }
0x644: {  	v58 =	vadd.s32 v13, v42;
	v36 =	vld.idx.msk [tilespmem:v57+s14+$0x0], $0xffff  }
0x645: {  	v59 =	vadd.s32 v13, v38;
	_ =	sdelay $0x2  }
0x646: {  	[tilespmem:s28+$0x180] =	vst v46  }
0x647: {  	[tilespmem:s28+$0xFFFFFD80] =	vst v36;
	v46 =	vld.idx.msk [tilespmem:v58+s14+$0x0], $0xffff  }
0x648: {  	v60 =	vadd.s32 v14, v42;
	v36 =	vld.idx.msk [tilespmem:v59+s14+$0x0], $0xffff  }
0x649: {  	v61 =	vadd.s32 v14, v38;
	_ =	sdelay $0x2  }
0x64a: {  	[tilespmem:s28+$0x1A0] =	vst v46  }
0x64b: {  	[tilespmem:s28+$0xFFFFFDA0] =	vst v36;
	v46 =	vld.idx.msk [tilespmem:v60+s14+$0x0], $0xffff  }
0x64c: {  	v62 =	vadd.s32 v15, v42;
	v36 =	vld.idx.msk [tilespmem:v61+s14+$0x0], $0xffff  }
0x64d: {  	v63 =	vadd.s32 v15, v38;
	_ =	sdelay $0x2  }
0x64e: {  	[tilespmem:s28+$0x1C0] =	vst v46  }
0x64f: {  	[tilespmem:s28+$0xFFFFFDC0] =	vst v36;
	v46 =	vld.idx.msk [tilespmem:v62+s14+$0x0], $0xffff  }
0x650: {  	v52 =	vadd.s32 v16, v42;
	v36 =	vld.idx.msk [tilespmem:v63+s14+$0x0], $0xffff  }
0x651: {  	v53 =	vadd.s32 v16, v38;
	_ =	sdelay $0x2  }
0x652: {  	[tilespmem:s28+$0x1E0] =	vst v46  }
0x653: {  	[tilespmem:s28+$0xFFFFFDE0] =	vst v36;
	v46 =	vld.idx.msk [tilespmem:v52+s14+$0x0], $0xffff  }
0x654: {  	v54 =	vadd.s32 v17, v42;
	v36 =	vld.idx.msk [tilespmem:v53+s14+$0x0], $0xffff  }
0x655: {  	v55 =	vadd.s32 v17, v38;
	_ =	sdelay $0x2  }
0x656: {  	[tilespmem:s28+$0x200] =	vst v46  }
0x657: {  	[tilespmem:s28+$0xFFFFFE00] =	vst v36;
	v46 =	vld.idx.msk [tilespmem:v54+s14+$0x0], $0xffff  }
0x658: {  	v56 =	vadd.s32 v18, v42;
	v36 =	vld.idx.msk [tilespmem:v55+s14+$0x0], $0xffff  }
0x659: {  	v57 =	vadd.s32 v18, v38;
	_ =	sdelay $0x2  }
0x65a: {  	[tilespmem:s28+$0x220] =	vst v46  }
0x65b: {  	[tilespmem:s28+$0xFFFFFE20] =	vst v36;
	v46 =	vld.idx.msk [tilespmem:v56+s14+$0x0], $0xffff  }
0x65c: {  	v58 =	vadd.s32 v19, v42;
	v59 =	vld.idx.msk [tilespmem:v57+s14+$0x0], $0xffff  }
0x65d: {  	v60 =	vadd.s32 v19, v38;
	_ =	sdelay $0x2  }
0x65e: {  	[tilespmem:s28+$0x240] =	vst v46  }
0x65f: {  	[tilespmem:s28+$0xFFFFFE40] =	vst v59;
	v36 =	vld.idx.msk [tilespmem:v58+s14+$0x0], $0xffff  }
0x660: {  	v61 =	vadd.s32 v20, v42;
	v48 =	vld.idx.msk [tilespmem:v60+s14+$0x0], $0xffff  }
0x661: {  	v62 =	vadd.s32 v20, v38;
	_ =	sdelay $0x2  }
0x662: {  	[tilespmem:s28+$0x260] =	vst v36  }
0x663: {  	[tilespmem:s28+$0xFFFFFE60] =	vst v48;
	v36 =	vld.idx.msk [tilespmem:v61+s14+$0x0], $0xffff  }
0x664: {  	v63 =	vadd.s32 v21, v42;
	v48 =	vld.idx.msk [tilespmem:v62+s14+$0x0], $0xffff  }
0x665: {  	v52 =	vadd.s32 v21, v38;
	_ =	sdelay $0x2  }
0x666: {  	[tilespmem:s28+$0x280] =	vst v36  }
0x667: {  	[tilespmem:s28+$0xFFFFFE80] =	vst v48;
	v36 =	vld.idx.msk [tilespmem:v63+s14+$0x0], $0xffff  }
0x668: {  	v53 =	vadd.s32 v22, v42;
	v48 =	vld.idx.msk [tilespmem:v52+s14+$0x0], $0xffff  }
0x669: {  	v54 =	vadd.s32 v22, v38;
	_ =	sdelay $0x2  }
0x66a: {  	[tilespmem:s28+$0x2A0] =	vst v36  }
0x66b: {  	[tilespmem:s28+$0xFFFFFEA0] =	vst v48;
	v36 =	vld.idx.msk [tilespmem:v53+s14+$0x0], $0xffff  }
0x66c: {  	v55 =	vadd.s32 v23, v42;
	v48 =	vld.idx.msk [tilespmem:v54+s14+$0x0], $0xffff  }
0x66d: {  	v56 =	vadd.s32 v23, v38;
	_ =	sdelay $0x2  }
0x66e: {  	[tilespmem:s28+$0x2C0] =	vst v36  }
0x66f: {  	[tilespmem:s28+$0xFFFFFEC0] =	vst v48;
	v36 =	vld.idx.msk [tilespmem:v55+s14+$0x0], $0xffff  }
0x670: {  	v57 =	vadd.s32 v24, v42;
	v48 =	vld.idx.msk [tilespmem:v56+s14+$0x0], $0xffff  }
0x671: {  	v58 =	vadd.s32 v24, v38;
	_ =	sdelay $0x1  }
0x672: {  	v60 =	vadd.s32 v25, v34  }
0x673: {  	v59 =	vadd.s32 v25, v37;
	[tilespmem:s28+$0x2E0] =	vst v36  }
0x674: {  	[tilespmem:s28+$0xFFFFFEE0] =	vst v48;
	v46 =	vld.idx.msk [tilespmem:v57+s14+$0x0], $0xffff  }
0x675: {  	v61 =	vadd.s32 v25, v42;
	v49 =	vld.idx.msk [tilespmem:v58+s14+$0x0], $0xffff  }
0x676: {  	[tilespmem:s25+$0xFFFFFF00] =	vst v47;
	v62 =	vadd.s32 v25, v38  }
0x677: {  	[tilespmem:s25+$0x300] =	vst v45;
	v36 =	vld.idx.msk [tilespmem:v60+s14+$0x0], $0xffff  }
0x678: {  	v45 =	vld.idx.msk [tilespmem:v59+s14+$0x0], $0xffff;
	v54 =	vadd.s32 v26, v34  }
0x679: {  	v63 =	vadd.s32 v26, v37;
	[tilespmem:s28+$0x300] =	vst v46  }
0x67a: {  	[tilespmem:s28+$0xFFFFFF00] =	vst v49;
	v48 =	vld.idx.msk [tilespmem:v61+s14+$0x0], $0xffff  }
0x67b: {  	v55 =	vadd.s32 v26, v42;
	v56 =	vld.idx.msk [tilespmem:v62+s14+$0x0], $0xffff  }
0x67c: {  	v57 =	vadd.s32 v26, v38;
	[tilespmem:s25+$0xFFFFFF20] =	vst v36  }
0x67d: {  	[tilespmem:s25+$0x320] =	vst v45;
	v46 =	vld.idx.msk [tilespmem:v54+s14+$0x0], $0xffff  }
0x67e: {  	v59 =	vadd.s32 v27, v34;
	v45 =	vld.idx.msk [tilespmem:v63+s14+$0x0], $0xffff  }
0x67f: {  	v58 =	vadd.s32 v27, v37;
	[tilespmem:s28+$0x320] =	vst v48  }
0x680: {  	[tilespmem:s28+$0xFFFFFF20] =	vst v56;
	v48 =	vld.idx.msk [tilespmem:v55+s14+$0x0], $0xffff  }
0x681: {  	v60 =	vadd.s32 v27, v42;
	v50 =	vld.idx.msk [tilespmem:v57+s14+$0x0], $0xffff  }
0x682: {  	v61 =	vadd.s32 v27, v38;
	[tilespmem:s25+$0xFFFFFF40] =	vst v46  }
0x683: {  	[tilespmem:s25+$0x340] =	vst v45;
	v46 =	vld.idx.msk [tilespmem:v59+s14+$0x0], $0xffff  }
0x684: {  	v63 =	vadd.s32 v28, v34;
	v36 =	vld.idx.msk [tilespmem:v58+s14+$0x0], $0xffff  }
0x685: {  	v62 =	vadd.s32 v28, v37;
	[tilespmem:s28+$0x340] =	vst v48  }
0x686: {  	[tilespmem:s28+$0xFFFFFF40] =	vst v50;
	v48 =	vld.idx.msk [tilespmem:v60+s14+$0x0], $0xffff  }
0x687: {  	v54 =	vadd.s32 v28, v42;
	v50 =	vld.idx.msk [tilespmem:v61+s14+$0x0], $0xffff  }
0x688: {  	v55 =	vadd.s32 v28, v38;
	[tilespmem:s25+$0xFFFFFF60] =	vst v46  }
0x689: {  	[tilespmem:s25+$0x360] =	vst v36;
	v46 =	vld.idx.msk [tilespmem:v63+s14+$0x0], $0xffff  }
0x68a: {  	v36 =	vld.idx.msk [tilespmem:v62+s14+$0x0], $0xffff;
	v57 =	vadd.s32 v29, v34  }
0x68b: {  	v56 =	vadd.s32 v29, v37;
	[tilespmem:s28+$0x360] =	vst v48  }
0x68c: {  	[tilespmem:s28+$0xFFFFFF60] =	vst v50;
	v48 =	vld.idx.msk [tilespmem:v54+s14+$0x0], $0xffff  }
0x68d: {  	v58 =	vadd.s32 v29, v42;
	v50 =	vld.idx.msk [tilespmem:v55+s14+$0x0], $0xffff  }
0x68e: {  	v59 =	vadd.s32 v29, v38;
	[tilespmem:s25+$0xFFFFFF80] =	vst v46  }
0x68f: {  	[tilespmem:s25+$0x380] =	vst v36;
	v46 =	vld.idx.msk [tilespmem:v57+s14+$0x0], $0xffff  }
0x690: {  	v36 =	vld.idx.msk [tilespmem:v56+s14+$0x0], $0xffff;
	v61 =	vadd.s32 v30, v34  }
0x691: {  	v60 =	vadd.s32 v30, v37;
	[tilespmem:s28+$0x380] =	vst v48  }
0x692: {  	[tilespmem:s28+$0xFFFFFF80] =	vst v50;
	v48 =	vld.idx.msk [tilespmem:v58+s14+$0x0], $0xffff  }
0x693: {  	v62 =	vadd.s32 v30, v42;
	v50 =	vld.idx.msk [tilespmem:v59+s14+$0x0], $0xffff  }
0x694: {  	v63 =	vadd.s32 v30, v38;
	[tilespmem:s25+$0xFFFFFFA0] =	vst v46  }
0x695: {  	[tilespmem:s25+$0x3A0] =	vst v36;
	v45 =	vld.idx.msk [tilespmem:v61+s14+$0x0], $0xffff  }
0x696: {  	v47 =	vadd.s32 v31, v34;
	v36 =	vld.idx.msk [tilespmem:v60+s14+$0x0], $0xffff  }
0x697: {  	s31 =	sadd.s32 $0x1A1, s24;
	s24 =	sadd.s32 $0x1A0, s24;
	v54 =	vadd.s32 v31, v37;
	[tilespmem:s28+$0x3A0] =	vst v48  }
0x698: {  	v57 =	vmov s24;
	[tilespmem:s28+$0xFFFFFFA0] =	vst v50;
	v48 =	vld.idx.msk [tilespmem:v62+s14+$0x0], $0xffff  }
0x699: {  	s29 =	sadd.s32 $0x1A1, s26;
	v42 =	vadd.s32 v31, v42;
	v55 =	vmov s31;
	v46 =	vmul.u32 $0x28, v57;
	v58 =	vld.idx.msk [tilespmem:v63+s14+$0x0], $0xffff  }
0x69a: {  	s30 =	sadd.s32 $0x1A0, s26;
	v60 =	vadd.s32 v31, v38;
	v56 =	vmul.u32 $0x28, v55;
	v59 =	vmov s29;
	[tilespmem:s25+$0xFFFFFFC0] =	vst v45  }
0x69b: {  	[tilespmem:s25+$0x3C0] =	vst v36;
	v36 =	vbroadcast v46, $0x0;
	v61 =	vmul.u32 $0x28, v59;
	v47 =	vld.idx.msk [tilespmem:v47+s14+$0x0], $0xffff;
	v62 =	vmov s30  }
0x69c: {  	v34 =	vbroadcast v56, $0x0;
	v63 =	vld.idx.msk [tilespmem:v54+s14+$0x0], $0xffff;
	v54 =	vmul.u32 $0x28, v62  }
0x69d: {  	v56 =	vadd.s32 v0, v36;
	v37 =	vbroadcast v61, $0x0;
	[tilespmem:s28+$0x3C0] =	vst v48  }
0x69e: {  	v55 =	vadd.s32 v0, v34;
	v38 =	vbroadcast v54, $0x0;
	[tilespmem:s28+$0xFFFFFFC0] =	vst v58;
	v42 =	vld.idx.msk [tilespmem:v42+s14+$0x0], $0xffff  }
0x69f: {  	v57 =	vadd.s32 v0, v37;
	v49 =	vld.idx.msk [tilespmem:v60+s14+$0x0], $0xffff  }
0x6a0: {  	v58 =	vadd.s32 v0, v38  }
0x6a1: {  	[tilespmem:s25+$0xFFFFFFE0] =	vst v47  }
0x6a2: {  	[tilespmem:s25+$0x3E0] =	vst v63;
	v48 =	vld.idx.msk [tilespmem:v56+s14+$0x0], $0xffff  }
0x6a3: {  	v46 =	vld.idx.msk [tilespmem:v55+s14+$0x0], $0xffff;
	v60 =	vadd.s32 v1, v36;
	[tilespmem:s28+$0x3E0] =	vst v42  }
0x6a4: {  	v59 =	vadd.s32 v1, v34;
	[tilespmem:s28+$0xFFFFFFE0] =	vst v49;
	v45 =	vld.idx.msk [tilespmem:v57+s14+$0x0], $0xffff  }
0x6a5: {  	v61 =	vadd.s32 v1, v37;
	v50 =	vld.idx.msk [tilespmem:v58+s14+$0x0], $0xffff  }
0x6a6: {  	v62 =	vadd.s32 v1, v38  }
0x6a7: {  	[tilespmem:s25+$0xFFFFFC10] =	vst v48  }
0x6a8: {  	[tilespmem:s25+$0x10] =	vst v46;
	v42 =	vld.idx.msk [tilespmem:v60+s14+$0x0], $0xffff  }
0x6a9: {  	v54 =	vadd.s32 v2, v36;
	v46 =	vld.idx.msk [tilespmem:v59+s14+$0x0], $0xffff;
	[tilespmem:s28+$0x10] =	vst v45  }
0x6aa: {  	v63 =	vadd.s32 v2, v34;
	[tilespmem:s28+$0xFFFFFC10] =	vst v50;
	v55 =	vld.idx.msk [tilespmem:v61+s14+$0x0], $0xffff  }
0x6ab: {  	v56 =	vadd.s32 v2, v37;
	v50 =	vld.idx.msk [tilespmem:v62+s14+$0x0], $0xffff  }
0x6ac: {  	v57 =	vadd.s32 v2, v38  }
0x6ad: {  	[tilespmem:s25+$0xFFFFFC30] =	vst v42  }
0x6ae: {  	[tilespmem:s25+$0x30] =	vst v46;
	v45 =	vld.idx.msk [tilespmem:v54+s14+$0x0], $0xffff  }
0x6af: {  	v59 =	vadd.s32 v3, v36;
	v46 =	vld.idx.msk [tilespmem:v63+s14+$0x0], $0xffff;
	[tilespmem:s28+$0x30] =	vst v55  }
0x6b0: {  	v58 =	vadd.s32 v3, v34;
	[tilespmem:s28+$0xFFFFFC30] =	vst v50;
	v48 =	vld.idx.msk [tilespmem:v56+s14+$0x0], $0xffff  }
0x6b1: {  	v60 =	vadd.s32 v3, v37;
	v50 =	vld.idx.msk [tilespmem:v57+s14+$0x0], $0xffff  }
0x6b2: {  	v61 =	vadd.s32 v3, v38  }
0x6b3: {  	[tilespmem:s25+$0xFFFFFC50] =	vst v45  }
0x6b4: {  	[tilespmem:s25+$0x50] =	vst v46;
	v63 =	vld.idx.msk [tilespmem:v59+s14+$0x0], $0xffff  }
0x6b5: {  	v54 =	vadd.s32 v4, v36;
	v42 =	vld.idx.msk [tilespmem:v58+s14+$0x0], $0xffff;
	[tilespmem:s28+$0x50] =	vst v48  }
0x6b6: {  	v62 =	vadd.s32 v4, v34;
	[tilespmem:s28+$0xFFFFFC50] =	vst v50;
	v48 =	vld.idx.msk [tilespmem:v60+s14+$0x0], $0xffff  }
0x6b7: {  	v55 =	vadd.s32 v4, v37;
	v50 =	vld.idx.msk [tilespmem:v61+s14+$0x0], $0xffff  }
0x6b8: {  	[tilespmem:s22+$0xFFFFFD30] =	vst v44;
	v56 =	vadd.s32 v4, v38  }
0x6b9: {  	v58 =	vadd.s32 v30, v33;
	[tilespmem:s25+$0xFFFFFC70] =	vst v63  }
0x6ba: {  	v57 =	vadd.s32 v10, v39;
	[tilespmem:s25+$0x70] =	vst v42;
	v47 =	vld.idx.msk [tilespmem:v54+s14+$0x0], $0xffff  }
0x6bb: {  	v45 =	vld.idx.msk [tilespmem:v62+s14+$0x0], $0xffff;
	v60 =	vadd.s32 v5, v36;
	[tilespmem:s28+$0x70] =	vst v48  }
0x6bc: {  	v59 =	vadd.s32 v5, v34;
	[tilespmem:s28+$0xFFFFFC70] =	vst v50;
	v49 =	vld.idx.msk [tilespmem:v55+s14+$0x0], $0xffff  }
0x6bd: {  	[tilespmem:s21+$0x3B0] =	vst v40;
	v61 =	vadd.s32 v5, v37;
	v44 =	vld.idx.msk [tilespmem:v56+s14+$0x0], $0xffff  }
0x6be: {  	[tilespmem:s21+$0xFFFFFED0] =	vst v41;
	v63 =	vadd.s32 v5, v38;
	v42 =	vld.idx.msk [tilespmem:v58+s14+$0x0], $0xffff  }
0x6bf: {  	v62 =	vld.idx.msk [tilespmem:v57+s14+$0x0], $0xffff;
	[tilespmem:s25+$0xFFFFFC90] =	vst v47  }
0x6c0: {  	v54 =	vadd.s32 v12, v35;
	[tilespmem:s25+$0x90] =	vst v45;
	v48 =	vld.idx.msk [tilespmem:v60+s14+$0x0], $0xffff  }
0x6c1: {  	v57 =	vadd.s32 v6, v36;
	v46 =	vld.idx.msk [tilespmem:v59+s14+$0x0], $0xffff;
	[tilespmem:s28+$0x90] =	vst v49  }
0x6c2: {  	v56 =	vadd.s32 v6, v34;
	[tilespmem:s28+$0xFFFFFC90] =	vst v44;
	v40 =	vld.idx.msk [tilespmem:v61+s14+$0x0], $0xffff  }
0x6c3: {  	[tilespmem:s22+$0x170] =	vst v43;
	v58 =	vadd.s32 v6, v37;
	v43 =	vld.idx.msk [tilespmem:v63+s14+$0x0], $0xffff  }
0x6c4: {  	[tilespmem:s21+$0x3D0] =	vst v42;
	v60 =	vadd.s32 v6, v38  }
0x6c5: {  	v55 =	vadd.s32 v11, v39;
	v59 =	vld.idx.msk [tilespmem:v54+s14+$0x0], $0xffff;
	[tilespmem:s25+$0xFFFFFCB0] =	vst v48  }
0x6c6: {  	[tilespmem:s25+$0xB0] =	vst v46;
	v49 =	vld.idx.msk [tilespmem:v57+s14+$0x0], $0xffff;
	v61 =	vadd.s32 v31, v33  }
0x6c7: {  	v52 =	vadd.s32 v7, v36;
	v47 =	vld.idx.msk [tilespmem:v56+s14+$0x0], $0xffff;
	[tilespmem:s28+$0xB0] =	vst v40  }
0x6c8: {  	v63 =	vadd.s32 v7, v34;
	[tilespmem:s28+$0xFFFFFCB0] =	vst v43;
	v44 =	vld.idx.msk [tilespmem:v58+s14+$0x0], $0xffff  }
0x6c9: {  	v53 =	vadd.s32 v7, v37;
	[tilespmem:s22+$0xFFFFFD50] =	vst v62;
	v42 =	vld.idx.msk [tilespmem:v60+s14+$0x0], $0xffff  }
0x6ca: {  	v54 =	vadd.s32 v7, v38;
	v45 =	vld.idx.msk [tilespmem:v55+s14+$0x0], $0xffff;
	[tilespmem:s22+$0x190] =	vst v59  }
0x6cb: {  	v62 =	vadd.s32 v13, v35;
	[tilespmem:s25+$0xFFFFFCD0] =	vst v49;
	v33 =	vld.idx.msk [tilespmem:v61+s14+$0x0], $0xffff  }
0x6cc: {  	v55 =	vadd.s32 v12, v39;
	[tilespmem:s25+$0xD0] =	vst v47;
	v40 =	vld.idx.msk [tilespmem:v52+s14+$0x0], $0xffff  }
0x6cd: {  	v57 =	vadd.s32 v8, v36;
	v47 =	vld.idx.msk [tilespmem:v63+s14+$0x0], $0xffff;
	[tilespmem:s28+$0xD0] =	vst v44  }
0x6ce: {  	v56 =	vadd.s32 v8, v34;
	[tilespmem:s28+$0xFFFFFCD0] =	vst v42;
	v43 =	vld.idx.msk [tilespmem:v53+s14+$0x0], $0xffff  }
0x6cf: {  	[tilespmem:s22+$0xFFFFFD70] =	vst v45;
	v58 =	vadd.s32 v8, v37;
	v42 =	vld.idx.msk [tilespmem:v54+s14+$0x0], $0xffff  }
0x6d0: {  	v46 =	vld.idx.msk [tilespmem:v62+s14+$0x0], $0xffff;
	v60 =	vadd.s32 v8, v38;
	[tilespmem:s21+$0x3F0] =	vst v33  }
0x6d1: {  	v59 =	vld.idx.msk [tilespmem:v55+s14+$0x0], $0xffff;
	v61 =	vadd.s32 v14, v35;
	[tilespmem:s25+$0xFFFFFCF0] =	vst v40  }
0x6d2: {  	v62 =	vadd.s32 v13, v39;
	[tilespmem:s25+$0xF0] =	vst v47;
	v44 =	vld.idx.msk [tilespmem:v57+s14+$0x0], $0xffff  }
0x6d3: {  	v52 =	vadd.s32 v9, v36;
	v48 =	vld.idx.msk [tilespmem:v56+s14+$0x0], $0xffff;
	[tilespmem:s28+$0xF0] =	vst v43  }
0x6d4: {  	v63 =	vadd.s32 v9, v34;
	[tilespmem:s28+$0xFFFFFCF0] =	vst v42;
	v33 =	vld.idx.msk [tilespmem:v58+s14+$0x0], $0xffff  }
0x6d5: {  	[tilespmem:s22+$0x1B0] =	vst v46;
	v53 =	vadd.s32 v9, v37;
	v54 =	vld.idx.msk [tilespmem:v60+s14+$0x0], $0xffff  }
0x6d6: {  	[tilespmem:s22+$0xFFFFFD90] =	vst v59;
	v55 =	vld.idx.msk [tilespmem:v61+s14+$0x0], $0xffff;
	v56 =	vadd.s32 v9, v38  }
0x6d7: {  	v57 =	vadd.s32 v23, v32;
	v47 =	vld.idx.msk [tilespmem:v62+s14+$0x0], $0xffff;
	[tilespmem:s25+$0xFFFFFD10] =	vst v44  }
0x6d8: {  	[tilespmem:s25+$0x110] =	vst v48;
	v43 =	vld.idx.msk [tilespmem:v52+s14+$0x0], $0xffff;
	v58 =	vadd.s32 v15, v35  }
0x6d9: {  	v40 =	vld.idx.msk [tilespmem:v63+s14+$0x0], $0xffff;
	v60 =	vadd.s32 v10, v36;
	[tilespmem:s28+$0x110] =	vst v33  }
0x6da: {  	v59 =	vadd.s32 v10, v34;
	[tilespmem:s28+$0xFFFFFD10] =	vst v54;
	v42 =	vld.idx.msk [tilespmem:v53+s14+$0x0], $0xffff  }
0x6db: {  	v61 =	vadd.s32 v10, v37;
	[tilespmem:s22+$0x1D0] =	vst v55;
	v41 =	vld.idx.msk [tilespmem:v56+s14+$0x0], $0xffff  }
0x6dc: {  	v62 =	vld.idx.msk [tilespmem:v57+s14+$0x0], $0xffff;
	[tilespmem:s22+$0xFFFFFDB0] =	vst v47;
	v63 =	vadd.s32 v10, v38  }
0x6dd: {  	v52 =	vadd.s32 v14, v39;
	[tilespmem:s25+$0xFFFFFD30] =	vst v43;
	v48 =	vld.idx.msk [tilespmem:v58+s14+$0x0], $0xffff  }
0x6de: {  	[tilespmem:s25+$0x130] =	vst v40;
	v33 =	vld.idx.msk [tilespmem:v60+s14+$0x0], $0xffff;
	v53 =	vadd.s32 v24, v32  }
0x6df: {  	v55 =	vadd.s32 v11, v36;
	v44 =	vld.idx.msk [tilespmem:v59+s14+$0x0], $0xffff;
	[tilespmem:s28+$0x130] =	vst v42  }
0x6e0: {  	v54 =	vadd.s32 v11, v34;
	[tilespmem:s28+$0xFFFFFD30] =	vst v41;
	v45 =	vld.idx.msk [tilespmem:v61+s14+$0x0], $0xffff  }
0x6e1: {  	[tilespmem:s21+$0xFFFFFEF0] =	vst v62;
	v56 =	vadd.s32 v11, v37;
	v57 =	vld.idx.msk [tilespmem:v63+s14+$0x0], $0xffff  }
0x6e2: {  	v58 =	vld.idx.msk [tilespmem:v52+s14+$0x0], $0xffff;
	v59 =	vadd.s32 v11, v38;
	[tilespmem:s22+$0x1F0] =	vst v48  }
0x6e3: {  	v60 =	vadd.s32 v16, v35;
	[tilespmem:s25+$0xFFFFFD50] =	vst v33;
	v40 =	vld.idx.msk [tilespmem:v53+s14+$0x0], $0xffff  }
0x6e4: {  	[tilespmem:s25+$0x150] =	vst v44;
	v42 =	vld.idx.msk [tilespmem:v55+s14+$0x0], $0xffff;
	v61 =	vadd.s32 v15, v39  }
0x6e5: {  	v43 =	vld.idx.msk [tilespmem:v54+s14+$0x0], $0xffff;
	v63 =	vadd.s32 v12, v36;
	[tilespmem:s28+$0x150] =	vst v45  }
0x6e6: {  	v62 =	vadd.s32 v12, v34;
	[tilespmem:s28+$0xFFFFFD50] =	vst v57;
	v41 =	vld.idx.msk [tilespmem:v56+s14+$0x0], $0xffff  }
0x6e7: {  	v52 =	vadd.s32 v12, v37;
	[tilespmem:s22+$0xFFFFFDD0] =	vst v58;
	v53 =	vld.idx.msk [tilespmem:v59+s14+$0x0], $0xffff  }
0x6e8: {  	v55 =	vadd.s32 v12, v38;
	v54 =	vld.idx.msk [tilespmem:v60+s14+$0x0], $0xffff;
	[tilespmem:s21+$0xFFFFFF10] =	vst v40  }
0x6e9: {  	[tilespmem:s25+$0xFFFFFD70] =	vst v42;
	v44 =	vld.idx.msk [tilespmem:v61+s14+$0x0], $0xffff;
	v57 =	vadd.s32 v17, v35  }
0x6ea: {  	[tilespmem:s25+$0x170] =	vst v43;
	v45 =	vld.idx.msk [tilespmem:v63+s14+$0x0], $0xffff;
	v56 =	vadd.s32 v25, v32  }
0x6eb: {  	v33 =	vld.idx.msk [tilespmem:v62+s14+$0x0], $0xffff;
	v59 =	vadd.s32 v13, v36;
	[tilespmem:s28+$0x170] =	vst v41  }
0x6ec: {  	v58 =	vadd.s32 v13, v34;
	[tilespmem:s28+$0xFFFFFD70] =	vst v53;
	v46 =	vld.idx.msk [tilespmem:v52+s14+$0x0], $0xffff  }
0x6ed: {  	v60 =	vadd.s32 v13, v37;
	[tilespmem:s22+$0x210] =	vst v54;
	v40 =	vld.idx.msk [tilespmem:v55+s14+$0x0], $0xffff  }
0x6ee: {  	v62 =	vadd.s32 v13, v38;
	[tilespmem:s22+$0xFFFFFDF0] =	vst v44;
	v43 =	vld.idx.msk [tilespmem:v57+s14+$0x0], $0xffff  }
0x6ef: {  	v63 =	vadd.s32 v16, v39;
	[tilespmem:s25+$0xFFFFFD90] =	vst v45;
	v61 =	vld.idx.msk [tilespmem:v56+s14+$0x0], $0xffff  }
0x6f0: {  	[tilespmem:s25+$0x190] =	vst v33;
	v41 =	vld.idx.msk [tilespmem:v59+s14+$0x0], $0xffff;
	v52 =	vadd.s32 v26, v32  }
0x6f1: {  	v54 =	vadd.s32 v14, v36;
	v42 =	vld.idx.msk [tilespmem:v58+s14+$0x0], $0xffff;
	[tilespmem:s28+$0x190] =	vst v46  }
0x6f2: {  	v53 =	vadd.s32 v14, v34;
	[tilespmem:s28+$0xFFFFFD90] =	vst v40;
	v47 =	vld.idx.msk [tilespmem:v60+s14+$0x0], $0xffff  }
0x6f3: {  	v55 =	vadd.s32 v14, v37;
	[tilespmem:s22+$0x230] =	vst v43;
	v44 =	vld.idx.msk [tilespmem:v62+s14+$0x0], $0xffff  }
0x6f4: {  	v57 =	vadd.s32 v14, v38;
	v56 =	vld.idx.msk [tilespmem:v63+s14+$0x0], $0xffff;
	[tilespmem:s21+$0xFFFFFF30] =	vst v61  }
0x6f5: {  	v58 =	vadd.s32 v18, v35;
	[tilespmem:s25+$0xFFFFFDB0] =	vst v41;
	v33 =	vld.idx.msk [tilespmem:v52+s14+$0x0], $0xffff  }
0x6f6: {  	v59 =	vadd.s32 v17, v39;
	[tilespmem:s25+$0x1B0] =	vst v42;
	v46 =	vld.idx.msk [tilespmem:v54+s14+$0x0], $0xffff  }
0x6f7: {  	v61 =	vadd.s32 v15, v36;
	v45 =	vld.idx.msk [tilespmem:v53+s14+$0x0], $0xffff;
	[tilespmem:s28+$0x1B0] =	vst v47  }
0x6f8: {  	v60 =	vadd.s32 v15, v34;
	[tilespmem:s28+$0xFFFFFDB0] =	vst v44;
	v40 =	vld.idx.msk [tilespmem:v55+s14+$0x0], $0xffff  }
0x6f9: {  	[tilespmem:s22+$0xFFFFFE10] =	vst v56;
	v62 =	vadd.s32 v15, v37;
	v43 =	vld.idx.msk [tilespmem:v57+s14+$0x0], $0xffff  }
0x6fa: {  	v63 =	vld.idx.msk [tilespmem:v58+s14+$0x0], $0xffff;
	v52 =	vadd.s32 v15, v38;
	[tilespmem:s21+$0xFFFFFF50] =	vst v33  }
0x6fb: {  	v42 =	vld.idx.msk [tilespmem:v59+s14+$0x0], $0xffff;
	v53 =	vadd.s32 v27, v32;
	[tilespmem:s25+$0xFFFFFDD0] =	vst v46  }
0x6fc: {  	v54 =	vadd.s32 v19, v35;
	[tilespmem:s25+$0x1D0] =	vst v45;
	v47 =	vld.idx.msk [tilespmem:v61+s14+$0x0], $0xffff  }
0x6fd: {  	v56 =	vadd.s32 v16, v36;
	v41 =	vld.idx.msk [tilespmem:v60+s14+$0x0], $0xffff;
	[tilespmem:s28+$0x1D0] =	vst v40  }
0x6fe: {  	v55 =	vadd.s32 v16, v34;
	[tilespmem:s28+$0xFFFFFDD0] =	vst v43;
	v44 =	vld.idx.msk [tilespmem:v62+s14+$0x0], $0xffff  }
0x6ff: {  	[tilespmem:s22+$0x250] =	vst v63;
	v57 =	vadd.s32 v16, v37;
	v33 =	vld.idx.msk [tilespmem:v52+s14+$0x0], $0xffff  }
0x700: {  	v59 =	vadd.s32 v16, v38;
	[tilespmem:s22+$0xFFFFFE30] =	vst v42;
	v58 =	vld.idx.msk [tilespmem:v53+s14+$0x0], $0xffff  }
0x701: {  	v45 =	vld.idx.msk [tilespmem:v54+s14+$0x0], $0xffff;
	v60 =	vadd.s32 v18, v39;
	[tilespmem:s25+$0xFFFFFDF0] =	vst v47  }
0x702: {  	v61 =	vadd.s32 v28, v32;
	[tilespmem:s25+$0x1F0] =	vst v41;
	v40 =	vld.idx.msk [tilespmem:v56+s14+$0x0], $0xffff  }
0x703: {  	v63 =	vadd.s32 v17, v36;
	v46 =	vld.idx.msk [tilespmem:v55+s14+$0x0], $0xffff;
	[tilespmem:s28+$0x1F0] =	vst v44  }
0x704: {  	v62 =	vadd.s32 v17, v34;
	[tilespmem:s28+$0xFFFFFDF0] =	vst v33;
	v43 =	vld.idx.msk [tilespmem:v57+s14+$0x0], $0xffff  }
0x705: {  	[tilespmem:s21+$0xFFFFFF70] =	vst v58;
	v52 =	vadd.s32 v17, v37;
	v42 =	vld.idx.msk [tilespmem:v59+s14+$0x0], $0xffff  }
0x706: {  	v54 =	vadd.s32 v17, v38;
	[tilespmem:s22+$0x270] =	vst v45;
	v53 =	vld.idx.msk [tilespmem:v60+s14+$0x0], $0xffff  }
0x707: {  	v41 =	vld.idx.msk [tilespmem:v61+s14+$0x0], $0xffff;
	v55 =	vadd.s32 v20, v35;
	[tilespmem:s25+$0xFFFFFE10] =	vst v40  }
0x708: {  	v56 =	vadd.s32 v19, v39;
	[tilespmem:s25+$0x210] =	vst v46;
	v44 =	vld.idx.msk [tilespmem:v63+s14+$0x0], $0xffff  }
0x709: {  	v58 =	vadd.s32 v18, v36;
	v47 =	vld.idx.msk [tilespmem:v62+s14+$0x0], $0xffff;
	[tilespmem:s28+$0x210] =	vst v43  }
0x70a: {  	v57 =	vadd.s32 v18, v34;
	[tilespmem:s28+$0xFFFFFE10] =	vst v42;
	v33 =	vld.idx.msk [tilespmem:v52+s14+$0x0], $0xffff  }
0x70b: {  	[tilespmem:s22+$0xFFFFFE50] =	vst v53;
	v59 =	vadd.s32 v18, v37;
	v45 =	vld.idx.msk [tilespmem:v54+s14+$0x0], $0xffff  }
0x70c: {  	v61 =	vadd.s32 v18, v38;
	[tilespmem:s21+$0xFFFFFF90] =	vst v41;
	v60 =	vld.idx.msk [tilespmem:v55+s14+$0x0], $0xffff  }
0x70d: {  	v46 =	vld.idx.msk [tilespmem:v56+s14+$0x0], $0xffff;
	v62 =	vadd.s32 v29, v32;
	[tilespmem:s25+$0xFFFFFE30] =	vst v44  }
0x70e: {  	v63 =	vadd.s32 v21, v35;
	[tilespmem:s25+$0x230] =	vst v47;
	v43 =	vld.idx.msk [tilespmem:v58+s14+$0x0], $0xffff  }
0x70f: {  	v53 =	vadd.s32 v19, v36;
	v40 =	vld.idx.msk [tilespmem:v57+s14+$0x0], $0xffff;
	[tilespmem:s28+$0x230] =	vst v33  }
0x710: {  	v52 =	vadd.s32 v19, v34;
	[tilespmem:s28+$0xFFFFFE30] =	vst v45;
	v42 =	vld.idx.msk [tilespmem:v59+s14+$0x0], $0xffff  }
0x711: {  	[tilespmem:s22+$0x290] =	vst v60;
	v54 =	vadd.s32 v19, v37;
	v41 =	vld.idx.msk [tilespmem:v61+s14+$0x0], $0xffff  }
0x712: {  	v56 =	vadd.s32 v19, v38;
	[tilespmem:s22+$0xFFFFFE70] =	vst v46;
	v55 =	vld.idx.msk [tilespmem:v62+s14+$0x0], $0xffff  }
0x713: {  	v47 =	vld.idx.msk [tilespmem:v63+s14+$0x0], $0xffff;
	v57 =	vadd.s32 v20, v39;
	[tilespmem:s25+$0xFFFFFE50] =	vst v43  }
0x714: {  	v58 =	vadd.s32 v30, v32;
	[tilespmem:s25+$0x250] =	vst v40;
	v33 =	vld.idx.msk [tilespmem:v53+s14+$0x0], $0xffff  }
0x715: {  	v60 =	vadd.s32 v20, v36;
	v44 =	vld.idx.msk [tilespmem:v52+s14+$0x0], $0xffff;
	[tilespmem:s28+$0x250] =	vst v42  }
0x716: {  	v59 =	vadd.s32 v20, v34;
	[tilespmem:s28+$0xFFFFFE50] =	vst v41;
	v45 =	vld.idx.msk [tilespmem:v54+s14+$0x0], $0xffff  }
0x717: {  	[tilespmem:s21+$0xFFFFFFB0] =	vst v55;
	v61 =	vadd.s32 v20, v37;
	v46 =	vld.idx.msk [tilespmem:v56+s14+$0x0], $0xffff  }
0x718: {  	v63 =	vadd.s32 v20, v38;
	[tilespmem:s22+$0x2B0] =	vst v47;
	v62 =	vld.idx.msk [tilespmem:v57+s14+$0x0], $0xffff  }
0x719: {  	v40 =	vld.idx.msk [tilespmem:v58+s14+$0x0], $0xffff;
	v53 =	vadd.s32 v21, v39;
	[tilespmem:s25+$0xFFFFFE70] =	vst v33  }
0x71a: {  	v52 =	vadd.s32 v22, v35;
	[tilespmem:s25+$0x270] =	vst v44;
	v42 =	vld.idx.msk [tilespmem:v60+s14+$0x0], $0xffff  }
0x71b: {  	v55 =	vadd.s32 v21, v36;
	v43 =	vld.idx.msk [tilespmem:v59+s14+$0x0], $0xffff;
	[tilespmem:s28+$0x270] =	vst v45  }
0x71c: {  	v54 =	vadd.s32 v21, v34;
	[tilespmem:s28+$0xFFFFFE70] =	vst v46;
	v41 =	vld.idx.msk [tilespmem:v61+s14+$0x0], $0xffff  }
0x71d: {  	[tilespmem:s22+$0xFFFFFE90] =	vst v62;
	v56 =	vadd.s32 v21, v37;
	v47 =	vld.idx.msk [tilespmem:v63+s14+$0x0], $0xffff  }
0x71e: {  	v58 =	vadd.s32 v21, v38;
	[tilespmem:s21+$0xFFFFFFD0] =	vst v40;
	v44 =	vld.idx.msk [tilespmem:v53+s14+$0x0], $0xffff  }
0x71f: {  	v57 =	vld.idx.msk [tilespmem:v52+s14+$0x0], $0xffff;
	v60 =	vadd.s32 v22, v39;
	[tilespmem:s25+$0xFFFFFE90] =	vst v42  }
0x720: {  	v59 =	vadd.s32 v31, v32;
	[tilespmem:s25+$0x290] =	vst v43;
	v45 =	vld.idx.msk [tilespmem:v55+s14+$0x0], $0xffff  }
0x721: {  	v62 =	vadd.s32 v22, v36;
	v33 =	vld.idx.msk [tilespmem:v54+s14+$0x0], $0xffff;
	[tilespmem:s28+$0x290] =	vst v41  }
0x722: {  	v61 =	vadd.s32 v22, v34;
	[tilespmem:s28+$0xFFFFFE90] =	vst v47;
	v46 =	vld.idx.msk [tilespmem:v56+s14+$0x0], $0xffff  }
0x723: {  	[tilespmem:s22+$0xFFFFFEB0] =	vst v44;
	v63 =	vadd.s32 v22, v37;
	v40 =	vld.idx.msk [tilespmem:v58+s14+$0x0], $0xffff  }
0x724: {  	v52 =	vadd.s32 v22, v38;
	[tilespmem:s22+$0x2D0] =	vst v57;
	v43 =	vld.idx.msk [tilespmem:v60+s14+$0x0], $0xffff  }
0x725: {  	v32 =	vld.idx.msk [tilespmem:v59+s14+$0x0], $0xffff;
	v54 =	vadd.s32 v23, v39;
	[tilespmem:s25+$0xFFFFFEB0] =	vst v45  }
0x726: {  	v53 =	vadd.s32 v23, v35;
	[tilespmem:s25+$0x2B0] =	vst v33;
	v41 =	vld.idx.msk [tilespmem:v62+s14+$0x0], $0xffff  }
0x727: {  	v42 =	vld.idx.msk [tilespmem:v61+s14+$0x0], $0xffff;
	v56 =	vadd.s32 v23, v36;
	[tilespmem:s28+$0x2B0] =	vst v46  }
0x728: {  	v55 =	vadd.s32 v23, v34;
	[tilespmem:s28+$0xFFFFFEB0] =	vst v40;
	v47 =	vld.idx.msk [tilespmem:v63+s14+$0x0], $0xffff  }
0x729: {  	v57 =	vadd.s32 v23, v37;
	[tilespmem:s22+$0xFFFFFED0] =	vst v43;
	v40 =	vld.idx.msk [tilespmem:v52+s14+$0x0], $0xffff  }
0x72a: {  	v59 =	vadd.s32 v23, v38;
	[tilespmem:s21+$0xFFFFFFF0] =	vst v32;
	v33 =	vld.idx.msk [tilespmem:v54+s14+$0x0], $0xffff  }
0x72b: {  	v58 =	vld.idx.msk [tilespmem:v53+s14+$0x0], $0xffff;
	v61 =	vadd.s32 v24, v39;
	[tilespmem:s25+$0xFFFFFED0] =	vst v41  }
0x72c: {  	v60 =	vadd.s32 v24, v35;
	[tilespmem:s25+$0x2D0] =	vst v42;
	v46 =	vld.idx.msk [tilespmem:v56+s14+$0x0], $0xffff  }
0x72d: {  	v45 =	vld.idx.msk [tilespmem:v55+s14+$0x0], $0xffff;
	v63 =	vadd.s32 v24, v36;
	[tilespmem:s28+$0x2D0] =	vst v47  }
0x72e: {  	v62 =	vadd.s32 v24, v34;
	[tilespmem:s28+$0xFFFFFED0] =	vst v40;
	v32 =	vld.idx.msk [tilespmem:v57+s14+$0x0], $0xffff  }
0x72f: {  	[tilespmem:s22+$0xFFFFFEF0] =	vst v33;
	v52 =	vadd.s32 v24, v37;
	v43 =	vld.idx.msk [tilespmem:v59+s14+$0x0], $0xffff  }
0x730: {  	v53 =	vadd.s32 v24, v38;
	[tilespmem:s22+$0x2F0] =	vst v58;
	v42 =	vld.idx.msk [tilespmem:v61+s14+$0x0], $0xffff  }
0x731: {  	v44 =	vld.idx.msk [tilespmem:v60+s14+$0x0], $0xffff;
	v55 =	vadd.s32 v25, v39;
	[tilespmem:s25+$0xFFFFFEF0] =	vst v46  }
0x732: {  	v54 =	vadd.s32 v25, v35;
	[tilespmem:s25+$0x2F0] =	vst v45;
	v47 =	vld.idx.msk [tilespmem:v63+s14+$0x0], $0xffff  }
0x733: {  	v41 =	vld.idx.msk [tilespmem:v62+s14+$0x0], $0xffff;
	v57 =	vadd.s32 v25, v36;
	[tilespmem:s28+$0x2F0] =	vst v32  }
0x734: {  	v56 =	vadd.s32 v25, v34;
	[tilespmem:s28+$0xFFFFFEF0] =	vst v43;
	v40 =	vld.idx.msk [tilespmem:v52+s14+$0x0], $0xffff  }
0x735: {  	v58 =	vadd.s32 v25, v37;
	[tilespmem:s22+$0xFFFFFF10] =	vst v42;
	v33 =	vld.idx.msk [tilespmem:v53+s14+$0x0], $0xffff  }
0x736: {  	[tilespmem:s22+$0x310] =	vst v44;
	v45 =	vld.idx.msk [tilespmem:v55+s14+$0x0], $0xffff;
	v59 =	vadd.s32 v25, v38  }
0x737: {  	v61 =	vadd.s32 v26, v39;
	v44 =	vld.idx.msk [tilespmem:v54+s14+$0x0], $0xffff;
	[tilespmem:s25+$0xFFFFFF10] =	vst v47  }
0x738: {  	v60 =	vadd.s32 v26, v35;
	[tilespmem:s25+$0x310] =	vst v41;
	v32 =	vld.idx.msk [tilespmem:v57+s14+$0x0], $0xffff  }
0x739: {  	v63 =	vadd.s32 v26, v36;
	v46 =	vld.idx.msk [tilespmem:v56+s14+$0x0], $0xffff;
	[tilespmem:s28+$0x310] =	vst v40  }
0x73a: {  	v62 =	vadd.s32 v26, v34;
	[tilespmem:s28+$0xFFFFFF10] =	vst v33;
	v43 =	vld.idx.msk [tilespmem:v58+s14+$0x0], $0xffff  }
0x73b: {  	[tilespmem:s22+$0xFFFFFF30] =	vst v45;
	v52 =	vadd.s32 v26, v37;
	v42 =	vld.idx.msk [tilespmem:v59+s14+$0x0], $0xffff  }
0x73c: {  	[tilespmem:s22+$0x330] =	vst v44;
	v41 =	vld.idx.msk [tilespmem:v61+s14+$0x0], $0xffff;
	v53 =	vadd.s32 v26, v38  }
0x73d: {  	v55 =	vadd.s32 v27, v39;
	v44 =	vld.idx.msk [tilespmem:v60+s14+$0x0], $0xffff;
	[tilespmem:s25+$0xFFFFFF30] =	vst v32  }
0x73e: {  	v54 =	vadd.s32 v27, v35;
	[tilespmem:s25+$0x330] =	vst v46;
	v40 =	vld.idx.msk [tilespmem:v63+s14+$0x0], $0xffff  }
0x73f: {  	v57 =	vadd.s32 v27, v36;
	v47 =	vld.idx.msk [tilespmem:v62+s14+$0x0], $0xffff;
	[tilespmem:s28+$0x330] =	vst v43  }
0x740: {  	v56 =	vadd.s32 v27, v34;
	[tilespmem:s28+$0xFFFFFF30] =	vst v42;
	v33 =	vld.idx.msk [tilespmem:v52+s14+$0x0], $0xffff  }
0x741: {  	[tilespmem:s22+$0xFFFFFF50] =	vst v41;
	v58 =	vadd.s32 v27, v37;
	v59 =	vld.idx.msk [tilespmem:v53+s14+$0x0], $0xffff  }
0x742: {  	v61 =	vadd.s32 v27, v38;
	[tilespmem:s22+$0x350] =	vst v44;
	v46 =	vld.idx.msk [tilespmem:v55+s14+$0x0], $0xffff  }
0x743: {  	v63 =	vadd.s32 v28, v39;
	v60 =	vld.idx.msk [tilespmem:v54+s14+$0x0], $0xffff;
	[tilespmem:s25+$0xFFFFFF50] =	vst v40  }
0x744: {  	v62 =	vadd.s32 v28, v35;
	[tilespmem:s25+$0x350] =	vst v47;
	v43 =	vld.idx.msk [tilespmem:v57+s14+$0x0], $0xffff  }
0x745: {  	v32 =	vld.idx.msk [tilespmem:v56+s14+$0x0], $0xffff;
	v53 =	vadd.s32 v28, v36;
	[tilespmem:s28+$0x350] =	vst v33  }
0x746: {  	v52 =	vadd.s32 v28, v34;
	[tilespmem:s28+$0xFFFFFF50] =	vst v59;
	v42 =	vld.idx.msk [tilespmem:v58+s14+$0x0], $0xffff  }
0x747: {  	v54 =	vadd.s32 v28, v37;
	[tilespmem:s22+$0xFFFFFF70] =	vst v46;
	v41 =	vld.idx.msk [tilespmem:v61+s14+$0x0], $0xffff  }
0x748: {  	v55 =	vadd.s32 v28, v38;
	[tilespmem:s22+$0x370] =	vst v60;
	v47 =	vld.idx.msk [tilespmem:v63+s14+$0x0], $0xffff  }
0x749: {  	v57 =	vadd.s32 v29, v39;
	v45 =	vld.idx.msk [tilespmem:v62+s14+$0x0], $0xffff;
	[tilespmem:s25+$0xFFFFFF70] =	vst v43  }
0x74a: {  	v56 =	vadd.s32 v29, v35;
	[tilespmem:s25+$0x370] =	vst v32;
	v33 =	vld.idx.msk [tilespmem:v53+s14+$0x0], $0xffff  }
0x74b: {  	v59 =	vadd.s32 v29, v36;
	v40 =	vld.idx.msk [tilespmem:v52+s14+$0x0], $0xffff;
	[tilespmem:s28+$0x370] =	vst v42  }
0x74c: {  	v58 =	vadd.s32 v29, v34;
	[tilespmem:s28+$0xFFFFFF70] =	vst v41;
	v44 =	vld.idx.msk [tilespmem:v54+s14+$0x0], $0xffff  }
0x74d: {  	v60 =	vadd.s32 v29, v37;
	[tilespmem:s22+$0xFFFFFF90] =	vst v47;
	v61 =	vld.idx.msk [tilespmem:v55+s14+$0x0], $0xffff  }
0x74e: {  	v63 =	vadd.s32 v29, v38;
	[tilespmem:s22+$0x390] =	vst v45;
	v32 =	vld.idx.msk [tilespmem:v57+s14+$0x0], $0xffff  }
0x74f: {  	v53 =	vadd.s32 v30, v39;
	v62 =	vld.idx.msk [tilespmem:v56+s14+$0x0], $0xffff;
	[tilespmem:s25+$0xFFFFFF90] =	vst v33  }
0x750: {  	v52 =	vadd.s32 v30, v35;
	[tilespmem:s25+$0x390] =	vst v40;
	v42 =	vld.idx.msk [tilespmem:v59+s14+$0x0], $0xffff  }
0x751: {  	v43 =	vld.idx.msk [tilespmem:v58+s14+$0x0], $0xffff;
	v55 =	vadd.s32 v30, v36;
	[tilespmem:s28+$0x390] =	vst v44  }
0x752: {  	v54 =	vadd.s32 v30, v34;
	[tilespmem:s28+$0xFFFFFF90] =	vst v61;
	v41 =	vld.idx.msk [tilespmem:v60+s14+$0x0], $0xffff  }
0x753: {  	v56 =	vadd.s32 v30, v37;
	[tilespmem:s22+$0xFFFFFFB0] =	vst v32;
	v57 =	vld.idx.msk [tilespmem:v63+s14+$0x0], $0xffff  }
0x754: {  	[tilespmem:s22+$0x3B0] =	vst v62;
	v59 =	vadd.s32 v30, v38;
	v40 =	vld.idx.msk [tilespmem:v53+s14+$0x0], $0xffff  }
0x755: {  	v58 =	vld.idx.msk [tilespmem:v52+s14+$0x0], $0xffff;
	[tilespmem:s25+$0xFFFFFFB0] =	vst v42;
	v61 =	vadd.s32 v31, v39  }
0x756: {  	[tilespmem:s25+$0x3B0] =	vst v43;
	v42 =	vld.idx.msk [tilespmem:v55+s14+$0x0], $0xffff;
	v60 =	vadd.s32 v31, v35  }
0x757: {  	v36 =	vadd.s32 v31, v36;
	v33 =	vld.idx.msk [tilespmem:v54+s14+$0x0], $0xffff;
	[tilespmem:s28+$0x3B0] =	vst v41  }
0x758: {  	v34 =	vadd.s32 v31, v34;
	[tilespmem:s28+$0xFFFFFFB0] =	vst v57;
	v41 =	vld.idx.msk [tilespmem:v56+s14+$0x0], $0xffff  }
0x759: {  	v37 =	vadd.s32 v31, v37;
	[tilespmem:s22+$0xFFFFFFD0] =	vst v40;
	v32 =	vld.idx.msk [tilespmem:v59+s14+$0x0], $0xffff  }
0x75a: {  	v38 =	vadd.s32 v31, v38;
	[tilespmem:s22+$0x3D0] =	vst v58;
	v39 =	vld.idx.msk [tilespmem:v61+s14+$0x0], $0xffff  }
0x75b: {  	[tilespmem:s25+$0xFFFFFFD0] =	vst v42;
	v35 =	vld.idx.msk [tilespmem:v60+s14+$0x0], $0xffff  }
0x75c: {  	[tilespmem:s25+$0x3D0] =	vst v33;
	v62 =	vld.idx.msk [tilespmem:v36+s14+$0x0], $0xffff  }
0x75d: {  	v33 =	vld.idx.msk [tilespmem:v34+s14+$0x0], $0xffff;
	[tilespmem:s28+$0x3D0] =	vst v41  }
0x75e: {  	[tilespmem:s28+$0xFFFFFFD0] =	vst v32;
	v63 =	vld.idx.msk [tilespmem:v37+s14+$0x0], $0xffff  }
0x75f: {  	[tilespmem:s22+$0xFFFFFFF0] =	vst v39;
	v32 =	vld.idx.msk [tilespmem:v38+s14+$0x0], $0xffff  }
0x760: {  	[tilespmem:s22+$0x3F0] =	vst v35  }
0x761: {  	[tilespmem:s25+$0xFFFFFFF0] =	vst v62  }
0x762: {  	s19 =	sshll.u32 s19, $0x2;
	[tilespmem:s25+$0x3F0] =	vst v33  }
0x763: {  	s20 =	sadd.s32 s2, s20;
	s19 =	sand.u32 $0xC, s19;
	[tilespmem:s28+$0x3F0] =	vst v63  }
0x764: {  	s19 =	sadd.s32 s19, s20;
	s20 =	simm.s32 $0x400;
	s31 =	simm.s32 $0x16C00;
	[tilespmem:s28+$0xFFFFFFF0] =	vst v32  }
0x765: {  	[hbm4b:s19+s11] =	stream.strided.scatter [tilespmem:s31], [sflag:$0x4], $0x100, s12, s11, $0x38;
	[tilespmem:$0x1D400] =	vst v63  }
.LBB2_16:
0x766: {  	p0 =	sne.s32 s20, $0x19C00  }
.Ltmp7:
0x767: {  	_ = 	snop;
	(pc) =	sbr.rel @p0 .LBB2_16-.Ltmp7, $4  }
0x768: {  	_ = 	snop  }
0x769: {  	s21 =	sshra.s32 s20, $0x2;
	s20 =	sadd.s32 $0x400, s20  }
0x76a: {  	s19 =	sadd.s32 $0x4000, s19;
	s21 =	sadd.s32 $0x16C00, s21  }
0x76b: {  	[hbm4b:s19+s11] =	stream.strided.scatter [tilespmem:s21], [sflag:$0x4], $0x100, s12, s11, $0x38;
	[tilespmem:$0x1D400] =	vst v63  }
0x76c: {  	s18 =	sadd.s32 $0x1, s18  }
0x76d: {  	p0 =	sne.s32 s18, $0x8  }
.Ltmp8:
0x76e: {  	_ = 	snop;
	(pc) =	sbr.rel @p0 .LBB2_3-.Ltmp8, $1  }
0x76f: {  	_ =	sdelay $0x3  }
0x770: {  	s17 =	sadd.s32 $0x1, s17  }
0x771: {  	_ =	swait.ge [sflag:s15], $0x6800;
	p0 =	sne.s32 s17, s9  }
.Ltmp9:
0x772: {  	[sflag:s15] =	ssyncset.done $0x0;
	(pc) =	sbr.rel @p0 .LBB2_1-.Ltmp9, $4  }
0x773: {  	[sflag:s15] =	ssyncadd.s32 $0xFFFF9800  }
0x774: {  	_ =	swait.ge [sflag:s16], $0x6800  }
0x775: {  	[sflag:s16] =	ssyncset.done $0x0  }
0x776: {  	[sflag:s16] =	ssyncadd.s32 $0xFFFF9800  }
0x777: {  	_ =	sfence.sel $0x180000  }
0x778: {  	[bflag:$0x0] =	sbarrier.arrive $0xFFFF  }
0x779: {  	p0 =	sne.s32 s0, $0x0;
	_ =	strace $0x9000004A  }
0x77a: {  	s0 =	sadd.s32 @!p0 $0x100000, s1;
	[bflag:$0x2] =	sbarrier.arrive $0xFFFF  }
0x77b: {  	[sflag:s0] =	ssyncadd.tile.s32 @!p0 $0x1;
	_ =	shalt  }
.Lfunc_end2:
_tile_overlayer_lowered:
.L_overlay_start_2:
0x77c: {  	(tag) =	ssettag $0x2  }
0x77d: {  	s0 =	rddreg [dreg:$0x0];
	s2 =	stileid.u32  }
0x77e: {  	s1 =	rddreg [dreg:$0x1];
	p0 =	sne.s32 s2, $0x0  }
0x77f: {  	s3 =	rddreg [dreg:$0x2];
	[bflag:$0x3] =	sbarrier.arrive $0xFFFF;
	s2 =	simm.s32 @!p0 $0x1C05  }
0x780: {  	[timem:s3], [sflag:s2] =	dma.local @!p0 [hbm:s0], s1  }
0x781: {  	s0 =	simm.s32 @!p0 $0x5  }
0x782: {  	_ =	swait.ge @!p0 [sflag:s0], s1  }
0x783: {  	s1 =	ssub.s32 @!p0 $0x0, s1;
	[sflag:s0] =	ssyncset.done @!p0 $0x0  }
0x784: {  	[sflag:s0] =	ssyncadd.s32 @!p0 s1  }
0x785: {  	[bflag:$0x3] =	sbarrier.arrive $0xFFFF  }
0x786: {  	_ =	shalt  }

</sc_bundles>
